<compile_context>
chip_gen: v7x
topology: tpu7x:2x2x1
jax: 0.10.2.dev20260603
libtpu: 0.0.44.dev20260713+nightly
codegen_flags: <defaults>
</compile_context>

<pallas_src>
import functools

import jax
import jax.numpy as jnp
from jax import lax
from jax.experimental import pallas as pl
from jax.experimental.pallas import tpu as pltpu
from jax.experimental.pallas import tpu_sc as plsc

H = 512
W = 512
C = 3
PH = 64
PW = 64
NB = 64
NS = 2
NK = NB * NS
PADH = 576
PADW = 576
WIN = PW + 8

NUM_WORKERS = 32

_vector_mesh = plsc.VectorSubcoreMesh(core_axis_name="c", subcore_axis_name="s")
_sc_params = pltpu.CompilerParams(
    use_tc_tiling_on_sc=False, needs_layout_passes=False)


@functools.partial(
    pl.kernel,
    out_type=jax.ShapeDtypeStruct((C, PADH, PADW), jnp.float32),
    mesh=_vector_mesh,
    scratch_types=[
        pltpu.VMEM((C, 16, PADW), jnp.float32),
        pltpu.VMEM((C, 2, PADW), jnp.float32),
        pltpu.SemaphoreType.DMA,
        pltpu.SemaphoreType.DMA,
    ],
    compiler_params=_sc_params,
)
def _pad_kernel(img_hbm, pad_hbm, rbuf, wbuf, sem_in, sem_out):
    wid = lax.axis_index("s") * 2 + lax.axis_index("c")

    r0 = wid * 16
    r2 = wid * 2
    in_copies = []
    for c in range(C):
        in_copies.append((
            pltpu.async_copy(
                img_hbm.at[c, pl.ds(r0, 16), :],
                rbuf.at[c, :, pl.ds(0, W)], sem_in),
            pltpu.async_copy(
                img_hbm.at[c, pl.ds(r0, 16), pl.ds(0, PW)],
                rbuf.at[c, :, pl.ds(W, PW)], sem_in),
            pltpu.async_copy(
                img_hbm.at[c, pl.ds(r2, 2), :],
                wbuf.at[c, :, pl.ds(0, W)], sem_in),
            pltpu.async_copy(
                img_hbm.at[c, pl.ds(r2, 2), pl.ds(0, PW)],
                wbuf.at[c, :, pl.ds(W, PW)], sem_in),
        ))
    out_copies = []
    for c in range(C):
        rb, rw, wb, ww = in_copies[c]
        rb.wait()
        rw.wait()
        out_copies.append(pltpu.async_copy(
            rbuf.at[c], pad_hbm.at[c, pl.ds(r0, 16), :], sem_out))
        wb.wait()
        ww.wait()
        out_copies.append(pltpu.async_copy(
            wbuf.at[c], pad_hbm.at[c, pl.ds(H + r2, 2), :], sem_out))
    for cpy in out_copies:
        cpy.wait()


@functools.partial(
    pl.kernel,
    out_type=jax.ShapeDtypeStruct((NB, NS * C, PH, PW), jnp.float32),
    mesh=_vector_mesh,
    scratch_types=[
        pltpu.VMEM((NK,), jnp.int32),
        pltpu.VMEM((NK,), jnp.int32),
        pltpu.VMEM((NS * C * 2, PH, WIN), jnp.float32),
        pltpu.VMEM((PH, PW), jnp.float32),
        pltpu.VMEM((PH, PW), jnp.float32),
        pltpu.VMEM((PH, PW), jnp.float32),
        pltpu.VMEM((PH, PW), jnp.float32),
        pltpu.SemaphoreType.DMA,
        pltpu.SemaphoreType.DMA,
    ],
    compiler_params=_sc_params,
)
def _gather_kernel(pad_hbm, ys_hbm, xs_hbm, out_hbm, ys_v, xs_v,
                   winb, opl0, opl1, opl2, opl3,
                   sem_in, sem_out):
    wid = lax.axis_index("s") * 2 + lax.axis_index("c")

    cy = pltpu.async_copy(ys_hbm, ys_v, sem_in)
    cx = pltpu.async_copy(xs_hbm, xs_v, sem_in)
    cy.wait()
    cx.wait()

    grp = 16 * (wid // 4)
    ys_grp = ys_v[pl.ds(grp, 16)]
    xs_grp = xs_v[pl.ds(grp, 16)]
    lane = lax.iota(jnp.int32, 16)
    lane_base = (wid % 4) * 4

    def coords(u, s):
        t = u * NS + s
        y = jnp.sum(jnp.where(lane == lane_base + t, ys_grp, 0))
        x = jnp.sum(jnp.where(lane == lane_base + t, xs_grp, 0))
        xa = pl.multiple_of(lax.bitwise_and(x, -8), 8)
        return y, xa, x - lax.bitwise_and(x, -8)

    opls = (opl0, opl1, opl2, opl3)
    NBUF = 4
    NT = NS * C * 2

    col_const = [16 * v + lane for v in range(PW // 16)]

    tasks = []
    for u in range(2):
        b = wid * 2 + u
        for s in range(NS):
            y, xa, d = coords(u, s)
            d_vec = jnp.full((16,), d, dtype=jnp.int32)
            src_cols = [d_vec + cc for cc in col_const]
            for c in range(C):
                tasks.append((b, s * C + c, y, xa, src_cols))

    def fire_in(t):
        b, p, y, xa, _ = tasks[t]
        return pltpu.async_copy(
            pad_hbm.at[p % C, pl.ds(y, PH), pl.ds(xa, WIN)],
            winb.at[t], sem_in)

    in_copies = [fire_in(t) for t in range(NT)]
    out_copies = []
    for t in range(NT):
        r = t % NBUF
        in_copies[t].wait()
        if t >= NBUF:
            out_copies[t - NBUF].wait()
        src_cols = tasks[t][4]

        def body(i, i_vec, t=t, r=r, src_cols=src_cols):
            for v in range(PW // 16):
                x = plsc.load_gather(winb.at[t], [i_vec, src_cols[v]])
                opls[r][i, pl.ds(16 * v, 16)] = x
            return i_vec + 1

        plsc.parallel_loop(
            0, PH, step=1, unroll=4,
            carry=jnp.zeros((16,), dtype=jnp.int32))(body)
        b, p = tasks[t][0], tasks[t][1]
        out_copies.append(
            pltpu.async_copy(opls[r], out_hbm.at[b, p], sem_out))
    for cpy in out_copies[NT - NBUF:]:
        cpy.wait()


def kernel(img, dummy, ys, xs):
    del dummy
    imgp = jnp.transpose(img.reshape(H, W, C), (2, 0, 1))
    pad = _pad_kernel(imgp)
    outp = _gather_kernel(pad, ys, xs)
    return jnp.transpose(outp, (0, 2, 3, 1))

# --- scband reference (transcript-rebuilt; emitter-appended) ---
"""Pipeline reference for scband-fake-img-59365037965348 (READ-ONLY COPY).

The authoritative reference and input builder live on the scoring server;
editing this copy changes nothing except your own understanding.
"""

import jax, jax.numpy as jnp
import numpy as np

BATCH_SIZE = 64
STACKING_SIZE = 2
OUTPUT_H, OUTPUT_W = 512, 512
PATCH_H, PATCH_W = 64, 64


def setup_inputs(seed: int = 0) -> dict:
    key = jax.random.key(seed)
    k1, k2, k3 = jax.random.split(key, 3)
    img = jax.random.normal(k1, (1, OUTPUT_H, OUTPUT_W, 3), dtype=jnp.float32)
    dummy = jnp.zeros((1,), dtype=jnp.float32)
    ys = jax.random.randint(k2, (BATCH_SIZE * STACKING_SIZE,), 0, OUTPUT_H, dtype=jnp.int32)
    xs = jax.random.randint(k3, (BATCH_SIZE * STACKING_SIZE,), 0, OUTPUT_W, dtype=jnp.int32)
    return {"img": img, "dummy": dummy, "ys": ys, "xs": xs}


def reference(img, dummy, ys, xs):
    # wrap-pad the image so patches starting near the border wrap around
    p = jnp.reshape(img, (1, OUTPUT_H, OUTPUT_W, 3))
    p = jnp.concatenate([p, p[:, :PATCH_H - 1]], axis=1)
    p = jnp.concatenate([p, p[:, :, :PATCH_W - 1]], axis=2)

    def slice_one(y, x):
        return jax.lax.dynamic_slice(p, (jnp.int32(0), y, x, jnp.int32(0)), (1, PATCH_H, PATCH_W, 3))[0]

    patches = jax.vmap(slice_one)(ys, xs)  # [B*S, PH, PW, 3]
    patches = patches.reshape(BATCH_SIZE, STACKING_SIZE, PATCH_H, PATCH_W, 3)
    patches = jnp.transpose(patches, (0, 2, 3, 1, 4))
    ret = patches.reshape(BATCH_SIZE, PATCH_H, PATCH_W, STACKING_SIZE * 3)
    return ret

if __name__ == "__main__":
    import jax
    _d = setup_inputs()
    print(jax.jit(kernel)(*tuple(_d.values())))

</pallas_src>

<mosaic_0001>
#map = affine_map<(d0, d1) -> (0, 0, 0)>
module attributes {stable_mosaic.version = 14 : i64} {
  func.func @_pad_kernel(%arg0: i32, %arg1: i32, %arg2: memref<3x512x512xf32, #tpu.memory_space<hbm>>, %arg3: memref<3x576x576xf32, #tpu.memory_space<hbm>>, %arg4: memref<3x16x576xf32, #tpu.memory_space<vmem>>, %arg5: memref<3x2x576xf32, #tpu.memory_space<vmem>>, %arg6: memref<!tpu.dma_semaphore, #tpu.memory_space<semaphore_mem>>, %arg7: memref<!tpu.dma_semaphore, #tpu.memory_space<semaphore_mem>>) attributes {dimension_semantics = [#tpu.dimension_semantics<core_parallel>, #tpu.dimension_semantics<subcore_parallel>], iteration_bounds = array<i64: 2, 16>, scalar_prefetch = 0 : i64, scratch_operands = 4 : i64, tpu.core_type = #tpu.core_type<sc_vector_subcore>, window_params = [{transform_indices = #map}, {transform_indices = #map}]} {
    %mul3A = arith.constant 2 : i32
    %mul3A_0 = arith.muli %arg1, %mul3A : i32
    %add3A = arith.addi %mul3A_0, %arg0 : i32
    %mul3A_1 = arith.constant 16 : i32
    %mul3A_2 = arith.muli %add3A, %mul3A_1 : i32
    %mul3A_3 = arith.constant 2 : i32
    %mul3A_4 = arith.muli %add3A, %mul3A_3 : i32
    %dma_start3A = arith.constant 0 : i32
    %dma_start3A_5 = arith.constant 0 : i32
    %dma_start3A_6 = arith.constant 0 : i32
    %dma_start3A_7 = arith.constant 0 : i32
    %dma_start3A_8 = tpu.memref_slice %arg4[%dma_start3A_5, %dma_start3A_6, %dma_start3A_7] : memref<3x16x576xf32, #tpu.memory_space<vmem>> -> memref<1x16x512xf32, #tpu.memory_space<vmem>>
    %dma_start3A_9 = tpu.memref_squeeze %dma_start3A_8 : memref<1x16x512xf32, #tpu.memory_space<vmem>> -> memref<16x512xf32, #tpu.memory_space<vmem>>
    %dma_start3A_10 = arith.constant 0 : i32
    %dma_start3A_11 = tpu.memref_slice %arg2[%dma_start3A, %mul3A_2, %dma_start3A_10] : memref<3x512x512xf32, #tpu.memory_space<hbm>> -> memref<1x16x512xf32, #tpu.memory_space<hbm>>
    %dma_start3A_12 = tpu.memref_squeeze %dma_start3A_11 : memref<1x16x512xf32, #tpu.memory_space<hbm>> -> memref<16x512xf32, #tpu.memory_space<hbm>>
    %dma_start3A_13 = arith.constant 0 : i32
    %dma_start3A_14 = arith.constant 0 : i32
    %dma_start3A_15 = tpu.memref_slice %arg4[%dma_start3A_5, %dma_start3A_13, %dma_start3A_14] : memref<3x16x576xf32, #tpu.memory_space<vmem>> -> memref<1x16x512xf32, #tpu.memory_space<vmem>>
    %dma_start3A_16 = tpu.memref_squeeze %dma_start3A_15 : memref<1x16x512xf32, #tpu.memory_space<vmem>> -> memref<16x512xf32, #tpu.memory_space<vmem>>
    %dma_start3A_17 = arith.constant 0 : i32
    %dma_start3A_18 = tpu.memref_slice %arg2[%dma_start3A, %mul3A_2, %dma_start3A_17] : memref<3x512x512xf32, #tpu.memory_space<hbm>> -> memref<1x16x512xf32, #tpu.memory_space<hbm>>
    %dma_start3A_19 = tpu.memref_squeeze %dma_start3A_18 : memref<1x16x512xf32, #tpu.memory_space<hbm>> -> memref<16x512xf32, #tpu.memory_space<hbm>>
    tpu.enqueue_dma source(%dma_start3A_19 : memref<16x512xf32, #tpu.memory_space<hbm>>) target(%dma_start3A_16 : memref<16x512xf32, #tpu.memory_space<vmem>>) target_semaphore(%arg6 : memref<!tpu.dma_semaphore, #tpu.memory_space<semaphore_mem>>)
    %dma_start3A_20 = arith.constant 0 : i32
    %dma_start3A_21 = arith.constant 0 : i32
    %dma_start3A_22 = arith.constant 0 : i32
    %dma_start3A_23 = arith.constant 512 : i32
    %dma_start3A_24 = tpu.memref_slice %arg4[%dma_start3A_21, %dma_start3A_22, %dma_start3A_23] : memref<3x16x576xf32, #tpu.memory_space<vmem>> -> memref<1x16x64xf32, #tpu.memory_space<vmem>>
    %dma_start3A_25 = tpu.memref_squeeze %dma_start3A_24 : memref<1x16x64xf32, #tpu.memory_space<vmem>> -> memref<16x64xf32, #tpu.memory_space<vmem>>
    %dma_start3A_26 = arith.constant 0 : i32
    %dma_start3A_27 = tpu.memref_slice %arg2[%dma_start3A_20, %mul3A_2, %dma_start3A_26] : memref<3x512x512xf32, #tpu.memory_space<hbm>> -> memref<1x16x64xf32, #tpu.memory_space<hbm>>
    %dma_start3A_28 = tpu.memref_squeeze %dma_start3A_27 : memref<1x16x64xf32, #tpu.memory_space<hbm>> -> memref<16x64xf32, #tpu.memory_space<hbm>>
    %dma_start3A_29 = arith.constant 0 : i32
    %dma_start3A_30 = arith.constant 512 : i32
    %dma_start3A_31 = tpu.memref_slice %arg4[%dma_start3A_21, %dma_start3A_29, %dma_start3A_30] : memref<3x16x576xf32, #tpu.memory_space<vmem>> -> memref<1x16x64xf32, #tpu.memory_space<vmem>>
    %dma_start3A_32 = tpu.memref_squeeze %dma_start3A_31 : memref<1x16x64xf32, #tpu.memory_space<vmem>> -> memref<16x64xf32, #tpu.memory_space<vmem>>
    %dma_start3A_33 = arith.constant 0 : i32
    %dma_start3A_34 = tpu.memref_slice %arg2[%dma_start3A_20, %mul3A_2, %dma_start3A_33] : memref<3x512x512xf32, #tpu.memory_space<hbm>> -> memref<1x16x64xf32, #tpu.memory_space<hbm>>
    %dma_start3A_35 = tpu.memref_squeeze %dma_start3A_34 : memref<1x16x64xf32, #tpu.memory_space<hbm>> -> memref<16x64xf32, #tpu.memory_space<hbm>>
    tpu.enqueue_dma source(%dma_start3A_35 : memref<16x64xf32, #tpu.memory_space<hbm>>) target(%dma_start3A_32 : memref<16x64xf32, #tpu.memory_space<vmem>>) target_semaphore(%arg6 : memref<!tpu.dma_semaphore, #tpu.memory_space<semaphore_mem>>)
    %dma_start3A_36 = arith.constant 0 : i32
    %dma_start3A_37 = arith.constant 0 : i32
    %dma_start3A_38 = arith.constant 0 : i32
    %dma_start3A_39 = arith.constant 0 : i32
    %dma_start3A_40 = tpu.memref_slice %arg5[%dma_start3A_37, %dma_start3A_38, %dma_start3A_39] : memref<3x2x576xf32, #tpu.memory_space<vmem>> -> memref<1x2x512xf32, #tpu.memory_space<vmem>>
    %dma_start3A_41 = tpu.memref_squeeze %dma_start3A_40 : memref<1x2x512xf32, #tpu.memory_space<vmem>> -> memref<2x512xf32, #tpu.memory_space<vmem>>
    %dma_start3A_42 = arith.constant 0 : i32
    %dma_start3A_43 = tpu.memref_slice %arg2[%dma_start3A_36, %mul3A_4, %dma_start3A_42] : memref<3x512x512xf32, #tpu.memory_space<hbm>> -> memref<1x2x512xf32, #tpu.memory_space<hbm>>
    %dma_start3A_44 = tpu.memref_squeeze %dma_start3A_43 : memref<1x2x512xf32, #tpu.memory_space<hbm>> -> memref<2x512xf32, #tpu.memory_space<hbm>>
    %dma_start3A_45 = arith.constant 0 : i32
    %dma_start3A_46 = arith.constant 0 : i32
    %dma_start3A_47 = tpu.memref_slice %arg5[%dma_start3A_37, %dma_start3A_45, %dma_start3A_46] : memref<3x2x576xf32, #tpu.memory_space<vmem>> -> memref<1x2x512xf32, #tpu.memory_space<vmem>>
    %dma_start3A_48 = tpu.memref_squeeze %dma_start3A_47 : memref<1x2x512xf32, #tpu.memory_space<vmem>> -> memref<2x512xf32, #tpu.memory_space<vmem>>
    %dma_start3A_49 = arith.constant 0 : i32
    %dma_start3A_50 = tpu.memref_slice %arg2[%dma_start3A_36, %mul3A_4, %dma_start3A_49] : memref<3x512x512xf32, #tpu.memory_space<hbm>> -> memref<1x2x512xf32, #tpu.memory_space<hbm>>
    %dma_start3A_51 = tpu.memref_squeeze %dma_start3A_50 : memref<1x2x512xf32, #tpu.memory_space<hbm>> -> memref<2x512xf32, #tpu.memory_space<hbm>>
    tpu.enqueue_dma source(%dma_start3A_51 : memref<2x512xf32, #tpu.memory_space<hbm>>) target(%dma_start3A_48 : memref<2x512xf32, #tpu.memory_space<vmem>>) target_semaphore(%arg6 : memref<!tpu.dma_semaphore, #tpu.memory_space<semaphore_mem>>)
    %dma_start3A_52 = arith.constant 0 : i32
    %dma_start3A_53 = arith.constant 0 : i32
    %dma_start3A_54 = arith.constant 0 : i32
    %dma_start3A_55 = arith.constant 512 : i32
    %dma_start3A_56 = tpu.memref_slice %arg5[%dma_start3A_53, %dma_start3A_54, %dma_start3A_55] : memref<3x2x576xf32, #tpu.memory_space<vmem>> -> memref<1x2x64xf32, #tpu.memory_space<vmem>>
    %dma_start3A_57 = tpu.memref_squeeze %dma_start3A_56 : memref<1x2x64xf32, #tpu.memory_space<vmem>> -> memref<2x64xf32, #tpu.memory_space<vmem>>
    %dma_start3A_58 = arith.constant 0 : i32
    %dma_start3A_59 = tpu.memref_slice %arg2[%dma_start3A_52, %mul3A_4, %dma_start3A_58] : memref<3x512x512xf32, #tpu.memory_space<hbm>> -> memref<1x2x64xf32, #tpu.memory_space<hbm>>
    %dma_start3A_60 = tpu.memref_squeeze %dma_start3A_59 : memref<1x2x64xf32, #tpu.memory_space<hbm>> -> memref<2x64xf32, #tpu.memory_space<hbm>>
    %dma_start3A_61 = arith.constant 0 : i32
    %dma_start3A_62 = arith.constant 512 : i32
    %dma_start3A_63 = tpu.memref_slice %arg5[%dma_start3A_53, %dma_start3A_61, %dma_start3A_62] : memref<3x2x576xf32, #tpu.memory_space<vmem>> -> memref<1x2x64xf32, #tpu.memory_space<vmem>>
    %dma_start3A_64 = tpu.memref_squeeze %dma_start3A_63 : memref<1x2x64xf32, #tpu.memory_space<vmem>> -> memref<2x64xf32, #tpu.memory_space<vmem>>
    %dma_start3A_65 = arith.constant 0 : i32
    %dma_start3A_66 = tpu.memref_slice %arg2[%dma_start3A_52, %mul3A_4, %dma_start3A_65] : memref<3x512x512xf32, #tpu.memory_space<hbm>> -> memref<1x2x64xf32, #tpu.memory_space<hbm>>
    %dma_start3A_67 = tpu.memref_squeeze %dma_start3A_66 : memref<1x2x64xf32, #tpu.memory_space<hbm>> -> memref<2x64xf32, #tpu.memory_space<hbm>>
    tpu.enqueue_dma source(%dma_start3A_67 : memref<2x64xf32, #tpu.memory_space<hbm>>) target(%dma_start3A_64 : memref<2x64xf32, #tpu.memory_space<vmem>>) target_semaphore(%arg6 : memref<!tpu.dma_semaphore, #tpu.memory_space<semaphore_mem>>)
    %dma_start3A_68 = arith.constant 1 : i32
    %dma_start3A_69 = arith.constant 1 : i32
    %dma_start3A_70 = arith.constant 0 : i32
    %dma_start3A_71 = arith.constant 0 : i32
    %dma_start3A_72 = tpu.memref_slice %arg4[%dma_start3A_69, %dma_start3A_70, %dma_start3A_71] : memref<3x16x576xf32, #tpu.memory_space<vmem>> -> memref<1x16x512xf32, #tpu.memory_space<vmem>>
    %dma_start3A_73 = tpu.memref_squeeze %dma_start3A_72 : memref<1x16x512xf32, #tpu.memory_space<vmem>> -> memref<16x512xf32, #tpu.memory_space<vmem>>
    %dma_start3A_74 = arith.constant 0 : i32
    %dma_start3A_75 = tpu.memref_slice %arg2[%dma_start3A_68, %mul3A_2, %dma_start3A_74] : memref<3x512x512xf32, #tpu.memory_space<hbm>> -> memref<1x16x512xf32, #tpu.memory_space<hbm>>
    %dma_start3A_76 = tpu.memref_squeeze %dma_start3A_75 : memref<1x16x512xf32, #tpu.memory_space<hbm>> -> memref<16x512xf32, #tpu.memory_space<hbm>>
    %dma_start3A_77 = arith.constant 0 : i32
    %dma_start3A_78 = arith.constant 0 : i32
    %dma_start3A_79 = tpu.memref_slice %arg4[%dma_start3A_69, %dma_start3A_77, %dma_start3A_78] : memref<3x16x576xf32, #tpu.memory_space<vmem>> -> memref<1x16x512xf32, #tpu.memory_space<vmem>>
    %dma_start3A_80 = tpu.memref_squeeze %dma_start3A_79 : memref<1x16x512xf32, #tpu.memory_space<vmem>> -> memref<16x512xf32, #tpu.memory_space<vmem>>
    %dma_start3A_81 = arith.constant 0 : i32
    %dma_start3A_82 = tpu.memref_slice %arg2[%dma_start3A_68, %mul3A_2, %dma_start3A_81] : memref<3x512x512xf32, #tpu.memory_space<hbm>> -> memref<1x16x512xf32, #tpu.memory_space<hbm>>
    %dma_start3A_83 = tpu.memref_squeeze %dma_start3A_82 : memref<1x16x512xf32, #tpu.memory_space<hbm>> -> memref<16x512xf32, #tpu.memory_space<hbm>>
    tpu.enqueue_dma source(%dma_start3A_83 : memref<16x512xf32, #tpu.memory_space<hbm>>) target(%dma_start3A_80 : memref<16x512xf32, #tpu.memory_space<vmem>>) target_semaphore(%arg6 : memref<!tpu.dma_semaphore, #tpu.memory_space<semaphore_mem>>)
    %dma_start3A_84 = arith.constant 1 : i32
    %dma_start3A_85 = arith.constant 1 : i32
    %dma_start3A_86 = arith.constant 0 : i32
    %dma_start3A_87 = arith.constant 512 : i32
    %dma_start3A_88 = tpu.memref_slice %arg4[%dma_start3A_85, %dma_start3A_86, %dma_start3A_87] : memref<3x16x576xf32, #tpu.memory_space<vmem>> -> memref<1x16x64xf32, #tpu.memory_space<vmem>>
    %dma_start3A_89 = tpu.memref_squeeze %dma_start3A_88 : memref<1x16x64xf32, #tpu.memory_space<vmem>> -> memref<16x64xf32, #tpu.memory_space<vmem>>
    %dma_start3A_90 = arith.constant 0 : i32
    %dma_start3A_91 = tpu.memref_slice %arg2[%dma_start3A_84, %mul3A_2, %dma_start3A_90] : memref<3x512x512xf32, #tpu.memory_space<hbm>> -> memref<1x16x64xf32, #tpu.memory_space<hbm>>
    %dma_start3A_92 = tpu.memref_squeeze %dma_start3A_91 : memref<1x16x64xf32, #tpu.memory_space<hbm>> -> memref<16x64xf32, #tpu.memory_space<hbm>>
    %dma_start3A_93 = arith.constant 0 : i32
    %dma_start3A_94 = arith.constant 512 : i32
    %dma_start3A_95 = tpu.memref_slice %arg4[%dma_start3A_85, %dma_start3A_93, %dma_start3A_94] : memref<3x16x576xf32, #tpu.memory_space<vmem>> -> memref<1x16x64xf32, #tpu.memory_space<vmem>>
    %dma_start3A_96 = tpu.memref_squeeze %dma_start3A_95 : memref<1x16x64xf32, #tpu.memory_space<vmem>> -> memref<16x64xf32, #tpu.memory_space<vmem>>
    %dma_start3A_97 = arith.constant 0 : i32
    %dma_start3A_98 = tpu.memref_slice %arg2[%dma_start3A_84, %mul3A_2, %dma_start3A_97] : memref<3x512x512xf32, #tpu.memory_space<hbm>> -> memref<1x16x64xf32, #tpu.memory_space<hbm>>
    %dma_start3A_99 = tpu.memref_squeeze %dma_start3A_98 : memref<1x16x64xf32, #tpu.memory_space<hbm>> -> memref<16x64xf32, #tpu.memory_space<hbm>>
    tpu.enqueue_dma source(%dma_start3A_99 : memref<16x64xf32, #tpu.memory_space<hbm>>) target(%dma_start3A_96 : memref<16x64xf32, #tpu.memory_space<vmem>>) target_semaphore(%arg6 : memref<!tpu.dma_semaphore, #tpu.memory_space<semaphore_mem>>)
    %dma_start3A_100 = arith.constant 1 : i32
    %dma_start3A_101 = arith.constant 1 : i32
    %dma_start3A_102 = arith.constant 0 : i32
    %dma_start3A_103 = arith.constant 0 : i32
    %dma_start3A_104 = tpu.memref_slice %arg5[%dma_start3A_101, %dma_start3A_102, %dma_start3A_103] : memref<3x2x576xf32, #tpu.memory_space<vmem>> -> memref<1x2x512xf32, #tpu.memory_space<vmem>>
    %dma_start3A_105 = tpu.memref_squeeze %dma_start3A_104 : memref<1x2x512xf32, #tpu.memory_space<vmem>> -> memref<2x512xf32, #tpu.memory_space<vmem>>
    %dma_start3A_106 = arith.constant 0 : i32
    %dma_start3A_107 = tpu.memref_slice %arg2[%dma_start3A_100, %mul3A_4, %dma_start3A_106] : memref<3x512x512xf32, #tpu.memory_space<hbm>> -> memref<1x2x512xf32, #tpu.memory_space<hbm>>
    %dma_start3A_108 = tpu.memref_squeeze %dma_start3A_107 : memref<1x2x512xf32, #tpu.memory_space<hbm>> -> memref<2x512xf32, #tpu.memory_space<hbm>>
    %dma_start3A_109 = arith.constant 0 : i32
    %dma_start3A_110 = arith.constant 0 : i32
    %dma_start3A_111 = tpu.memref_slice %arg5[%dma_start3A_101, %dma_start3A_109, %dma_start3A_110] : memref<3x2x576xf32, #tpu.memory_space<vmem>> -> memref<1x2x512xf32, #tpu.memory_space<vmem>>
    %dma_start3A_112 = tpu.memref_squeeze %dma_start3A_111 : memref<1x2x512xf32, #tpu.memory_space<vmem>> -> memref<2x512xf32, #tpu.memory_space<vmem>>
    %dma_start3A_113 = arith.constant 0 : i32
    %dma_start3A_114 = tpu.memref_slice %arg2[%dma_start3A_100, %mul3A_4, %dma_start3A_113] : memref<3x512x512xf32, #tpu.memory_space<hbm>> -> memref<1x2x512xf32, #tpu.memory_space<hbm>>
    %dma_start3A_115 = tpu.memref_squeeze %dma_start3A_114 : memref<1x2x512xf32, #tpu.memory_space<hbm>> -> memref<2x512xf32, #tpu.memory_space<hbm>>
    tpu.enqueue_dma source(%dma_start3A_115 : memref<2x512xf32, #tpu.memory_space<hbm>>) target(%dma_start3A_112 : memref<2x512xf32, #tpu.memory_space<vmem>>) target_semaphore(%arg6 : memref<!tpu.dma_semaphore, #tpu.memory_space<semaphore_mem>>)
    %dma_start3A_116 = arith.constant 1 : i32
    %dma_start3A_117 = arith.constant 1 : i32
    %dma_start3A_118 = arith.constant 0 : i32
    %dma_start3A_119 = arith.constant 512 : i32
    %dma_start3A_120 = tpu.memref_slice %arg5[%dma_start3A_117, %dma_start3A_118, %dma_start3A_119] : memref<3x2x576xf32, #tpu.memory_space<vmem>> -> memref<1x2x64xf32, #tpu.memory_space<vmem>>
    %dma_start3A_121 = tpu.memref_squeeze %dma_start3A_120 : memref<1x2x64xf32, #tpu.memory_space<vmem>> -> memref<2x64xf32, #tpu.memory_space<vmem>>
    %dma_start3A_122 = arith.constant 0 : i32
    %dma_start3A_123 = tpu.memref_slice %arg2[%dma_start3A_116, %mul3A_4, %dma_start3A_122] : memref<3x512x512xf32, #tpu.memory_space<hbm>> -> memref<1x2x64xf32, #tpu.memory_space<hbm>>
    %dma_start3A_124 = tpu.memref_squeeze %dma_start3A_123 : memref<1x2x64xf32, #tpu.memory_space<hbm>> -> memref<2x64xf32, #tpu.memory_space<hbm>>
    %dma_start3A_125 = arith.constant 0 : i32
    %dma_start3A_126 = arith.constant 512 : i32
    %dma_start3A_127 = tpu.memref_slice %arg5[%dma_start3A_117, %dma_start3A_125, %dma_start3A_126] : memref<3x2x576xf32, #tpu.memory_space<vmem>> -> memref<1x2x64xf32, #tpu.memory_space<vmem>>
    %dma_start3A_128 = tpu.memref_squeeze %dma_start3A_127 : memref<1x2x64xf32, #tpu.memory_space<vmem>> -> memref<2x64xf32, #tpu.memory_space<vmem>>
    %dma_start3A_129 = arith.constant 0 : i32
    %dma_start3A_130 = tpu.memref_slice %arg2[%dma_start3A_116, %mul3A_4, %dma_start3A_129] : memref<3x512x512xf32, #tpu.memory_space<hbm>> -> memref<1x2x64xf32, #tpu.memory_space<hbm>>
    %dma_start3A_131 = tpu.memref_squeeze %dma_start3A_130 : memref<1x2x64xf32, #tpu.memory_space<hbm>> -> memref<2x64xf32, #tpu.memory_space<hbm>>
    tpu.enqueue_dma source(%dma_start3A_131 : memref<2x64xf32, #tpu.memory_space<hbm>>) target(%dma_start3A_128 : memref<2x64xf32, #tpu.memory_space<vmem>>) target_semaphore(%arg6 : memref<!tpu.dma_semaphore, #tpu.memory_space<semaphore_mem>>)
    %dma_start3A_132 = arith.constant 2 : i32
    %dma_start3A_133 = arith.constant 2 : i32
    %dma_start3A_134 = arith.constant 0 : i32
    %dma_start3A_135 = arith.constant 0 : i32
    %dma_start3A_136 = tpu.memref_slice %arg4[%dma_start3A_133, %dma_start3A_134, %dma_start3A_135] : memref<3x16x576xf32, #tpu.memory_space<vmem>> -> memref<1x16x512xf32, #tpu.memory_space<vmem>>
    %dma_start3A_137 = tpu.memref_squeeze %dma_start3A_136 : memref<1x16x512xf32, #tpu.memory_space<vmem>> -> memref<16x512xf32, #tpu.memory_space<vmem>>
    %dma_start3A_138 = arith.constant 0 : i32
    %dma_start3A_139 = tpu.memref_slice %arg2[%dma_start3A_132, %mul3A_2, %dma_start3A_138] : memref<3x512x512xf32, #tpu.memory_space<hbm>> -> memref<1x16x512xf32, #tpu.memory_space<hbm>>
    %dma_start3A_140 = tpu.memref_squeeze %dma_start3A_139 : memref<1x16x512xf32, #tpu.memory_space<hbm>> -> memref<16x512xf32, #tpu.memory_space<hbm>>
    %dma_start3A_141 = arith.constant 0 : i32
    %dma_start3A_142 = arith.constant 0 : i32
    %dma_start3A_143 = tpu.memref_slice %arg4[%dma_start3A_133, %dma_start3A_141, %dma_start3A_142] : memref<3x16x576xf32, #tpu.memory_space<vmem>> -> memref<1x16x512xf32, #tpu.memory_space<vmem>>
    %dma_start3A_144 = tpu.memref_squeeze %dma_start3A_143 : memref<1x16x512xf32, #tpu.memory_space<vmem>> -> memref<16x512xf32, #tpu.memory_space<vmem>>
    %dma_start3A_145 = arith.constant 0 : i32
    %dma_start3A_146 = tpu.memref_slice %arg2[%dma_start3A_132, %mul3A_2, %dma_start3A_145] : memref<3x512x512xf32, #tpu.memory_space<hbm>> -> memref<1x16x512xf32, #tpu.memory_space<hbm>>
    %dma_start3A_147 = tpu.memref_squeeze %dma_start3A_146 : memref<1x16x512xf32, #tpu.memory_space<hbm>> -> memref<16x512xf32, #tpu.memory_space<hbm>>
    tpu.enqueue_dma source(%dma_start3A_147 : memref<16x512xf32, #tpu.memory_space<hbm>>) target(%dma_start3A_144 : memref<16x512xf32, #tpu.memory_space<vmem>>) target_semaphore(%arg6 : memref<!tpu.dma_semaphore, #tpu.memory_space<semaphore_mem>>)
    %dma_start3A_148 = arith.constant 2 : i32
    %dma_start3A_149 = arith.constant 2 : i32
    %dma_start3A_150 = arith.constant 0 : i32
    %dma_start3A_151 = arith.constant 512 : i32
    %dma_start3A_152 = tpu.memref_slice %arg4[%dma_start3A_149, %dma_start3A_150, %dma_start3A_151] : memref<3x16x576xf32, #tpu.memory_space<vmem>> -> memref<1x16x64xf32, #tpu.memory_space<vmem>>
    %dma_start3A_153 = tpu.memref_squeeze %dma_start3A_152 : memref<1x16x64xf32, #tpu.memory_space<vmem>> -> memref<16x64xf32, #tpu.memory_space<vmem>>
    %dma_start3A_154 = arith.constant 0 : i32
    %dma_start3A_155 = tpu.memref_slice %arg2[%dma_start3A_148, %mul3A_2, %dma_start3A_154] : memref<3x512x512xf32, #tpu.memory_space<hbm>> -> memref<1x16x64xf32, #tpu.memory_space<hbm>>
    %dma_start3A_156 = tpu.memref_squeeze %dma_start3A_155 : memref<1x16x64xf32, #tpu.memory_space<hbm>> -> memref<16x64xf32, #tpu.memory_space<hbm>>
    %dma_start3A_157 = arith.constant 0 : i32
    %dma_start3A_158 = arith.constant 512 : i32
    %dma_start3A_159 = tpu.memref_slice %arg4[%dma_start3A_149, %dma_start3A_157, %dma_start3A_158] : memref<3x16x576xf32, #tpu.memory_space<vmem>> -> memref<1x16x64xf32, #tpu.memory_space<vmem>>
    %dma_start3A_160 = tpu.memref_squeeze %dma_start3A_159 : memref<1x16x64xf32, #tpu.memory_space<vmem>> -> memref<16x64xf32, #tpu.memory_space<vmem>>
    %dma_start3A_161 = arith.constant 0 : i32
    %dma_start3A_162 = tpu.memref_slice %arg2[%dma_start3A_148, %mul3A_2, %dma_start3A_161] : memref<3x512x512xf32, #tpu.memory_space<hbm>> -> memref<1x16x64xf32, #tpu.memory_space<hbm>>
    %dma_start3A_163 = tpu.memref_squeeze %dma_start3A_162 : memref<1x16x64xf32, #tpu.memory_space<hbm>> -> memref<16x64xf32, #tpu.memory_space<hbm>>
    tpu.enqueue_dma source(%dma_start3A_163 : memref<16x64xf32, #tpu.memory_space<hbm>>) target(%dma_start3A_160 : memref<16x64xf32, #tpu.memory_space<vmem>>) target_semaphore(%arg6 : memref<!tpu.dma_semaphore, #tpu.memory_space<semaphore_mem>>)
    %dma_start3A_164 = arith.constant 2 : i32
    %dma_start3A_165 = arith.constant 2 : i32
    %dma_start3A_166 = arith.constant 0 : i32
    %dma_start3A_167 = arith.constant 0 : i32
    %dma_start3A_168 = tpu.memref_slice %arg5[%dma_start3A_165, %dma_start3A_166, %dma_start3A_167] : memref<3x2x576xf32, #tpu.memory_space<vmem>> -> memref<1x2x512xf32, #tpu.memory_space<vmem>>
    %dma_start3A_169 = tpu.memref_squeeze %dma_start3A_168 : memref<1x2x512xf32, #tpu.memory_space<vmem>> -> memref<2x512xf32, #tpu.memory_space<vmem>>
    %dma_start3A_170 = arith.constant 0 : i32
    %dma_start3A_171 = tpu.memref_slice %arg2[%dma_start3A_164, %mul3A_4, %dma_start3A_170] : memref<3x512x512xf32, #tpu.memory_space<hbm>> -> memref<1x2x512xf32, #tpu.memory_space<hbm>>
    %dma_start3A_172 = tpu.memref_squeeze %dma_start3A_171 : memref<1x2x512xf32, #tpu.memory_space<hbm>> -> memref<2x512xf32, #tpu.memory_space<hbm>>
    %dma_start3A_173 = arith.constant 0 : i32
    %dma_start3A_174 = arith.constant 0 : i32
    %dma_start3A_175 = tpu.memref_slice %arg5[%dma_start3A_165, %dma_start3A_173, %dma_start3A_174] : memref<3x2x576xf32, #tpu.memory_space<vmem>> -> memref<1x2x512xf32, #tpu.memory_space<vmem>>
    %dma_start3A_176 = tpu.memref_squeeze %dma_start3A_175 : memref<1x2x512xf32, #tpu.memory_space<vmem>> -> memref<2x512xf32, #tpu.memory_space<vmem>>
    %dma_start3A_177 = arith.constant 0 : i32
    %dma_start3A_178 = tpu.memref_slice %arg2[%dma_start3A_164, %mul3A_4, %dma_start3A_177] : memref<3x512x512xf32, #tpu.memory_space<hbm>> -> memref<1x2x512xf32, #tpu.memory_space<hbm>>
    %dma_start3A_179 = tpu.memref_squeeze %dma_start3A_178 : memref<1x2x512xf32, #tpu.memory_space<hbm>> -> memref<2x512xf32, #tpu.memory_space<hbm>>
    tpu.enqueue_dma source(%dma_start3A_179 : memref<2x512xf32, #tpu.memory_space<hbm>>) target(%dma_start3A_176 : memref<2x512xf32, #tpu.memory_space<vmem>>) target_semaphore(%arg6 : memref<!tpu.dma_semaphore, #tpu.memory_space<semaphore_mem>>)
    %dma_start3A_180 = arith.constant 2 : i32
    %dma_start3A_181 = arith.constant 2 : i32
    %dma_start3A_182 = arith.constant 0 : i32
    %dma_start3A_183 = arith.constant 512 : i32
    %dma_start3A_184 = tpu.memref_slice %arg5[%dma_start3A_181, %dma_start3A_182, %dma_start3A_183] : memref<3x2x576xf32, #tpu.memory_space<vmem>> -> memref<1x2x64xf32, #tpu.memory_space<vmem>>
    %dma_start3A_185 = tpu.memref_squeeze %dma_start3A_184 : memref<1x2x64xf32, #tpu.memory_space<vmem>> -> memref<2x64xf32, #tpu.memory_space<vmem>>
    %dma_start3A_186 = arith.constant 0 : i32
    %dma_start3A_187 = tpu.memref_slice %arg2[%dma_start3A_180, %mul3A_4, %dma_start3A_186] : memref<3x512x512xf32, #tpu.memory_space<hbm>> -> memref<1x2x64xf32, #tpu.memory_space<hbm>>
    %dma_start3A_188 = tpu.memref_squeeze %dma_start3A_187 : memref<1x2x64xf32, #tpu.memory_space<hbm>> -> memref<2x64xf32, #tpu.memory_space<hbm>>
    %dma_start3A_189 = arith.constant 0 : i32
    %dma_start3A_190 = arith.constant 512 : i32
    %dma_start3A_191 = tpu.memref_slice %arg5[%dma_start3A_181, %dma_start3A_189, %dma_start3A_190] : memref<3x2x576xf32, #tpu.memory_space<vmem>> -> memref<1x2x64xf32, #tpu.memory_space<vmem>>
    %dma_start3A_192 = tpu.memref_squeeze %dma_start3A_191 : memref<1x2x64xf32, #tpu.memory_space<vmem>> -> memref<2x64xf32, #tpu.memory_space<vmem>>
    %dma_start3A_193 = arith.constant 0 : i32
    %dma_start3A_194 = tpu.memref_slice %arg2[%dma_start3A_180, %mul3A_4, %dma_start3A_193] : memref<3x512x512xf32, #tpu.memory_space<hbm>> -> memref<1x2x64xf32, #tpu.memory_space<hbm>>
    %dma_start3A_195 = tpu.memref_squeeze %dma_start3A_194 : memref<1x2x64xf32, #tpu.memory_space<hbm>> -> memref<2x64xf32, #tpu.memory_space<hbm>>
    tpu.enqueue_dma source(%dma_start3A_195 : memref<2x64xf32, #tpu.memory_space<hbm>>) target(%dma_start3A_192 : memref<2x64xf32, #tpu.memory_space<vmem>>) target_semaphore(%arg6 : memref<!tpu.dma_semaphore, #tpu.memory_space<semaphore_mem>>)
    %dma_wait3A = arith.constant 0 : i32
    %dma_wait3A_196 = arith.constant 0 : i32
    %dma_wait3A_197 = arith.constant 0 : i32
    %dma_wait3A_198 = arith.constant 0 : i32
    %dma_wait3A_199 = tpu.memref_slice %arg4[%dma_wait3A_196, %dma_wait3A_197, %dma_wait3A_198] : memref<3x16x576xf32, #tpu.memory_space<vmem>> -> memref<1x16x512xf32, #tpu.memory_space<vmem>>
    %dma_wait3A_200 = tpu.memref_squeeze %dma_wait3A_199 : memref<1x16x512xf32, #tpu.memory_space<vmem>> -> memref<16x512xf32, #tpu.memory_space<vmem>>
    %dma_wait3A_201 = arith.constant 0 : i32
    %dma_wait3A_202 = tpu.memref_slice %arg2[%dma_wait3A, %mul3A_2, %dma_wait3A_201] : memref<3x512x512xf32, #tpu.memory_space<hbm>> -> memref<1x16x512xf32, #tpu.memory_space<hbm>>
    %dma_wait3A_203 = tpu.memref_squeeze %dma_wait3A_202 : memref<1x16x512xf32, #tpu.memory_space<hbm>> -> memref<16x512xf32, #tpu.memory_space<hbm>>
    %dma_wait3A_204 = arith.constant 0 : i32
    %dma_wait3A_205 = arith.constant 0 : i32
    %dma_wait3A_206 = tpu.memref_slice %arg4[%dma_wait3A_196, %dma_wait3A_204, %dma_wait3A_205] : memref<3x16x576xf32, #tpu.memory_space<vmem>> -> memref<1x16x512xf32, #tpu.memory_space<vmem>>
    %dma_wait3A_207 = tpu.memref_squeeze %dma_wait3A_206 : memref<1x16x512xf32, #tpu.memory_space<vmem>> -> memref<16x512xf32, #tpu.memory_space<vmem>>
    %dma_wait3A_208 = arith.constant 0 : i32
    %dma_wait3A_209 = tpu.memref_slice %arg2[%dma_wait3A, %mul3A_2, %dma_wait3A_208] : memref<3x512x512xf32, #tpu.memory_space<hbm>> -> memref<1x16x512xf32, #tpu.memory_space<hbm>>
    %dma_wait3A_210 = tpu.memref_squeeze %dma_wait3A_209 : memref<1x16x512xf32, #tpu.memory_space<hbm>> -> memref<16x512xf32, #tpu.memory_space<hbm>>
    tpu.wait_dma2 semaphore(%arg6 : memref<!tpu.dma_semaphore, #tpu.memory_space<semaphore_mem>>) src(%dma_wait3A_210 : memref<16x512xf32, #tpu.memory_space<hbm>>) dst(%dma_wait3A_207 : memref<16x512xf32, #tpu.memory_space<vmem>>)
    %dma_wait3A_211 = arith.constant 0 : i32
    %dma_wait3A_212 = arith.constant 0 : i32
    %dma_wait3A_213 = arith.constant 0 : i32
    %dma_wait3A_214 = arith.constant 512 : i32
    %dma_wait3A_215 = tpu.memref_slice %arg4[%dma_wait3A_212, %dma_wait3A_213, %dma_wait3A_214] : memref<3x16x576xf32, #tpu.memory_space<vmem>> -> memref<1x16x64xf32, #tpu.memory_space<vmem>>
    %dma_wait3A_216 = tpu.memref_squeeze %dma_wait3A_215 : memref<1x16x64xf32, #tpu.memory_space<vmem>> -> memref<16x64xf32, #tpu.memory_space<vmem>>
    %dma_wait3A_217 = arith.constant 0 : i32
    %dma_wait3A_218 = tpu.memref_slice %arg2[%dma_wait3A_211, %mul3A_2, %dma_wait3A_217] : memref<3x512x512xf32, #tpu.memory_space<hbm>> -> memref<1x16x64xf32, #tpu.memory_space<hbm>>
    %dma_wait3A_219 = tpu.memref_squeeze %dma_wait3A_218 : memref<1x16x64xf32, #tpu.memory_space<hbm>> -> memref<16x64xf32, #tpu.memory_space<hbm>>
    %dma_wait3A_220 = arith.constant 0 : i32
    %dma_wait3A_221 = arith.constant 512 : i32
    %dma_wait3A_222 = tpu.memref_slice %arg4[%dma_wait3A_212, %dma_wait3A_220, %dma_wait3A_221] : memref<3x16x576xf32, #tpu.memory_space<vmem>> -> memref<1x16x64xf32, #tpu.memory_space<vmem>>
    %dma_wait3A_223 = tpu.memref_squeeze %dma_wait3A_222 : memref<1x16x64xf32, #tpu.memory_space<vmem>> -> memref<16x64xf32, #tpu.memory_space<vmem>>
    %dma_wait3A_224 = arith.constant 0 : i32
    %dma_wait3A_225 = tpu.memref_slice %arg2[%dma_wait3A_211, %mul3A_2, %dma_wait3A_224] : memref<3x512x512xf32, #tpu.memory_space<hbm>> -> memref<1x16x64xf32, #tpu.memory_space<hbm>>
    %dma_wait3A_226 = tpu.memref_squeeze %dma_wait3A_225 : memref<1x16x64xf32, #tpu.memory_space<hbm>> -> memref<16x64xf32, #tpu.memory_space<hbm>>
    tpu.wait_dma2 semaphore(%arg6 : memref<!tpu.dma_semaphore, #tpu.memory_space<semaphore_mem>>) src(%dma_wait3A_226 : memref<16x64xf32, #tpu.memory_space<hbm>>) dst(%dma_wait3A_223 : memref<16x64xf32, #tpu.memory_space<vmem>>)
    %dma_start3A_227 = arith.constant 0 : i32
    %dma_start3A_228 = arith.constant 0 : i32
    %dma_start3A_229 = arith.constant 0 : i32
    %dma_start3A_230 = arith.constant 0 : i32
    %dma_start3A_231 = tpu.memref_slice %arg4[%dma_start3A_227, %dma_start3A_229, %dma_start3A_230] : memref<3x16x576xf32, #tpu.memory_space<vmem>> -> memref<1x16x576xf32, #tpu.memory_space<vmem>>
    %dma_start3A_232 = tpu.memref_squeeze %dma_start3A_231 : memref<1x16x576xf32, #tpu.memory_space<vmem>> -> memref<16x576xf32, #tpu.memory_space<vmem>>
    %dma_start3A_233 = arith.constant 0 : i32
    %dma_start3A_234 = tpu.memref_slice %arg3[%dma_start3A_228, %mul3A_2, %dma_start3A_233] : memref<3x576x576xf32, #tpu.memory_space<hbm>> -> memref<1x16x576xf32, #tpu.memory_space<hbm>>
    %dma_start3A_235 = tpu.memref_squeeze %dma_start3A_234 : memref<1x16x576xf32, #tpu.memory_space<hbm>> -> memref<16x576xf32, #tpu.memory_space<hbm>>
    %dma_start3A_236 = arith.constant 0 : i32
    %dma_start3A_237 = tpu.memref_slice %arg3[%dma_start3A_228, %mul3A_2, %dma_start3A_236] : memref<3x576x576xf32, #tpu.memory_space<hbm>> -> memref<1x16x576xf32, #tpu.memory_space<hbm>>
    %dma_start3A_238 = tpu.memref_squeeze %dma_start3A_237 : memref<1x16x576xf32, #tpu.memory_space<hbm>> -> memref<16x576xf32, #tpu.memory_space<hbm>>
    %dma_start3A_239 = arith.constant 0 : i32
    %dma_start3A_240 = arith.constant 0 : i32
    %dma_start3A_241 = tpu.memref_slice %arg4[%dma_start3A_227, %dma_start3A_239, %dma_start3A_240] : memref<3x16x576xf32, #tpu.memory_space<vmem>> -> memref<1x16x576xf32, #tpu.memory_space<vmem>>
    %dma_start3A_242 = tpu.memref_squeeze %dma_start3A_241 : memref<1x16x576xf32, #tpu.memory_space<vmem>> -> memref<16x576xf32, #tpu.memory_space<vmem>>
    tpu.enqueue_dma source(%dma_start3A_242 : memref<16x576xf32, #tpu.memory_space<vmem>>) target(%dma_start3A_238 : memref<16x576xf32, #tpu.memory_space<hbm>>) target_semaphore(%arg7 : memref<!tpu.dma_semaphore, #tpu.memory_space<semaphore_mem>>)
    %dma_wait3A_243 = arith.constant 0 : i32
    %dma_wait3A_244 = arith.constant 0 : i32
    %dma_wait3A_245 = arith.constant 0 : i32
    %dma_wait3A_246 = arith.constant 0 : i32
    %dma_wait3A_247 = tpu.memref_slice %arg5[%dma_wait3A_244, %dma_wait3A_245, %dma_wait3A_246] : memref<3x2x576xf32, #tpu.memory_space<vmem>> -> memref<1x2x512xf32, #tpu.memory_space<vmem>>
    %dma_wait3A_248 = tpu.memref_squeeze %dma_wait3A_247 : memref<1x2x512xf32, #tpu.memory_space<vmem>> -> memref<2x512xf32, #tpu.memory_space<vmem>>
    %dma_wait3A_249 = arith.constant 0 : i32
    %dma_wait3A_250 = tpu.memref_slice %arg2[%dma_wait3A_243, %mul3A_4, %dma_wait3A_249] : memref<3x512x512xf32, #tpu.memory_space<hbm>> -> memref<1x2x512xf32, #tpu.memory_space<hbm>>
    %dma_wait3A_251 = tpu.memref_squeeze %dma_wait3A_250 : memref<1x2x512xf32, #tpu.memory_space<hbm>> -> memref<2x512xf32, #tpu.memory_space<hbm>>
    %dma_wait3A_252 = arith.constant 0 : i32
    %dma_wait3A_253 = arith.constant 0 : i32
    %dma_wait3A_254 = tpu.memref_slice %arg5[%dma_wait3A_244, %dma_wait3A_252, %dma_wait3A_253] : memref<3x2x576xf32, #tpu.memory_space<vmem>> -> memref<1x2x512xf32, #tpu.memory_space<vmem>>
    %dma_wait3A_255 = tpu.memref_squeeze %dma_wait3A_254 : memref<1x2x512xf32, #tpu.memory_space<vmem>> -> memref<2x512xf32, #tpu.memory_space<vmem>>
    %dma_wait3A_256 = arith.constant 0 : i32
    %dma_wait3A_257 = tpu.memref_slice %arg2[%dma_wait3A_243, %mul3A_4, %dma_wait3A_256] : memref<3x512x512xf32, #tpu.memory_space<hbm>> -> memref<1x2x512xf32, #tpu.memory_space<hbm>>
    %dma_wait3A_258 = tpu.memref_squeeze %dma_wait3A_257 : memref<1x2x512xf32, #tpu.memory_space<hbm>> -> memref<2x512xf32, #tpu.memory_space<hbm>>
    tpu.wait_dma2 semaphore(%arg6 : memref<!tpu.dma_semaphore, #tpu.memory_space<semaphore_mem>>) src(%dma_wait3A_258 : memref<2x512xf32, #tpu.memory_space<hbm>>) dst(%dma_wait3A_255 : memref<2x512xf32, #tpu.memory_space<vmem>>)
    %dma_wait3A_259 = arith.constant 0 : i32
    %dma_wait3A_260 = arith.constant 0 : i32
    %dma_wait3A_261 = arith.constant 0 : i32
    %dma_wait3A_262 = arith.constant 512 : i32
    %dma_wait3A_263 = tpu.memref_slice %arg5[%dma_wait3A_260, %dma_wait3A_261, %dma_wait3A_262] : memref<3x2x576xf32, #tpu.memory_space<vmem>> -> memref<1x2x64xf32, #tpu.memory_space<vmem>>
    %dma_wait3A_264 = tpu.memref_squeeze %dma_wait3A_263 : memref<1x2x64xf32, #tpu.memory_space<vmem>> -> memref<2x64xf32, #tpu.memory_space<vmem>>
    %dma_wait3A_265 = arith.constant 0 : i32
    %dma_wait3A_266 = tpu.memref_slice %arg2[%dma_wait3A_259, %mul3A_4, %dma_wait3A_265] : memref<3x512x512xf32, #tpu.memory_space<hbm>> -> memref<1x2x64xf32, #tpu.memory_space<hbm>>
    %dma_wait3A_267 = tpu.memref_squeeze %dma_wait3A_266 : memref<1x2x64xf32, #tpu.memory_space<hbm>> -> memref<2x64xf32, #tpu.memory_space<hbm>>
    %dma_wait3A_268 = arith.constant 0 : i32
    %dma_wait3A_269 = arith.constant 512 : i32
    %dma_wait3A_270 = tpu.memref_slice %arg5[%dma_wait3A_260, %dma_wait3A_268, %dma_wait3A_269] : memref<3x2x576xf32, #tpu.memory_space<vmem>> -> memref<1x2x64xf32, #tpu.memory_space<vmem>>
    %dma_wait3A_271 = tpu.memref_squeeze %dma_wait3A_270 : memref<1x2x64xf32, #tpu.memory_space<vmem>> -> memref<2x64xf32, #tpu.memory_space<vmem>>
    %dma_wait3A_272 = arith.constant 0 : i32
    %dma_wait3A_273 = tpu.memref_slice %arg2[%dma_wait3A_259, %mul3A_4, %dma_wait3A_272] : memref<3x512x512xf32, #tpu.memory_space<hbm>> -> memref<1x2x64xf32, #tpu.memory_space<hbm>>
    %dma_wait3A_274 = tpu.memref_squeeze %dma_wait3A_273 : memref<1x2x64xf32, #tpu.memory_space<hbm>> -> memref<2x64xf32, #tpu.memory_space<hbm>>
    tpu.wait_dma2 semaphore(%arg6 : memref<!tpu.dma_semaphore, #tpu.memory_space<semaphore_mem>>) src(%dma_wait3A_274 : memref<2x64xf32, #tpu.memory_space<hbm>>) dst(%dma_wait3A_271 : memref<2x64xf32, #tpu.memory_space<vmem>>)
    %add3A_275 = arith.constant 512 : i32
    %add3A_276 = arith.addi %add3A_275, %mul3A_4 : i32
    %dma_start3A_277 = arith.constant 0 : i32
    %dma_start3A_278 = arith.constant 0 : i32
    %dma_start3A_279 = arith.constant 0 : i32
    %dma_start3A_280 = arith.constant 0 : i32
    %dma_start3A_281 = tpu.memref_slice %arg5[%dma_start3A_277, %dma_start3A_279, %dma_start3A_280] : memref<3x2x576xf32, #tpu.memory_space<vmem>> -> memref<1x2x576xf32, #tpu.memory_space<vmem>>
    %dma_start3A_282 = tpu.memref_squeeze %dma_start3A_281 : memref<1x2x576xf32, #tpu.memory_space<vmem>> -> memref<2x576xf32, #tpu.memory_space<vmem>>
    %dma_start3A_283 = arith.constant 0 : i32
    %dma_start3A_284 = tpu.memref_slice %arg3[%dma_start3A_278, %add3A_276, %dma_start3A_283] : memref<3x576x576xf32, #tpu.memory_space<hbm>> -> memref<1x2x576xf32, #tpu.memory_space<hbm>>
    %dma_start3A_285 = tpu.memref_squeeze %dma_start3A_284 : memref<1x2x576xf32, #tpu.memory_space<hbm>> -> memref<2x576xf32, #tpu.memory_space<hbm>>
    %dma_start3A_286 = arith.constant 0 : i32
    %dma_start3A_287 = tpu.memref_slice %arg3[%dma_start3A_278, %add3A_276, %dma_start3A_286] : memref<3x576x576xf32, #tpu.memory_space<hbm>> -> memref<1x2x576xf32, #tpu.memory_space<hbm>>
    %dma_start3A_288 = tpu.memref_squeeze %dma_start3A_287 : memref<1x2x576xf32, #tpu.memory_space<hbm>> -> memref<2x576xf32, #tpu.memory_space<hbm>>
    %dma_start3A_289 = arith.constant 0 : i32
    %dma_start3A_290 = arith.constant 0 : i32
    %dma_start3A_291 = tpu.memref_slice %arg5[%dma_start3A_277, %dma_start3A_289, %dma_start3A_290] : memref<3x2x576xf32, #tpu.memory_space<vmem>> -> memref<1x2x576xf32, #tpu.memory_space<vmem>>
    %dma_start3A_292 = tpu.memref_squeeze %dma_start3A_291 : memref<1x2x576xf32, #tpu.memory_space<vmem>> -> memref<2x576xf32, #tpu.memory_space<vmem>>
    tpu.enqueue_dma source(%dma_start3A_292 : memref<2x576xf32, #tpu.memory_space<vmem>>) target(%dma_start3A_288 : memref<2x576xf32, #tpu.memory_space<hbm>>) target_semaphore(%arg7 : memref<!tpu.dma_semaphore, #tpu.memory_space<semaphore_mem>>)
    %dma_wait3A_293 = arith.constant 1 : i32
    %dma_wait3A_294 = arith.constant 1 : i32
    %dma_wait3A_295 = arith.constant 0 : i32
    %dma_wait3A_296 = arith.constant 0 : i32
    %dma_wait3A_297 = tpu.memref_slice %arg4[%dma_wait3A_294, %dma_wait3A_295, %dma_wait3A_296] : memref<3x16x576xf32, #tpu.memory_space<vmem>> -> memref<1x16x512xf32, #tpu.memory_space<vmem>>
    %dma_wait3A_298 = tpu.memref_squeeze %dma_wait3A_297 : memref<1x16x512xf32, #tpu.memory_space<vmem>> -> memref<16x512xf32, #tpu.memory_space<vmem>>
    %dma_wait3A_299 = arith.constant 0 : i32
    %dma_wait3A_300 = tpu.memref_slice %arg2[%dma_wait3A_293, %mul3A_2, %dma_wait3A_299] : memref<3x512x512xf32, #tpu.memory_space<hbm>> -> memref<1x16x512xf32, #tpu.memory_space<hbm>>
    %dma_wait3A_301 = tpu.memref_squeeze %dma_wait3A_300 : memref<1x16x512xf32, #tpu.memory_space<hbm>> -> memref<16x512xf32, #tpu.memory_space<hbm>>
    %dma_wait3A_302 = arith.constant 0 : i32
    %dma_wait3A_303 = arith.constant 0 : i32
    %dma_wait3A_304 = tpu.memref_slice %arg4[%dma_wait3A_294, %dma_wait3A_302, %dma_wait3A_303] : memref<3x16x576xf32, #tpu.memory_space<vmem>> -> memref<1x16x512xf32, #tpu.memory_space<vmem>>
    %dma_wait3A_305 = tpu.memref_squeeze %dma_wait3A_304 : memref<1x16x512xf32, #tpu.memory_space<vmem>> -> memref<16x512xf32, #tpu.memory_space<vmem>>
    %dma_wait3A_306 = arith.constant 0 : i32
    %dma_wait3A_307 = tpu.memref_slice %arg2[%dma_wait3A_293, %mul3A_2, %dma_wait3A_306] : memref<3x512x512xf32, #tpu.memory_space<hbm>> -> memref<1x16x512xf32, #tpu.memory_space<hbm>>
    %dma_wait3A_308 = tpu.memref_squeeze %dma_wait3A_307 : memref<1x16x512xf32, #tpu.memory_space<hbm>> -> memref<16x512xf32, #tpu.memory_space<hbm>>
    tpu.wait_dma2 semaphore(%arg6 : memref<!tpu.dma_semaphore, #tpu.memory_space<semaphore_mem>>) src(%dma_wait3A_308 : memref<16x512xf32, #tpu.memory_space<hbm>>) dst(%dma_wait3A_305 : memref<16x512xf32, #tpu.memory_space<vmem>>)
    %dma_wait3A_309 = arith.constant 1 : i32
    %dma_wait3A_310 = arith.constant 1 : i32
    %dma_wait3A_311 = arith.constant 0 : i32
    %dma_wait3A_312 = arith.constant 512 : i32
    %dma_wait3A_313 = tpu.memref_slice %arg4[%dma_wait3A_310, %dma_wait3A_311, %dma_wait3A_312] : memref<3x16x576xf32, #tpu.memory_space<vmem>> -> memref<1x16x64xf32, #tpu.memory_space<vmem>>
    %dma_wait3A_314 = tpu.memref_squeeze %dma_wait3A_313 : memref<1x16x64xf32, #tpu.memory_space<vmem>> -> memref<16x64xf32, #tpu.memory_space<vmem>>
    %dma_wait3A_315 = arith.constant 0 : i32
    %dma_wait3A_316 = tpu.memref_slice %arg2[%dma_wait3A_309, %mul3A_2, %dma_wait3A_315] : memref<3x512x512xf32, #tpu.memory_space<hbm>> -> memref<1x16x64xf32, #tpu.memory_space<hbm>>
    %dma_wait3A_317 = tpu.memref_squeeze %dma_wait3A_316 : memref<1x16x64xf32, #tpu.memory_space<hbm>> -> memref<16x64xf32, #tpu.memory_space<hbm>>
    %dma_wait3A_318 = arith.constant 0 : i32
    %dma_wait3A_319 = arith.constant 512 : i32
    %dma_wait3A_320 = tpu.memref_slice %arg4[%dma_wait3A_310, %dma_wait3A_318, %dma_wait3A_319] : memref<3x16x576xf32, #tpu.memory_space<vmem>> -> memref<1x16x64xf32, #tpu.memory_space<vmem>>
    %dma_wait3A_321 = tpu.memref_squeeze %dma_wait3A_320 : memref<1x16x64xf32, #tpu.memory_space<vmem>> -> memref<16x64xf32, #tpu.memory_space<vmem>>
    %dma_wait3A_322 = arith.constant 0 : i32
    %dma_wait3A_323 = tpu.memref_slice %arg2[%dma_wait3A_309, %mul3A_2, %dma_wait3A_322] : memref<3x512x512xf32, #tpu.memory_space<hbm>> -> memref<1x16x64xf32, #tpu.memory_space<hbm>>
    %dma_wait3A_324 = tpu.memref_squeeze %dma_wait3A_323 : memref<1x16x64xf32, #tpu.memory_space<hbm>> -> memref<16x64xf32, #tpu.memory_space<hbm>>
    tpu.wait_dma2 semaphore(%arg6 : memref<!tpu.dma_semaphore, #tpu.memory_space<semaphore_mem>>) src(%dma_wait3A_324 : memref<16x64xf32, #tpu.memory_space<hbm>>) dst(%dma_wait3A_321 : memref<16x64xf32, #tpu.memory_space<vmem>>)
    %dma_start3A_325 = arith.constant 1 : i32
    %dma_start3A_326 = arith.constant 1 : i32
    %dma_start3A_327 = arith.constant 0 : i32
    %dma_start3A_328 = arith.constant 0 : i32
    %dma_start3A_329 = tpu.memref_slice %arg4[%dma_start3A_325, %dma_start3A_327, %dma_start3A_328] : memref<3x16x576xf32, #tpu.memory_space<vmem>> -> memref<1x16x576xf32, #tpu.memory_space<vmem>>
    %dma_start3A_330 = tpu.memref_squeeze %dma_start3A_329 : memref<1x16x576xf32, #tpu.memory_space<vmem>> -> memref<16x576xf32, #tpu.memory_space<vmem>>
    %dma_start3A_331 = arith.constant 0 : i32
    %dma_start3A_332 = tpu.memref_slice %arg3[%dma_start3A_326, %mul3A_2, %dma_start3A_331] : memref<3x576x576xf32, #tpu.memory_space<hbm>> -> memref<1x16x576xf32, #tpu.memory_space<hbm>>
    %dma_start3A_333 = tpu.memref_squeeze %dma_start3A_332 : memref<1x16x576xf32, #tpu.memory_space<hbm>> -> memref<16x576xf32, #tpu.memory_space<hbm>>
    %dma_start3A_334 = arith.constant 0 : i32
    %dma_start3A_335 = tpu.memref_slice %arg3[%dma_start3A_326, %mul3A_2, %dma_start3A_334] : memref<3x576x576xf32, #tpu.memory_space<hbm>> -> memref<1x16x576xf32, #tpu.memory_space<hbm>>
    %dma_start3A_336 = tpu.memref_squeeze %dma_start3A_335 : memref<1x16x576xf32, #tpu.memory_space<hbm>> -> memref<16x576xf32, #tpu.memory_space<hbm>>
    %dma_start3A_337 = arith.constant 0 : i32
    %dma_start3A_338 = arith.constant 0 : i32
    %dma_start3A_339 = tpu.memref_slice %arg4[%dma_start3A_325, %dma_start3A_337, %dma_start3A_338] : memref<3x16x576xf32, #tpu.memory_space<vmem>> -> memref<1x16x576xf32, #tpu.memory_space<vmem>>
    %dma_start3A_340 = tpu.memref_squeeze %dma_start3A_339 : memref<1x16x576xf32, #tpu.memory_space<vmem>> -> memref<16x576xf32, #tpu.memory_space<vmem>>
    tpu.enqueue_dma source(%dma_start3A_340 : memref<16x576xf32, #tpu.memory_space<vmem>>) target(%dma_start3A_336 : memref<16x576xf32, #tpu.memory_space<hbm>>) target_semaphore(%arg7 : memref<!tpu.dma_semaphore, #tpu.memory_space<semaphore_mem>>)
    %dma_wait3A_341 = arith.constant 1 : i32
    %dma_wait3A_342 = arith.constant 1 : i32
    %dma_wait3A_343 = arith.constant 0 : i32
    %dma_wait3A_344 = arith.constant 0 : i32
    %dma_wait3A_345 = tpu.memref_slice %arg5[%dma_wait3A_342, %dma_wait3A_343, %dma_wait3A_344] : memref<3x2x576xf32, #tpu.memory_space<vmem>> -> memref<1x2x512xf32, #tpu.memory_space<vmem>>
    %dma_wait3A_346 = tpu.memref_squeeze %dma_wait3A_345 : memref<1x2x512xf32, #tpu.memory_space<vmem>> -> memref<2x512xf32, #tpu.memory_space<vmem>>
    %dma_wait3A_347 = arith.constant 0 : i32
    %dma_wait3A_348 = tpu.memref_slice %arg2[%dma_wait3A_341, %mul3A_4, %dma_wait3A_347] : memref<3x512x512xf32, #tpu.memory_space<hbm>> -> memref<1x2x512xf32, #tpu.memory_space<hbm>>
    %dma_wait3A_349 = tpu.memref_squeeze %dma_wait3A_348 : memref<1x2x512xf32, #tpu.memory_space<hbm>> -> memref<2x512xf32, #tpu.memory_space<hbm>>
    %dma_wait3A_350 = arith.constant 0 : i32
    %dma_wait3A_351 = arith.constant 0 : i32
    %dma_wait3A_352 = tpu.memref_slice %arg5[%dma_wait3A_342, %dma_wait3A_350, %dma_wait3A_351] : memref<3x2x576xf32, #tpu.memory_space<vmem>> -> memref<1x2x512xf32, #tpu.memory_space<vmem>>
    %dma_wait3A_353 = tpu.memref_squeeze %dma_wait3A_352 : memref<1x2x512xf32, #tpu.memory_space<vmem>> -> memref<2x512xf32, #tpu.memory_space<vmem>>
    %dma_wait3A_354 = arith.constant 0 : i32
    %dma_wait3A_355 = tpu.memref_slice %arg2[%dma_wait3A_341, %mul3A_4, %dma_wait3A_354] : memref<3x512x512xf32, #tpu.memory_space<hbm>> -> memref<1x2x512xf32, #tpu.memory_space<hbm>>
    %dma_wait3A_356 = tpu.memref_squeeze %dma_wait3A_355 : memref<1x2x512xf32, #tpu.memory_space<hbm>> -> memref<2x512xf32, #tpu.memory_space<hbm>>
    tpu.wait_dma2 semaphore(%arg6 : memref<!tpu.dma_semaphore, #tpu.memory_space<semaphore_mem>>) src(%dma_wait3A_356 : memref<2x512xf32, #tpu.memory_space<hbm>>) dst(%dma_wait3A_353 : memref<2x512xf32, #tpu.memory_space<vmem>>)
    %dma_wait3A_357 = arith.constant 1 : i32
    %dma_wait3A_358 = arith.constant 1 : i32
    %dma_wait3A_359 = arith.constant 0 : i32
    %dma_wait3A_360 = arith.constant 512 : i32
    %dma_wait3A_361 = tpu.memref_slice %arg5[%dma_wait3A_358, %dma_wait3A_359, %dma_wait3A_360] : memref<3x2x576xf32, #tpu.memory_space<vmem>> -> memref<1x2x64xf32, #tpu.memory_space<vmem>>
    %dma_wait3A_362 = tpu.memref_squeeze %dma_wait3A_361 : memref<1x2x64xf32, #tpu.memory_space<vmem>> -> memref<2x64xf32, #tpu.memory_space<vmem>>
    %dma_wait3A_363 = arith.constant 0 : i32
    %dma_wait3A_364 = tpu.memref_slice %arg2[%dma_wait3A_357, %mul3A_4, %dma_wait3A_363] : memref<3x512x512xf32, #tpu.memory_space<hbm>> -> memref<1x2x64xf32, #tpu.memory_space<hbm>>
    %dma_wait3A_365 = tpu.memref_squeeze %dma_wait3A_364 : memref<1x2x64xf32, #tpu.memory_space<hbm>> -> memref<2x64xf32, #tpu.memory_space<hbm>>
    %dma_wait3A_366 = arith.constant 0 : i32
    %dma_wait3A_367 = arith.constant 512 : i32
    %dma_wait3A_368 = tpu.memref_slice %arg5[%dma_wait3A_358, %dma_wait3A_366, %dma_wait3A_367] : memref<3x2x576xf32, #tpu.memory_space<vmem>> -> memref<1x2x64xf32, #tpu.memory_space<vmem>>
    %dma_wait3A_369 = tpu.memref_squeeze %dma_wait3A_368 : memref<1x2x64xf32, #tpu.memory_space<vmem>> -> memref<2x64xf32, #tpu.memory_space<vmem>>
    %dma_wait3A_370 = arith.constant 0 : i32
    %dma_wait3A_371 = tpu.memref_slice %arg2[%dma_wait3A_357, %mul3A_4, %dma_wait3A_370] : memref<3x512x512xf32, #tpu.memory_space<hbm>> -> memref<1x2x64xf32, #tpu.memory_space<hbm>>
    %dma_wait3A_372 = tpu.memref_squeeze %dma_wait3A_371 : memref<1x2x64xf32, #tpu.memory_space<hbm>> -> memref<2x64xf32, #tpu.memory_space<hbm>>
    tpu.wait_dma2 semaphore(%arg6 : memref<!tpu.dma_semaphore, #tpu.memory_space<semaphore_mem>>) src(%dma_wait3A_372 : memref<2x64xf32, #tpu.memory_space<hbm>>) dst(%dma_wait3A_369 : memref<2x64xf32, #tpu.memory_space<vmem>>)
    %add3A_373 = arith.constant 512 : i32
    %add3A_374 = arith.addi %add3A_373, %mul3A_4 : i32
    %dma_start3A_375 = arith.constant 1 : i32
    %dma_start3A_376 = arith.constant 1 : i32
    %dma_start3A_377 = arith.constant 0 : i32
    %dma_start3A_378 = arith.constant 0 : i32
    %dma_start3A_379 = tpu.memref_slice %arg5[%dma_start3A_375, %dma_start3A_377, %dma_start3A_378] : memref<3x2x576xf32, #tpu.memory_space<vmem>> -> memref<1x2x576xf32, #tpu.memory_space<vmem>>
    %dma_start3A_380 = tpu.memref_squeeze %dma_start3A_379 : memref<1x2x576xf32, #tpu.memory_space<vmem>> -> memref<2x576xf32, #tpu.memory_space<vmem>>
    %dma_start3A_381 = arith.constant 0 : i32
    %dma_start3A_382 = tpu.memref_slice %arg3[%dma_start3A_376, %add3A_374, %dma_start3A_381] : memref<3x576x576xf32, #tpu.memory_space<hbm>> -> memref<1x2x576xf32, #tpu.memory_space<hbm>>
    %dma_start3A_383 = tpu.memref_squeeze %dma_start3A_382 : memref<1x2x576xf32, #tpu.memory_space<hbm>> -> memref<2x576xf32, #tpu.memory_space<hbm>>
    %dma_start3A_384 = arith.constant 0 : i32
    %dma_start3A_385 = tpu.memref_slice %arg3[%dma_start3A_376, %add3A_374, %dma_start3A_384] : memref<3x576x576xf32, #tpu.memory_space<hbm>> -> memref<1x2x576xf32, #tpu.memory_space<hbm>>
    %dma_start3A_386 = tpu.memref_squeeze %dma_start3A_385 : memref<1x2x576xf32, #tpu.memory_space<hbm>> -> memref<2x576xf32, #tpu.memory_space<hbm>>
    %dma_start3A_387 = arith.constant 0 : i32
    %dma_start3A_388 = arith.constant 0 : i32
    %dma_start3A_389 = tpu.memref_slice %arg5[%dma_start3A_375, %dma_start3A_387, %dma_start3A_388] : memref<3x2x576xf32, #tpu.memory_space<vmem>> -> memref<1x2x576xf32, #tpu.memory_space<vmem>>
    %dma_start3A_390 = tpu.memref_squeeze %dma_start3A_389 : memref<1x2x576xf32, #tpu.memory_space<vmem>> -> memref<2x576xf32, #tpu.memory_space<vmem>>
    tpu.enqueue_dma source(%dma_start3A_390 : memref<2x576xf32, #tpu.memory_space<vmem>>) target(%dma_start3A_386 : memref<2x576xf32, #tpu.memory_space<hbm>>) target_semaphore(%arg7 : memref<!tpu.dma_semaphore, #tpu.memory_space<semaphore_mem>>)
    %dma_wait3A_391 = arith.constant 2 : i32
    %dma_wait3A_392 = arith.constant 2 : i32
    %dma_wait3A_393 = arith.constant 0 : i32
    %dma_wait3A_394 = arith.constant 0 : i32
    %dma_wait3A_395 = tpu.memref_slice %arg4[%dma_wait3A_392, %dma_wait3A_393, %dma_wait3A_394] : memref<3x16x576xf32, #tpu.memory_space<vmem>> -> memref<1x16x512xf32, #tpu.memory_space<vmem>>
    %dma_wait3A_396 = tpu.memref_squeeze %dma_wait3A_395 : memref<1x16x512xf32, #tpu.memory_space<vmem>> -> memref<16x512xf32, #tpu.memory_space<vmem>>
    %dma_wait3A_397 = arith.constant 0 : i32
    %dma_wait3A_398 = tpu.memref_slice %arg2[%dma_wait3A_391, %mul3A_2, %dma_wait3A_397] : memref<3x512x512xf32, #tpu.memory_space<hbm>> -> memref<1x16x512xf32, #tpu.memory_space<hbm>>
    %dma_wait3A_399 = tpu.memref_squeeze %dma_wait3A_398 : memref<1x16x512xf32, #tpu.memory_space<hbm>> -> memref<16x512xf32, #tpu.memory_space<hbm>>
    %dma_wait3A_400 = arith.constant 0 : i32
    %dma_wait3A_401 = arith.constant 0 : i32
    %dma_wait3A_402 = tpu.memref_slice %arg4[%dma_wait3A_392, %dma_wait3A_400, %dma_wait3A_401] : memref<3x16x576xf32, #tpu.memory_space<vmem>> -> memref<1x16x512xf32, #tpu.memory_space<vmem>>
    %dma_wait3A_403 = tpu.memref_squeeze %dma_wait3A_402 : memref<1x16x512xf32, #tpu.memory_space<vmem>> -> memref<16x512xf32, #tpu.memory_space<vmem>>
    %dma_wait3A_404 = arith.constant 0 : i32
    %dma_wait3A_405 = tpu.memref_slice %arg2[%dma_wait3A_391, %mul3A_2, %dma_wait3A_404] : memref<3x512x512xf32, #tpu.memory_space<hbm>> -> memref<1x16x512xf32, #tpu.memory_space<hbm>>
    %dma_wait3A_406 = tpu.memref_squeeze %dma_wait3A_405 : memref<1x16x512xf32, #tpu.memory_space<hbm>> -> memref<16x512xf32, #tpu.memory_space<hbm>>
    tpu.wait_dma2 semaphore(%arg6 : memref<!tpu.dma_semaphore, #tpu.memory_space<semaphore_mem>>) src(%dma_wait3A_406 : memref<16x512xf32, #tpu.memory_space<hbm>>) dst(%dma_wait3A_403 : memref<16x512xf32, #tpu.memory_space<vmem>>)
    %dma_wait3A_407 = arith.constant 2 : i32
    %dma_wait3A_408 = arith.constant 2 : i32
    %dma_wait3A_409 = arith.constant 0 : i32
    %dma_wait3A_410 = arith.constant 512 : i32
    %dma_wait3A_411 = tpu.memref_slice %arg4[%dma_wait3A_408, %dma_wait3A_409, %dma_wait3A_410] : memref<3x16x576xf32, #tpu.memory_space<vmem>> -> memref<1x16x64xf32, #tpu.memory_space<vmem>>
    %dma_wait3A_412 = tpu.memref_squeeze %dma_wait3A_411 : memref<1x16x64xf32, #tpu.memory_space<vmem>> -> memref<16x64xf32, #tpu.memory_space<vmem>>
    %dma_wait3A_413 = arith.constant 0 : i32
    %dma_wait3A_414 = tpu.memref_slice %arg2[%dma_wait3A_407, %mul3A_2, %dma_wait3A_413] : memref<3x512x512xf32, #tpu.memory_space<hbm>> -> memref<1x16x64xf32, #tpu.memory_space<hbm>>
    %dma_wait3A_415 = tpu.memref_squeeze %dma_wait3A_414 : memref<1x16x64xf32, #tpu.memory_space<hbm>> -> memref<16x64xf32, #tpu.memory_space<hbm>>
    %dma_wait3A_416 = arith.constant 0 : i32
    %dma_wait3A_417 = arith.constant 512 : i32
    %dma_wait3A_418 = tpu.memref_slice %arg4[%dma_wait3A_408, %dma_wait3A_416, %dma_wait3A_417] : memref<3x16x576xf32, #tpu.memory_space<vmem>> -> memref<1x16x64xf32, #tpu.memory_space<vmem>>
    %dma_wait3A_419 = tpu.memref_squeeze %dma_wait3A_418 : memref<1x16x64xf32, #tpu.memory_space<vmem>> -> memref<16x64xf32, #tpu.memory_space<vmem>>
    %dma_wait3A_420 = arith.constant 0 : i32
    %dma_wait3A_421 = tpu.memref_slice %arg2[%dma_wait3A_407, %mul3A_2, %dma_wait3A_420] : memref<3x512x512xf32, #tpu.memory_space<hbm>> -> memref<1x16x64xf32, #tpu.memory_space<hbm>>
    %dma_wait3A_422 = tpu.memref_squeeze %dma_wait3A_421 : memref<1x16x64xf32, #tpu.memory_space<hbm>> -> memref<16x64xf32, #tpu.memory_space<hbm>>
    tpu.wait_dma2 semaphore(%arg6 : memref<!tpu.dma_semaphore, #tpu.memory_space<semaphore_mem>>) src(%dma_wait3A_422 : memref<16x64xf32, #tpu.memory_space<hbm>>) dst(%dma_wait3A_419 : memref<16x64xf32, #tpu.memory_space<vmem>>)
    %dma_start3A_423 = arith.constant 2 : i32
    %dma_start3A_424 = arith.constant 2 : i32
    %dma_start3A_425 = arith.constant 0 : i32
    %dma_start3A_426 = arith.constant 0 : i32
    %dma_start3A_427 = tpu.memref_slice %arg4[%dma_start3A_423, %dma_start3A_425, %dma_start3A_426] : memref<3x16x576xf32, #tpu.memory_space<vmem>> -> memref<1x16x576xf32, #tpu.memory_space<vmem>>
    %dma_start3A_428 = tpu.memref_squeeze %dma_start3A_427 : memref<1x16x576xf32, #tpu.memory_space<vmem>> -> memref<16x576xf32, #tpu.memory_space<vmem>>
    %dma_start3A_429 = arith.constant 0 : i32
    %dma_start3A_430 = tpu.memref_slice %arg3[%dma_start3A_424, %mul3A_2, %dma_start3A_429] : memref<3x576x576xf32, #tpu.memory_space<hbm>> -> memref<1x16x576xf32, #tpu.memory_space<hbm>>
    %dma_start3A_431 = tpu.memref_squeeze %dma_start3A_430 : memref<1x16x576xf32, #tpu.memory_space<hbm>> -> memref<16x576xf32, #tpu.memory_space<hbm>>
    %dma_start3A_432 = arith.constant 0 : i32
    %dma_start3A_433 = tpu.memref_slice %arg3[%dma_start3A_424, %mul3A_2, %dma_start3A_432] : memref<3x576x576xf32, #tpu.memory_space<hbm>> -> memref<1x16x576xf32, #tpu.memory_space<hbm>>
    %dma_start3A_434 = tpu.memref_squeeze %dma_start3A_433 : memref<1x16x576xf32, #tpu.memory_space<hbm>> -> memref<16x576xf32, #tpu.memory_space<hbm>>
    %dma_start3A_435 = arith.constant 0 : i32
    %dma_start3A_436 = arith.constant 0 : i32
    %dma_start3A_437 = tpu.memref_slice %arg4[%dma_start3A_423, %dma_start3A_435, %dma_start3A_436] : memref<3x16x576xf32, #tpu.memory_space<vmem>> -> memref<1x16x576xf32, #tpu.memory_space<vmem>>
    %dma_start3A_438 = tpu.memref_squeeze %dma_start3A_437 : memref<1x16x576xf32, #tpu.memory_space<vmem>> -> memref<16x576xf32, #tpu.memory_space<vmem>>
    tpu.enqueue_dma source(%dma_start3A_438 : memref<16x576xf32, #tpu.memory_space<vmem>>) target(%dma_start3A_434 : memref<16x576xf32, #tpu.memory_space<hbm>>) target_semaphore(%arg7 : memref<!tpu.dma_semaphore, #tpu.memory_space<semaphore_mem>>)
    %dma_wait3A_439 = arith.constant 2 : i32
    %dma_wait3A_440 = arith.constant 2 : i32
    %dma_wait3A_441 = arith.constant 0 : i32
    %dma_wait3A_442 = arith.constant 0 : i32
    %dma_wait3A_443 = tpu.memref_slice %arg5[%dma_wait3A_440, %dma_wait3A_441, %dma_wait3A_442] : memref<3x2x576xf32, #tpu.memory_space<vmem>> -> memref<1x2x512xf32, #tpu.memory_space<vmem>>
    %dma_wait3A_444 = tpu.memref_squeeze %dma_wait3A_443 : memref<1x2x512xf32, #tpu.memory_space<vmem>> -> memref<2x512xf32, #tpu.memory_space<vmem>>
    %dma_wait3A_445 = arith.constant 0 : i32
    %dma_wait3A_446 = tpu.memref_slice %arg2[%dma_wait3A_439, %mul3A_4, %dma_wait3A_445] : memref<3x512x512xf32, #tpu.memory_space<hbm>> -> memref<1x2x512xf32, #tpu.memory_space<hbm>>
    %dma_wait3A_447 = tpu.memref_squeeze %dma_wait3A_446 : memref<1x2x512xf32, #tpu.memory_space<hbm>> -> memref<2x512xf32, #tpu.memory_space<hbm>>
    %dma_wait3A_448 = arith.constant 0 : i32
    %dma_wait3A_449 = arith.constant 0 : i32
    %dma_wait3A_450 = tpu.memref_slice %arg5[%dma_wait3A_440, %dma_wait3A_448, %dma_wait3A_449] : memref<3x2x576xf32, #tpu.memory_space<vmem>> -> memref<1x2x512xf32, #tpu.memory_space<vmem>>
    %dma_wait3A_451 = tpu.memref_squeeze %dma_wait3A_450 : memref<1x2x512xf32, #tpu.memory_space<vmem>> -> memref<2x512xf32, #tpu.memory_space<vmem>>
    %dma_wait3A_452 = arith.constant 0 : i32
    %dma_wait3A_453 = tpu.memref_slice %arg2[%dma_wait3A_439, %mul3A_4, %dma_wait3A_452] : memref<3x512x512xf32, #tpu.memory_space<hbm>> -> memref<1x2x512xf32, #tpu.memory_space<hbm>>
    %dma_wait3A_454 = tpu.memref_squeeze %dma_wait3A_453 : memref<1x2x512xf32, #tpu.memory_space<hbm>> -> memref<2x512xf32, #tpu.memory_space<hbm>>
    tpu.wait_dma2 semaphore(%arg6 : memref<!tpu.dma_semaphore, #tpu.memory_space<semaphore_mem>>) src(%dma_wait3A_454 : memref<2x512xf32, #tpu.memory_space<hbm>>) dst(%dma_wait3A_451 : memref<2x512xf32, #tpu.memory_space<vmem>>)
    %dma_wait3A_455 = arith.constant 2 : i32
    %dma_wait3A_456 = arith.constant 2 : i32
    %dma_wait3A_457 = arith.constant 0 : i32
    %dma_wait3A_458 = arith.constant 512 : i32
    %dma_wait3A_459 = tpu.memref_slice %arg5[%dma_wait3A_456, %dma_wait3A_457, %dma_wait3A_458] : memref<3x2x576xf32, #tpu.memory_space<vmem>> -> memref<1x2x64xf32, #tpu.memory_space<vmem>>
    %dma_wait3A_460 = tpu.memref_squeeze %dma_wait3A_459 : memref<1x2x64xf32, #tpu.memory_space<vmem>> -> memref<2x64xf32, #tpu.memory_space<vmem>>
    %dma_wait3A_461 = arith.constant 0 : i32
    %dma_wait3A_462 = tpu.memref_slice %arg2[%dma_wait3A_455, %mul3A_4, %dma_wait3A_461] : memref<3x512x512xf32, #tpu.memory_space<hbm>> -> memref<1x2x64xf32, #tpu.memory_space<hbm>>
    %dma_wait3A_463 = tpu.memref_squeeze %dma_wait3A_462 : memref<1x2x64xf32, #tpu.memory_space<hbm>> -> memref<2x64xf32, #tpu.memory_space<hbm>>
    %dma_wait3A_464 = arith.constant 0 : i32
    %dma_wait3A_465 = arith.constant 512 : i32
    %dma_wait3A_466 = tpu.memref_slice %arg5[%dma_wait3A_456, %dma_wait3A_464, %dma_wait3A_465] : memref<3x2x576xf32, #tpu.memory_space<vmem>> -> memref<1x2x64xf32, #tpu.memory_space<vmem>>
    %dma_wait3A_467 = tpu.memref_squeeze %dma_wait3A_466 : memref<1x2x64xf32, #tpu.memory_space<vmem>> -> memref<2x64xf32, #tpu.memory_space<vmem>>
    %dma_wait3A_468 = arith.constant 0 : i32
    %dma_wait3A_469 = tpu.memref_slice %arg2[%dma_wait3A_455, %mul3A_4, %dma_wait3A_468] : memref<3x512x512xf32, #tpu.memory_space<hbm>> -> memref<1x2x64xf32, #tpu.memory_space<hbm>>
    %dma_wait3A_470 = tpu.memref_squeeze %dma_wait3A_469 : memref<1x2x64xf32, #tpu.memory_space<hbm>> -> memref<2x64xf32, #tpu.memory_space<hbm>>
    tpu.wait_dma2 semaphore(%arg6 : memref<!tpu.dma_semaphore, #tpu.memory_space<semaphore_mem>>) src(%dma_wait3A_470 : memref<2x64xf32, #tpu.memory_space<hbm>>) dst(%dma_wait3A_467 : memref<2x64xf32, #tpu.memory_space<vmem>>)
    %add3A_471 = arith.constant 512 : i32
    %add3A_472 = arith.addi %add3A_471, %mul3A_4 : i32
    %dma_start3A_473 = arith.constant 2 : i32
    %dma_start3A_474 = arith.constant 2 : i32
    %dma_start3A_475 = arith.constant 0 : i32
    %dma_start3A_476 = arith.constant 0 : i32
    %dma_start3A_477 = tpu.memref_slice %arg5[%dma_start3A_473, %dma_start3A_475, %dma_start3A_476] : memref<3x2x576xf32, #tpu.memory_space<vmem>> -> memref<1x2x576xf32, #tpu.memory_space<vmem>>
    %dma_start3A_478 = tpu.memref_squeeze %dma_start3A_477 : memref<1x2x576xf32, #tpu.memory_space<vmem>> -> memref<2x576xf32, #tpu.memory_space<vmem>>
    %dma_start3A_479 = arith.constant 0 : i32
    %dma_start3A_480 = tpu.memref_slice %arg3[%dma_start3A_474, %add3A_472, %dma_start3A_479] : memref<3x576x576xf32, #tpu.memory_space<hbm>> -> memref<1x2x576xf32, #tpu.memory_space<hbm>>
    %dma_start3A_481 = tpu.memref_squeeze %dma_start3A_480 : memref<1x2x576xf32, #tpu.memory_space<hbm>> -> memref<2x576xf32, #tpu.memory_space<hbm>>
    %dma_start3A_482 = arith.constant 0 : i32
    %dma_start3A_483 = tpu.memref_slice %arg3[%dma_start3A_474, %add3A_472, %dma_start3A_482] : memref<3x576x576xf32, #tpu.memory_space<hbm>> -> memref<1x2x576xf32, #tpu.memory_space<hbm>>
    %dma_start3A_484 = tpu.memref_squeeze %dma_start3A_483 : memref<1x2x576xf32, #tpu.memory_space<hbm>> -> memref<2x576xf32, #tpu.memory_space<hbm>>
    %dma_start3A_485 = arith.constant 0 : i32
    %dma_start3A_486 = arith.constant 0 : i32
    %dma_start3A_487 = tpu.memref_slice %arg5[%dma_start3A_473, %dma_start3A_485, %dma_start3A_486] : memref<3x2x576xf32, #tpu.memory_space<vmem>> -> memref<1x2x576xf32, #tpu.memory_space<vmem>>
    %dma_start3A_488 = tpu.memref_squeeze %dma_start3A_487 : memref<1x2x576xf32, #tpu.memory_space<vmem>> -> memref<2x576xf32, #tpu.memory_space<vmem>>
    tpu.enqueue_dma source(%dma_start3A_488 : memref<2x576xf32, #tpu.memory_space<vmem>>) target(%dma_start3A_484 : memref<2x576xf32, #tpu.memory_space<hbm>>) target_semaphore(%arg7 : memref<!tpu.dma_semaphore, #tpu.memory_space<semaphore_mem>>)
    %dma_wait3A_489 = arith.constant 0 : i32
    %dma_wait3A_490 = arith.constant 0 : i32
    %dma_wait3A_491 = arith.constant 0 : i32
    %dma_wait3A_492 = arith.constant 0 : i32
    %dma_wait3A_493 = tpu.memref_slice %arg4[%dma_wait3A_489, %dma_wait3A_491, %dma_wait3A_492] : memref<3x16x576xf32, #tpu.memory_space<vmem>> -> memref<1x16x576xf32, #tpu.memory_space<vmem>>
    %dma_wait3A_494 = tpu.memref_squeeze %dma_wait3A_493 : memref<1x16x576xf32, #tpu.memory_space<vmem>> -> memref<16x576xf32, #tpu.memory_space<vmem>>
    %dma_wait3A_495 = arith.constant 0 : i32
    %dma_wait3A_496 = tpu.memref_slice %arg3[%dma_wait3A_490, %mul3A_2, %dma_wait3A_495] : memref<3x576x576xf32, #tpu.memory_space<hbm>> -> memref<1x16x576xf32, #tpu.memory_space<hbm>>
    %dma_wait3A_497 = tpu.memref_squeeze %dma_wait3A_496 : memref<1x16x576xf32, #tpu.memory_space<hbm>> -> memref<16x576xf32, #tpu.memory_space<hbm>>
    %dma_wait3A_498 = arith.constant 0 : i32
    %dma_wait3A_499 = tpu.memref_slice %arg3[%dma_wait3A_490, %mul3A_2, %dma_wait3A_498] : memref<3x576x576xf32, #tpu.memory_space<hbm>> -> memref<1x16x576xf32, #tpu.memory_space<hbm>>
    %dma_wait3A_500 = tpu.memref_squeeze %dma_wait3A_499 : memref<1x16x576xf32, #tpu.memory_space<hbm>> -> memref<16x576xf32, #tpu.memory_space<hbm>>
    %dma_wait3A_501 = arith.constant 0 : i32
    %dma_wait3A_502 = arith.constant 0 : i32
    %dma_wait3A_503 = tpu.memref_slice %arg4[%dma_wait3A_489, %dma_wait3A_501, %dma_wait3A_502] : memref<3x16x576xf32, #tpu.memory_space<vmem>> -> memref<1x16x576xf32, #tpu.memory_space<vmem>>
    %dma_wait3A_504 = tpu.memref_squeeze %dma_wait3A_503 : memref<1x16x576xf32, #tpu.memory_space<vmem>> -> memref<16x576xf32, #tpu.memory_space<vmem>>
    tpu.wait_dma2 semaphore(%arg7 : memref<!tpu.dma_semaphore, #tpu.memory_space<semaphore_mem>>) src(%dma_wait3A_504 : memref<16x576xf32, #tpu.memory_space<vmem>>) dst(%dma_wait3A_500 : memref<16x576xf32, #tpu.memory_space<hbm>>)
    %dma_wait3A_505 = arith.constant 0 : i32
    %dma_wait3A_506 = arith.constant 0 : i32
    %dma_wait3A_507 = arith.constant 0 : i32
    %dma_wait3A_508 = arith.constant 0 : i32
    %dma_wait3A_509 = tpu.memref_slice %arg5[%dma_wait3A_505, %dma_wait3A_507, %dma_wait3A_508] : memref<3x2x576xf32, #tpu.memory_space<vmem>> -> memref<1x2x576xf32, #tpu.memory_space<vmem>>
    %dma_wait3A_510 = tpu.memref_squeeze %dma_wait3A_509 : memref<1x2x576xf32, #tpu.memory_space<vmem>> -> memref<2x576xf32, #tpu.memory_space<vmem>>
    %dma_wait3A_511 = arith.constant 0 : i32
    %dma_wait3A_512 = tpu.memref_slice %arg3[%dma_wait3A_506, %add3A_276, %dma_wait3A_511] : memref<3x576x576xf32, #tpu.memory_space<hbm>> -> memref<1x2x576xf32, #tpu.memory_space<hbm>>
    %dma_wait3A_513 = tpu.memref_squeeze %dma_wait3A_512 : memref<1x2x576xf32, #tpu.memory_space<hbm>> -> memref<2x576xf32, #tpu.memory_space<hbm>>
    %dma_wait3A_514 = arith.constant 0 : i32
    %dma_wait3A_515 = tpu.memref_slice %arg3[%dma_wait3A_506, %add3A_276, %dma_wait3A_514] : memref<3x576x576xf32, #tpu.memory_space<hbm>> -> memref<1x2x576xf32, #tpu.memory_space<hbm>>
    %dma_wait3A_516 = tpu.memref_squeeze %dma_wait3A_515 : memref<1x2x576xf32, #tpu.memory_space<hbm>> -> memref<2x576xf32, #tpu.memory_space<hbm>>
    %dma_wait3A_517 = arith.constant 0 : i32
    %dma_wait3A_518 = arith.constant 0 : i32
    %dma_wait3A_519 = tpu.memref_slice %arg5[%dma_wait3A_505, %dma_wait3A_517, %dma_wait3A_518] : memref<3x2x576xf32, #tpu.memory_space<vmem>> -> memref<1x2x576xf32, #tpu.memory_space<vmem>>
    %dma_wait3A_520 = tpu.memref_squeeze %dma_wait3A_519 : memref<1x2x576xf32, #tpu.memory_space<vmem>> -> memref<2x576xf32, #tpu.memory_space<vmem>>
    tpu.wait_dma2 semaphore(%arg7 : memref<!tpu.dma_semaphore, #tpu.memory_space<semaphore_mem>>) src(%dma_wait3A_520 : memref<2x576xf32, #tpu.memory_space<vmem>>) dst(%dma_wait3A_516 : memref<2x576xf32, #tpu.memory_space<hbm>>)
    %dma_wait3A_521 = arith.constant 1 : i32
    %dma_wait3A_522 = arith.constant 1 : i32
    %dma_wait3A_523 = arith.constant 0 : i32
    %dma_wait3A_524 = arith.constant 0 : i32
    %dma_wait3A_525 = tpu.memref_slice %arg4[%dma_wait3A_521, %dma_wait3A_523, %dma_wait3A_524] : memref<3x16x576xf32, #tpu.memory_space<vmem>> -> memref<1x16x576xf32, #tpu.memory_space<vmem>>
    %dma_wait3A_526 = tpu.memref_squeeze %dma_wait3A_525 : memref<1x16x576xf32, #tpu.memory_space<vmem>> -> memref<16x576xf32, #tpu.memory_space<vmem>>
    %dma_wait3A_527 = arith.constant 0 : i32
    %dma_wait3A_528 = tpu.memref_slice %arg3[%dma_wait3A_522, %mul3A_2, %dma_wait3A_527] : memref<3x576x576xf32, #tpu.memory_space<hbm>> -> memref<1x16x576xf32, #tpu.memory_space<hbm>>
    %dma_wait3A_529 = tpu.memref_squeeze %dma_wait3A_528 : memref<1x16x576xf32, #tpu.memory_space<hbm>> -> memref<16x576xf32, #tpu.memory_space<hbm>>
    %dma_wait3A_530 = arith.constant 0 : i32
    %dma_wait3A_531 = tpu.memref_slice %arg3[%dma_wait3A_522, %mul3A_2, %dma_wait3A_530] : memref<3x576x576xf32, #tpu.memory_space<hbm>> -> memref<1x16x576xf32, #tpu.memory_space<hbm>>
    %dma_wait3A_532 = tpu.memref_squeeze %dma_wait3A_531 : memref<1x16x576xf32, #tpu.memory_space<hbm>> -> memref<16x576xf32, #tpu.memory_space<hbm>>
    %dma_wait3A_533 = arith.constant 0 : i32
    %dma_wait3A_534 = arith.constant 0 : i32
    %dma_wait3A_535 = tpu.memref_slice %arg4[%dma_wait3A_521, %dma_wait3A_533, %dma_wait3A_534] : memref<3x16x576xf32, #tpu.memory_space<vmem>> -> memref<1x16x576xf32, #tpu.memory_space<vmem>>
    %dma_wait3A_536 = tpu.memref_squeeze %dma_wait3A_535 : memref<1x16x576xf32, #tpu.memory_space<vmem>> -> memref<16x576xf32, #tpu.memory_space<vmem>>
    tpu.wait_dma2 semaphore(%arg7 : memref<!tpu.dma_semaphore, #tpu.memory_space<semaphore_mem>>) src(%dma_wait3A_536 : memref<16x576xf32, #tpu.memory_space<vmem>>) dst(%dma_wait3A_532 : memref<16x576xf32, #tpu.memory_space<hbm>>)
    %dma_wait3A_537 = arith.constant 1 : i32
    %dma_wait3A_538 = arith.constant 1 : i32
    %dma_wait3A_539 = arith.constant 0 : i32
    %dma_wait3A_540 = arith.constant 0 : i32
    %dma_wait3A_541 = tpu.memref_slice %arg5[%dma_wait3A_537, %dma_wait3A_539, %dma_wait3A_540] : memref<3x2x576xf32, #tpu.memory_space<vmem>> -> memref<1x2x576xf32, #tpu.memory_space<vmem>>
    %dma_wait3A_542 = tpu.memref_squeeze %dma_wait3A_541 : memref<1x2x576xf32, #tpu.memory_space<vmem>> -> memref<2x576xf32, #tpu.memory_space<vmem>>
    %dma_wait3A_543 = arith.constant 0 : i32
    %dma_wait3A_544 = tpu.memref_slice %arg3[%dma_wait3A_538, %add3A_374, %dma_wait3A_543] : memref<3x576x576xf32, #tpu.memory_space<hbm>> -> memref<1x2x576xf32, #tpu.memory_space<hbm>>
    %dma_wait3A_545 = tpu.memref_squeeze %dma_wait3A_544 : memref<1x2x576xf32, #tpu.memory_space<hbm>> -> memref<2x576xf32, #tpu.memory_space<hbm>>
    %dma_wait3A_546 = arith.constant 0 : i32
    %dma_wait3A_547 = tpu.memref_slice %arg3[%dma_wait3A_538, %add3A_374, %dma_wait3A_546] : memref<3x576x576xf32, #tpu.memory_space<hbm>> -> memref<1x2x576xf32, #tpu.memory_space<hbm>>
    %dma_wait3A_548 = tpu.memref_squeeze %dma_wait3A_547 : memref<1x2x576xf32, #tpu.memory_space<hbm>> -> memref<2x576xf32, #tpu.memory_space<hbm>>
    %dma_wait3A_549 = arith.constant 0 : i32
    %dma_wait3A_550 = arith.constant 0 : i32
    %dma_wait3A_551 = tpu.memref_slice %arg5[%dma_wait3A_537, %dma_wait3A_549, %dma_wait3A_550] : memref<3x2x576xf32, #tpu.memory_space<vmem>> -> memref<1x2x576xf32, #tpu.memory_space<vmem>>
    %dma_wait3A_552 = tpu.memref_squeeze %dma_wait3A_551 : memref<1x2x576xf32, #tpu.memory_space<vmem>> -> memref<2x576xf32, #tpu.memory_space<vmem>>
    tpu.wait_dma2 semaphore(%arg7 : memref<!tpu.dma_semaphore, #tpu.memory_space<semaphore_mem>>) src(%dma_wait3A_552 : memref<2x576xf32, #tpu.memory_space<vmem>>) dst(%dma_wait3A_548 : memref<2x576xf32, #tpu.memory_space<hbm>>)
    %dma_wait3A_553 = arith.constant 2 : i32
    %dma_wait3A_554 = arith.constant 2 : i32
    %dma_wait3A_555 = arith.constant 0 : i32
    %dma_wait3A_556 = arith.constant 0 : i32
    %dma_wait3A_557 = tpu.memref_slice %arg4[%dma_wait3A_553, %dma_wait3A_555, %dma_wait3A_556] : memref<3x16x576xf32, #tpu.memory_space<vmem>> -> memref<1x16x576xf32, #tpu.memory_space<vmem>>
    %dma_wait3A_558 = tpu.memref_squeeze %dma_wait3A_557 : memref<1x16x576xf32, #tpu.memory_space<vmem>> -> memref<16x576xf32, #tpu.memory_space<vmem>>
    %dma_wait3A_559 = arith.constant 0 : i32
    %dma_wait3A_560 = tpu.memref_slice %arg3[%dma_wait3A_554, %mul3A_2, %dma_wait3A_559] : memref<3x576x576xf32, #tpu.memory_space<hbm>> -> memref<1x16x576xf32, #tpu.memory_space<hbm>>
    %dma_wait3A_561 = tpu.memref_squeeze %dma_wait3A_560 : memref<1x16x576xf32, #tpu.memory_space<hbm>> -> memref<16x576xf32, #tpu.memory_space<hbm>>
    %dma_wait3A_562 = arith.constant 0 : i32
    %dma_wait3A_563 = tpu.memref_slice %arg3[%dma_wait3A_554, %mul3A_2, %dma_wait3A_562] : memref<3x576x576xf32, #tpu.memory_space<hbm>> -> memref<1x16x576xf32, #tpu.memory_space<hbm>>
    %dma_wait3A_564 = tpu.memref_squeeze %dma_wait3A_563 : memref<1x16x576xf32, #tpu.memory_space<hbm>> -> memref<16x576xf32, #tpu.memory_space<hbm>>
    %dma_wait3A_565 = arith.constant 0 : i32
    %dma_wait3A_566 = arith.constant 0 : i32
    %dma_wait3A_567 = tpu.memref_slice %arg4[%dma_wait3A_553, %dma_wait3A_565, %dma_wait3A_566] : memref<3x16x576xf32, #tpu.memory_space<vmem>> -> memref<1x16x576xf32, #tpu.memory_space<vmem>>
    %dma_wait3A_568 = tpu.memref_squeeze %dma_wait3A_567 : memref<1x16x576xf32, #tpu.memory_space<vmem>> -> memref<16x576xf32, #tpu.memory_space<vmem>>
    tpu.wait_dma2 semaphore(%arg7 : memref<!tpu.dma_semaphore, #tpu.memory_space<semaphore_mem>>) src(%dma_wait3A_568 : memref<16x576xf32, #tpu.memory_space<vmem>>) dst(%dma_wait3A_564 : memref<16x576xf32, #tpu.memory_space<hbm>>)
    %dma_wait3A_569 = arith.constant 2 : i32
    %dma_wait3A_570 = arith.constant 2 : i32
    %dma_wait3A_571 = arith.constant 0 : i32
    %dma_wait3A_572 = arith.constant 0 : i32
    %dma_wait3A_573 = tpu.memref_slice %arg5[%dma_wait3A_569, %dma_wait3A_571, %dma_wait3A_572] : memref<3x2x576xf32, #tpu.memory_space<vmem>> -> memref<1x2x576xf32, #tpu.memory_space<vmem>>
    %dma_wait3A_574 = tpu.memref_squeeze %dma_wait3A_573 : memref<1x2x576xf32, #tpu.memory_space<vmem>> -> memref<2x576xf32, #tpu.memory_space<vmem>>
    %dma_wait3A_575 = arith.constant 0 : i32
    %dma_wait3A_576 = tpu.memref_slice %arg3[%dma_wait3A_570, %add3A_472, %dma_wait3A_575] : memref<3x576x576xf32, #tpu.memory_space<hbm>> -> memref<1x2x576xf32, #tpu.memory_space<hbm>>
    %dma_wait3A_577 = tpu.memref_squeeze %dma_wait3A_576 : memref<1x2x576xf32, #tpu.memory_space<hbm>> -> memref<2x576xf32, #tpu.memory_space<hbm>>
    %dma_wait3A_578 = arith.constant 0 : i32
    %dma_wait3A_579 = tpu.memref_slice %arg3[%dma_wait3A_570, %add3A_472, %dma_wait3A_578] : memref<3x576x576xf32, #tpu.memory_space<hbm>> -> memref<1x2x576xf32, #tpu.memory_space<hbm>>
    %dma_wait3A_580 = tpu.memref_squeeze %dma_wait3A_579 : memref<1x2x576xf32, #tpu.memory_space<hbm>> -> memref<2x576xf32, #tpu.memory_space<hbm>>
    %dma_wait3A_581 = arith.constant 0 : i32
    %dma_wait3A_582 = arith.constant 0 : i32
    %dma_wait3A_583 = tpu.memref_slice %arg5[%dma_wait3A_569, %dma_wait3A_581, %dma_wait3A_582] : memref<3x2x576xf32, #tpu.memory_space<vmem>> -> memref<1x2x576xf32, #tpu.memory_space<vmem>>
    %dma_wait3A_584 = tpu.memref_squeeze %dma_wait3A_583 : memref<1x2x576xf32, #tpu.memory_space<vmem>> -> memref<2x576xf32, #tpu.memory_space<vmem>>
    tpu.wait_dma2 semaphore(%arg7 : memref<!tpu.dma_semaphore, #tpu.memory_space<semaphore_mem>>) src(%dma_wait3A_584 : memref<2x576xf32, #tpu.memory_space<vmem>>) dst(%dma_wait3A_580 : memref<2x576xf32, #tpu.memory_space<hbm>>)
    return
  }
}

#map = affine_map<(d0, d1) -> (0, 0, 0)>
#map1 = affine_map<(d0, d1) -> (0)>
#map2 = affine_map<(d0, d1) -> (0, 0, 0, 0)>
module attributes {stable_mosaic.version = 14 : i64} {
  func.func @_gather_kernel(%arg0: i32, %arg1: i32, %arg2: memref<3x576x576xf32, #tpu.memory_space<hbm>>, %arg3: memref<128xi32, #tpu.memory_space<hbm>>, %arg4: memref<128xi32, #tpu.memory_space<hbm>>, %arg5: memref<64x6x64x64xf32, #tpu.memory_space<hbm>>, %arg6: memref<128xi32, #tpu.memory_space<vmem>>, %arg7: memref<128xi32, #tpu.memory_space<vmem>>, %arg8: memref<12x64x72xf32, #tpu.memory_space<vmem>>, %arg9: memref<64x64xf32, #tpu.memory_space<vmem>>, %arg10: memref<64x64xf32, #tpu.memory_space<vmem>>, %arg11: memref<64x64xf32, #tpu.memory_space<vmem>>, %arg12: memref<64x64xf32, #tpu.memory_space<vmem>>, %arg13: memref<!tpu.dma_semaphore, #tpu.memory_space<semaphore_mem>>, %arg14: memref<!tpu.dma_semaphore, #tpu.memory_space<semaphore_mem>>) attributes {dimension_semantics = [#tpu.dimension_semantics<core_parallel>, #tpu.dimension_semantics<subcore_parallel>], iteration_bounds = array<i64: 2, 16>, scalar_prefetch = 0 : i64, scratch_operands = 9 : i64, tpu.core_type = #tpu.core_type<sc_vector_subcore>, window_params = [{transform_indices = #map}, {transform_indices = #map1}, {transform_indices = #map1}, {transform_indices = #map2}]} {
    %mul3A = arith.constant 2 : i32
    %mul3A_0 = arith.muli %arg1, %mul3A : i32
    %add3A = arith.addi %mul3A_0, %arg0 : i32
    tpu.enqueue_dma source(%arg3 : memref<128xi32, #tpu.memory_space<hbm>>) target(%arg6 : memref<128xi32, #tpu.memory_space<vmem>>) target_semaphore(%arg13 : memref<!tpu.dma_semaphore, #tpu.memory_space<semaphore_mem>>)
    tpu.enqueue_dma source(%arg4 : memref<128xi32, #tpu.memory_space<hbm>>) target(%arg7 : memref<128xi32, #tpu.memory_space<vmem>>) target_semaphore(%arg13 : memref<!tpu.dma_semaphore, #tpu.memory_space<semaphore_mem>>)
    tpu.wait_dma2 semaphore(%arg13 : memref<!tpu.dma_semaphore, #tpu.memory_space<semaphore_mem>>) src(%arg3 : memref<128xi32, #tpu.memory_space<hbm>>) dst(%arg6 : memref<128xi32, #tpu.memory_space<vmem>>)
    tpu.wait_dma2 semaphore(%arg13 : memref<!tpu.dma_semaphore, #tpu.memory_space<semaphore_mem>>) src(%arg4 : memref<128xi32, #tpu.memory_space<hbm>>) dst(%arg7 : memref<128xi32, #tpu.memory_space<vmem>>)
    %jit3A = arith.constant 4 : i32
    %div3A = arith.divsi %add3A, %jit3A : i32
    %sign3A = arith.constant 0 : i32
    %sign3A_1 = arith.cmpi sgt, %add3A, %sign3A : i32
    %sign3A_2 = arith.extui %sign3A_1 : i1 to i32
    %sign3A_3 = arith.constant 0 : i32
    %sign3A_4 = arith.cmpi slt, %add3A, %sign3A_3 : i32
    %sign3A_5 = arith.extui %sign3A_4 : i1 to i32
    %sign3A_6 = arith.subi %sign3A_2, %sign3A_5 : i32
    %sign3A_7 = arith.constant 0 : i32
    %sign3A_8 = arith.cmpi sgt, %jit3A, %sign3A_7 : i32
    %sign3A_9 = arith.extui %sign3A_8 : i1 to i32
    %sign3A_10 = arith.constant 0 : i32
    %sign3A_11 = arith.cmpi slt, %jit3A, %sign3A_10 : i32
    %sign3A_12 = arith.extui %sign3A_11 : i1 to i32
    %sign3A_13 = arith.subi %sign3A_9, %sign3A_12 : i32
    %ne3A = arith.cmpi ne, %sign3A_6, %sign3A_13 : i32
    %rem3A = arith.remsi %add3A, %jit3A : i32
    %ne3A_14 = arith.constant 0 : i32
    %ne3A_15 = arith.cmpi ne, %rem3A, %ne3A_14 : i32
    %and3A = arith.andi %ne3A, %ne3A_15 : i1
    %sub3A = arith.constant 1 : i32
    %sub3A_16 = arith.subi %div3A, %sub3A : i32
    %select_n3A = arith.select %and3A, %sub3A_16, %div3A : i32
    %mul3A_17 = arith.constant 16 : i32
    %mul3A_18 = arith.muli %mul3A_17, %select_n3A : i32
    %get3A = arith.index_cast %mul3A_18 : i32 to index
    %get3A_19 = tpu.vector_load %arg6[%get3A] {strides = array<i32>} : memref<128xi32, #tpu.memory_space<vmem>>, vector<16xi32>,
    %get3A_20 = arith.index_cast %mul3A_18 : i32 to index
    %get3A_21 = tpu.vector_load %arg7[%get3A_20] {strides = array<i32>} : memref<128xi32, #tpu.memory_space<vmem>>, vector<16xi32>,
    %iota3A = tpu.iota {dimensions = array<i32: 0>} : vector<16xi32>
    %jit3A_22 = arith.constant 4 : i32
    %eq3A = arith.constant 0 : i32
    %eq3A_23 = arith.cmpi eq, %jit3A_22, %eq3A : i32
    %jit3A_24 = arith.constant 1 : i32
    %select_n3A_25 = arith.select %eq3A_23, %jit3A_24, %jit3A_22 : i32
    %rem3A_26 = arith.remsi %add3A, %select_n3A_25 : i32
    %ne3A_27 = arith.constant 0 : i32
    %ne3A_28 = arith.cmpi ne, %rem3A_26, %ne3A_27 : i32
    %lt3A = arith.constant 0 : i32
    %lt3A_29 = arith.cmpi slt, %rem3A_26, %lt3A : i32
    %lt3A_30 = arith.constant 0 : i32
    %lt3A_31 = arith.cmpi slt, %select_n3A_25, %lt3A_30 : i32
    %ne3A_32 = arith.xori %lt3A_29, %lt3A_31 : i1
    %and3A_33 = arith.andi %ne3A_32, %ne3A_28 : i1
    %add3A_34 = arith.addi %rem3A_26, %select_n3A_25 : i32
    %select_n3A_35 = arith.select %and3A_33, %add3A_34, %rem3A_26 : i32
    %mul3A_36 = arith.constant 4 : i32
    %mul3A_37 = arith.muli %select_n3A_35, %mul3A_36 : i32
    %add3A_38 = arith.constant 0 : i32
    %add3A_39 = vector.broadcast %add3A_38 : i32 to vector<16xi32>
    %add3A_40 = arith.addi %add3A_39, %iota3A : vector<16xi32>
    %add3A_41 = arith.constant 16 : i32
    %add3A_42 = vector.broadcast %add3A_41 : i32 to vector<16xi32>
    %add3A_43 = arith.addi %add3A_42, %iota3A : vector<16xi32>
    %add3A_44 = arith.constant 32 : i32
    %add3A_45 = vector.broadcast %add3A_44 : i32 to vector<16xi32>
    %add3A_46 = arith.addi %add3A_45, %iota3A : vector<16xi32>
    %add3A_47 = arith.constant 48 : i32
    %add3A_48 = vector.broadcast %add3A_47 : i32 to vector<16xi32>
    %add3A_49 = arith.addi %add3A_48, %iota3A : vector<16xi32>
    %mul3A_50 = arith.constant 2 : i32
    %mul3A_51 = arith.muli %add3A, %mul3A_50 : i32
    %add3A_52 = arith.constant 0 : i32
    %add3A_53 = arith.addi %mul3A_51, %add3A_52 : i32
    %add3A_54 = arith.constant 0 : i32
    %add3A_55 = arith.addi %mul3A_37, %add3A_54 : i32
    %eq3A_56 = vector.broadcast %add3A_55 : i32 to vector<16xi32>
    %eq3A_57 = arith.cmpi eq, %iota3A, %eq3A_56 : vector<16xi32>
    %jit3A_58 = arith.constant 0 : i32
    %broadcast_in_dim3A = vector.broadcast %jit3A_58 : i32 to vector<16xi32>
    %select_n3A_59 = arith.select %eq3A_57, %get3A_19, %broadcast_in_dim3A : vector<16xi1>, vector<16xi32>
    %reduce_sum3A = arith.constant true
    %reduce_sum3A_60 = vector.broadcast %reduce_sum3A : i1 to vector<16xi1>
    %reduce_sum3A_61 = tpu.scan <sum>, %select_n3A_59 masked %reduce_sum3A_60 : vector<16xi32>, vector<16xi1> -> vector<16xi32>
    %reduce_sum3A_62 = vector.extract %reduce_sum3A_61[15] : i32 from vector<16xi32>
    %add3A_63 = arith.constant 0 : i32
    %add3A_64 = arith.addi %mul3A_37, %add3A_63 : i32
    %eq3A_65 = vector.broadcast %add3A_64 : i32 to vector<16xi32>
    %eq3A_66 = arith.cmpi eq, %iota3A, %eq3A_65 : vector<16xi32>
    %jit3A_67 = arith.constant 0 : i32
    %broadcast_in_dim3A_68 = vector.broadcast %jit3A_67 : i32 to vector<16xi32>
    %select_n3A_69 = arith.select %eq3A_66, %get3A_21, %broadcast_in_dim3A_68 : vector<16xi1>, vector<16xi32>
    %reduce_sum3A_70 = arith.constant true
    %reduce_sum3A_71 = vector.broadcast %reduce_sum3A_70 : i1 to vector<16xi1>
    %reduce_sum3A_72 = tpu.scan <sum>, %select_n3A_69 masked %reduce_sum3A_71 : vector<16xi32>, vector<16xi1> -> vector<16xi32>
    %reduce_sum3A_73 = vector.extract %reduce_sum3A_72[15] : i32 from vector<16xi32>
    %and3A_74 = arith.constant -8 : i32
    %and3A_75 = arith.andi %reduce_sum3A_73, %and3A_74 : i32
    %multiple_of3A = tpu.assume_multiple %and3A_75, 8 : i32
    %and3A_76 = arith.constant -8 : i32
    %and3A_77 = arith.andi %reduce_sum3A_73, %and3A_76 : i32
    %sub3A_78 = arith.subi %reduce_sum3A_73, %and3A_77 : i32
    %broadcast_in_dim3A_79 = vector.broadcast %sub3A_78 : i32 to vector<16xi32>
    %add3A_80 = arith.addi %broadcast_in_dim3A_79, %add3A_40 : vector<16xi32>
    %add3A_81 = arith.addi %broadcast_in_dim3A_79, %add3A_43 : vector<16xi32>
    %add3A_82 = arith.addi %broadcast_in_dim3A_79, %add3A_46 : vector<16xi32>
    %add3A_83 = arith.addi %broadcast_in_dim3A_79, %add3A_49 : vector<16xi32>
    %add3A_84 = arith.constant 1 : i32
    %add3A_85 = arith.addi %mul3A_37, %add3A_84 : i32
    %eq3A_86 = vector.broadcast %add3A_85 : i32 to vector<16xi32>
    %eq3A_87 = arith.cmpi eq, %iota3A, %eq3A_86 : vector<16xi32>
    %jit3A_88 = arith.constant 0 : i32
    %broadcast_in_dim3A_89 = vector.broadcast %jit3A_88 : i32 to vector<16xi32>
    %select_n3A_90 = arith.select %eq3A_87, %get3A_19, %broadcast_in_dim3A_89 : vector<16xi1>, vector<16xi32>
    %reduce_sum3A_91 = arith.constant true
    %reduce_sum3A_92 = vector.broadcast %reduce_sum3A_91 : i1 to vector<16xi1>
    %reduce_sum3A_93 = tpu.scan <sum>, %select_n3A_90 masked %reduce_sum3A_92 : vector<16xi32>, vector<16xi1> -> vector<16xi32>
    %reduce_sum3A_94 = vector.extract %reduce_sum3A_93[15] : i32 from vector<16xi32>
    %add3A_95 = arith.constant 1 : i32
    %add3A_96 = arith.addi %mul3A_37, %add3A_95 : i32
    %eq3A_97 = vector.broadcast %add3A_96 : i32 to vector<16xi32>
    %eq3A_98 = arith.cmpi eq, %iota3A, %eq3A_97 : vector<16xi32>
    %jit3A_99 = arith.constant 0 : i32
    %broadcast_in_dim3A_100 = vector.broadcast %jit3A_99 : i32 to vector<16xi32>
    %select_n3A_101 = arith.select %eq3A_98, %get3A_21, %broadcast_in_dim3A_100 : vector<16xi1>, vector<16xi32>
    %reduce_sum3A_102 = arith.constant true
    %reduce_sum3A_103 = vector.broadcast %reduce_sum3A_102 : i1 to vector<16xi1>
    %reduce_sum3A_104 = tpu.scan <sum>, %select_n3A_101 masked %reduce_sum3A_103 : vector<16xi32>, vector<16xi1> -> vector<16xi32>
    %reduce_sum3A_105 = vector.extract %reduce_sum3A_104[15] : i32 from vector<16xi32>
    %and3A_106 = arith.constant -8 : i32
    %and3A_107 = arith.andi %reduce_sum3A_105, %and3A_106 : i32
    %multiple_of3A_108 = tpu.assume_multiple %and3A_107, 8 : i32
    %and3A_109 = arith.constant -8 : i32
    %and3A_110 = arith.andi %reduce_sum3A_105, %and3A_109 : i32
    %sub3A_111 = arith.subi %reduce_sum3A_105, %and3A_110 : i32
    %broadcast_in_dim3A_112 = vector.broadcast %sub3A_111 : i32 to vector<16xi32>
    %add3A_113 = arith.addi %broadcast_in_dim3A_112, %add3A_40 : vector<16xi32>
    %add3A_114 = arith.addi %broadcast_in_dim3A_112, %add3A_43 : vector<16xi32>
    %add3A_115 = arith.addi %broadcast_in_dim3A_112, %add3A_46 : vector<16xi32>
    %add3A_116 = arith.addi %broadcast_in_dim3A_112, %add3A_49 : vector<16xi32>
    %mul3A_117 = arith.constant 2 : i32
    %mul3A_118 = arith.muli %add3A, %mul3A_117 : i32
    %add3A_119 = arith.constant 1 : i32
    %add3A_120 = arith.addi %mul3A_118, %add3A_119 : i32
    %add3A_121 = arith.constant 2 : i32
    %add3A_122 = arith.addi %mul3A_37, %add3A_121 : i32
    %eq3A_123 = vector.broadcast %add3A_122 : i32 to vector<16xi32>
    %eq3A_124 = arith.cmpi eq, %iota3A, %eq3A_123 : vector<16xi32>
    %jit3A_125 = arith.constant 0 : i32
    %broadcast_in_dim3A_126 = vector.broadcast %jit3A_125 : i32 to vector<16xi32>
    %select_n3A_127 = arith.select %eq3A_124, %get3A_19, %broadcast_in_dim3A_126 : vector<16xi1>, vector<16xi32>
    %reduce_sum3A_128 = arith.constant true
    %reduce_sum3A_129 = vector.broadcast %reduce_sum3A_128 : i1 to vector<16xi1>
    %reduce_sum3A_130 = tpu.scan <sum>, %select_n3A_127 masked %reduce_sum3A_129 : vector<16xi32>, vector<16xi1> -> vector<16xi32>
    %reduce_sum3A_131 = vector.extract %reduce_sum3A_130[15] : i32 from vector<16xi32>
    %add3A_132 = arith.constant 2 : i32
    %add3A_133 = arith.addi %mul3A_37, %add3A_132 : i32
    %eq3A_134 = vector.broadcast %add3A_133 : i32 to vector<16xi32>
    %eq3A_135 = arith.cmpi eq, %iota3A, %eq3A_134 : vector<16xi32>
    %jit3A_136 = arith.constant 0 : i32
    %broadcast_in_dim3A_137 = vector.broadcast %jit3A_136 : i32 to vector<16xi32>
    %select_n3A_138 = arith.select %eq3A_135, %get3A_21, %broadcast_in_dim3A_137 : vector<16xi1>, vector<16xi32>
    %reduce_sum3A_139 = arith.constant true
    %reduce_sum3A_140 = vector.broadcast %reduce_sum3A_139 : i1 to vector<16xi1>
    %reduce_sum3A_141 = tpu.scan <sum>, %select_n3A_138 masked %reduce_sum3A_140 : vector<16xi32>, vector<16xi1> -> vector<16xi32>
    %reduce_sum3A_142 = vector.extract %reduce_sum3A_141[15] : i32 from vector<16xi32>
    %and3A_143 = arith.constant -8 : i32
    %and3A_144 = arith.andi %reduce_sum3A_142, %and3A_143 : i32
    %multiple_of3A_145 = tpu.assume_multiple %and3A_144, 8 : i32
    %and3A_146 = arith.constant -8 : i32
    %and3A_147 = arith.andi %reduce_sum3A_142, %and3A_146 : i32
    %sub3A_148 = arith.subi %reduce_sum3A_142, %and3A_147 : i32
    %broadcast_in_dim3A_149 = vector.broadcast %sub3A_148 : i32 to vector<16xi32>
    %add3A_150 = arith.addi %broadcast_in_dim3A_149, %add3A_40 : vector<16xi32>
    %add3A_151 = arith.addi %broadcast_in_dim3A_149, %add3A_43 : vector<16xi32>
    %add3A_152 = arith.addi %broadcast_in_dim3A_149, %add3A_46 : vector<16xi32>
    %add3A_153 = arith.addi %broadcast_in_dim3A_149, %add3A_49 : vector<16xi32>
    %add3A_154 = arith.constant 3 : i32
    %add3A_155 = arith.addi %mul3A_37, %add3A_154 : i32
    %eq3A_156 = vector.broadcast %add3A_155 : i32 to vector<16xi32>
    %eq3A_157 = arith.cmpi eq, %iota3A, %eq3A_156 : vector<16xi32>
    %jit3A_158 = arith.constant 0 : i32
    %broadcast_in_dim3A_159 = vector.broadcast %jit3A_158 : i32 to vector<16xi32>
    %select_n3A_160 = arith.select %eq3A_157, %get3A_19, %broadcast_in_dim3A_159 : vector<16xi1>, vector<16xi32>
    %reduce_sum3A_161 = arith.constant true
    %reduce_sum3A_162 = vector.broadcast %reduce_sum3A_161 : i1 to vector<16xi1>
    %reduce_sum3A_163 = tpu.scan <sum>, %select_n3A_160 masked %reduce_sum3A_162 : vector<16xi32>, vector<16xi1> -> vector<16xi32>
    %reduce_sum3A_164 = vector.extract %reduce_sum3A_163[15] : i32 from vector<16xi32>
    %add3A_165 = arith.constant 3 : i32
    %add3A_166 = arith.addi %mul3A_37, %add3A_165 : i32
    %eq3A_167 = vector.broadcast %add3A_166 : i32 to vector<16xi32>
    %eq3A_168 = arith.cmpi eq, %iota3A, %eq3A_167 : vector<16xi32>
    %jit3A_169 = arith.constant 0 : i32
    %broadcast_in_dim3A_170 = vector.broadcast %jit3A_169 : i32 to vector<16xi32>
    %select_n3A_171 = arith.select %eq3A_168, %get3A_21, %broadcast_in_dim3A_170 : vector<16xi1>, vector<16xi32>
    %reduce_sum3A_172 = arith.constant true
    %reduce_sum3A_173 = vector.broadcast %reduce_sum3A_172 : i1 to vector<16xi1>
    %reduce_sum3A_174 = tpu.scan <sum>, %select_n3A_171 masked %reduce_sum3A_173 : vector<16xi32>, vector<16xi1> -> vector<16xi32>
    %reduce_sum3A_175 = vector.extract %reduce_sum3A_174[15] : i32 from vector<16xi32>
    %and3A_176 = arith.constant -8 : i32
    %and3A_177 = arith.andi %reduce_sum3A_175, %and3A_176 : i32
    %multiple_of3A_178 = tpu.assume_multiple %and3A_177, 8 : i32
    %and3A_179 = arith.constant -8 : i32
    %and3A_180 = arith.andi %reduce_sum3A_175, %and3A_179 : i32
    %sub3A_181 = arith.subi %reduce_sum3A_175, %and3A_180 : i32
    %broadcast_in_dim3A_182 = vector.broadcast %sub3A_181 : i32 to vector<16xi32>
    %add3A_183 = arith.addi %broadcast_in_dim3A_182, %add3A_40 : vector<16xi32>
    %add3A_184 = arith.addi %broadcast_in_dim3A_182, %add3A_43 : vector<16xi32>
    %add3A_185 = arith.addi %broadcast_in_dim3A_182, %add3A_46 : vector<16xi32>
    %add3A_186 = arith.addi %broadcast_in_dim3A_182, %add3A_49 : vector<16xi32>
    %dma_start3A = arith.constant 0 : i32
    %dma_start3A_187 = arith.constant 0 : i32
    %dma_start3A_188 = arith.constant 0 : i32
    %dma_start3A_189 = arith.constant 0 : i32
    %dma_start3A_190 = tpu.memref_slice %arg8[%dma_start3A_187, %dma_start3A_188, %dma_start3A_189] : memref<12x64x72xf32, #tpu.memory_space<vmem>> -> memref<1x64x72xf32, #tpu.memory_space<vmem>>
    %dma_start3A_191 = tpu.memref_squeeze %dma_start3A_190 : memref<1x64x72xf32, #tpu.memory_space<vmem>> -> memref<64x72xf32, #tpu.memory_space<vmem>>
    %dma_start3A_192 = tpu.memref_slice %arg2[%dma_start3A, %reduce_sum3A_62, %multiple_of3A] : memref<3x576x576xf32, #tpu.memory_space<hbm>> -> memref<1x64x72xf32, #tpu.memory_space<hbm>>
    %dma_start3A_193 = tpu.memref_squeeze %dma_start3A_192 : memref<1x64x72xf32, #tpu.memory_space<hbm>> -> memref<64x72xf32, #tpu.memory_space<hbm>>
    %dma_start3A_194 = arith.constant 0 : i32
    %dma_start3A_195 = arith.constant 0 : i32
    %dma_start3A_196 = tpu.memref_slice %arg8[%dma_start3A_187, %dma_start3A_194, %dma_start3A_195] : memref<12x64x72xf32, #tpu.memory_space<vmem>> -> memref<1x64x72xf32, #tpu.memory_space<vmem>>
    %dma_start3A_197 = tpu.memref_squeeze %dma_start3A_196 : memref<1x64x72xf32, #tpu.memory_space<vmem>> -> memref<64x72xf32, #tpu.memory_space<vmem>>
    %dma_start3A_198 = tpu.memref_slice %arg2[%dma_start3A, %reduce_sum3A_62, %multiple_of3A] : memref<3x576x576xf32, #tpu.memory_space<hbm>> -> memref<1x64x72xf32, #tpu.memory_space<hbm>>
    %dma_start3A_199 = tpu.memref_squeeze %dma_start3A_198 : memref<1x64x72xf32, #tpu.memory_space<hbm>> -> memref<64x72xf32, #tpu.memory_space<hbm>>
    tpu.enqueue_dma source(%dma_start3A_199 : memref<64x72xf32, #tpu.memory_space<hbm>>) target(%dma_start3A_197 : memref<64x72xf32, #tpu.memory_space<vmem>>) target_semaphore(%arg13 : memref<!tpu.dma_semaphore, #tpu.memory_space<semaphore_mem>>)
    %dma_start3A_200 = arith.constant 1 : i32
    %dma_start3A_201 = arith.constant 1 : i32
    %dma_start3A_202 = arith.constant 0 : i32
    %dma_start3A_203 = arith.constant 0 : i32
    %dma_start3A_204 = tpu.memref_slice %arg8[%dma_start3A_201, %dma_start3A_202, %dma_start3A_203] : memref<12x64x72xf32, #tpu.memory_space<vmem>> -> memref<1x64x72xf32, #tpu.memory_space<vmem>>
    %dma_start3A_205 = tpu.memref_squeeze %dma_start3A_204 : memref<1x64x72xf32, #tpu.memory_space<vmem>> -> memref<64x72xf32, #tpu.memory_space<vmem>>
    %dma_start3A_206 = tpu.memref_slice %arg2[%dma_start3A_200, %reduce_sum3A_62, %multiple_of3A] : memref<3x576x576xf32, #tpu.memory_space<hbm>> -> memref<1x64x72xf32, #tpu.memory_space<hbm>>
    %dma_start3A_207 = tpu.memref_squeeze %dma_start3A_206 : memref<1x64x72xf32, #tpu.memory_space<hbm>> -> memref<64x72xf32, #tpu.memory_space<hbm>>
    %dma_start3A_208 = arith.constant 0 : i32
    %dma_start3A_209 = arith.constant 0 : i32
    %dma_start3A_210 = tpu.memref_slice %arg8[%dma_start3A_201, %dma_start3A_208, %dma_start3A_209] : memref<12x64x72xf32, #tpu.memory_space<vmem>> -> memref<1x64x72xf32, #tpu.memory_space<vmem>>
    %dma_start3A_211 = tpu.memref_squeeze %dma_start3A_210 : memref<1x64x72xf32, #tpu.memory_space<vmem>> -> memref<64x72xf32, #tpu.memory_space<vmem>>
    %dma_start3A_212 = tpu.memref_slice %arg2[%dma_start3A_200, %reduce_sum3A_62, %multiple_of3A] : memref<3x576x576xf32, #tpu.memory_space<hbm>> -> memref<1x64x72xf32, #tpu.memory_space<hbm>>
    %dma_start3A_213 = tpu.memref_squeeze %dma_start3A_212 : memref<1x64x72xf32, #tpu.memory_space<hbm>> -> memref<64x72xf32, #tpu.memory_space<hbm>>
    tpu.enqueue_dma source(%dma_start3A_213 : memref<64x72xf32, #tpu.memory_space<hbm>>) target(%dma_start3A_211 : memref<64x72xf32, #tpu.memory_space<vmem>>) target_semaphore(%arg13 : memref<!tpu.dma_semaphore, #tpu.memory_space<semaphore_mem>>)
    %dma_start3A_214 = arith.constant 2 : i32
    %dma_start3A_215 = arith.constant 2 : i32
    %dma_start3A_216 = arith.constant 0 : i32
    %dma_start3A_217 = arith.constant 0 : i32
    %dma_start3A_218 = tpu.memref_slice %arg8[%dma_start3A_215, %dma_start3A_216, %dma_start3A_217] : memref<12x64x72xf32, #tpu.memory_space<vmem>> -> memref<1x64x72xf32, #tpu.memory_space<vmem>>
    %dma_start3A_219 = tpu.memref_squeeze %dma_start3A_218 : memref<1x64x72xf32, #tpu.memory_space<vmem>> -> memref<64x72xf32, #tpu.memory_space<vmem>>
    %dma_start3A_220 = tpu.memref_slice %arg2[%dma_start3A_214, %reduce_sum3A_62, %multiple_of3A] : memref<3x576x576xf32, #tpu.memory_space<hbm>> -> memref<1x64x72xf32, #tpu.memory_space<hbm>>
    %dma_start3A_221 = tpu.memref_squeeze %dma_start3A_220 : memref<1x64x72xf32, #tpu.memory_space<hbm>> -> memref<64x72xf32, #tpu.memory_space<hbm>>
    %dma_start3A_222 = arith.constant 0 : i32
    %dma_start3A_223 = arith.constant 0 : i32
    %dma_start3A_224 = tpu.memref_slice %arg8[%dma_start3A_215, %dma_start3A_222, %dma_start3A_223] : memref<12x64x72xf32, #tpu.memory_space<vmem>> -> memref<1x64x72xf32, #tpu.memory_space<vmem>>
    %dma_start3A_225 = tpu.memref_squeeze %dma_start3A_224 : memref<1x64x72xf32, #tpu.memory_space<vmem>> -> memref<64x72xf32, #tpu.memory_space<vmem>>
    %dma_start3A_226 = tpu.memref_slice %arg2[%dma_start3A_214, %reduce_sum3A_62, %multiple_of3A] : memref<3x576x576xf32, #tpu.memory_space<hbm>> -> memref<1x64x72xf32, #tpu.memory_space<hbm>>
    %dma_start3A_227 = tpu.memref_squeeze %dma_start3A_226 : memref<1x64x72xf32, #tpu.memory_space<hbm>> -> memref<64x72xf32, #tpu.memory_space<hbm>>
    tpu.enqueue_dma source(%dma_start3A_227 : memref<64x72xf32, #tpu.memory_space<hbm>>) target(%dma_start3A_225 : memref<64x72xf32, #tpu.memory_space<vmem>>) target_semaphore(%arg13 : memref<!tpu.dma_semaphore, #tpu.memory_space<semaphore_mem>>)
    %dma_start3A_228 = arith.constant 0 : i32
    %dma_start3A_229 = arith.constant 3 : i32
    %dma_start3A_230 = arith.constant 0 : i32
    %dma_start3A_231 = arith.constant 0 : i32
    %dma_start3A_232 = tpu.memref_slice %arg8[%dma_start3A_229, %dma_start3A_230, %dma_start3A_231] : memref<12x64x72xf32, #tpu.memory_space<vmem>> -> memref<1x64x72xf32, #tpu.memory_space<vmem>>
    %dma_start3A_233 = tpu.memref_squeeze %dma_start3A_232 : memref<1x64x72xf32, #tpu.memory_space<vmem>> -> memref<64x72xf32, #tpu.memory_space<vmem>>
    %dma_start3A_234 = tpu.memref_slice %arg2[%dma_start3A_228, %reduce_sum3A_94, %multiple_of3A_108] : memref<3x576x576xf32, #tpu.memory_space<hbm>> -> memref<1x64x72xf32, #tpu.memory_space<hbm>>
    %dma_start3A_235 = tpu.memref_squeeze %dma_start3A_234 : memref<1x64x72xf32, #tpu.memory_space<hbm>> -> memref<64x72xf32, #tpu.memory_space<hbm>>
    %dma_start3A_236 = arith.constant 0 : i32
    %dma_start3A_237 = arith.constant 0 : i32
    %dma_start3A_238 = tpu.memref_slice %arg8[%dma_start3A_229, %dma_start3A_236, %dma_start3A_237] : memref<12x64x72xf32, #tpu.memory_space<vmem>> -> memref<1x64x72xf32, #tpu.memory_space<vmem>>
    %dma_start3A_239 = tpu.memref_squeeze %dma_start3A_238 : memref<1x64x72xf32, #tpu.memory_space<vmem>> -> memref<64x72xf32, #tpu.memory_space<vmem>>
    %dma_start3A_240 = tpu.memref_slice %arg2[%dma_start3A_228, %reduce_sum3A_94, %multiple_of3A_108] : memref<3x576x576xf32, #tpu.memory_space<hbm>> -> memref<1x64x72xf32, #tpu.memory_space<hbm>>
    %dma_start3A_241 = tpu.memref_squeeze %dma_start3A_240 : memref<1x64x72xf32, #tpu.memory_space<hbm>> -> memref<64x72xf32, #tpu.memory_space<hbm>>
    tpu.enqueue_dma source(%dma_start3A_241 : memref<64x72xf32, #tpu.memory_space<hbm>>) target(%dma_start3A_239 : memref<64x72xf32, #tpu.memory_space<vmem>>) target_semaphore(%arg13 : memref<!tpu.dma_semaphore, #tpu.memory_space<semaphore_mem>>)
    %dma_start3A_242 = arith.constant 1 : i32
    %dma_start3A_243 = arith.constant 4 : i32
    %dma_start3A_244 = arith.constant 0 : i32
    %dma_start3A_245 = arith.constant 0 : i32
    %dma_start3A_246 = tpu.memref_slice %arg8[%dma_start3A_243, %dma_start3A_244, %dma_start3A_245] : memref<12x64x72xf32, #tpu.memory_space<vmem>> -> memref<1x64x72xf32, #tpu.memory_space<vmem>>
    %dma_start3A_247 = tpu.memref_squeeze %dma_start3A_246 : memref<1x64x72xf32, #tpu.memory_space<vmem>> -> memref<64x72xf32, #tpu.memory_space<vmem>>
    %dma_start3A_248 = tpu.memref_slice %arg2[%dma_start3A_242, %reduce_sum3A_94, %multiple_of3A_108] : memref<3x576x576xf32, #tpu.memory_space<hbm>> -> memref<1x64x72xf32, #tpu.memory_space<hbm>>
    %dma_start3A_249 = tpu.memref_squeeze %dma_start3A_248 : memref<1x64x72xf32, #tpu.memory_space<hbm>> -> memref<64x72xf32, #tpu.memory_space<hbm>>
    %dma_start3A_250 = arith.constant 0 : i32
    %dma_start3A_251 = arith.constant 0 : i32
    %dma_start3A_252 = tpu.memref_slice %arg8[%dma_start3A_243, %dma_start3A_250, %dma_start3A_251] : memref<12x64x72xf32, #tpu.memory_space<vmem>> -> memref<1x64x72xf32, #tpu.memory_space<vmem>>
    %dma_start3A_253 = tpu.memref_squeeze %dma_start3A_252 : memref<1x64x72xf32, #tpu.memory_space<vmem>> -> memref<64x72xf32, #tpu.memory_space<vmem>>
    %dma_start3A_254 = tpu.memref_slice %arg2[%dma_start3A_242, %reduce_sum3A_94, %multiple_of3A_108] : memref<3x576x576xf32, #tpu.memory_space<hbm>> -> memref<1x64x72xf32, #tpu.memory_space<hbm>>
    %dma_start3A_255 = tpu.memref_squeeze %dma_start3A_254 : memref<1x64x72xf32, #tpu.memory_space<hbm>> -> memref<64x72xf32, #tpu.memory_space<hbm>>
    tpu.enqueue_dma source(%dma_start3A_255 : memref<64x72xf32, #tpu.memory_space<hbm>>) target(%dma_start3A_253 : memref<64x72xf32, #tpu.memory_space<vmem>>) target_semaphore(%arg13 : memref<!tpu.dma_semaphore, #tpu.memory_space<semaphore_mem>>)
    %dma_start3A_256 = arith.constant 2 : i32
    %dma_start3A_257 = arith.constant 5 : i32
    %dma_start3A_258 = arith.constant 0 : i32
    %dma_start3A_259 = arith.constant 0 : i32
    %dma_start3A_260 = tpu.memref_slice %arg8[%dma_start3A_257, %dma_start3A_258, %dma_start3A_259] : memref<12x64x72xf32, #tpu.memory_space<vmem>> -> memref<1x64x72xf32, #tpu.memory_space<vmem>>
    %dma_start3A_261 = tpu.memref_squeeze %dma_start3A_260 : memref<1x64x72xf32, #tpu.memory_space<vmem>> -> memref<64x72xf32, #tpu.memory_space<vmem>>
    %dma_start3A_262 = tpu.memref_slice %arg2[%dma_start3A_256, %reduce_sum3A_94, %multiple_of3A_108] : memref<3x576x576xf32, #tpu.memory_space<hbm>> -> memref<1x64x72xf32, #tpu.memory_space<hbm>>
    %dma_start3A_263 = tpu.memref_squeeze %dma_start3A_262 : memref<1x64x72xf32, #tpu.memory_space<hbm>> -> memref<64x72xf32, #tpu.memory_space<hbm>>
    %dma_start3A_264 = arith.constant 0 : i32
    %dma_start3A_265 = arith.constant 0 : i32
    %dma_start3A_266 = tpu.memref_slice %arg8[%dma_start3A_257, %dma_start3A_264, %dma_start3A_265] : memref<12x64x72xf32, #tpu.memory_space<vmem>> -> memref<1x64x72xf32, #tpu.memory_space<vmem>>
    %dma_start3A_267 = tpu.memref_squeeze %dma_start3A_266 : memref<1x64x72xf32, #tpu.memory_space<vmem>> -> memref<64x72xf32, #tpu.memory_space<vmem>>
    %dma_start3A_268 = tpu.memref_slice %arg2[%dma_start3A_256, %reduce_sum3A_94, %multiple_of3A_108] : memref<3x576x576xf32, #tpu.memory_space<hbm>> -> memref<1x64x72xf32, #tpu.memory_space<hbm>>
    %dma_start3A_269 = tpu.memref_squeeze %dma_start3A_268 : memref<1x64x72xf32, #tpu.memory_space<hbm>> -> memref<64x72xf32, #tpu.memory_space<hbm>>
    tpu.enqueue_dma source(%dma_start3A_269 : memref<64x72xf32, #tpu.memory_space<hbm>>) target(%dma_start3A_267 : memref<64x72xf32, #tpu.memory_space<vmem>>) target_semaphore(%arg13 : memref<!tpu.dma_semaphore, #tpu.memory_space<semaphore_mem>>)
    %dma_start3A_270 = arith.constant 0 : i32
    %dma_start3A_271 = arith.constant 6 : i32
    %dma_start3A_272 = arith.constant 0 : i32
    %dma_start3A_273 = arith.constant 0 : i32
    %dma_start3A_274 = tpu.memref_slice %arg8[%dma_start3A_271, %dma_start3A_272, %dma_start3A_273] : memref<12x64x72xf32, #tpu.memory_space<vmem>> -> memref<1x64x72xf32, #tpu.memory_space<vmem>>
    %dma_start3A_275 = tpu.memref_squeeze %dma_start3A_274 : memref<1x64x72xf32, #tpu.memory_space<vmem>> -> memref<64x72xf32, #tpu.memory_space<vmem>>
    %dma_start3A_276 = tpu.memref_slice %arg2[%dma_start3A_270, %reduce_sum3A_131, %multiple_of3A_145] : memref<3x576x576xf32, #tpu.memory_space<hbm>> -> memref<1x64x72xf32, #tpu.memory_space<hbm>>
    %dma_start3A_277 = tpu.memref_squeeze %dma_start3A_276 : memref<1x64x72xf32, #tpu.memory_space<hbm>> -> memref<64x72xf32, #tpu.memory_space<hbm>>
    %dma_start3A_278 = arith.constant 0 : i32
    %dma_start3A_279 = arith.constant 0 : i32
    %dma_start3A_280 = tpu.memref_slice %arg8[%dma_start3A_271, %dma_start3A_278, %dma_start3A_279] : memref<12x64x72xf32, #tpu.memory_space<vmem>> -> memref<1x64x72xf32, #tpu.memory_space<vmem>>
    %dma_start3A_281 = tpu.memref_squeeze %dma_start3A_280 : memref<1x64x72xf32, #tpu.memory_space<vmem>> -> memref<64x72xf32, #tpu.memory_space<vmem>>
    %dma_start3A_282 = tpu.memref_slice %arg2[%dma_start3A_270, %reduce_sum3A_131, %multiple_of3A_145] : memref<3x576x576xf32, #tpu.memory_space<hbm>> -> memref<1x64x72xf32, #tpu.memory_space<hbm>>
    %dma_start3A_283 = tpu.memref_squeeze %dma_start3A_282 : memref<1x64x72xf32, #tpu.memory_space<hbm>> -> memref<64x72xf32, #tpu.memory_space<hbm>>
    tpu.enqueue_dma source(%dma_start3A_283 : memref<64x72xf32, #tpu.memory_space<hbm>>) target(%dma_start3A_281 : memref<64x72xf32, #tpu.memory_space<vmem>>) target_semaphore(%arg13 : memref<!tpu.dma_semaphore, #tpu.memory_space<semaphore_mem>>)
    %dma_start3A_284 = arith.constant 1 : i32
    %dma_start3A_285 = arith.constant 7 : i32
    %dma_start3A_286 = arith.constant 0 : i32
    %dma_start3A_287 = arith.constant 0 : i32
    %dma_start3A_288 = tpu.memref_slice %arg8[%dma_start3A_285, %dma_start3A_286, %dma_start3A_287] : memref<12x64x72xf32, #tpu.memory_space<vmem>> -> memref<1x64x72xf32, #tpu.memory_space<vmem>>
    %dma_start3A_289 = tpu.memref_squeeze %dma_start3A_288 : memref<1x64x72xf32, #tpu.memory_space<vmem>> -> memref<64x72xf32, #tpu.memory_space<vmem>>
    %dma_start3A_290 = tpu.memref_slice %arg2[%dma_start3A_284, %reduce_sum3A_131, %multiple_of3A_145] : memref<3x576x576xf32, #tpu.memory_space<hbm>> -> memref<1x64x72xf32, #tpu.memory_space<hbm>>
    %dma_start3A_291 = tpu.memref_squeeze %dma_start3A_290 : memref<1x64x72xf32, #tpu.memory_space<hbm>> -> memref<64x72xf32, #tpu.memory_space<hbm>>
    %dma_start3A_292 = arith.constant 0 : i32
    %dma_start3A_293 = arith.constant 0 : i32
    %dma_start3A_294 = tpu.memref_slice %arg8[%dma_start3A_285, %dma_start3A_292, %dma_start3A_293] : memref<12x64x72xf32, #tpu.memory_space<vmem>> -> memref<1x64x72xf32, #tpu.memory_space<vmem>>
    %dma_start3A_295 = tpu.memref_squeeze %dma_start3A_294 : memref<1x64x72xf32, #tpu.memory_space<vmem>> -> memref<64x72xf32, #tpu.memory_space<vmem>>
    %dma_start3A_296 = tpu.memref_slice %arg2[%dma_start3A_284, %reduce_sum3A_131, %multiple_of3A_145] : memref<3x576x576xf32, #tpu.memory_space<hbm>> -> memref<1x64x72xf32, #tpu.memory_space<hbm>>
    %dma_start3A_297 = tpu.memref_squeeze %dma_start3A_296 : memref<1x64x72xf32, #tpu.memory_space<hbm>> -> memref<64x72xf32, #tpu.memory_space<hbm>>
    tpu.enqueue_dma source(%dma_start3A_297 : memref<64x72xf32, #tpu.memory_space<hbm>>) target(%dma_start3A_295 : memref<64x72xf32, #tpu.memory_space<vmem>>) target_semaphore(%arg13 : memref<!tpu.dma_semaphore, #tpu.memory_space<semaphore_mem>>)
    %dma_start3A_298 = arith.constant 2 : i32
    %dma_start3A_299 = arith.constant 8 : i32
    %dma_start3A_300 = arith.constant 0 : i32
    %dma_start3A_301 = arith.constant 0 : i32
    %dma_start3A_302 = tpu.memref_slice %arg8[%dma_start3A_299, %dma_start3A_300, %dma_start3A_301] : memref<12x64x72xf32, #tpu.memory_space<vmem>> -> memref<1x64x72xf32, #tpu.memory_space<vmem>>
    %dma_start3A_303 = tpu.memref_squeeze %dma_start3A_302 : memref<1x64x72xf32, #tpu.memory_space<vmem>> -> memref<64x72xf32, #tpu.memory_space<vmem>>
    %dma_start3A_304 = tpu.memref_slice %arg2[%dma_start3A_298, %reduce_sum3A_131, %multiple_of3A_145] : memref<3x576x576xf32, #tpu.memory_space<hbm>> -> memref<1x64x72xf32, #tpu.memory_space<hbm>>
    %dma_start3A_305 = tpu.memref_squeeze %dma_start3A_304 : memref<1x64x72xf32, #tpu.memory_space<hbm>> -> memref<64x72xf32, #tpu.memory_space<hbm>>
    %dma_start3A_306 = arith.constant 0 : i32
    %dma_start3A_307 = arith.constant 0 : i32
    %dma_start3A_308 = tpu.memref_slice %arg8[%dma_start3A_299, %dma_start3A_306, %dma_start3A_307] : memref<12x64x72xf32, #tpu.memory_space<vmem>> -> memref<1x64x72xf32, #tpu.memory_space<vmem>>
    %dma_start3A_309 = tpu.memref_squeeze %dma_start3A_308 : memref<1x64x72xf32, #tpu.memory_space<vmem>> -> memref<64x72xf32, #tpu.memory_space<vmem>>
    %dma_start3A_310 = tpu.memref_slice %arg2[%dma_start3A_298, %reduce_sum3A_131, %multiple_of3A_145] : memref<3x576x576xf32, #tpu.memory_space<hbm>> -> memref<1x64x72xf32, #tpu.memory_space<hbm>>
    %dma_start3A_311 = tpu.memref_squeeze %dma_start3A_310 : memref<1x64x72xf32, #tpu.memory_space<hbm>> -> memref<64x72xf32, #tpu.memory_space<hbm>>
    tpu.enqueue_dma source(%dma_start3A_311 : memref<64x72xf32, #tpu.memory_space<hbm>>) target(%dma_start3A_309 : memref<64x72xf32, #tpu.memory_space<vmem>>) target_semaphore(%arg13 : memref<!tpu.dma_semaphore, #tpu.memory_space<semaphore_mem>>)
    %dma_start3A_312 = arith.constant 0 : i32
    %dma_start3A_313 = arith.constant 9 : i32
    %dma_start3A_314 = arith.constant 0 : i32
    %dma_start3A_315 = arith.constant 0 : i32
    %dma_start3A_316 = tpu.memref_slice %arg8[%dma_start3A_313, %dma_start3A_314, %dma_start3A_315] : memref<12x64x72xf32, #tpu.memory_space<vmem>> -> memref<1x64x72xf32, #tpu.memory_space<vmem>>
    %dma_start3A_317 = tpu.memref_squeeze %dma_start3A_316 : memref<1x64x72xf32, #tpu.memory_space<vmem>> -> memref<64x72xf32, #tpu.memory_space<vmem>>
    %dma_start3A_318 = tpu.memref_slice %arg2[%dma_start3A_312, %reduce_sum3A_164, %multiple_of3A_178] : memref<3x576x576xf32, #tpu.memory_space<hbm>> -> memref<1x64x72xf32, #tpu.memory_space<hbm>>
    %dma_start3A_319 = tpu.memref_squeeze %dma_start3A_318 : memref<1x64x72xf32, #tpu.memory_space<hbm>> -> memref<64x72xf32, #tpu.memory_space<hbm>>
    %dma_start3A_320 = arith.constant 0 : i32
    %dma_start3A_321 = arith.constant 0 : i32
    %dma_start3A_322 = tpu.memref_slice %arg8[%dma_start3A_313, %dma_start3A_320, %dma_start3A_321] : memref<12x64x72xf32, #tpu.memory_space<vmem>> -> memref<1x64x72xf32, #tpu.memory_space<vmem>>
    %dma_start3A_323 = tpu.memref_squeeze %dma_start3A_322 : memref<1x64x72xf32, #tpu.memory_space<vmem>> -> memref<64x72xf32, #tpu.memory_space<vmem>>
    %dma_start3A_324 = tpu.memref_slice %arg2[%dma_start3A_312, %reduce_sum3A_164, %multiple_of3A_178] : memref<3x576x576xf32, #tpu.memory_space<hbm>> -> memref<1x64x72xf32, #tpu.memory_space<hbm>>
    %dma_start3A_325 = tpu.memref_squeeze %dma_start3A_324 : memref<1x64x72xf32, #tpu.memory_space<hbm>> -> memref<64x72xf32, #tpu.memory_space<hbm>>
    tpu.enqueue_dma source(%dma_start3A_325 : memref<64x72xf32, #tpu.memory_space<hbm>>) target(%dma_start3A_323 : memref<64x72xf32, #tpu.memory_space<vmem>>) target_semaphore(%arg13 : memref<!tpu.dma_semaphore, #tpu.memory_space<semaphore_mem>>)
    %dma_start3A_326 = arith.constant 1 : i32
    %dma_start3A_327 = arith.constant 10 : i32
    %dma_start3A_328 = arith.constant 0 : i32
    %dma_start3A_329 = arith.constant 0 : i32
    %dma_start3A_330 = tpu.memref_slice %arg8[%dma_start3A_327, %dma_start3A_328, %dma_start3A_329] : memref<12x64x72xf32, #tpu.memory_space<vmem>> -> memref<1x64x72xf32, #tpu.memory_space<vmem>>
    %dma_start3A_331 = tpu.memref_squeeze %dma_start3A_330 : memref<1x64x72xf32, #tpu.memory_space<vmem>> -> memref<64x72xf32, #tpu.memory_space<vmem>>
    %dma_start3A_332 = tpu.memref_slice %arg2[%dma_start3A_326, %reduce_sum3A_164, %multiple_of3A_178] : memref<3x576x576xf32, #tpu.memory_space<hbm>> -> memref<1x64x72xf32, #tpu.memory_space<hbm>>
    %dma_start3A_333 = tpu.memref_squeeze %dma_start3A_332 : memref<1x64x72xf32, #tpu.memory_space<hbm>> -> memref<64x72xf32, #tpu.memory_space<hbm>>
    %dma_start3A_334 = arith.constant 0 : i32
    %dma_start3A_335 = arith.constant 0 : i32
    %dma_start3A_336 = tpu.memref_slice %arg8[%dma_start3A_327, %dma_start3A_334, %dma_start3A_335] : memref<12x64x72xf32, #tpu.memory_space<vmem>> -> memref<1x64x72xf32, #tpu.memory_space<vmem>>
    %dma_start3A_337 = tpu.memref_squeeze %dma_start3A_336 : memref<1x64x72xf32, #tpu.memory_space<vmem>> -> memref<64x72xf32, #tpu.memory_space<vmem>>
    %dma_start3A_338 = tpu.memref_slice %arg2[%dma_start3A_326, %reduce_sum3A_164, %multiple_of3A_178] : memref<3x576x576xf32, #tpu.memory_space<hbm>> -> memref<1x64x72xf32, #tpu.memory_space<hbm>>
    %dma_start3A_339 = tpu.memref_squeeze %dma_start3A_338 : memref<1x64x72xf32, #tpu.memory_space<hbm>> -> memref<64x72xf32, #tpu.memory_space<hbm>>
    tpu.enqueue_dma source(%dma_start3A_339 : memref<64x72xf32, #tpu.memory_space<hbm>>) target(%dma_start3A_337 : memref<64x72xf32, #tpu.memory_space<vmem>>) target_semaphore(%arg13 : memref<!tpu.dma_semaphore, #tpu.memory_space<semaphore_mem>>)
    %dma_start3A_340 = arith.constant 2 : i32
    %dma_start3A_341 = arith.constant 11 : i32
    %dma_start3A_342 = arith.constant 0 : i32
    %dma_start3A_343 = arith.constant 0 : i32
    %dma_start3A_344 = tpu.memref_slice %arg8[%dma_start3A_341, %dma_start3A_342, %dma_start3A_343] : memref<12x64x72xf32, #tpu.memory_space<vmem>> -> memref<1x64x72xf32, #tpu.memory_space<vmem>>
    %dma_start3A_345 = tpu.memref_squeeze %dma_start3A_344 : memref<1x64x72xf32, #tpu.memory_space<vmem>> -> memref<64x72xf32, #tpu.memory_space<vmem>>
    %dma_start3A_346 = tpu.memref_slice %arg2[%dma_start3A_340, %reduce_sum3A_164, %multiple_of3A_178] : memref<3x576x576xf32, #tpu.memory_space<hbm>> -> memref<1x64x72xf32, #tpu.memory_space<hbm>>
    %dma_start3A_347 = tpu.memref_squeeze %dma_start3A_346 : memref<1x64x72xf32, #tpu.memory_space<hbm>> -> memref<64x72xf32, #tpu.memory_space<hbm>>
    %dma_start3A_348 = arith.constant 0 : i32
    %dma_start3A_349 = arith.constant 0 : i32
    %dma_start3A_350 = tpu.memref_slice %arg8[%dma_start3A_341, %dma_start3A_348, %dma_start3A_349] : memref<12x64x72xf32, #tpu.memory_space<vmem>> -> memref<1x64x72xf32, #tpu.memory_space<vmem>>
    %dma_start3A_351 = tpu.memref_squeeze %dma_start3A_350 : memref<1x64x72xf32, #tpu.memory_space<vmem>> -> memref<64x72xf32, #tpu.memory_space<vmem>>
    %dma_start3A_352 = tpu.memref_slice %arg2[%dma_start3A_340, %reduce_sum3A_164, %multiple_of3A_178] : memref<3x576x576xf32, #tpu.memory_space<hbm>> -> memref<1x64x72xf32, #tpu.memory_space<hbm>>
    %dma_start3A_353 = tpu.memref_squeeze %dma_start3A_352 : memref<1x64x72xf32, #tpu.memory_space<hbm>> -> memref<64x72xf32, #tpu.memory_space<hbm>>
    tpu.enqueue_dma source(%dma_start3A_353 : memref<64x72xf32, #tpu.memory_space<hbm>>) target(%dma_start3A_351 : memref<64x72xf32, #tpu.memory_space<vmem>>) target_semaphore(%arg13 : memref<!tpu.dma_semaphore, #tpu.memory_space<semaphore_mem>>)
    %dma_wait3A = arith.constant 0 : i32
    %dma_wait3A_354 = arith.constant 0 : i32
    %dma_wait3A_355 = arith.constant 0 : i32
    %dma_wait3A_356 = arith.constant 0 : i32
    %dma_wait3A_357 = tpu.memref_slice %arg8[%dma_wait3A_354, %dma_wait3A_355, %dma_wait3A_356] : memref<12x64x72xf32, #tpu.memory_space<vmem>> -> memref<1x64x72xf32, #tpu.memory_space<vmem>>
    %dma_wait3A_358 = tpu.memref_squeeze %dma_wait3A_357 : memref<1x64x72xf32, #tpu.memory_space<vmem>> -> memref<64x72xf32, #tpu.memory_space<vmem>>
    %dma_wait3A_359 = tpu.memref_slice %arg2[%dma_wait3A, %reduce_sum3A_62, %multiple_of3A] : memref<3x576x576xf32, #tpu.memory_space<hbm>> -> memref<1x64x72xf32, #tpu.memory_space<hbm>>
    %dma_wait3A_360 = tpu.memref_squeeze %dma_wait3A_359 : memref<1x64x72xf32, #tpu.memory_space<hbm>> -> memref<64x72xf32, #tpu.memory_space<hbm>>
    %dma_wait3A_361 = arith.constant 0 : i32
    %dma_wait3A_362 = arith.constant 0 : i32
    %dma_wait3A_363 = tpu.memref_slice %arg8[%dma_wait3A_354, %dma_wait3A_361, %dma_wait3A_362] : memref<12x64x72xf32, #tpu.memory_space<vmem>> -> memref<1x64x72xf32, #tpu.memory_space<vmem>>
    %dma_wait3A_364 = tpu.memref_squeeze %dma_wait3A_363 : memref<1x64x72xf32, #tpu.memory_space<vmem>> -> memref<64x72xf32, #tpu.memory_space<vmem>>
    %dma_wait3A_365 = tpu.memref_slice %arg2[%dma_wait3A, %reduce_sum3A_62, %multiple_of3A] : memref<3x576x576xf32, #tpu.memory_space<hbm>> -> memref<1x64x72xf32, #tpu.memory_space<hbm>>
    %dma_wait3A_366 = tpu.memref_squeeze %dma_wait3A_365 : memref<1x64x72xf32, #tpu.memory_space<hbm>> -> memref<64x72xf32, #tpu.memory_space<hbm>>
    tpu.wait_dma2 semaphore(%arg13 : memref<!tpu.dma_semaphore, #tpu.memory_space<semaphore_mem>>) src(%dma_wait3A_366 : memref<64x72xf32, #tpu.memory_space<hbm>>) dst(%dma_wait3A_364 : memref<64x72xf32, #tpu.memory_space<vmem>>)
    %broadcast_in_dim3A_367 = arith.constant 0 : i32
    %broadcast_in_dim3A_368 = vector.broadcast %broadcast_in_dim3A_367 : i32 to vector<16xi32>
    %parallel_loop3A = arith.constant 0 : i32
    %parallel_loop3A_369 = arith.constant 64 : i32
    %parallel_loop3A_370 = arith.constant 1 : i32
    %parallel_loop3A_371 = scf.for %parallel_loop3A_808 = %parallel_loop3A to %parallel_loop3A_369 step %parallel_loop3A_370 iter_args(%parallel_loop3A_809 = %broadcast_in_dim3A_368) -> (vector<16xi32>)  : i32 {
      %parallel_loop3A_810 = arith.constant 0 : i32
      %parallel_loop3A_811 = arith.constant 0 : i32
      %parallel_loop3A_812 = arith.constant 0 : i32
      %parallel_loop3A_813 = tpu.memref_slice %arg8[%parallel_loop3A_810, %parallel_loop3A_811, %parallel_loop3A_812] : memref<12x64x72xf32, #tpu.memory_space<vmem>> -> memref<1x64x72xf32, #tpu.memory_space<vmem>>
      %parallel_loop3A_814 = tpu.memref_squeeze %parallel_loop3A_813 : memref<1x64x72xf32, #tpu.memory_space<vmem>> -> memref<64x72xf32, #tpu.memory_space<vmem>>
      %parallel_loop3A_815 = tpu.vector_load_idx %parallel_loop3A_814[%parallel_loop3A_809, %add3A_80] : memref<64x72xf32, #tpu.memory_space<vmem>>[vector<16xi32>, vector<16xi32>], vector<16xf32>,
      %parallel_loop3A_816 = arith.index_cast %parallel_loop3A_808 : i32 to index
      %parallel_loop3A_817 = arith.constant 0 : index
      %parallel_loop3A_818 = tpu.vector_load %arg9[%parallel_loop3A_816, %parallel_loop3A_817] {strides = array<i32>} : memref<64x64xf32, #tpu.memory_space<vmem>>, vector<16xf32>,
      tpu.vector_store %arg9[%parallel_loop3A_816, %parallel_loop3A_817], %parallel_loop3A_815 {strides = array<i32>} : memref<64x64xf32, #tpu.memory_space<vmem>>, vector<16xf32>,
      %parallel_loop3A_819 = arith.constant 0 : i32
      %parallel_loop3A_820 = arith.constant 0 : i32
      %parallel_loop3A_821 = arith.constant 0 : i32
      %parallel_loop3A_822 = tpu.memref_slice %arg8[%parallel_loop3A_819, %parallel_loop3A_820, %parallel_loop3A_821] : memref<12x64x72xf32, #tpu.memory_space<vmem>> -> memref<1x64x72xf32, #tpu.memory_space<vmem>>
      %parallel_loop3A_823 = tpu.memref_squeeze %parallel_loop3A_822 : memref<1x64x72xf32, #tpu.memory_space<vmem>> -> memref<64x72xf32, #tpu.memory_space<vmem>>
      %parallel_loop3A_824 = tpu.vector_load_idx %parallel_loop3A_823[%parallel_loop3A_809, %add3A_81] : memref<64x72xf32, #tpu.memory_space<vmem>>[vector<16xi32>, vector<16xi32>], vector<16xf32>,
      %parallel_loop3A_825 = arith.index_cast %parallel_loop3A_808 : i32 to index
      %parallel_loop3A_826 = arith.constant 16 : index
      %parallel_loop3A_827 = tpu.vector_load %arg9[%parallel_loop3A_825, %parallel_loop3A_826] {strides = array<i32>} : memref<64x64xf32, #tpu.memory_space<vmem>>, vector<16xf32>,
      tpu.vector_store %arg9[%parallel_loop3A_825, %parallel_loop3A_826], %parallel_loop3A_824 {strides = array<i32>} : memref<64x64xf32, #tpu.memory_space<vmem>>, vector<16xf32>,
      %parallel_loop3A_828 = arith.constant 0 : i32
      %parallel_loop3A_829 = arith.constant 0 : i32
      %parallel_loop3A_830 = arith.constant 0 : i32
      %parallel_loop3A_831 = tpu.memref_slice %arg8[%parallel_loop3A_828, %parallel_loop3A_829, %parallel_loop3A_830] : memref<12x64x72xf32, #tpu.memory_space<vmem>> -> memref<1x64x72xf32, #tpu.memory_space<vmem>>
      %parallel_loop3A_832 = tpu.memref_squeeze %parallel_loop3A_831 : memref<1x64x72xf32, #tpu.memory_space<vmem>> -> memref<64x72xf32, #tpu.memory_space<vmem>>
      %parallel_loop3A_833 = tpu.vector_load_idx %parallel_loop3A_832[%parallel_loop3A_809, %add3A_82] : memref<64x72xf32, #tpu.memory_space<vmem>>[vector<16xi32>, vector<16xi32>], vector<16xf32>,
      %parallel_loop3A_834 = arith.index_cast %parallel_loop3A_808 : i32 to index
      %parallel_loop3A_835 = arith.constant 32 : index
      %parallel_loop3A_836 = tpu.vector_load %arg9[%parallel_loop3A_834, %parallel_loop3A_835] {strides = array<i32>} : memref<64x64xf32, #tpu.memory_space<vmem>>, vector<16xf32>,
      tpu.vector_store %arg9[%parallel_loop3A_834, %parallel_loop3A_835], %parallel_loop3A_833 {strides = array<i32>} : memref<64x64xf32, #tpu.memory_space<vmem>>, vector<16xf32>,
      %parallel_loop3A_837 = arith.constant 0 : i32
      %parallel_loop3A_838 = arith.constant 0 : i32
      %parallel_loop3A_839 = arith.constant 0 : i32
      %parallel_loop3A_840 = tpu.memref_slice %arg8[%parallel_loop3A_837, %parallel_loop3A_838, %parallel_loop3A_839] : memref<12x64x72xf32, #tpu.memory_space<vmem>> -> memref<1x64x72xf32, #tpu.memory_space<vmem>>
      %parallel_loop3A_841 = tpu.memref_squeeze %parallel_loop3A_840 : memref<1x64x72xf32, #tpu.memory_space<vmem>> -> memref<64x72xf32, #tpu.memory_space<vmem>>
      %parallel_loop3A_842 = tpu.vector_load_idx %parallel_loop3A_841[%parallel_loop3A_809, %add3A_83] : memref<64x72xf32, #tpu.memory_space<vmem>>[vector<16xi32>, vector<16xi32>], vector<16xf32>,
      %parallel_loop3A_843 = arith.index_cast %parallel_loop3A_808 : i32 to index
      %parallel_loop3A_844 = arith.constant 48 : index
      %parallel_loop3A_845 = tpu.vector_load %arg9[%parallel_loop3A_843, %parallel_loop3A_844] {strides = array<i32>} : memref<64x64xf32, #tpu.memory_space<vmem>>, vector<16xf32>,
      tpu.vector_store %arg9[%parallel_loop3A_843, %parallel_loop3A_844], %parallel_loop3A_842 {strides = array<i32>} : memref<64x64xf32, #tpu.memory_space<vmem>>, vector<16xf32>,
      %parallel_loop3A_846 = arith.constant 1 : i32
      %parallel_loop3A_847 = vector.broadcast %parallel_loop3A_846 : i32 to vector<16xi32>
      %parallel_loop3A_848 = arith.addi %parallel_loop3A_809, %parallel_loop3A_847 : vector<16xi32>
      scf.yield %parallel_loop3A_848 : vector<16xi32>
    } {sc.loop_unroll_factor = 4 : i64, sc.parallel_access}
    %dma_start3A_372 = arith.constant 0 : i32
    %dma_start3A_373 = arith.constant 0 : i32
    %dma_start3A_374 = arith.constant 0 : i32
    %dma_start3A_375 = tpu.memref_slice %arg5[%add3A_53, %dma_start3A_372, %dma_start3A_373, %dma_start3A_374] : memref<64x6x64x64xf32, #tpu.memory_space<hbm>> -> memref<1x1x64x64xf32, #tpu.memory_space<hbm>>
    %dma_start3A_376 = tpu.memref_squeeze %dma_start3A_375 : memref<1x1x64x64xf32, #tpu.memory_space<hbm>> -> memref<64x64xf32, #tpu.memory_space<hbm>>
    %dma_start3A_377 = arith.constant 0 : i32
    %dma_start3A_378 = arith.constant 0 : i32
    %dma_start3A_379 = tpu.memref_slice %arg5[%add3A_53, %dma_start3A_372, %dma_start3A_377, %dma_start3A_378] : memref<64x6x64x64xf32, #tpu.memory_space<hbm>> -> memref<1x1x64x64xf32, #tpu.memory_space<hbm>>
    %dma_start3A_380 = tpu.memref_squeeze %dma_start3A_379 : memref<1x1x64x64xf32, #tpu.memory_space<hbm>> -> memref<64x64xf32, #tpu.memory_space<hbm>>
    tpu.enqueue_dma source(%arg9 : memref<64x64xf32, #tpu.memory_space<vmem>>) target(%dma_start3A_380 : memref<64x64xf32, #tpu.memory_space<hbm>>) target_semaphore(%arg14 : memref<!tpu.dma_semaphore, #tpu.memory_space<semaphore_mem>>)
    %dma_wait3A_381 = arith.constant 1 : i32
    %dma_wait3A_382 = arith.constant 1 : i32
    %dma_wait3A_383 = arith.constant 0 : i32
    %dma_wait3A_384 = arith.constant 0 : i32
    %dma_wait3A_385 = tpu.memref_slice %arg8[%dma_wait3A_382, %dma_wait3A_383, %dma_wait3A_384] : memref<12x64x72xf32, #tpu.memory_space<vmem>> -> memref<1x64x72xf32, #tpu.memory_space<vmem>>
    %dma_wait3A_386 = tpu.memref_squeeze %dma_wait3A_385 : memref<1x64x72xf32, #tpu.memory_space<vmem>> -> memref<64x72xf32, #tpu.memory_space<vmem>>
    %dma_wait3A_387 = tpu.memref_slice %arg2[%dma_wait3A_381, %reduce_sum3A_62, %multiple_of3A] : memref<3x576x576xf32, #tpu.memory_space<hbm>> -> memref<1x64x72xf32, #tpu.memory_space<hbm>>
    %dma_wait3A_388 = tpu.memref_squeeze %dma_wait3A_387 : memref<1x64x72xf32, #tpu.memory_space<hbm>> -> memref<64x72xf32, #tpu.memory_space<hbm>>
    %dma_wait3A_389 = arith.constant 0 : i32
    %dma_wait3A_390 = arith.constant 0 : i32
    %dma_wait3A_391 = tpu.memref_slice %arg8[%dma_wait3A_382, %dma_wait3A_389, %dma_wait3A_390] : memref<12x64x72xf32, #tpu.memory_space<vmem>> -> memref<1x64x72xf32, #tpu.memory_space<vmem>>
    %dma_wait3A_392 = tpu.memref_squeeze %dma_wait3A_391 : memref<1x64x72xf32, #tpu.memory_space<vmem>> -> memref<64x72xf32, #tpu.memory_space<vmem>>
    %dma_wait3A_393 = tpu.memref_slice %arg2[%dma_wait3A_381, %reduce_sum3A_62, %multiple_of3A] : memref<3x576x576xf32, #tpu.memory_space<hbm>> -> memref<1x64x72xf32, #tpu.memory_space<hbm>>
    %dma_wait3A_394 = tpu.memref_squeeze %dma_wait3A_393 : memref<1x64x72xf32, #tpu.memory_space<hbm>> -> memref<64x72xf32, #tpu.memory_space<hbm>>
    tpu.wait_dma2 semaphore(%arg13 : memref<!tpu.dma_semaphore, #tpu.memory_space<semaphore_mem>>) src(%dma_wait3A_394 : memref<64x72xf32, #tpu.memory_space<hbm>>) dst(%dma_wait3A_392 : memref<64x72xf32, #tpu.memory_space<vmem>>)
    %broadcast_in_dim3A_395 = arith.constant 0 : i32
    %broadcast_in_dim3A_396 = vector.broadcast %broadcast_in_dim3A_395 : i32 to vector<16xi32>
    %parallel_loop3A_397 = arith.constant 0 : i32
    %parallel_loop3A_398 = arith.constant 64 : i32
    %parallel_loop3A_399 = arith.constant 1 : i32
    %parallel_loop3A_400 = scf.for %parallel_loop3A_808 = %parallel_loop3A_397 to %parallel_loop3A_398 step %parallel_loop3A_399 iter_args(%parallel_loop3A_809 = %broadcast_in_dim3A_396) -> (vector<16xi32>)  : i32 {
      %parallel_loop3A_810 = arith.constant 1 : i32
      %parallel_loop3A_811 = arith.constant 0 : i32
      %parallel_loop3A_812 = arith.constant 0 : i32
      %parallel_loop3A_813 = tpu.memref_slice %arg8[%parallel_loop3A_810, %parallel_loop3A_811, %parallel_loop3A_812] : memref<12x64x72xf32, #tpu.memory_space<vmem>> -> memref<1x64x72xf32, #tpu.memory_space<vmem>>
      %parallel_loop3A_814 = tpu.memref_squeeze %parallel_loop3A_813 : memref<1x64x72xf32, #tpu.memory_space<vmem>> -> memref<64x72xf32, #tpu.memory_space<vmem>>
      %parallel_loop3A_815 = tpu.vector_load_idx %parallel_loop3A_814[%parallel_loop3A_809, %add3A_80] : memref<64x72xf32, #tpu.memory_space<vmem>>[vector<16xi32>, vector<16xi32>], vector<16xf32>,
      %parallel_loop3A_816 = arith.index_cast %parallel_loop3A_808 : i32 to index
      %parallel_loop3A_817 = arith.constant 0 : index
      %parallel_loop3A_818 = tpu.vector_load %arg10[%parallel_loop3A_816, %parallel_loop3A_817] {strides = array<i32>} : memref<64x64xf32, #tpu.memory_space<vmem>>, vector<16xf32>,
      tpu.vector_store %arg10[%parallel_loop3A_816, %parallel_loop3A_817], %parallel_loop3A_815 {strides = array<i32>} : memref<64x64xf32, #tpu.memory_space<vmem>>, vector<16xf32>,
      %parallel_loop3A_819 = arith.constant 1 : i32
      %parallel_loop3A_820 = arith.constant 0 : i32
      %parallel_loop3A_821 = arith.constant 0 : i32
      %parallel_loop3A_822 = tpu.memref_slice %arg8[%parallel_loop3A_819, %parallel_loop3A_820, %parallel_loop3A_821] : memref<12x64x72xf32, #tpu.memory_space<vmem>> -> memref<1x64x72xf32, #tpu.memory_space<vmem>>
      %parallel_loop3A_823 = tpu.memref_squeeze %parallel_loop3A_822 : memref<1x64x72xf32, #tpu.memory_space<vmem>> -> memref<64x72xf32, #tpu.memory_space<vmem>>
      %parallel_loop3A_824 = tpu.vector_load_idx %parallel_loop3A_823[%parallel_loop3A_809, %add3A_81] : memref<64x72xf32, #tpu.memory_space<vmem>>[vector<16xi32>, vector<16xi32>], vector<16xf32>,
      %parallel_loop3A_825 = arith.index_cast %parallel_loop3A_808 : i32 to index
      %parallel_loop3A_826 = arith.constant 16 : index
      %parallel_loop3A_827 = tpu.vector_load %arg10[%parallel_loop3A_825, %parallel_loop3A_826] {strides = array<i32>} : memref<64x64xf32, #tpu.memory_space<vmem>>, vector<16xf32>,
      tpu.vector_store %arg10[%parallel_loop3A_825, %parallel_loop3A_826], %parallel_loop3A_824 {strides = array<i32>} : memref<64x64xf32, #tpu.memory_space<vmem>>, vector<16xf32>,
      %parallel_loop3A_828 = arith.constant 1 : i32
      %parallel_loop3A_829 = arith.constant 0 : i32
      %parallel_loop3A_830 = arith.constant 0 : i32
      %parallel_loop3A_831 = tpu.memref_slice %arg8[%parallel_loop3A_828, %parallel_loop3A_829, %parallel_loop3A_830] : memref<12x64x72xf32, #tpu.memory_space<vmem>> -> memref<1x64x72xf32, #tpu.memory_space<vmem>>
      %parallel_loop3A_832 = tpu.memref_squeeze %parallel_loop3A_831 : memref<1x64x72xf32, #tpu.memory_space<vmem>> -> memref<64x72xf32, #tpu.memory_space<vmem>>
      %parallel_loop3A_833 = tpu.vector_load_idx %parallel_loop3A_832[%parallel_loop3A_809, %add3A_82] : memref<64x72xf32, #tpu.memory_space<vmem>>[vector<16xi32>, vector<16xi32>], vector<16xf32>,
      %parallel_loop3A_834 = arith.index_cast %parallel_loop3A_808 : i32 to index
      %parallel_loop3A_835 = arith.constant 32 : index
      %parallel_loop3A_836 = tpu.vector_load %arg10[%parallel_loop3A_834, %parallel_loop3A_835] {strides = array<i32>} : memref<64x64xf32, #tpu.memory_space<vmem>>, vector<16xf32>,
      tpu.vector_store %arg10[%parallel_loop3A_834, %parallel_loop3A_835], %parallel_loop3A_833 {strides = array<i32>} : memref<64x64xf32, #tpu.memory_space<vmem>>, vector<16xf32>,
      %parallel_loop3A_837 = arith.constant 1 : i32
      %parallel_loop3A_838 = arith.constant 0 : i32
      %parallel_loop3A_839 = arith.constant 0 : i32
      %parallel_loop3A_840 = tpu.memref_slice %arg8[%parallel_loop3A_837, %parallel_loop3A_838, %parallel_loop3A_839] : memref<12x64x72xf32, #tpu.memory_space<vmem>> -> memref<1x64x72xf32, #tpu.memory_space<vmem>>
      %parallel_loop3A_841 = tpu.memref_squeeze %parallel_loop3A_840 : memref<1x64x72xf32, #tpu.memory_space<vmem>> -> memref<64x72xf32, #tpu.memory_space<vmem>>
      %parallel_loop3A_842 = tpu.vector_load_idx %parallel_loop3A_841[%parallel_loop3A_809, %add3A_83] : memref<64x72xf32, #tpu.memory_space<vmem>>[vector<16xi32>, vector<16xi32>], vector<16xf32>,
      %parallel_loop3A_843 = arith.index_cast %parallel_loop3A_808 : i32 to index
      %parallel_loop3A_844 = arith.constant 48 : index
      %parallel_loop3A_845 = tpu.vector_load %arg10[%parallel_loop3A_843, %parallel_loop3A_844] {strides = array<i32>} : memref<64x64xf32, #tpu.memory_space<vmem>>, vector<16xf32>,
      tpu.vector_store %arg10[%parallel_loop3A_843, %parallel_loop3A_844], %parallel_loop3A_842 {strides = array<i32>} : memref<64x64xf32, #tpu.memory_space<vmem>>, vector<16xf32>,
      %parallel_loop3A_846 = arith.constant 1 : i32
      %parallel_loop3A_847 = vector.broadcast %parallel_loop3A_846 : i32 to vector<16xi32>
      %parallel_loop3A_848 = arith.addi %parallel_loop3A_809, %parallel_loop3A_847 : vector<16xi32>
      scf.yield %parallel_loop3A_848 : vector<16xi32>
    } {sc.loop_unroll_factor = 4 : i64, sc.parallel_access}
    %dma_start3A_401 = arith.constant 1 : i32
    %dma_start3A_402 = arith.constant 0 : i32
    %dma_start3A_403 = arith.constant 0 : i32
    %dma_start3A_404 = tpu.memref_slice %arg5[%add3A_53, %dma_start3A_401, %dma_start3A_402, %dma_start3A_403] : memref<64x6x64x64xf32, #tpu.memory_space<hbm>> -> memref<1x1x64x64xf32, #tpu.memory_space<hbm>>
    %dma_start3A_405 = tpu.memref_squeeze %dma_start3A_404 : memref<1x1x64x64xf32, #tpu.memory_space<hbm>> -> memref<64x64xf32, #tpu.memory_space<hbm>>
    %dma_start3A_406 = arith.constant 0 : i32
    %dma_start3A_407 = arith.constant 0 : i32
    %dma_start3A_408 = tpu.memref_slice %arg5[%add3A_53, %dma_start3A_401, %dma_start3A_406, %dma_start3A_407] : memref<64x6x64x64xf32, #tpu.memory_space<hbm>> -> memref<1x1x64x64xf32, #tpu.memory_space<hbm>>
    %dma_start3A_409 = tpu.memref_squeeze %dma_start3A_408 : memref<1x1x64x64xf32, #tpu.memory_space<hbm>> -> memref<64x64xf32, #tpu.memory_space<hbm>>
    tpu.enqueue_dma source(%arg10 : memref<64x64xf32, #tpu.memory_space<vmem>>) target(%dma_start3A_409 : memref<64x64xf32, #tpu.memory_space<hbm>>) target_semaphore(%arg14 : memref<!tpu.dma_semaphore, #tpu.memory_space<semaphore_mem>>)
    %dma_wait3A_410 = arith.constant 2 : i32
    %dma_wait3A_411 = arith.constant 2 : i32
    %dma_wait3A_412 = arith.constant 0 : i32
    %dma_wait3A_413 = arith.constant 0 : i32
    %dma_wait3A_414 = tpu.memref_slice %arg8[%dma_wait3A_411, %dma_wait3A_412, %dma_wait3A_413] : memref<12x64x72xf32, #tpu.memory_space<vmem>> -> memref<1x64x72xf32, #tpu.memory_space<vmem>>
    %dma_wait3A_415 = tpu.memref_squeeze %dma_wait3A_414 : memref<1x64x72xf32, #tpu.memory_space<vmem>> -> memref<64x72xf32, #tpu.memory_space<vmem>>
    %dma_wait3A_416 = tpu.memref_slice %arg2[%dma_wait3A_410, %reduce_sum3A_62, %multiple_of3A] : memref<3x576x576xf32, #tpu.memory_space<hbm>> -> memref<1x64x72xf32, #tpu.memory_space<hbm>>
    %dma_wait3A_417 = tpu.memref_squeeze %dma_wait3A_416 : memref<1x64x72xf32, #tpu.memory_space<hbm>> -> memref<64x72xf32, #tpu.memory_space<hbm>>
    %dma_wait3A_418 = arith.constant 0 : i32
    %dma_wait3A_419 = arith.constant 0 : i32
    %dma_wait3A_420 = tpu.memref_slice %arg8[%dma_wait3A_411, %dma_wait3A_418, %dma_wait3A_419] : memref<12x64x72xf32, #tpu.memory_space<vmem>> -> memref<1x64x72xf32, #tpu.memory_space<vmem>>
    %dma_wait3A_421 = tpu.memref_squeeze %dma_wait3A_420 : memref<1x64x72xf32, #tpu.memory_space<vmem>> -> memref<64x72xf32, #tpu.memory_space<vmem>>
    %dma_wait3A_422 = tpu.memref_slice %arg2[%dma_wait3A_410, %reduce_sum3A_62, %multiple_of3A] : memref<3x576x576xf32, #tpu.memory_space<hbm>> -> memref<1x64x72xf32, #tpu.memory_space<hbm>>
    %dma_wait3A_423 = tpu.memref_squeeze %dma_wait3A_422 : memref<1x64x72xf32, #tpu.memory_space<hbm>> -> memref<64x72xf32, #tpu.memory_space<hbm>>
    tpu.wait_dma2 semaphore(%arg13 : memref<!tpu.dma_semaphore, #tpu.memory_space<semaphore_mem>>) src(%dma_wait3A_423 : memref<64x72xf32, #tpu.memory_space<hbm>>) dst(%dma_wait3A_421 : memref<64x72xf32, #tpu.memory_space<vmem>>)
    %broadcast_in_dim3A_424 = arith.constant 0 : i32
    %broadcast_in_dim3A_425 = vector.broadcast %broadcast_in_dim3A_424 : i32 to vector<16xi32>
    %parallel_loop3A_426 = arith.constant 0 : i32
    %parallel_loop3A_427 = arith.constant 64 : i32
    %parallel_loop3A_428 = arith.constant 1 : i32
    %parallel_loop3A_429 = scf.for %parallel_loop3A_808 = %parallel_loop3A_426 to %parallel_loop3A_427 step %parallel_loop3A_428 iter_args(%parallel_loop3A_809 = %broadcast_in_dim3A_425) -> (vector<16xi32>)  : i32 {
      %parallel_loop3A_810 = arith.constant 2 : i32
      %parallel_loop3A_811 = arith.constant 0 : i32
      %parallel_loop3A_812 = arith.constant 0 : i32
      %parallel_loop3A_813 = tpu.memref_slice %arg8[%parallel_loop3A_810, %parallel_loop3A_811, %parallel_loop3A_812] : memref<12x64x72xf32, #tpu.memory_space<vmem>> -> memref<1x64x72xf32, #tpu.memory_space<vmem>>
      %parallel_loop3A_814 = tpu.memref_squeeze %parallel_loop3A_813 : memref<1x64x72xf32, #tpu.memory_space<vmem>> -> memref<64x72xf32, #tpu.memory_space<vmem>>
      %parallel_loop3A_815 = tpu.vector_load_idx %parallel_loop3A_814[%parallel_loop3A_809, %add3A_80] : memref<64x72xf32, #tpu.memory_space<vmem>>[vector<16xi32>, vector<16xi32>], vector<16xf32>,
      %parallel_loop3A_816 = arith.index_cast %parallel_loop3A_808 : i32 to index
      %parallel_loop3A_817 = arith.constant 0 : index
      %parallel_loop3A_818 = tpu.vector_load %arg11[%parallel_loop3A_816, %parallel_loop3A_817] {strides = array<i32>} : memref<64x64xf32, #tpu.memory_space<vmem>>, vector<16xf32>,
      tpu.vector_store %arg11[%parallel_loop3A_816, %parallel_loop3A_817], %parallel_loop3A_815 {strides = array<i32>} : memref<64x64xf32, #tpu.memory_space<vmem>>, vector<16xf32>,
      %parallel_loop3A_819 = arith.constant 2 : i32
      %parallel_loop3A_820 = arith.constant 0 : i32
      %parallel_loop3A_821 = arith.constant 0 : i32
      %parallel_loop3A_822 = tpu.memref_slice %arg8[%parallel_loop3A_819, %parallel_loop3A_820, %parallel_loop3A_821] : memref<12x64x72xf32, #tpu.memory_space<vmem>> -> memref<1x64x72xf32, #tpu.memory_space<vmem>>
      %parallel_loop3A_823 = tpu.memref_squeeze %parallel_loop3A_822 : memref<1x64x72xf32, #tpu.memory_space<vmem>> -> memref<64x72xf32, #tpu.memory_space<vmem>>
      %parallel_loop3A_824 = tpu.vector_load_idx %parallel_loop3A_823[%parallel_loop3A_809, %add3A_81] : memref<64x72xf32, #tpu.memory_space<vmem>>[vector<16xi32>, vector<16xi32>], vector<16xf32>,
      %parallel_loop3A_825 = arith.index_cast %parallel_loop3A_808 : i32 to index
      %parallel_loop3A_826 = arith.constant 16 : index
      %parallel_loop3A_827 = tpu.vector_load %arg11[%parallel_loop3A_825, %parallel_loop3A_826] {strides = array<i32>} : memref<64x64xf32, #tpu.memory_space<vmem>>, vector<16xf32>,
      tpu.vector_store %arg11[%parallel_loop3A_825, %parallel_loop3A_826], %parallel_loop3A_824 {strides = array<i32>} : memref<64x64xf32, #tpu.memory_space<vmem>>, vector<16xf32>,
      %parallel_loop3A_828 = arith.constant 2 : i32
      %parallel_loop3A_829 = arith.constant 0 : i32
      %parallel_loop3A_830 = arith.constant 0 : i32
      %parallel_loop3A_831 = tpu.memref_slice %arg8[%parallel_loop3A_828, %parallel_loop3A_829, %parallel_loop3A_830] : memref<12x64x72xf32, #tpu.memory_space<vmem>> -> memref<1x64x72xf32, #tpu.memory_space<vmem>>
      %parallel_loop3A_832 = tpu.memref_squeeze %parallel_loop3A_831 : memref<1x64x72xf32, #tpu.memory_space<vmem>> -> memref<64x72xf32, #tpu.memory_space<vmem>>
      %parallel_loop3A_833 = tpu.vector_load_idx %parallel_loop3A_832[%parallel_loop3A_809, %add3A_82] : memref<64x72xf32, #tpu.memory_space<vmem>>[vector<16xi32>, vector<16xi32>], vector<16xf32>,
      %parallel_loop3A_834 = arith.index_cast %parallel_loop3A_808 : i32 to index
      %parallel_loop3A_835 = arith.constant 32 : index
      %parallel_loop3A_836 = tpu.vector_load %arg11[%parallel_loop3A_834, %parallel_loop3A_835] {strides = array<i32>} : memref<64x64xf32, #tpu.memory_space<vmem>>, vector<16xf32>,
      tpu.vector_store %arg11[%parallel_loop3A_834, %parallel_loop3A_835], %parallel_loop3A_833 {strides = array<i32>} : memref<64x64xf32, #tpu.memory_space<vmem>>, vector<16xf32>,
      %parallel_loop3A_837 = arith.constant 2 : i32
      %parallel_loop3A_838 = arith.constant 0 : i32
      %parallel_loop3A_839 = arith.constant 0 : i32
      %parallel_loop3A_840 = tpu.memref_slice %arg8[%parallel_loop3A_837, %parallel_loop3A_838, %parallel_loop3A_839] : memref<12x64x72xf32, #tpu.memory_space<vmem>> -> memref<1x64x72xf32, #tpu.memory_space<vmem>>
      %parallel_loop3A_841 = tpu.memref_squeeze %parallel_loop3A_840 : memref<1x64x72xf32, #tpu.memory_space<vmem>> -> memref<64x72xf32, #tpu.memory_space<vmem>>
      %parallel_loop3A_842 = tpu.vector_load_idx %parallel_loop3A_841[%parallel_loop3A_809, %add3A_83] : memref<64x72xf32, #tpu.memory_space<vmem>>[vector<16xi32>, vector<16xi32>], vector<16xf32>,
      %parallel_loop3A_843 = arith.index_cast %parallel_loop3A_808 : i32 to index
      %parallel_loop3A_844 = arith.constant 48 : index
      %parallel_loop3A_845 = tpu.vector_load %arg11[%parallel_loop3A_843, %parallel_loop3A_844] {strides = array<i32>} : memref<64x64xf32, #tpu.memory_space<vmem>>, vector<16xf32>,
      tpu.vector_store %arg11[%parallel_loop3A_843, %parallel_loop3A_844], %parallel_loop3A_842 {strides = array<i32>} : memref<64x64xf32, #tpu.memory_space<vmem>>, vector<16xf32>,
      %parallel_loop3A_846 = arith.constant 1 : i32
      %parallel_loop3A_847 = vector.broadcast %parallel_loop3A_846 : i32 to vector<16xi32>
      %parallel_loop3A_848 = arith.addi %parallel_loop3A_809, %parallel_loop3A_847 : vector<16xi32>
      scf.yield %parallel_loop3A_848 : vector<16xi32>
    } {sc.loop_unroll_factor = 4 : i64, sc.parallel_access}
    %dma_start3A_430 = arith.constant 2 : i32
    %dma_start3A_431 = arith.constant 0 : i32
    %dma_start3A_432 = arith.constant 0 : i32
    %dma_start3A_433 = tpu.memref_slice %arg5[%add3A_53, %dma_start3A_430, %dma_start3A_431, %dma_start3A_432] : memref<64x6x64x64xf32, #tpu.memory_space<hbm>> -> memref<1x1x64x64xf32, #tpu.memory_space<hbm>>
    %dma_start3A_434 = tpu.memref_squeeze %dma_start3A_433 : memref<1x1x64x64xf32, #tpu.memory_space<hbm>> -> memref<64x64xf32, #tpu.memory_space<hbm>>
    %dma_start3A_435 = arith.constant 0 : i32
    %dma_start3A_436 = arith.constant 0 : i32
    %dma_start3A_437 = tpu.memref_slice %arg5[%add3A_53, %dma_start3A_430, %dma_start3A_435, %dma_start3A_436] : memref<64x6x64x64xf32, #tpu.memory_space<hbm>> -> memref<1x1x64x64xf32, #tpu.memory_space<hbm>>
    %dma_start3A_438 = tpu.memref_squeeze %dma_start3A_437 : memref<1x1x64x64xf32, #tpu.memory_space<hbm>> -> memref<64x64xf32, #tpu.memory_space<hbm>>
    tpu.enqueue_dma source(%arg11 : memref<64x64xf32, #tpu.memory_space<vmem>>) target(%dma_start3A_438 : memref<64x64xf32, #tpu.memory_space<hbm>>) target_semaphore(%arg14 : memref<!tpu.dma_semaphore, #tpu.memory_space<semaphore_mem>>)
    %dma_wait3A_439 = arith.constant 0 : i32
    %dma_wait3A_440 = arith.constant 3 : i32
    %dma_wait3A_441 = arith.constant 0 : i32
    %dma_wait3A_442 = arith.constant 0 : i32
    %dma_wait3A_443 = tpu.memref_slice %arg8[%dma_wait3A_440, %dma_wait3A_441, %dma_wait3A_442] : memref<12x64x72xf32, #tpu.memory_space<vmem>> -> memref<1x64x72xf32, #tpu.memory_space<vmem>>
    %dma_wait3A_444 = tpu.memref_squeeze %dma_wait3A_443 : memref<1x64x72xf32, #tpu.memory_space<vmem>> -> memref<64x72xf32, #tpu.memory_space<vmem>>
    %dma_wait3A_445 = tpu.memref_slice %arg2[%dma_wait3A_439, %reduce_sum3A_94, %multiple_of3A_108] : memref<3x576x576xf32, #tpu.memory_space<hbm>> -> memref<1x64x72xf32, #tpu.memory_space<hbm>>
    %dma_wait3A_446 = tpu.memref_squeeze %dma_wait3A_445 : memref<1x64x72xf32, #tpu.memory_space<hbm>> -> memref<64x72xf32, #tpu.memory_space<hbm>>
    %dma_wait3A_447 = arith.constant 0 : i32
    %dma_wait3A_448 = arith.constant 0 : i32
    %dma_wait3A_449 = tpu.memref_slice %arg8[%dma_wait3A_440, %dma_wait3A_447, %dma_wait3A_448] : memref<12x64x72xf32, #tpu.memory_space<vmem>> -> memref<1x64x72xf32, #tpu.memory_space<vmem>>
    %dma_wait3A_450 = tpu.memref_squeeze %dma_wait3A_449 : memref<1x64x72xf32, #tpu.memory_space<vmem>> -> memref<64x72xf32, #tpu.memory_space<vmem>>
    %dma_wait3A_451 = tpu.memref_slice %arg2[%dma_wait3A_439, %reduce_sum3A_94, %multiple_of3A_108] : memref<3x576x576xf32, #tpu.memory_space<hbm>> -> memref<1x64x72xf32, #tpu.memory_space<hbm>>
    %dma_wait3A_452 = tpu.memref_squeeze %dma_wait3A_451 : memref<1x64x72xf32, #tpu.memory_space<hbm>> -> memref<64x72xf32, #tpu.memory_space<hbm>>
    tpu.wait_dma2 semaphore(%arg13 : memref<!tpu.dma_semaphore, #tpu.memory_space<semaphore_mem>>) src(%dma_wait3A_452 : memref<64x72xf32, #tpu.memory_space<hbm>>) dst(%dma_wait3A_450 : memref<64x72xf32, #tpu.memory_space<vmem>>)
    %broadcast_in_dim3A_453 = arith.constant 0 : i32
    %broadcast_in_dim3A_454 = vector.broadcast %broadcast_in_dim3A_453 : i32 to vector<16xi32>
    %parallel_loop3A_455 = arith.constant 0 : i32
    %parallel_loop3A_456 = arith.constant 64 : i32
    %parallel_loop3A_457 = arith.constant 1 : i32
    %parallel_loop3A_458 = scf.for %parallel_loop3A_808 = %parallel_loop3A_455 to %parallel_loop3A_456 step %parallel_loop3A_457 iter_args(%parallel_loop3A_809 = %broadcast_in_dim3A_454) -> (vector<16xi32>)  : i32 {
      %parallel_loop3A_810 = arith.constant 3 : i32
      %parallel_loop3A_811 = arith.constant 0 : i32
      %parallel_loop3A_812 = arith.constant 0 : i32
      %parallel_loop3A_813 = tpu.memref_slice %arg8[%parallel_loop3A_810, %parallel_loop3A_811, %parallel_loop3A_812] : memref<12x64x72xf32, #tpu.memory_space<vmem>> -> memref<1x64x72xf32, #tpu.memory_space<vmem>>
      %parallel_loop3A_814 = tpu.memref_squeeze %parallel_loop3A_813 : memref<1x64x72xf32, #tpu.memory_space<vmem>> -> memref<64x72xf32, #tpu.memory_space<vmem>>
      %parallel_loop3A_815 = tpu.vector_load_idx %parallel_loop3A_814[%parallel_loop3A_809, %add3A_113] : memref<64x72xf32, #tpu.memory_space<vmem>>[vector<16xi32>, vector<16xi32>], vector<16xf32>,
      %parallel_loop3A_816 = arith.index_cast %parallel_loop3A_808 : i32 to index
      %parallel_loop3A_817 = arith.constant 0 : index
      %parallel_loop3A_818 = tpu.vector_load %arg12[%parallel_loop3A_816, %parallel_loop3A_817] {strides = array<i32>} : memref<64x64xf32, #tpu.memory_space<vmem>>, vector<16xf32>,
      tpu.vector_store %arg12[%parallel_loop3A_816, %parallel_loop3A_817], %parallel_loop3A_815 {strides = array<i32>} : memref<64x64xf32, #tpu.memory_space<vmem>>, vector<16xf32>,
      %parallel_loop3A_819 = arith.constant 3 : i32
      %parallel_loop3A_820 = arith.constant 0 : i32
      %parallel_loop3A_821 = arith.constant 0 : i32
      %parallel_loop3A_822 = tpu.memref_slice %arg8[%parallel_loop3A_819, %parallel_loop3A_820, %parallel_loop3A_821] : memref<12x64x72xf32, #tpu.memory_space<vmem>> -> memref<1x64x72xf32, #tpu.memory_space<vmem>>
      %parallel_loop3A_823 = tpu.memref_squeeze %parallel_loop3A_822 : memref<1x64x72xf32, #tpu.memory_space<vmem>> -> memref<64x72xf32, #tpu.memory_space<vmem>>
      %parallel_loop3A_824 = tpu.vector_load_idx %parallel_loop3A_823[%parallel_loop3A_809, %add3A_114] : memref<64x72xf32, #tpu.memory_space<vmem>>[vector<16xi32>, vector<16xi32>], vector<16xf32>,
      %parallel_loop3A_825 = arith.index_cast %parallel_loop3A_808 : i32 to index
      %parallel_loop3A_826 = arith.constant 16 : index
      %parallel_loop3A_827 = tpu.vector_load %arg12[%parallel_loop3A_825, %parallel_loop3A_826] {strides = array<i32>} : memref<64x64xf32, #tpu.memory_space<vmem>>, vector<16xf32>,
      tpu.vector_store %arg12[%parallel_loop3A_825, %parallel_loop3A_826], %parallel_loop3A_824 {strides = array<i32>} : memref<64x64xf32, #tpu.memory_space<vmem>>, vector<16xf32>,
      %parallel_loop3A_828 = arith.constant 3 : i32
      %parallel_loop3A_829 = arith.constant 0 : i32
      %parallel_loop3A_830 = arith.constant 0 : i32
      %parallel_loop3A_831 = tpu.memref_slice %arg8[%parallel_loop3A_828, %parallel_loop3A_829, %parallel_loop3A_830] : memref<12x64x72xf32, #tpu.memory_space<vmem>> -> memref<1x64x72xf32, #tpu.memory_space<vmem>>
      %parallel_loop3A_832 = tpu.memref_squeeze %parallel_loop3A_831 : memref<1x64x72xf32, #tpu.memory_space<vmem>> -> memref<64x72xf32, #tpu.memory_space<vmem>>
      %parallel_loop3A_833 = tpu.vector_load_idx %parallel_loop3A_832[%parallel_loop3A_809, %add3A_115] : memref<64x72xf32, #tpu.memory_space<vmem>>[vector<16xi32>, vector<16xi32>], vector<16xf32>,
      %parallel_loop3A_834 = arith.index_cast %parallel_loop3A_808 : i32 to index
      %parallel_loop3A_835 = arith.constant 32 : index
      %parallel_loop3A_836 = tpu.vector_load %arg12[%parallel_loop3A_834, %parallel_loop3A_835] {strides = array<i32>} : memref<64x64xf32, #tpu.memory_space<vmem>>, vector<16xf32>,
      tpu.vector_store %arg12[%parallel_loop3A_834, %parallel_loop3A_835], %parallel_loop3A_833 {strides = array<i32>} : memref<64x64xf32, #tpu.memory_space<vmem>>, vector<16xf32>,
      %parallel_loop3A_837 = arith.constant 3 : i32
      %parallel_loop3A_838 = arith.constant 0 : i32
      %parallel_loop3A_839 = arith.constant 0 : i32
      %parallel_loop3A_840 = tpu.memref_slice %arg8[%parallel_loop3A_837, %parallel_loop3A_838, %parallel_loop3A_839] : memref<12x64x72xf32, #tpu.memory_space<vmem>> -> memref<1x64x72xf32, #tpu.memory_space<vmem>>
      %parallel_loop3A_841 = tpu.memref_squeeze %parallel_loop3A_840 : memref<1x64x72xf32, #tpu.memory_space<vmem>> -> memref<64x72xf32, #tpu.memory_space<vmem>>
      %parallel_loop3A_842 = tpu.vector_load_idx %parallel_loop3A_841[%parallel_loop3A_809, %add3A_116] : memref<64x72xf32, #tpu.memory_space<vmem>>[vector<16xi32>, vector<16xi32>], vector<16xf32>,
      %parallel_loop3A_843 = arith.index_cast %parallel_loop3A_808 : i32 to index
      %parallel_loop3A_844 = arith.constant 48 : index
      %parallel_loop3A_845 = tpu.vector_load %arg12[%parallel_loop3A_843, %parallel_loop3A_844] {strides = array<i32>} : memref<64x64xf32, #tpu.memory_space<vmem>>, vector<16xf32>,
      tpu.vector_store %arg12[%parallel_loop3A_843, %parallel_loop3A_844], %parallel_loop3A_842 {strides = array<i32>} : memref<64x64xf32, #tpu.memory_space<vmem>>, vector<16xf32>,
      %parallel_loop3A_846 = arith.constant 1 : i32
      %parallel_loop3A_847 = vector.broadcast %parallel_loop3A_846 : i32 to vector<16xi32>
      %parallel_loop3A_848 = arith.addi %parallel_loop3A_809, %parallel_loop3A_847 : vector<16xi32>
      scf.yield %parallel_loop3A_848 : vector<16xi32>
    } {sc.loop_unroll_factor = 4 : i64, sc.parallel_access}
    %dma_start3A_459 = arith.constant 3 : i32
    %dma_start3A_460 = arith.constant 0 : i32
    %dma_start3A_461 = arith.constant 0 : i32
    %dma_start3A_462 = tpu.memref_slice %arg5[%add3A_53, %dma_start3A_459, %dma_start3A_460, %dma_start3A_461] : memref<64x6x64x64xf32, #tpu.memory_space<hbm>> -> memref<1x1x64x64xf32, #tpu.memory_space<hbm>>
    %dma_start3A_463 = tpu.memref_squeeze %dma_start3A_462 : memref<1x1x64x64xf32, #tpu.memory_space<hbm>> -> memref<64x64xf32, #tpu.memory_space<hbm>>
    %dma_start3A_464 = arith.constant 0 : i32
    %dma_start3A_465 = arith.constant 0 : i32
    %dma_start3A_466 = tpu.memref_slice %arg5[%add3A_53, %dma_start3A_459, %dma_start3A_464, %dma_start3A_465] : memref<64x6x64x64xf32, #tpu.memory_space<hbm>> -> memref<1x1x64x64xf32, #tpu.memory_space<hbm>>
    %dma_start3A_467 = tpu.memref_squeeze %dma_start3A_466 : memref<1x1x64x64xf32, #tpu.memory_space<hbm>> -> memref<64x64xf32, #tpu.memory_space<hbm>>
    tpu.enqueue_dma source(%arg12 : memref<64x64xf32, #tpu.memory_space<vmem>>) target(%dma_start3A_467 : memref<64x64xf32, #tpu.memory_space<hbm>>) target_semaphore(%arg14 : memref<!tpu.dma_semaphore, #tpu.memory_space<semaphore_mem>>)
    %dma_wait3A_468 = arith.constant 1 : i32
    %dma_wait3A_469 = arith.constant 4 : i32
    %dma_wait3A_470 = arith.constant 0 : i32
    %dma_wait3A_471 = arith.constant 0 : i32
    %dma_wait3A_472 = tpu.memref_slice %arg8[%dma_wait3A_469, %dma_wait3A_470, %dma_wait3A_471] : memref<12x64x72xf32, #tpu.memory_space<vmem>> -> memref<1x64x72xf32, #tpu.memory_space<vmem>>
    %dma_wait3A_473 = tpu.memref_squeeze %dma_wait3A_472 : memref<1x64x72xf32, #tpu.memory_space<vmem>> -> memref<64x72xf32, #tpu.memory_space<vmem>>
    %dma_wait3A_474 = tpu.memref_slice %arg2[%dma_wait3A_468, %reduce_sum3A_94, %multiple_of3A_108] : memref<3x576x576xf32, #tpu.memory_space<hbm>> -> memref<1x64x72xf32, #tpu.memory_space<hbm>>
    %dma_wait3A_475 = tpu.memref_squeeze %dma_wait3A_474 : memref<1x64x72xf32, #tpu.memory_space<hbm>> -> memref<64x72xf32, #tpu.memory_space<hbm>>
    %dma_wait3A_476 = arith.constant 0 : i32
    %dma_wait3A_477 = arith.constant 0 : i32
    %dma_wait3A_478 = tpu.memref_slice %arg8[%dma_wait3A_469, %dma_wait3A_476, %dma_wait3A_477] : memref<12x64x72xf32, #tpu.memory_space<vmem>> -> memref<1x64x72xf32, #tpu.memory_space<vmem>>
    %dma_wait3A_479 = tpu.memref_squeeze %dma_wait3A_478 : memref<1x64x72xf32, #tpu.memory_space<vmem>> -> memref<64x72xf32, #tpu.memory_space<vmem>>
    %dma_wait3A_480 = tpu.memref_slice %arg2[%dma_wait3A_468, %reduce_sum3A_94, %multiple_of3A_108] : memref<3x576x576xf32, #tpu.memory_space<hbm>> -> memref<1x64x72xf32, #tpu.memory_space<hbm>>
    %dma_wait3A_481 = tpu.memref_squeeze %dma_wait3A_480 : memref<1x64x72xf32, #tpu.memory_space<hbm>> -> memref<64x72xf32, #tpu.memory_space<hbm>>
    tpu.wait_dma2 semaphore(%arg13 : memref<!tpu.dma_semaphore, #tpu.memory_space<semaphore_mem>>) src(%dma_wait3A_481 : memref<64x72xf32, #tpu.memory_space<hbm>>) dst(%dma_wait3A_479 : memref<64x72xf32, #tpu.memory_space<vmem>>)
    %dma_wait3A_482 = arith.constant 0 : i32
    %dma_wait3A_483 = arith.constant 0 : i32
    %dma_wait3A_484 = arith.constant 0 : i32
    %dma_wait3A_485 = tpu.memref_slice %arg5[%add3A_53, %dma_wait3A_482, %dma_wait3A_483, %dma_wait3A_484] : memref<64x6x64x64xf32, #tpu.memory_space<hbm>> -> memref<1x1x64x64xf32, #tpu.memory_space<hbm>>
    %dma_wait3A_486 = tpu.memref_squeeze %dma_wait3A_485 : memref<1x1x64x64xf32, #tpu.memory_space<hbm>> -> memref<64x64xf32, #tpu.memory_space<hbm>>
    %dma_wait3A_487 = arith.constant 0 : i32
    %dma_wait3A_488 = arith.constant 0 : i32
    %dma_wait3A_489 = tpu.memref_slice %arg5[%add3A_53, %dma_wait3A_482, %dma_wait3A_487, %dma_wait3A_488] : memref<64x6x64x64xf32, #tpu.memory_space<hbm>> -> memref<1x1x64x64xf32, #tpu.memory_space<hbm>>
    %dma_wait3A_490 = tpu.memref_squeeze %dma_wait3A_489 : memref<1x1x64x64xf32, #tpu.memory_space<hbm>> -> memref<64x64xf32, #tpu.memory_space<hbm>>
    tpu.wait_dma2 semaphore(%arg14 : memref<!tpu.dma_semaphore, #tpu.memory_space<semaphore_mem>>) src(%arg9 : memref<64x64xf32, #tpu.memory_space<vmem>>) dst(%dma_wait3A_490 : memref<64x64xf32, #tpu.memory_space<hbm>>)
    %broadcast_in_dim3A_491 = arith.constant 0 : i32
    %broadcast_in_dim3A_492 = vector.broadcast %broadcast_in_dim3A_491 : i32 to vector<16xi32>
    %parallel_loop3A_493 = arith.constant 0 : i32
    %parallel_loop3A_494 = arith.constant 64 : i32
    %parallel_loop3A_495 = arith.constant 1 : i32
    %parallel_loop3A_496 = scf.for %parallel_loop3A_808 = %parallel_loop3A_493 to %parallel_loop3A_494 step %parallel_loop3A_495 iter_args(%parallel_loop3A_809 = %broadcast_in_dim3A_492) -> (vector<16xi32>)  : i32 {
      %parallel_loop3A_810 = arith.constant 4 : i32
      %parallel_loop3A_811 = arith.constant 0 : i32
      %parallel_loop3A_812 = arith.constant 0 : i32
      %parallel_loop3A_813 = tpu.memref_slice %arg8[%parallel_loop3A_810, %parallel_loop3A_811, %parallel_loop3A_812] : memref<12x64x72xf32, #tpu.memory_space<vmem>> -> memref<1x64x72xf32, #tpu.memory_space<vmem>>
      %parallel_loop3A_814 = tpu.memref_squeeze %parallel_loop3A_813 : memref<1x64x72xf32, #tpu.memory_space<vmem>> -> memref<64x72xf32, #tpu.memory_space<vmem>>
      %parallel_loop3A_815 = tpu.vector_load_idx %parallel_loop3A_814[%parallel_loop3A_809, %add3A_113] : memref<64x72xf32, #tpu.memory_space<vmem>>[vector<16xi32>, vector<16xi32>], vector<16xf32>,
      %parallel_loop3A_816 = arith.index_cast %parallel_loop3A_808 : i32 to index
      %parallel_loop3A_817 = arith.constant 0 : index
      %parallel_loop3A_818 = tpu.vector_load %arg9[%parallel_loop3A_816, %parallel_loop3A_817] {strides = array<i32>} : memref<64x64xf32, #tpu.memory_space<vmem>>, vector<16xf32>,
      tpu.vector_store %arg9[%parallel_loop3A_816, %parallel_loop3A_817], %parallel_loop3A_815 {strides = array<i32>} : memref<64x64xf32, #tpu.memory_space<vmem>>, vector<16xf32>,
      %parallel_loop3A_819 = arith.constant 4 : i32
      %parallel_loop3A_820 = arith.constant 0 : i32
      %parallel_loop3A_821 = arith.constant 0 : i32
      %parallel_loop3A_822 = tpu.memref_slice %arg8[%parallel_loop3A_819, %parallel_loop3A_820, %parallel_loop3A_821] : memref<12x64x72xf32, #tpu.memory_space<vmem>> -> memref<1x64x72xf32, #tpu.memory_space<vmem>>
      %parallel_loop3A_823 = tpu.memref_squeeze %parallel_loop3A_822 : memref<1x64x72xf32, #tpu.memory_space<vmem>> -> memref<64x72xf32, #tpu.memory_space<vmem>>
      %parallel_loop3A_824 = tpu.vector_load_idx %parallel_loop3A_823[%parallel_loop3A_809, %add3A_114] : memref<64x72xf32, #tpu.memory_space<vmem>>[vector<16xi32>, vector<16xi32>], vector<16xf32>,
      %parallel_loop3A_825 = arith.index_cast %parallel_loop3A_808 : i32 to index
      %parallel_loop3A_826 = arith.constant 16 : index
      %parallel_loop3A_827 = tpu.vector_load %arg9[%parallel_loop3A_825, %parallel_loop3A_826] {strides = array<i32>} : memref<64x64xf32, #tpu.memory_space<vmem>>, vector<16xf32>,
      tpu.vector_store %arg9[%parallel_loop3A_825, %parallel_loop3A_826], %parallel_loop3A_824 {strides = array<i32>} : memref<64x64xf32, #tpu.memory_space<vmem>>, vector<16xf32>,
      %parallel_loop3A_828 = arith.constant 4 : i32
      %parallel_loop3A_829 = arith.constant 0 : i32
      %parallel_loop3A_830 = arith.constant 0 : i32
      %parallel_loop3A_831 = tpu.memref_slice %arg8[%parallel_loop3A_828, %parallel_loop3A_829, %parallel_loop3A_830] : memref<12x64x72xf32, #tpu.memory_space<vmem>> -> memref<1x64x72xf32, #tpu.memory_space<vmem>>
      %parallel_loop3A_832 = tpu.memref_squeeze %parallel_loop3A_831 : memref<1x64x72xf32, #tpu.memory_space<vmem>> -> memref<64x72xf32, #tpu.memory_space<vmem>>
      %parallel_loop3A_833 = tpu.vector_load_idx %parallel_loop3A_832[%parallel_loop3A_809, %add3A_115] : memref<64x72xf32, #tpu.memory_space<vmem>>[vector<16xi32>, vector<16xi32>], vector<16xf32>,
      %parallel_loop3A_834 = arith.index_cast %parallel_loop3A_808 : i32 to index
      %parallel_loop3A_835 = arith.constant 32 : index
      %parallel_loop3A_836 = tpu.vector_load %arg9[%parallel_loop3A_834, %parallel_loop3A_835] {strides = array<i32>} : memref<64x64xf32, #tpu.memory_space<vmem>>, vector<16xf32>,
      tpu.vector_store %arg9[%parallel_loop3A_834, %parallel_loop3A_835], %parallel_loop3A_833 {strides = array<i32>} : memref<64x64xf32, #tpu.memory_space<vmem>>, vector<16xf32>,
      %parallel_loop3A_837 = arith.constant 4 : i32
      %parallel_loop3A_838 = arith.constant 0 : i32
      %parallel_loop3A_839 = arith.constant 0 : i32
      %parallel_loop3A_840 = tpu.memref_slice %arg8[%parallel_loop3A_837, %parallel_loop3A_838, %parallel_loop3A_839] : memref<12x64x72xf32, #tpu.memory_space<vmem>> -> memref<1x64x72xf32, #tpu.memory_space<vmem>>
      %parallel_loop3A_841 = tpu.memref_squeeze %parallel_loop3A_840 : memref<1x64x72xf32, #tpu.memory_space<vmem>> -> memref<64x72xf32, #tpu.memory_space<vmem>>
      %parallel_loop3A_842 = tpu.vector_load_idx %parallel_loop3A_841[%parallel_loop3A_809, %add3A_116] : memref<64x72xf32, #tpu.memory_space<vmem>>[vector<16xi32>, vector<16xi32>], vector<16xf32>,
      %parallel_loop3A_843 = arith.index_cast %parallel_loop3A_808 : i32 to index
      %parallel_loop3A_844 = arith.constant 48 : index
      %parallel_loop3A_845 = tpu.vector_load %arg9[%parallel_loop3A_843, %parallel_loop3A_844] {strides = array<i32>} : memref<64x64xf32, #tpu.memory_space<vmem>>, vector<16xf32>,
      tpu.vector_store %arg9[%parallel_loop3A_843, %parallel_loop3A_844], %parallel_loop3A_842 {strides = array<i32>} : memref<64x64xf32, #tpu.memory_space<vmem>>, vector<16xf32>,
      %parallel_loop3A_846 = arith.constant 1 : i32
      %parallel_loop3A_847 = vector.broadcast %parallel_loop3A_846 : i32 to vector<16xi32>
      %parallel_loop3A_848 = arith.addi %parallel_loop3A_809, %parallel_loop3A_847 : vector<16xi32>
      scf.yield %parallel_loop3A_848 : vector<16xi32>
    } {sc.loop_unroll_factor = 4 : i64, sc.parallel_access}
    %dma_start3A_497 = arith.constant 4 : i32
    %dma_start3A_498 = arith.constant 0 : i32
    %dma_start3A_499 = arith.constant 0 : i32
    %dma_start3A_500 = tpu.memref_slice %arg5[%add3A_53, %dma_start3A_497, %dma_start3A_498, %dma_start3A_499] : memref<64x6x64x64xf32, #tpu.memory_space<hbm>> -> memref<1x1x64x64xf32, #tpu.memory_space<hbm>>
    %dma_start3A_501 = tpu.memref_squeeze %dma_start3A_500 : memref<1x1x64x64xf32, #tpu.memory_space<hbm>> -> memref<64x64xf32, #tpu.memory_space<hbm>>
    %dma_start3A_502 = arith.constant 0 : i32
    %dma_start3A_503 = arith.constant 0 : i32
    %dma_start3A_504 = tpu.memref_slice %arg5[%add3A_53, %dma_start3A_497, %dma_start3A_502, %dma_start3A_503] : memref<64x6x64x64xf32, #tpu.memory_space<hbm>> -> memref<1x1x64x64xf32, #tpu.memory_space<hbm>>
    %dma_start3A_505 = tpu.memref_squeeze %dma_start3A_504 : memref<1x1x64x64xf32, #tpu.memory_space<hbm>> -> memref<64x64xf32, #tpu.memory_space<hbm>>
    tpu.enqueue_dma source(%arg9 : memref<64x64xf32, #tpu.memory_space<vmem>>) target(%dma_start3A_505 : memref<64x64xf32, #tpu.memory_space<hbm>>) target_semaphore(%arg14 : memref<!tpu.dma_semaphore, #tpu.memory_space<semaphore_mem>>)
    %dma_wait3A_506 = arith.constant 2 : i32
    %dma_wait3A_507 = arith.constant 5 : i32
    %dma_wait3A_508 = arith.constant 0 : i32
    %dma_wait3A_509 = arith.constant 0 : i32
    %dma_wait3A_510 = tpu.memref_slice %arg8[%dma_wait3A_507, %dma_wait3A_508, %dma_wait3A_509] : memref<12x64x72xf32, #tpu.memory_space<vmem>> -> memref<1x64x72xf32, #tpu.memory_space<vmem>>
    %dma_wait3A_511 = tpu.memref_squeeze %dma_wait3A_510 : memref<1x64x72xf32, #tpu.memory_space<vmem>> -> memref<64x72xf32, #tpu.memory_space<vmem>>
    %dma_wait3A_512 = tpu.memref_slice %arg2[%dma_wait3A_506, %reduce_sum3A_94, %multiple_of3A_108] : memref<3x576x576xf32, #tpu.memory_space<hbm>> -> memref<1x64x72xf32, #tpu.memory_space<hbm>>
    %dma_wait3A_513 = tpu.memref_squeeze %dma_wait3A_512 : memref<1x64x72xf32, #tpu.memory_space<hbm>> -> memref<64x72xf32, #tpu.memory_space<hbm>>
    %dma_wait3A_514 = arith.constant 0 : i32
    %dma_wait3A_515 = arith.constant 0 : i32
    %dma_wait3A_516 = tpu.memref_slice %arg8[%dma_wait3A_507, %dma_wait3A_514, %dma_wait3A_515] : memref<12x64x72xf32, #tpu.memory_space<vmem>> -> memref<1x64x72xf32, #tpu.memory_space<vmem>>
    %dma_wait3A_517 = tpu.memref_squeeze %dma_wait3A_516 : memref<1x64x72xf32, #tpu.memory_space<vmem>> -> memref<64x72xf32, #tpu.memory_space<vmem>>
    %dma_wait3A_518 = tpu.memref_slice %arg2[%dma_wait3A_506, %reduce_sum3A_94, %multiple_of3A_108] : memref<3x576x576xf32, #tpu.memory_space<hbm>> -> memref<1x64x72xf32, #tpu.memory_space<hbm>>
    %dma_wait3A_519 = tpu.memref_squeeze %dma_wait3A_518 : memref<1x64x72xf32, #tpu.memory_space<hbm>> -> memref<64x72xf32, #tpu.memory_space<hbm>>
    tpu.wait_dma2 semaphore(%arg13 : memref<!tpu.dma_semaphore, #tpu.memory_space<semaphore_mem>>) src(%dma_wait3A_519 : memref<64x72xf32, #tpu.memory_space<hbm>>) dst(%dma_wait3A_517 : memref<64x72xf32, #tpu.memory_space<vmem>>)
    %dma_wait3A_520 = arith.constant 1 : i32
    %dma_wait3A_521 = arith.constant 0 : i32
    %dma_wait3A_522 = arith.constant 0 : i32
    %dma_wait3A_523 = tpu.memref_slice %arg5[%add3A_53, %dma_wait3A_520, %dma_wait3A_521, %dma_wait3A_522] : memref<64x6x64x64xf32, #tpu.memory_space<hbm>> -> memref<1x1x64x64xf32, #tpu.memory_space<hbm>>
    %dma_wait3A_524 = tpu.memref_squeeze %dma_wait3A_523 : memref<1x1x64x64xf32, #tpu.memory_space<hbm>> -> memref<64x64xf32, #tpu.memory_space<hbm>>
    %dma_wait3A_525 = arith.constant 0 : i32
    %dma_wait3A_526 = arith.constant 0 : i32
    %dma_wait3A_527 = tpu.memref_slice %arg5[%add3A_53, %dma_wait3A_520, %dma_wait3A_525, %dma_wait3A_526] : memref<64x6x64x64xf32, #tpu.memory_space<hbm>> -> memref<1x1x64x64xf32, #tpu.memory_space<hbm>>
    %dma_wait3A_528 = tpu.memref_squeeze %dma_wait3A_527 : memref<1x1x64x64xf32, #tpu.memory_space<hbm>> -> memref<64x64xf32, #tpu.memory_space<hbm>>
    tpu.wait_dma2 semaphore(%arg14 : memref<!tpu.dma_semaphore, #tpu.memory_space<semaphore_mem>>) src(%arg10 : memref<64x64xf32, #tpu.memory_space<vmem>>) dst(%dma_wait3A_528 : memref<64x64xf32, #tpu.memory_space<hbm>>)
    %broadcast_in_dim3A_529 = arith.constant 0 : i32
    %broadcast_in_dim3A_530 = vector.broadcast %broadcast_in_dim3A_529 : i32 to vector<16xi32>
    %parallel_loop3A_531 = arith.constant 0 : i32
    %parallel_loop3A_532 = arith.constant 64 : i32
    %parallel_loop3A_533 = arith.constant 1 : i32
    %parallel_loop3A_534 = scf.for %parallel_loop3A_808 = %parallel_loop3A_531 to %parallel_loop3A_532 step %parallel_loop3A_533 iter_args(%parallel_loop3A_809 = %broadcast_in_dim3A_530) -> (vector<16xi32>)  : i32 {
      %parallel_loop3A_810 = arith.constant 5 : i32
      %parallel_loop3A_811 = arith.constant 0 : i32
      %parallel_loop3A_812 = arith.constant 0 : i32
      %parallel_loop3A_813 = tpu.memref_slice %arg8[%parallel_loop3A_810, %parallel_loop3A_811, %parallel_loop3A_812] : memref<12x64x72xf32, #tpu.memory_space<vmem>> -> memref<1x64x72xf32, #tpu.memory_space<vmem>>
      %parallel_loop3A_814 = tpu.memref_squeeze %parallel_loop3A_813 : memref<1x64x72xf32, #tpu.memory_space<vmem>> -> memref<64x72xf32, #tpu.memory_space<vmem>>
      %parallel_loop3A_815 = tpu.vector_load_idx %parallel_loop3A_814[%parallel_loop3A_809, %add3A_113] : memref<64x72xf32, #tpu.memory_space<vmem>>[vector<16xi32>, vector<16xi32>], vector<16xf32>,
      %parallel_loop3A_816 = arith.index_cast %parallel_loop3A_808 : i32 to index
      %parallel_loop3A_817 = arith.constant 0 : index
      %parallel_loop3A_818 = tpu.vector_load %arg10[%parallel_loop3A_816, %parallel_loop3A_817] {strides = array<i32>} : memref<64x64xf32, #tpu.memory_space<vmem>>, vector<16xf32>,
      tpu.vector_store %arg10[%parallel_loop3A_816, %parallel_loop3A_817], %parallel_loop3A_815 {strides = array<i32>} : memref<64x64xf32, #tpu.memory_space<vmem>>, vector<16xf32>,
      %parallel_loop3A_819 = arith.constant 5 : i32
      %parallel_loop3A_820 = arith.constant 0 : i32
      %parallel_loop3A_821 = arith.constant 0 : i32
      %parallel_loop3A_822 = tpu.memref_slice %arg8[%parallel_loop3A_819, %parallel_loop3A_820, %parallel_loop3A_821] : memref<12x64x72xf32, #tpu.memory_space<vmem>> -> memref<1x64x72xf32, #tpu.memory_space<vmem>>
      %parallel_loop3A_823 = tpu.memref_squeeze %parallel_loop3A_822 : memref<1x64x72xf32, #tpu.memory_space<vmem>> -> memref<64x72xf32, #tpu.memory_space<vmem>>
      %parallel_loop3A_824 = tpu.vector_load_idx %parallel_loop3A_823[%parallel_loop3A_809, %add3A_114] : memref<64x72xf32, #tpu.memory_space<vmem>>[vector<16xi32>, vector<16xi32>], vector<16xf32>,
      %parallel_loop3A_825 = arith.index_cast %parallel_loop3A_808 : i32 to index
      %parallel_loop3A_826 = arith.constant 16 : index
      %parallel_loop3A_827 = tpu.vector_load %arg10[%parallel_loop3A_825, %parallel_loop3A_826] {strides = array<i32>} : memref<64x64xf32, #tpu.memory_space<vmem>>, vector<16xf32>,
      tpu.vector_store %arg10[%parallel_loop3A_825, %parallel_loop3A_826], %parallel_loop3A_824 {strides = array<i32>} : memref<64x64xf32, #tpu.memory_space<vmem>>, vector<16xf32>,
      %parallel_loop3A_828 = arith.constant 5 : i32
      %parallel_loop3A_829 = arith.constant 0 : i32
      %parallel_loop3A_830 = arith.constant 0 : i32
      %parallel_loop3A_831 = tpu.memref_slice %arg8[%parallel_loop3A_828, %parallel_loop3A_829, %parallel_loop3A_830] : memref<12x64x72xf32, #tpu.memory_space<vmem>> -> memref<1x64x72xf32, #tpu.memory_space<vmem>>
      %parallel_loop3A_832 = tpu.memref_squeeze %parallel_loop3A_831 : memref<1x64x72xf32, #tpu.memory_space<vmem>> -> memref<64x72xf32, #tpu.memory_space<vmem>>
      %parallel_loop3A_833 = tpu.vector_load_idx %parallel_loop3A_832[%parallel_loop3A_809, %add3A_115] : memref<64x72xf32, #tpu.memory_space<vmem>>[vector<16xi32>, vector<16xi32>], vector<16xf32>,
      %parallel_loop3A_834 = arith.index_cast %parallel_loop3A_808 : i32 to index
      %parallel_loop3A_835 = arith.constant 32 : index
      %parallel_loop3A_836 = tpu.vector_load %arg10[%parallel_loop3A_834, %parallel_loop3A_835] {strides = array<i32>} : memref<64x64xf32, #tpu.memory_space<vmem>>, vector<16xf32>,
      tpu.vector_store %arg10[%parallel_loop3A_834, %parallel_loop3A_835], %parallel_loop3A_833 {strides = array<i32>} : memref<64x64xf32, #tpu.memory_space<vmem>>, vector<16xf32>,
      %parallel_loop3A_837 = arith.constant 5 : i32
      %parallel_loop3A_838 = arith.constant 0 : i32
      %parallel_loop3A_839 = arith.constant 0 : i32
      %parallel_loop3A_840 = tpu.memref_slice %arg8[%parallel_loop3A_837, %parallel_loop3A_838, %parallel_loop3A_839] : memref<12x64x72xf32, #tpu.memory_space<vmem>> -> memref<1x64x72xf32, #tpu.memory_space<vmem>>
      %parallel_loop3A_841 = tpu.memref_squeeze %parallel_loop3A_840 : memref<1x64x72xf32, #tpu.memory_space<vmem>> -> memref<64x72xf32, #tpu.memory_space<vmem>>
      %parallel_loop3A_842 = tpu.vector_load_idx %parallel_loop3A_841[%parallel_loop3A_809, %add3A_116] : memref<64x72xf32, #tpu.memory_space<vmem>>[vector<16xi32>, vector<16xi32>], vector<16xf32>,
      %parallel_loop3A_843 = arith.index_cast %parallel_loop3A_808 : i32 to index
      %parallel_loop3A_844 = arith.constant 48 : index
      %parallel_loop3A_845 = tpu.vector_load %arg10[%parallel_loop3A_843, %parallel_loop3A_844] {strides = array<i32>} : memref<64x64xf32, #tpu.memory_space<vmem>>, vector<16xf32>,
      tpu.vector_store %arg10[%parallel_loop3A_843, %parallel_loop3A_844], %parallel_loop3A_842 {strides = array<i32>} : memref<64x64xf32, #tpu.memory_space<vmem>>, vector<16xf32>,
      %parallel_loop3A_846 = arith.constant 1 : i32
      %parallel_loop3A_847 = vector.broadcast %parallel_loop3A_846 : i32 to vector<16xi32>
      %parallel_loop3A_848 = arith.addi %parallel_loop3A_809, %parallel_loop3A_847 : vector<16xi32>
      scf.yield %parallel_loop3A_848 : vector<16xi32>
    } {sc.loop_unroll_factor = 4 : i64, sc.parallel_access}
    %dma_start3A_535 = arith.constant 5 : i32
    %dma_start3A_536 = arith.constant 0 : i32
    %dma_start3A_537 = arith.constant 0 : i32
    %dma_start3A_538 = tpu.memref_slice %arg5[%add3A_53, %dma_start3A_535, %dma_start3A_536, %dma_start3A_537] : memref<64x6x64x64xf32, #tpu.memory_space<hbm>> -> memref<1x1x64x64xf32, #tpu.memory_space<hbm>>
    %dma_start3A_539 = tpu.memref_squeeze %dma_start3A_538 : memref<1x1x64x64xf32, #tpu.memory_space<hbm>> -> memref<64x64xf32, #tpu.memory_space<hbm>>
    %dma_start3A_540 = arith.constant 0 : i32
    %dma_start3A_541 = arith.constant 0 : i32
    %dma_start3A_542 = tpu.memref_slice %arg5[%add3A_53, %dma_start3A_535, %dma_start3A_540, %dma_start3A_541] : memref<64x6x64x64xf32, #tpu.memory_space<hbm>> -> memref<1x1x64x64xf32, #tpu.memory_space<hbm>>
    %dma_start3A_543 = tpu.memref_squeeze %dma_start3A_542 : memref<1x1x64x64xf32, #tpu.memory_space<hbm>> -> memref<64x64xf32, #tpu.memory_space<hbm>>
    tpu.enqueue_dma source(%arg10 : memref<64x64xf32, #tpu.memory_space<vmem>>) target(%dma_start3A_543 : memref<64x64xf32, #tpu.memory_space<hbm>>) target_semaphore(%arg14 : memref<!tpu.dma_semaphore, #tpu.memory_space<semaphore_mem>>)
    %dma_wait3A_544 = arith.constant 0 : i32
    %dma_wait3A_545 = arith.constant 6 : i32
    %dma_wait3A_546 = arith.constant 0 : i32
    %dma_wait3A_547 = arith.constant 0 : i32
    %dma_wait3A_548 = tpu.memref_slice %arg8[%dma_wait3A_545, %dma_wait3A_546, %dma_wait3A_547] : memref<12x64x72xf32, #tpu.memory_space<vmem>> -> memref<1x64x72xf32, #tpu.memory_space<vmem>>
    %dma_wait3A_549 = tpu.memref_squeeze %dma_wait3A_548 : memref<1x64x72xf32, #tpu.memory_space<vmem>> -> memref<64x72xf32, #tpu.memory_space<vmem>>
    %dma_wait3A_550 = tpu.memref_slice %arg2[%dma_wait3A_544, %reduce_sum3A_131, %multiple_of3A_145] : memref<3x576x576xf32, #tpu.memory_space<hbm>> -> memref<1x64x72xf32, #tpu.memory_space<hbm>>
    %dma_wait3A_551 = tpu.memref_squeeze %dma_wait3A_550 : memref<1x64x72xf32, #tpu.memory_space<hbm>> -> memref<64x72xf32, #tpu.memory_space<hbm>>
    %dma_wait3A_552 = arith.constant 0 : i32
    %dma_wait3A_553 = arith.constant 0 : i32
    %dma_wait3A_554 = tpu.memref_slice %arg8[%dma_wait3A_545, %dma_wait3A_552, %dma_wait3A_553] : memref<12x64x72xf32, #tpu.memory_space<vmem>> -> memref<1x64x72xf32, #tpu.memory_space<vmem>>
    %dma_wait3A_555 = tpu.memref_squeeze %dma_wait3A_554 : memref<1x64x72xf32, #tpu.memory_space<vmem>> -> memref<64x72xf32, #tpu.memory_space<vmem>>
    %dma_wait3A_556 = tpu.memref_slice %arg2[%dma_wait3A_544, %reduce_sum3A_131, %multiple_of3A_145] : memref<3x576x576xf32, #tpu.memory_space<hbm>> -> memref<1x64x72xf32, #tpu.memory_space<hbm>>
    %dma_wait3A_557 = tpu.memref_squeeze %dma_wait3A_556 : memref<1x64x72xf32, #tpu.memory_space<hbm>> -> memref<64x72xf32, #tpu.memory_space<hbm>>
    tpu.wait_dma2 semaphore(%arg13 : memref<!tpu.dma_semaphore, #tpu.memory_space<semaphore_mem>>) src(%dma_wait3A_557 : memref<64x72xf32, #tpu.memory_space<hbm>>) dst(%dma_wait3A_555 : memref<64x72xf32, #tpu.memory_space<vmem>>)
    %dma_wait3A_558 = arith.constant 2 : i32
    %dma_wait3A_559 = arith.constant 0 : i32
    %dma_wait3A_560 = arith.constant 0 : i32
    %dma_wait3A_561 = tpu.memref_slice %arg5[%add3A_53, %dma_wait3A_558, %dma_wait3A_559, %dma_wait3A_560] : memref<64x6x64x64xf32, #tpu.memory_space<hbm>> -> memref<1x1x64x64xf32, #tpu.memory_space<hbm>>
    %dma_wait3A_562 = tpu.memref_squeeze %dma_wait3A_561 : memref<1x1x64x64xf32, #tpu.memory_space<hbm>> -> memref<64x64xf32, #tpu.memory_space<hbm>>
    %dma_wait3A_563 = arith.constant 0 : i32
    %dma_wait3A_564 = arith.constant 0 : i32
    %dma_wait3A_565 = tpu.memref_slice %arg5[%add3A_53, %dma_wait3A_558, %dma_wait3A_563, %dma_wait3A_564] : memref<64x6x64x64xf32, #tpu.memory_space<hbm>> -> memref<1x1x64x64xf32, #tpu.memory_space<hbm>>
    %dma_wait3A_566 = tpu.memref_squeeze %dma_wait3A_565 : memref<1x1x64x64xf32, #tpu.memory_space<hbm>> -> memref<64x64xf32, #tpu.memory_space<hbm>>
    tpu.wait_dma2 semaphore(%arg14 : memref<!tpu.dma_semaphore, #tpu.memory_space<semaphore_mem>>) src(%arg11 : memref<64x64xf32, #tpu.memory_space<vmem>>) dst(%dma_wait3A_566 : memref<64x64xf32, #tpu.memory_space<hbm>>)
    %broadcast_in_dim3A_567 = arith.constant 0 : i32
    %broadcast_in_dim3A_568 = vector.broadcast %broadcast_in_dim3A_567 : i32 to vector<16xi32>
    %parallel_loop3A_569 = arith.constant 0 : i32
    %parallel_loop3A_570 = arith.constant 64 : i32
    %parallel_loop3A_571 = arith.constant 1 : i32
    %parallel_loop3A_572 = scf.for %parallel_loop3A_808 = %parallel_loop3A_569 to %parallel_loop3A_570 step %parallel_loop3A_571 iter_args(%parallel_loop3A_809 = %broadcast_in_dim3A_568) -> (vector<16xi32>)  : i32 {
      %parallel_loop3A_810 = arith.constant 6 : i32
      %parallel_loop3A_811 = arith.constant 0 : i32
      %parallel_loop3A_812 = arith.constant 0 : i32
      %parallel_loop3A_813 = tpu.memref_slice %arg8[%parallel_loop3A_810, %parallel_loop3A_811, %parallel_loop3A_812] : memref<12x64x72xf32, #tpu.memory_space<vmem>> -> memref<1x64x72xf32, #tpu.memory_space<vmem>>
      %parallel_loop3A_814 = tpu.memref_squeeze %parallel_loop3A_813 : memref<1x64x72xf32, #tpu.memory_space<vmem>> -> memref<64x72xf32, #tpu.memory_space<vmem>>
      %parallel_loop3A_815 = tpu.vector_load_idx %parallel_loop3A_814[%parallel_loop3A_809, %add3A_150] : memref<64x72xf32, #tpu.memory_space<vmem>>[vector<16xi32>, vector<16xi32>], vector<16xf32>,
      %parallel_loop3A_816 = arith.index_cast %parallel_loop3A_808 : i32 to index
      %parallel_loop3A_817 = arith.constant 0 : index
      %parallel_loop3A_818 = tpu.vector_load %arg11[%parallel_loop3A_816, %parallel_loop3A_817] {strides = array<i32>} : memref<64x64xf32, #tpu.memory_space<vmem>>, vector<16xf32>,
      tpu.vector_store %arg11[%parallel_loop3A_816, %parallel_loop3A_817], %parallel_loop3A_815 {strides = array<i32>} : memref<64x64xf32, #tpu.memory_space<vmem>>, vector<16xf32>,
      %parallel_loop3A_819 = arith.constant 6 : i32
      %parallel_loop3A_820 = arith.constant 0 : i32
      %parallel_loop3A_821 = arith.constant 0 : i32
      %parallel_loop3A_822 = tpu.memref_slice %arg8[%parallel_loop3A_819, %parallel_loop3A_820, %parallel_loop3A_821] : memref<12x64x72xf32, #tpu.memory_space<vmem>> -> memref<1x64x72xf32, #tpu.memory_space<vmem>>
      %parallel_loop3A_823 = tpu.memref_squeeze %parallel_loop3A_822 : memref<1x64x72xf32, #tpu.memory_space<vmem>> -> memref<64x72xf32, #tpu.memory_space<vmem>>
      %parallel_loop3A_824 = tpu.vector_load_idx %parallel_loop3A_823[%parallel_loop3A_809, %add3A_151] : memref<64x72xf32, #tpu.memory_space<vmem>>[vector<16xi32>, vector<16xi32>], vector<16xf32>,
      %parallel_loop3A_825 = arith.index_cast %parallel_loop3A_808 : i32 to index
      %parallel_loop3A_826 = arith.constant 16 : index
      %parallel_loop3A_827 = tpu.vector_load %arg11[%parallel_loop3A_825, %parallel_loop3A_826] {strides = array<i32>} : memref<64x64xf32, #tpu.memory_space<vmem>>, vector<16xf32>,
      tpu.vector_store %arg11[%parallel_loop3A_825, %parallel_loop3A_826], %parallel_loop3A_824 {strides = array<i32>} : memref<64x64xf32, #tpu.memory_space<vmem>>, vector<16xf32>,
      %parallel_loop3A_828 = arith.constant 6 : i32
      %parallel_loop3A_829 = arith.constant 0 : i32
      %parallel_loop3A_830 = arith.constant 0 : i32
      %parallel_loop3A_831 = tpu.memref_slice %arg8[%parallel_loop3A_828, %parallel_loop3A_829, %parallel_loop3A_830] : memref<12x64x72xf32, #tpu.memory_space<vmem>> -> memref<1x64x72xf32, #tpu.memory_space<vmem>>
      %parallel_loop3A_832 = tpu.memref_squeeze %parallel_loop3A_831 : memref<1x64x72xf32, #tpu.memory_space<vmem>> -> memref<64x72xf32, #tpu.memory_space<vmem>>
      %parallel_loop3A_833 = tpu.vector_load_idx %parallel_loop3A_832[%parallel_loop3A_809, %add3A_152] : memref<64x72xf32, #tpu.memory_space<vmem>>[vector<16xi32>, vector<16xi32>], vector<16xf32>,
      %parallel_loop3A_834 = arith.index_cast %parallel_loop3A_808 : i32 to index
      %parallel_loop3A_835 = arith.constant 32 : index
      %parallel_loop3A_836 = tpu.vector_load %arg11[%parallel_loop3A_834, %parallel_loop3A_835] {strides = array<i32>} : memref<64x64xf32, #tpu.memory_space<vmem>>, vector<16xf32>,
      tpu.vector_store %arg11[%parallel_loop3A_834, %parallel_loop3A_835], %parallel_loop3A_833 {strides = array<i32>} : memref<64x64xf32, #tpu.memory_space<vmem>>, vector<16xf32>,
      %parallel_loop3A_837 = arith.constant 6 : i32
      %parallel_loop3A_838 = arith.constant 0 : i32
      %parallel_loop3A_839 = arith.constant 0 : i32
      %parallel_loop3A_840 = tpu.memref_slice %arg8[%parallel_loop3A_837, %parallel_loop3A_838, %parallel_loop3A_839] : memref<12x64x72xf32, #tpu.memory_space<vmem>> -> memref<1x64x72xf32, #tpu.memory_space<vmem>>
      %parallel_loop3A_841 = tpu.memref_squeeze %parallel_loop3A_840 : memref<1x64x72xf32, #tpu.memory_space<vmem>> -> memref<64x72xf32, #tpu.memory_space<vmem>>
      %parallel_loop3A_842 = tpu.vector_load_idx %parallel_loop3A_841[%parallel_loop3A_809, %add3A_153] : memref<64x72xf32, #tpu.memory_space<vmem>>[vector<16xi32>, vector<16xi32>], vector<16xf32>,
      %parallel_loop3A_843 = arith.index_cast %parallel_loop3A_808 : i32 to index
      %parallel_loop3A_844 = arith.constant 48 : index
      %parallel_loop3A_845 = tpu.vector_load %arg11[%parallel_loop3A_843, %parallel_loop3A_844] {strides = array<i32>} : memref<64x64xf32, #tpu.memory_space<vmem>>, vector<16xf32>,
      tpu.vector_store %arg11[%parallel_loop3A_843, %parallel_loop3A_844], %parallel_loop3A_842 {strides = array<i32>} : memref<64x64xf32, #tpu.memory_space<vmem>>, vector<16xf32>,
      %parallel_loop3A_846 = arith.constant 1 : i32
      %parallel_loop3A_847 = vector.broadcast %parallel_loop3A_846 : i32 to vector<16xi32>
      %parallel_loop3A_848 = arith.addi %parallel_loop3A_809, %parallel_loop3A_847 : vector<16xi32>
      scf.yield %parallel_loop3A_848 : vector<16xi32>
    } {sc.loop_unroll_factor = 4 : i64, sc.parallel_access}
    %dma_start3A_573 = arith.constant 0 : i32
    %dma_start3A_574 = arith.constant 0 : i32
    %dma_start3A_575 = arith.constant 0 : i32
    %dma_start3A_576 = tpu.memref_slice %arg5[%add3A_120, %dma_start3A_573, %dma_start3A_574, %dma_start3A_575] : memref<64x6x64x64xf32, #tpu.memory_space<hbm>> -> memref<1x1x64x64xf32, #tpu.memory_space<hbm>>
    %dma_start3A_577 = tpu.memref_squeeze %dma_start3A_576 : memref<1x1x64x64xf32, #tpu.memory_space<hbm>> -> memref<64x64xf32, #tpu.memory_space<hbm>>
    %dma_start3A_578 = arith.constant 0 : i32
    %dma_start3A_579 = arith.constant 0 : i32
    %dma_start3A_580 = tpu.memref_slice %arg5[%add3A_120, %dma_start3A_573, %dma_start3A_578, %dma_start3A_579] : memref<64x6x64x64xf32, #tpu.memory_space<hbm>> -> memref<1x1x64x64xf32, #tpu.memory_space<hbm>>
    %dma_start3A_581 = tpu.memref_squeeze %dma_start3A_580 : memref<1x1x64x64xf32, #tpu.memory_space<hbm>> -> memref<64x64xf32, #tpu.memory_space<hbm>>
    tpu.enqueue_dma source(%arg11 : memref<64x64xf32, #tpu.memory_space<vmem>>) target(%dma_start3A_581 : memref<64x64xf32, #tpu.memory_space<hbm>>) target_semaphore(%arg14 : memref<!tpu.dma_semaphore, #tpu.memory_space<semaphore_mem>>)
    %dma_wait3A_582 = arith.constant 1 : i32
    %dma_wait3A_583 = arith.constant 7 : i32
    %dma_wait3A_584 = arith.constant 0 : i32
    %dma_wait3A_585 = arith.constant 0 : i32
    %dma_wait3A_586 = tpu.memref_slice %arg8[%dma_wait3A_583, %dma_wait3A_584, %dma_wait3A_585] : memref<12x64x72xf32, #tpu.memory_space<vmem>> -> memref<1x64x72xf32, #tpu.memory_space<vmem>>
    %dma_wait3A_587 = tpu.memref_squeeze %dma_wait3A_586 : memref<1x64x72xf32, #tpu.memory_space<vmem>> -> memref<64x72xf32, #tpu.memory_space<vmem>>
    %dma_wait3A_588 = tpu.memref_slice %arg2[%dma_wait3A_582, %reduce_sum3A_131, %multiple_of3A_145] : memref<3x576x576xf32, #tpu.memory_space<hbm>> -> memref<1x64x72xf32, #tpu.memory_space<hbm>>
    %dma_wait3A_589 = tpu.memref_squeeze %dma_wait3A_588 : memref<1x64x72xf32, #tpu.memory_space<hbm>> -> memref<64x72xf32, #tpu.memory_space<hbm>>
    %dma_wait3A_590 = arith.constant 0 : i32
    %dma_wait3A_591 = arith.constant 0 : i32
    %dma_wait3A_592 = tpu.memref_slice %arg8[%dma_wait3A_583, %dma_wait3A_590, %dma_wait3A_591] : memref<12x64x72xf32, #tpu.memory_space<vmem>> -> memref<1x64x72xf32, #tpu.memory_space<vmem>>
    %dma_wait3A_593 = tpu.memref_squeeze %dma_wait3A_592 : memref<1x64x72xf32, #tpu.memory_space<vmem>> -> memref<64x72xf32, #tpu.memory_space<vmem>>
    %dma_wait3A_594 = tpu.memref_slice %arg2[%dma_wait3A_582, %reduce_sum3A_131, %multiple_of3A_145] : memref<3x576x576xf32, #tpu.memory_space<hbm>> -> memref<1x64x72xf32, #tpu.memory_space<hbm>>
    %dma_wait3A_595 = tpu.memref_squeeze %dma_wait3A_594 : memref<1x64x72xf32, #tpu.memory_space<hbm>> -> memref<64x72xf32, #tpu.memory_space<hbm>>
    tpu.wait_dma2 semaphore(%arg13 : memref<!tpu.dma_semaphore, #tpu.memory_space<semaphore_mem>>) src(%dma_wait3A_595 : memref<64x72xf32, #tpu.memory_space<hbm>>) dst(%dma_wait3A_593 : memref<64x72xf32, #tpu.memory_space<vmem>>)
    %dma_wait3A_596 = arith.constant 3 : i32
    %dma_wait3A_597 = arith.constant 0 : i32
    %dma_wait3A_598 = arith.constant 0 : i32
    %dma_wait3A_599 = tpu.memref_slice %arg5[%add3A_53, %dma_wait3A_596, %dma_wait3A_597, %dma_wait3A_598] : memref<64x6x64x64xf32, #tpu.memory_space<hbm>> -> memref<1x1x64x64xf32, #tpu.memory_space<hbm>>
    %dma_wait3A_600 = tpu.memref_squeeze %dma_wait3A_599 : memref<1x1x64x64xf32, #tpu.memory_space<hbm>> -> memref<64x64xf32, #tpu.memory_space<hbm>>
    %dma_wait3A_601 = arith.constant 0 : i32
    %dma_wait3A_602 = arith.constant 0 : i32
    %dma_wait3A_603 = tpu.memref_slice %arg5[%add3A_53, %dma_wait3A_596, %dma_wait3A_601, %dma_wait3A_602] : memref<64x6x64x64xf32, #tpu.memory_space<hbm>> -> memref<1x1x64x64xf32, #tpu.memory_space<hbm>>
    %dma_wait3A_604 = tpu.memref_squeeze %dma_wait3A_603 : memref<1x1x64x64xf32, #tpu.memory_space<hbm>> -> memref<64x64xf32, #tpu.memory_space<hbm>>
    tpu.wait_dma2 semaphore(%arg14 : memref<!tpu.dma_semaphore, #tpu.memory_space<semaphore_mem>>) src(%arg12 : memref<64x64xf32, #tpu.memory_space<vmem>>) dst(%dma_wait3A_604 : memref<64x64xf32, #tpu.memory_space<hbm>>)
    %broadcast_in_dim3A_605 = arith.constant 0 : i32
    %broadcast_in_dim3A_606 = vector.broadcast %broadcast_in_dim3A_605 : i32 to vector<16xi32>
    %parallel_loop3A_607 = arith.constant 0 : i32
    %parallel_loop3A_608 = arith.constant 64 : i32
    %parallel_loop3A_609 = arith.constant 1 : i32
    %parallel_loop3A_610 = scf.for %parallel_loop3A_808 = %parallel_loop3A_607 to %parallel_loop3A_608 step %parallel_loop3A_609 iter_args(%parallel_loop3A_809 = %broadcast_in_dim3A_606) -> (vector<16xi32>)  : i32 {
      %parallel_loop3A_810 = arith.constant 7 : i32
      %parallel_loop3A_811 = arith.constant 0 : i32
      %parallel_loop3A_812 = arith.constant 0 : i32
      %parallel_loop3A_813 = tpu.memref_slice %arg8[%parallel_loop3A_810, %parallel_loop3A_811, %parallel_loop3A_812] : memref<12x64x72xf32, #tpu.memory_space<vmem>> -> memref<1x64x72xf32, #tpu.memory_space<vmem>>
      %parallel_loop3A_814 = tpu.memref_squeeze %parallel_loop3A_813 : memref<1x64x72xf32, #tpu.memory_space<vmem>> -> memref<64x72xf32, #tpu.memory_space<vmem>>
      %parallel_loop3A_815 = tpu.vector_load_idx %parallel_loop3A_814[%parallel_loop3A_809, %add3A_150] : memref<64x72xf32, #tpu.memory_space<vmem>>[vector<16xi32>, vector<16xi32>], vector<16xf32>,
      %parallel_loop3A_816 = arith.index_cast %parallel_loop3A_808 : i32 to index
      %parallel_loop3A_817 = arith.constant 0 : index
      %parallel_loop3A_818 = tpu.vector_load %arg12[%parallel_loop3A_816, %parallel_loop3A_817] {strides = array<i32>} : memref<64x64xf32, #tpu.memory_space<vmem>>, vector<16xf32>,
      tpu.vector_store %arg12[%parallel_loop3A_816, %parallel_loop3A_817], %parallel_loop3A_815 {strides = array<i32>} : memref<64x64xf32, #tpu.memory_space<vmem>>, vector<16xf32>,
      %parallel_loop3A_819 = arith.constant 7 : i32
      %parallel_loop3A_820 = arith.constant 0 : i32
      %parallel_loop3A_821 = arith.constant 0 : i32
      %parallel_loop3A_822 = tpu.memref_slice %arg8[%parallel_loop3A_819, %parallel_loop3A_820, %parallel_loop3A_821] : memref<12x64x72xf32, #tpu.memory_space<vmem>> -> memref<1x64x72xf32, #tpu.memory_space<vmem>>
      %parallel_loop3A_823 = tpu.memref_squeeze %parallel_loop3A_822 : memref<1x64x72xf32, #tpu.memory_space<vmem>> -> memref<64x72xf32, #tpu.memory_space<vmem>>
      %parallel_loop3A_824 = tpu.vector_load_idx %parallel_loop3A_823[%parallel_loop3A_809, %add3A_151] : memref<64x72xf32, #tpu.memory_space<vmem>>[vector<16xi32>, vector<16xi32>], vector<16xf32>,
      %parallel_loop3A_825 = arith.index_cast %parallel_loop3A_808 : i32 to index
      %parallel_loop3A_826 = arith.constant 16 : index
      %parallel_loop3A_827 = tpu.vector_load %arg12[%parallel_loop3A_825, %parallel_loop3A_826] {strides = array<i32>} : memref<64x64xf32, #tpu.memory_space<vmem>>, vector<16xf32>,
      tpu.vector_store %arg12[%parallel_loop3A_825, %parallel_loop3A_826], %parallel_loop3A_824 {strides = array<i32>} : memref<64x64xf32, #tpu.memory_space<vmem>>, vector<16xf32>,
      %parallel_loop3A_828 = arith.constant 7 : i32
      %parallel_loop3A_829 = arith.constant 0 : i32
      %parallel_loop3A_830 = arith.constant 0 : i32
      %parallel_loop3A_831 = tpu.memref_slice %arg8[%parallel_loop3A_828, %parallel_loop3A_829, %parallel_loop3A_830] : memref<12x64x72xf32, #tpu.memory_space<vmem>> -> memref<1x64x72xf32, #tpu.memory_space<vmem>>
      %parallel_loop3A_832 = tpu.memref_squeeze %parallel_loop3A_831 : memref<1x64x72xf32, #tpu.memory_space<vmem>> -> memref<64x72xf32, #tpu.memory_space<vmem>>
      %parallel_loop3A_833 = tpu.vector_load_idx %parallel_loop3A_832[%parallel_loop3A_809, %add3A_152] : memref<64x72xf32, #tpu.memory_space<vmem>>[vector<16xi32>, vector<16xi32>], vector<16xf32>,
      %parallel_loop3A_834 = arith.index_cast %parallel_loop3A_808 : i32 to index
      %parallel_loop3A_835 = arith.constant 32 : index
      %parallel_loop3A_836 = tpu.vector_load %arg12[%parallel_loop3A_834, %parallel_loop3A_835] {strides = array<i32>} : memref<64x64xf32, #tpu.memory_space<vmem>>, vector<16xf32>,
      tpu.vector_store %arg12[%parallel_loop3A_834, %parallel_loop3A_835], %parallel_loop3A_833 {strides = array<i32>} : memref<64x64xf32, #tpu.memory_space<vmem>>, vector<16xf32>,
      %parallel_loop3A_837 = arith.constant 7 : i32
      %parallel_loop3A_838 = arith.constant 0 : i32
      %parallel_loop3A_839 = arith.constant 0 : i32
      %parallel_loop3A_840 = tpu.memref_slice %arg8[%parallel_loop3A_837, %parallel_loop3A_838, %parallel_loop3A_839] : memref<12x64x72xf32, #tpu.memory_space<vmem>> -> memref<1x64x72xf32, #tpu.memory_space<vmem>>
      %parallel_loop3A_841 = tpu.memref_squeeze %parallel_loop3A_840 : memref<1x64x72xf32, #tpu.memory_space<vmem>> -> memref<64x72xf32, #tpu.memory_space<vmem>>
      %parallel_loop3A_842 = tpu.vector_load_idx %parallel_loop3A_841[%parallel_loop3A_809, %add3A_153] : memref<64x72xf32, #tpu.memory_space<vmem>>[vector<16xi32>, vector<16xi32>], vector<16xf32>,
      %parallel_loop3A_843 = arith.index_cast %parallel_loop3A_808 : i32 to index
      %parallel_loop3A_844 = arith.constant 48 : index
      %parallel_loop3A_845 = tpu.vector_load %arg12[%parallel_loop3A_843, %parallel_loop3A_844] {strides = array<i32>} : memref<64x64xf32, #tpu.memory_space<vmem>>, vector<16xf32>,
      tpu.vector_store %arg12[%parallel_loop3A_843, %parallel_loop3A_844], %parallel_loop3A_842 {strides = array<i32>} : memref<64x64xf32, #tpu.memory_space<vmem>>, vector<16xf32>,
      %parallel_loop3A_846 = arith.constant 1 : i32
      %parallel_loop3A_847 = vector.broadcast %parallel_loop3A_846 : i32 to vector<16xi32>
      %parallel_loop3A_848 = arith.addi %parallel_loop3A_809, %parallel_loop3A_847 : vector<16xi32>
      scf.yield %parallel_loop3A_848 : vector<16xi32>
    } {sc.loop_unroll_factor = 4 : i64, sc.parallel_access}
    %dma_start3A_611 = arith.constant 1 : i32
    %dma_start3A_612 = arith.constant 0 : i32
    %dma_start3A_613 = arith.constant 0 : i32
    %dma_start3A_614 = tpu.memref_slice %arg5[%add3A_120, %dma_start3A_611, %dma_start3A_612, %dma_start3A_613] : memref<64x6x64x64xf32, #tpu.memory_space<hbm>> -> memref<1x1x64x64xf32, #tpu.memory_space<hbm>>
    %dma_start3A_615 = tpu.memref_squeeze %dma_start3A_614 : memref<1x1x64x64xf32, #tpu.memory_space<hbm>> -> memref<64x64xf32, #tpu.memory_space<hbm>>
    %dma_start3A_616 = arith.constant 0 : i32
    %dma_start3A_617 = arith.constant 0 : i32
    %dma_start3A_618 = tpu.memref_slice %arg5[%add3A_120, %dma_start3A_611, %dma_start3A_616, %dma_start3A_617] : memref<64x6x64x64xf32, #tpu.memory_space<hbm>> -> memref<1x1x64x64xf32, #tpu.memory_space<hbm>>
    %dma_start3A_619 = tpu.memref_squeeze %dma_start3A_618 : memref<1x1x64x64xf32, #tpu.memory_space<hbm>> -> memref<64x64xf32, #tpu.memory_space<hbm>>
    tpu.enqueue_dma source(%arg12 : memref<64x64xf32, #tpu.memory_space<vmem>>) target(%dma_start3A_619 : memref<64x64xf32, #tpu.memory_space<hbm>>) target_semaphore(%arg14 : memref<!tpu.dma_semaphore, #tpu.memory_space<semaphore_mem>>)
    %dma_wait3A_620 = arith.constant 2 : i32
    %dma_wait3A_621 = arith.constant 8 : i32
    %dma_wait3A_622 = arith.constant 0 : i32
    %dma_wait3A_623 = arith.constant 0 : i32
    %dma_wait3A_624 = tpu.memref_slice %arg8[%dma_wait3A_621, %dma_wait3A_622, %dma_wait3A_623] : memref<12x64x72xf32, #tpu.memory_space<vmem>> -> memref<1x64x72xf32, #tpu.memory_space<vmem>>
    %dma_wait3A_625 = tpu.memref_squeeze %dma_wait3A_624 : memref<1x64x72xf32, #tpu.memory_space<vmem>> -> memref<64x72xf32, #tpu.memory_space<vmem>>
    %dma_wait3A_626 = tpu.memref_slice %arg2[%dma_wait3A_620, %reduce_sum3A_131, %multiple_of3A_145] : memref<3x576x576xf32, #tpu.memory_space<hbm>> -> memref<1x64x72xf32, #tpu.memory_space<hbm>>
    %dma_wait3A_627 = tpu.memref_squeeze %dma_wait3A_626 : memref<1x64x72xf32, #tpu.memory_space<hbm>> -> memref<64x72xf32, #tpu.memory_space<hbm>>
    %dma_wait3A_628 = arith.constant 0 : i32
    %dma_wait3A_629 = arith.constant 0 : i32
    %dma_wait3A_630 = tpu.memref_slice %arg8[%dma_wait3A_621, %dma_wait3A_628, %dma_wait3A_629] : memref<12x64x72xf32, #tpu.memory_space<vmem>> -> memref<1x64x72xf32, #tpu.memory_space<vmem>>
    %dma_wait3A_631 = tpu.memref_squeeze %dma_wait3A_630 : memref<1x64x72xf32, #tpu.memory_space<vmem>> -> memref<64x72xf32, #tpu.memory_space<vmem>>
    %dma_wait3A_632 = tpu.memref_slice %arg2[%dma_wait3A_620, %reduce_sum3A_131, %multiple_of3A_145] : memref<3x576x576xf32, #tpu.memory_space<hbm>> -> memref<1x64x72xf32, #tpu.memory_space<hbm>>
    %dma_wait3A_633 = tpu.memref_squeeze %dma_wait3A_632 : memref<1x64x72xf32, #tpu.memory_space<hbm>> -> memref<64x72xf32, #tpu.memory_space<hbm>>
    tpu.wait_dma2 semaphore(%arg13 : memref<!tpu.dma_semaphore, #tpu.memory_space<semaphore_mem>>) src(%dma_wait3A_633 : memref<64x72xf32, #tpu.memory_space<hbm>>) dst(%dma_wait3A_631 : memref<64x72xf32, #tpu.memory_space<vmem>>)
    %dma_wait3A_634 = arith.constant 4 : i32
    %dma_wait3A_635 = arith.constant 0 : i32
    %dma_wait3A_636 = arith.constant 0 : i32
    %dma_wait3A_637 = tpu.memref_slice %arg5[%add3A_53, %dma_wait3A_634, %dma_wait3A_635, %dma_wait3A_636] : memref<64x6x64x64xf32, #tpu.memory_space<hbm>> -> memref<1x1x64x64xf32, #tpu.memory_space<hbm>>
    %dma_wait3A_638 = tpu.memref_squeeze %dma_wait3A_637 : memref<1x1x64x64xf32, #tpu.memory_space<hbm>> -> memref<64x64xf32, #tpu.memory_space<hbm>>
    %dma_wait3A_639 = arith.constant 0 : i32
    %dma_wait3A_640 = arith.constant 0 : i32
    %dma_wait3A_641 = tpu.memref_slice %arg5[%add3A_53, %dma_wait3A_634, %dma_wait3A_639, %dma_wait3A_640] : memref<64x6x64x64xf32, #tpu.memory_space<hbm>> -> memref<1x1x64x64xf32, #tpu.memory_space<hbm>>
    %dma_wait3A_642 = tpu.memref_squeeze %dma_wait3A_641 : memref<1x1x64x64xf32, #tpu.memory_space<hbm>> -> memref<64x64xf32, #tpu.memory_space<hbm>>
    tpu.wait_dma2 semaphore(%arg14 : memref<!tpu.dma_semaphore, #tpu.memory_space<semaphore_mem>>) src(%arg9 : memref<64x64xf32, #tpu.memory_space<vmem>>) dst(%dma_wait3A_642 : memref<64x64xf32, #tpu.memory_space<hbm>>)
    %broadcast_in_dim3A_643 = arith.constant 0 : i32
    %broadcast_in_dim3A_644 = vector.broadcast %broadcast_in_dim3A_643 : i32 to vector<16xi32>
    %parallel_loop3A_645 = arith.constant 0 : i32
    %parallel_loop3A_646 = arith.constant 64 : i32
    %parallel_loop3A_647 = arith.constant 1 : i32
    %parallel_loop3A_648 = scf.for %parallel_loop3A_808 = %parallel_loop3A_645 to %parallel_loop3A_646 step %parallel_loop3A_647 iter_args(%parallel_loop3A_809 = %broadcast_in_dim3A_644) -> (vector<16xi32>)  : i32 {
      %parallel_loop3A_810 = arith.constant 8 : i32
      %parallel_loop3A_811 = arith.constant 0 : i32
      %parallel_loop3A_812 = arith.constant 0 : i32
      %parallel_loop3A_813 = tpu.memref_slice %arg8[%parallel_loop3A_810, %parallel_loop3A_811, %parallel_loop3A_812] : memref<12x64x72xf32, #tpu.memory_space<vmem>> -> memref<1x64x72xf32, #tpu.memory_space<vmem>>
      %parallel_loop3A_814 = tpu.memref_squeeze %parallel_loop3A_813 : memref<1x64x72xf32, #tpu.memory_space<vmem>> -> memref<64x72xf32, #tpu.memory_space<vmem>>
      %parallel_loop3A_815 = tpu.vector_load_idx %parallel_loop3A_814[%parallel_loop3A_809, %add3A_150] : memref<64x72xf32, #tpu.memory_space<vmem>>[vector<16xi32>, vector<16xi32>], vector<16xf32>,
      %parallel_loop3A_816 = arith.index_cast %parallel_loop3A_808 : i32 to index
      %parallel_loop3A_817 = arith.constant 0 : index
      %parallel_loop3A_818 = tpu.vector_load %arg9[%parallel_loop3A_816, %parallel_loop3A_817] {strides = array<i32>} : memref<64x64xf32, #tpu.memory_space<vmem>>, vector<16xf32>,
      tpu.vector_store %arg9[%parallel_loop3A_816, %parallel_loop3A_817], %parallel_loop3A_815 {strides = array<i32>} : memref<64x64xf32, #tpu.memory_space<vmem>>, vector<16xf32>,
      %parallel_loop3A_819 = arith.constant 8 : i32
      %parallel_loop3A_820 = arith.constant 0 : i32
      %parallel_loop3A_821 = arith.constant 0 : i32
      %parallel_loop3A_822 = tpu.memref_slice %arg8[%parallel_loop3A_819, %parallel_loop3A_820, %parallel_loop3A_821] : memref<12x64x72xf32, #tpu.memory_space<vmem>> -> memref<1x64x72xf32, #tpu.memory_space<vmem>>
      %parallel_loop3A_823 = tpu.memref_squeeze %parallel_loop3A_822 : memref<1x64x72xf32, #tpu.memory_space<vmem>> -> memref<64x72xf32, #tpu.memory_space<vmem>>
      %parallel_loop3A_824 = tpu.vector_load_idx %parallel_loop3A_823[%parallel_loop3A_809, %add3A_151] : memref<64x72xf32, #tpu.memory_space<vmem>>[vector<16xi32>, vector<16xi32>], vector<16xf32>,
      %parallel_loop3A_825 = arith.index_cast %parallel_loop3A_808 : i32 to index
      %parallel_loop3A_826 = arith.constant 16 : index
      %parallel_loop3A_827 = tpu.vector_load %arg9[%parallel_loop3A_825, %parallel_loop3A_826] {strides = array<i32>} : memref<64x64xf32, #tpu.memory_space<vmem>>, vector<16xf32>,
      tpu.vector_store %arg9[%parallel_loop3A_825, %parallel_loop3A_826], %parallel_loop3A_824 {strides = array<i32>} : memref<64x64xf32, #tpu.memory_space<vmem>>, vector<16xf32>,
      %parallel_loop3A_828 = arith.constant 8 : i32
      %parallel_loop3A_829 = arith.constant 0 : i32
      %parallel_loop3A_830 = arith.constant 0 : i32
      %parallel_loop3A_831 = tpu.memref_slice %arg8[%parallel_loop3A_828, %parallel_loop3A_829, %parallel_loop3A_830] : memref<12x64x72xf32, #tpu.memory_space<vmem>> -> memref<1x64x72xf32, #tpu.memory_space<vmem>>
      %parallel_loop3A_832 = tpu.memref_squeeze %parallel_loop3A_831 : memref<1x64x72xf32, #tpu.memory_space<vmem>> -> memref<64x72xf32, #tpu.memory_space<vmem>>
      %parallel_loop3A_833 = tpu.vector_load_idx %parallel_loop3A_832[%parallel_loop3A_809, %add3A_152] : memref<64x72xf32, #tpu.memory_space<vmem>>[vector<16xi32>, vector<16xi32>], vector<16xf32>,
      %parallel_loop3A_834 = arith.index_cast %parallel_loop3A_808 : i32 to index
      %parallel_loop3A_835 = arith.constant 32 : index
      %parallel_loop3A_836 = tpu.vector_load %arg9[%parallel_loop3A_834, %parallel_loop3A_835] {strides = array<i32>} : memref<64x64xf32, #tpu.memory_space<vmem>>, vector<16xf32>,
      tpu.vector_store %arg9[%parallel_loop3A_834, %parallel_loop3A_835], %parallel_loop3A_833 {strides = array<i32>} : memref<64x64xf32, #tpu.memory_space<vmem>>, vector<16xf32>,
      %parallel_loop3A_837 = arith.constant 8 : i32
      %parallel_loop3A_838 = arith.constant 0 : i32
      %parallel_loop3A_839 = arith.constant 0 : i32
      %parallel_loop3A_840 = tpu.memref_slice %arg8[%parallel_loop3A_837, %parallel_loop3A_838, %parallel_loop3A_839] : memref<12x64x72xf32, #tpu.memory_space<vmem>> -> memref<1x64x72xf32, #tpu.memory_space<vmem>>
      %parallel_loop3A_841 = tpu.memref_squeeze %parallel_loop3A_840 : memref<1x64x72xf32, #tpu.memory_space<vmem>> -> memref<64x72xf32, #tpu.memory_space<vmem>>
      %parallel_loop3A_842 = tpu.vector_load_idx %parallel_loop3A_841[%parallel_loop3A_809, %add3A_153] : memref<64x72xf32, #tpu.memory_space<vmem>>[vector<16xi32>, vector<16xi32>], vector<16xf32>,
      %parallel_loop3A_843 = arith.index_cast %parallel_loop3A_808 : i32 to index
      %parallel_loop3A_844 = arith.constant 48 : index
      %parallel_loop3A_845 = tpu.vector_load %arg9[%parallel_loop3A_843, %parallel_loop3A_844] {strides = array<i32>} : memref<64x64xf32, #tpu.memory_space<vmem>>, vector<16xf32>,
      tpu.vector_store %arg9[%parallel_loop3A_843, %parallel_loop3A_844], %parallel_loop3A_842 {strides = array<i32>} : memref<64x64xf32, #tpu.memory_space<vmem>>, vector<16xf32>,
      %parallel_loop3A_846 = arith.constant 1 : i32
      %parallel_loop3A_847 = vector.broadcast %parallel_loop3A_846 : i32 to vector<16xi32>
      %parallel_loop3A_848 = arith.addi %parallel_loop3A_809, %parallel_loop3A_847 : vector<16xi32>
      scf.yield %parallel_loop3A_848 : vector<16xi32>
    } {sc.loop_unroll_factor = 4 : i64, sc.parallel_access}
    %dma_start3A_649 = arith.constant 2 : i32
    %dma_start3A_650 = arith.constant 0 : i32
    %dma_start3A_651 = arith.constant 0 : i32
    %dma_start3A_652 = tpu.memref_slice %arg5[%add3A_120, %dma_start3A_649, %dma_start3A_650, %dma_start3A_651] : memref<64x6x64x64xf32, #tpu.memory_space<hbm>> -> memref<1x1x64x64xf32, #tpu.memory_space<hbm>>
    %dma_start3A_653 = tpu.memref_squeeze %dma_start3A_652 : memref<1x1x64x64xf32, #tpu.memory_space<hbm>> -> memref<64x64xf32, #tpu.memory_space<hbm>>
    %dma_start3A_654 = arith.constant 0 : i32
    %dma_start3A_655 = arith.constant 0 : i32
    %dma_start3A_656 = tpu.memref_slice %arg5[%add3A_120, %dma_start3A_649, %dma_start3A_654, %dma_start3A_655] : memref<64x6x64x64xf32, #tpu.memory_space<hbm>> -> memref<1x1x64x64xf32, #tpu.memory_space<hbm>>
    %dma_start3A_657 = tpu.memref_squeeze %dma_start3A_656 : memref<1x1x64x64xf32, #tpu.memory_space<hbm>> -> memref<64x64xf32, #tpu.memory_space<hbm>>
    tpu.enqueue_dma source(%arg9 : memref<64x64xf32, #tpu.memory_space<vmem>>) target(%dma_start3A_657 : memref<64x64xf32, #tpu.memory_space<hbm>>) target_semaphore(%arg14 : memref<!tpu.dma_semaphore, #tpu.memory_space<semaphore_mem>>)
    %dma_wait3A_658 = arith.constant 0 : i32
    %dma_wait3A_659 = arith.constant 9 : i32
    %dma_wait3A_660 = arith.constant 0 : i32
    %dma_wait3A_661 = arith.constant 0 : i32
    %dma_wait3A_662 = tpu.memref_slice %arg8[%dma_wait3A_659, %dma_wait3A_660, %dma_wait3A_661] : memref<12x64x72xf32, #tpu.memory_space<vmem>> -> memref<1x64x72xf32, #tpu.memory_space<vmem>>
    %dma_wait3A_663 = tpu.memref_squeeze %dma_wait3A_662 : memref<1x64x72xf32, #tpu.memory_space<vmem>> -> memref<64x72xf32, #tpu.memory_space<vmem>>
    %dma_wait3A_664 = tpu.memref_slice %arg2[%dma_wait3A_658, %reduce_sum3A_164, %multiple_of3A_178] : memref<3x576x576xf32, #tpu.memory_space<hbm>> -> memref<1x64x72xf32, #tpu.memory_space<hbm>>
    %dma_wait3A_665 = tpu.memref_squeeze %dma_wait3A_664 : memref<1x64x72xf32, #tpu.memory_space<hbm>> -> memref<64x72xf32, #tpu.memory_space<hbm>>
    %dma_wait3A_666 = arith.constant 0 : i32
    %dma_wait3A_667 = arith.constant 0 : i32
    %dma_wait3A_668 = tpu.memref_slice %arg8[%dma_wait3A_659, %dma_wait3A_666, %dma_wait3A_667] : memref<12x64x72xf32, #tpu.memory_space<vmem>> -> memref<1x64x72xf32, #tpu.memory_space<vmem>>
    %dma_wait3A_669 = tpu.memref_squeeze %dma_wait3A_668 : memref<1x64x72xf32, #tpu.memory_space<vmem>> -> memref<64x72xf32, #tpu.memory_space<vmem>>
    %dma_wait3A_670 = tpu.memref_slice %arg2[%dma_wait3A_658, %reduce_sum3A_164, %multiple_of3A_178] : memref<3x576x576xf32, #tpu.memory_space<hbm>> -> memref<1x64x72xf32, #tpu.memory_space<hbm>>
    %dma_wait3A_671 = tpu.memref_squeeze %dma_wait3A_670 : memref<1x64x72xf32, #tpu.memory_space<hbm>> -> memref<64x72xf32, #tpu.memory_space<hbm>>
    tpu.wait_dma2 semaphore(%arg13 : memref<!tpu.dma_semaphore, #tpu.memory_space<semaphore_mem>>) src(%dma_wait3A_671 : memref<64x72xf32, #tpu.memory_space<hbm>>) dst(%dma_wait3A_669 : memref<64x72xf32, #tpu.memory_space<vmem>>)
    %dma_wait3A_672 = arith.constant 5 : i32
    %dma_wait3A_673 = arith.constant 0 : i32
    %dma_wait3A_674 = arith.constant 0 : i32
    %dma_wait3A_675 = tpu.memref_slice %arg5[%add3A_53, %dma_wait3A_672, %dma_wait3A_673, %dma_wait3A_674] : memref<64x6x64x64xf32, #tpu.memory_space<hbm>> -> memref<1x1x64x64xf32, #tpu.memory_space<hbm>>
    %dma_wait3A_676 = tpu.memref_squeeze %dma_wait3A_675 : memref<1x1x64x64xf32, #tpu.memory_space<hbm>> -> memref<64x64xf32, #tpu.memory_space<hbm>>
    %dma_wait3A_677 = arith.constant 0 : i32
    %dma_wait3A_678 = arith.constant 0 : i32
    %dma_wait3A_679 = tpu.memref_slice %arg5[%add3A_53, %dma_wait3A_672, %dma_wait3A_677, %dma_wait3A_678] : memref<64x6x64x64xf32, #tpu.memory_space<hbm>> -> memref<1x1x64x64xf32, #tpu.memory_space<hbm>>
    %dma_wait3A_680 = tpu.memref_squeeze %dma_wait3A_679 : memref<1x1x64x64xf32, #tpu.memory_space<hbm>> -> memref<64x64xf32, #tpu.memory_space<hbm>>
    tpu.wait_dma2 semaphore(%arg14 : memref<!tpu.dma_semaphore, #tpu.memory_space<semaphore_mem>>) src(%arg10 : memref<64x64xf32, #tpu.memory_space<vmem>>) dst(%dma_wait3A_680 : memref<64x64xf32, #tpu.memory_space<hbm>>)
    %broadcast_in_dim3A_681 = arith.constant 0 : i32
    %broadcast_in_dim3A_682 = vector.broadcast %broadcast_in_dim3A_681 : i32 to vector<16xi32>
    %parallel_loop3A_683 = arith.constant 0 : i32
    %parallel_loop3A_684 = arith.constant 64 : i32
    %parallel_loop3A_685 = arith.constant 1 : i32
    %parallel_loop3A_686 = scf.for %parallel_loop3A_808 = %parallel_loop3A_683 to %parallel_loop3A_684 step %parallel_loop3A_685 iter_args(%parallel_loop3A_809 = %broadcast_in_dim3A_682) -> (vector<16xi32>)  : i32 {
      %parallel_loop3A_810 = arith.constant 9 : i32
      %parallel_loop3A_811 = arith.constant 0 : i32
      %parallel_loop3A_812 = arith.constant 0 : i32
      %parallel_loop3A_813 = tpu.memref_slice %arg8[%parallel_loop3A_810, %parallel_loop3A_811, %parallel_loop3A_812] : memref<12x64x72xf32, #tpu.memory_space<vmem>> -> memref<1x64x72xf32, #tpu.memory_space<vmem>>
      %parallel_loop3A_814 = tpu.memref_squeeze %parallel_loop3A_813 : memref<1x64x72xf32, #tpu.memory_space<vmem>> -> memref<64x72xf32, #tpu.memory_space<vmem>>
      %parallel_loop3A_815 = tpu.vector_load_idx %parallel_loop3A_814[%parallel_loop3A_809, %add3A_183] : memref<64x72xf32, #tpu.memory_space<vmem>>[vector<16xi32>, vector<16xi32>], vector<16xf32>,
      %parallel_loop3A_816 = arith.index_cast %parallel_loop3A_808 : i32 to index
      %parallel_loop3A_817 = arith.constant 0 : index
      %parallel_loop3A_818 = tpu.vector_load %arg10[%parallel_loop3A_816, %parallel_loop3A_817] {strides = array<i32>} : memref<64x64xf32, #tpu.memory_space<vmem>>, vector<16xf32>,
      tpu.vector_store %arg10[%parallel_loop3A_816, %parallel_loop3A_817], %parallel_loop3A_815 {strides = array<i32>} : memref<64x64xf32, #tpu.memory_space<vmem>>, vector<16xf32>,
      %parallel_loop3A_819 = arith.constant 9 : i32
      %parallel_loop3A_820 = arith.constant 0 : i32
      %parallel_loop3A_821 = arith.constant 0 : i32
      %parallel_loop3A_822 = tpu.memref_slice %arg8[%parallel_loop3A_819, %parallel_loop3A_820, %parallel_loop3A_821] : memref<12x64x72xf32, #tpu.memory_space<vmem>> -> memref<1x64x72xf32, #tpu.memory_space<vmem>>
      %parallel_loop3A_823 = tpu.memref_squeeze %parallel_loop3A_822 : memref<1x64x72xf32, #tpu.memory_space<vmem>> -> memref<64x72xf32, #tpu.memory_space<vmem>>
      %parallel_loop3A_824 = tpu.vector_load_idx %parallel_loop3A_823[%parallel_loop3A_809, %add3A_184] : memref<64x72xf32, #tpu.memory_space<vmem>>[vector<16xi32>, vector<16xi32>], vector<16xf32>,
      %parallel_loop3A_825 = arith.index_cast %parallel_loop3A_808 : i32 to index
      %parallel_loop3A_826 = arith.constant 16 : index
      %parallel_loop3A_827 = tpu.vector_load %arg10[%parallel_loop3A_825, %parallel_loop3A_826] {strides = array<i32>} : memref<64x64xf32, #tpu.memory_space<vmem>>, vector<16xf32>,
      tpu.vector_store %arg10[%parallel_loop3A_825, %parallel_loop3A_826], %parallel_loop3A_824 {strides = array<i32>} : memref<64x64xf32, #tpu.memory_space<vmem>>, vector<16xf32>,
      %parallel_loop3A_828 = arith.constant 9 : i32
      %parallel_loop3A_829 = arith.constant 0 : i32
      %parallel_loop3A_830 = arith.constant 0 : i32
      %parallel_loop3A_831 = tpu.memref_slice %arg8[%parallel_loop3A_828, %parallel_loop3A_829, %parallel_loop3A_830] : memref<12x64x72xf32, #tpu.memory_space<vmem>> -> memref<1x64x72xf32, #tpu.memory_space<vmem>>
      %parallel_loop3A_832 = tpu.memref_squeeze %parallel_loop3A_831 : memref<1x64x72xf32, #tpu.memory_space<vmem>> -> memref<64x72xf32, #tpu.memory_space<vmem>>
      %parallel_loop3A_833 = tpu.vector_load_idx %parallel_loop3A_832[%parallel_loop3A_809, %add3A_185] : memref<64x72xf32, #tpu.memory_space<vmem>>[vector<16xi32>, vector<16xi32>], vector<16xf32>,
      %parallel_loop3A_834 = arith.index_cast %parallel_loop3A_808 : i32 to index
      %parallel_loop3A_835 = arith.constant 32 : index
      %parallel_loop3A_836 = tpu.vector_load %arg10[%parallel_loop3A_834, %parallel_loop3A_835] {strides = array<i32>} : memref<64x64xf32, #tpu.memory_space<vmem>>, vector<16xf32>,
      tpu.vector_store %arg10[%parallel_loop3A_834, %parallel_loop3A_835], %parallel_loop3A_833 {strides = array<i32>} : memref<64x64xf32, #tpu.memory_space<vmem>>, vector<16xf32>,
      %parallel_loop3A_837 = arith.constant 9 : i32
      %parallel_loop3A_838 = arith.constant 0 : i32
      %parallel_loop3A_839 = arith.constant 0 : i32
      %parallel_loop3A_840 = tpu.memref_slice %arg8[%parallel_loop3A_837, %parallel_loop3A_838, %parallel_loop3A_839] : memref<12x64x72xf32, #tpu.memory_space<vmem>> -> memref<1x64x72xf32, #tpu.memory_space<vmem>>
      %parallel_loop3A_841 = tpu.memref_squeeze %parallel_loop3A_840 : memref<1x64x72xf32, #tpu.memory_space<vmem>> -> memref<64x72xf32, #tpu.memory_space<vmem>>
      %parallel_loop3A_842 = tpu.vector_load_idx %parallel_loop3A_841[%parallel_loop3A_809, %add3A_186] : memref<64x72xf32, #tpu.memory_space<vmem>>[vector<16xi32>, vector<16xi32>], vector<16xf32>,
      %parallel_loop3A_843 = arith.index_cast %parallel_loop3A_808 : i32 to index
      %parallel_loop3A_844 = arith.constant 48 : index
      %parallel_loop3A_845 = tpu.vector_load %arg10[%parallel_loop3A_843, %parallel_loop3A_844] {strides = array<i32>} : memref<64x64xf32, #tpu.memory_space<vmem>>, vector<16xf32>,
      tpu.vector_store %arg10[%parallel_loop3A_843, %parallel_loop3A_844], %parallel_loop3A_842 {strides = array<i32>} : memref<64x64xf32, #tpu.memory_space<vmem>>, vector<16xf32>,
      %parallel_loop3A_846 = arith.constant 1 : i32
      %parallel_loop3A_847 = vector.broadcast %parallel_loop3A_846 : i32 to vector<16xi32>
      %parallel_loop3A_848 = arith.addi %parallel_loop3A_809, %parallel_loop3A_847 : vector<16xi32>
      scf.yield %parallel_loop3A_848 : vector<16xi32>
    } {sc.loop_unroll_factor = 4 : i64, sc.parallel_access}
    %dma_start3A_687 = arith.constant 3 : i32
    %dma_start3A_688 = arith.constant 0 : i32
    %dma_start3A_689 = arith.constant 0 : i32
    %dma_start3A_690 = tpu.memref_slice %arg5[%add3A_120, %dma_start3A_687, %dma_start3A_688, %dma_start3A_689] : memref<64x6x64x64xf32, #tpu.memory_space<hbm>> -> memref<1x1x64x64xf32, #tpu.memory_space<hbm>>
    %dma_start3A_691 = tpu.memref_squeeze %dma_start3A_690 : memref<1x1x64x64xf32, #tpu.memory_space<hbm>> -> memref<64x64xf32, #tpu.memory_space<hbm>>
    %dma_start3A_692 = arith.constant 0 : i32
    %dma_start3A_693 = arith.constant 0 : i32
    %dma_start3A_694 = tpu.memref_slice %arg5[%add3A_120, %dma_start3A_687, %dma_start3A_692, %dma_start3A_693] : memref<64x6x64x64xf32, #tpu.memory_space<hbm>> -> memref<1x1x64x64xf32, #tpu.memory_space<hbm>>
    %dma_start3A_695 = tpu.memref_squeeze %dma_start3A_694 : memref<1x1x64x64xf32, #tpu.memory_space<hbm>> -> memref<64x64xf32, #tpu.memory_space<hbm>>
    tpu.enqueue_dma source(%arg10 : memref<64x64xf32, #tpu.memory_space<vmem>>) target(%dma_start3A_695 : memref<64x64xf32, #tpu.memory_space<hbm>>) target_semaphore(%arg14 : memref<!tpu.dma_semaphore, #tpu.memory_space<semaphore_mem>>)
    %dma_wait3A_696 = arith.constant 1 : i32
    %dma_wait3A_697 = arith.constant 10 : i32
    %dma_wait3A_698 = arith.constant 0 : i32
    %dma_wait3A_699 = arith.constant 0 : i32
    %dma_wait3A_700 = tpu.memref_slice %arg8[%dma_wait3A_697, %dma_wait3A_698, %dma_wait3A_699] : memref<12x64x72xf32, #tpu.memory_space<vmem>> -> memref<1x64x72xf32, #tpu.memory_space<vmem>>
    %dma_wait3A_701 = tpu.memref_squeeze %dma_wait3A_700 : memref<1x64x72xf32, #tpu.memory_space<vmem>> -> memref<64x72xf32, #tpu.memory_space<vmem>>
    %dma_wait3A_702 = tpu.memref_slice %arg2[%dma_wait3A_696, %reduce_sum3A_164, %multiple_of3A_178] : memref<3x576x576xf32, #tpu.memory_space<hbm>> -> memref<1x64x72xf32, #tpu.memory_space<hbm>>
    %dma_wait3A_703 = tpu.memref_squeeze %dma_wait3A_702 : memref<1x64x72xf32, #tpu.memory_space<hbm>> -> memref<64x72xf32, #tpu.memory_space<hbm>>
    %dma_wait3A_704 = arith.constant 0 : i32
    %dma_wait3A_705 = arith.constant 0 : i32
    %dma_wait3A_706 = tpu.memref_slice %arg8[%dma_wait3A_697, %dma_wait3A_704, %dma_wait3A_705] : memref<12x64x72xf32, #tpu.memory_space<vmem>> -> memref<1x64x72xf32, #tpu.memory_space<vmem>>
    %dma_wait3A_707 = tpu.memref_squeeze %dma_wait3A_706 : memref<1x64x72xf32, #tpu.memory_space<vmem>> -> memref<64x72xf32, #tpu.memory_space<vmem>>
    %dma_wait3A_708 = tpu.memref_slice %arg2[%dma_wait3A_696, %reduce_sum3A_164, %multiple_of3A_178] : memref<3x576x576xf32, #tpu.memory_space<hbm>> -> memref<1x64x72xf32, #tpu.memory_space<hbm>>
    %dma_wait3A_709 = tpu.memref_squeeze %dma_wait3A_708 : memref<1x64x72xf32, #tpu.memory_space<hbm>> -> memref<64x72xf32, #tpu.memory_space<hbm>>
    tpu.wait_dma2 semaphore(%arg13 : memref<!tpu.dma_semaphore, #tpu.memory_space<semaphore_mem>>) src(%dma_wait3A_709 : memref<64x72xf32, #tpu.memory_space<hbm>>) dst(%dma_wait3A_707 : memref<64x72xf32, #tpu.memory_space<vmem>>)
    %dma_wait3A_710 = arith.constant 0 : i32
    %dma_wait3A_711 = arith.constant 0 : i32
    %dma_wait3A_712 = arith.constant 0 : i32
    %dma_wait3A_713 = tpu.memref_slice %arg5[%add3A_120, %dma_wait3A_710, %dma_wait3A_711, %dma_wait3A_712] : memref<64x6x64x64xf32, #tpu.memory_space<hbm>> -> memref<1x1x64x64xf32, #tpu.memory_space<hbm>>
    %dma_wait3A_714 = tpu.memref_squeeze %dma_wait3A_713 : memref<1x1x64x64xf32, #tpu.memory_space<hbm>> -> memref<64x64xf32, #tpu.memory_space<hbm>>
    %dma_wait3A_715 = arith.constant 0 : i32
    %dma_wait3A_716 = arith.constant 0 : i32
    %dma_wait3A_717 = tpu.memref_slice %arg5[%add3A_120, %dma_wait3A_710, %dma_wait3A_715, %dma_wait3A_716] : memref<64x6x64x64xf32, #tpu.memory_space<hbm>> -> memref<1x1x64x64xf32, #tpu.memory_space<hbm>>
    %dma_wait3A_718 = tpu.memref_squeeze %dma_wait3A_717 : memref<1x1x64x64xf32, #tpu.memory_space<hbm>> -> memref<64x64xf32, #tpu.memory_space<hbm>>
    tpu.wait_dma2 semaphore(%arg14 : memref<!tpu.dma_semaphore, #tpu.memory_space<semaphore_mem>>) src(%arg11 : memref<64x64xf32, #tpu.memory_space<vmem>>) dst(%dma_wait3A_718 : memref<64x64xf32, #tpu.memory_space<hbm>>)
    %broadcast_in_dim3A_719 = arith.constant 0 : i32
    %broadcast_in_dim3A_720 = vector.broadcast %broadcast_in_dim3A_719 : i32 to vector<16xi32>
    %parallel_loop3A_721 = arith.constant 0 : i32
    %parallel_loop3A_722 = arith.constant 64 : i32
    %parallel_loop3A_723 = arith.constant 1 : i32
    %parallel_loop3A_724 = scf.for %parallel_loop3A_808 = %parallel_loop3A_721 to %parallel_loop3A_722 step %parallel_loop3A_723 iter_args(%parallel_loop3A_809 = %broadcast_in_dim3A_720) -> (vector<16xi32>)  : i32 {
      %parallel_loop3A_810 = arith.constant 10 : i32
      %parallel_loop3A_811 = arith.constant 0 : i32
      %parallel_loop3A_812 = arith.constant 0 : i32
      %parallel_loop3A_813 = tpu.memref_slice %arg8[%parallel_loop3A_810, %parallel_loop3A_811, %parallel_loop3A_812] : memref<12x64x72xf32, #tpu.memory_space<vmem>> -> memref<1x64x72xf32, #tpu.memory_space<vmem>>
      %parallel_loop3A_814 = tpu.memref_squeeze %parallel_loop3A_813 : memref<1x64x72xf32, #tpu.memory_space<vmem>> -> memref<64x72xf32, #tpu.memory_space<vmem>>
      %parallel_loop3A_815 = tpu.vector_load_idx %parallel_loop3A_814[%parallel_loop3A_809, %add3A_183] : memref<64x72xf32, #tpu.memory_space<vmem>>[vector<16xi32>, vector<16xi32>], vector<16xf32>,
      %parallel_loop3A_816 = arith.index_cast %parallel_loop3A_808 : i32 to index
      %parallel_loop3A_817 = arith.constant 0 : index
      %parallel_loop3A_818 = tpu.vector_load %arg11[%parallel_loop3A_816, %parallel_loop3A_817] {strides = array<i32>} : memref<64x64xf32, #tpu.memory_space<vmem>>, vector<16xf32>,
      tpu.vector_store %arg11[%parallel_loop3A_816, %parallel_loop3A_817], %parallel_loop3A_815 {strides = array<i32>} : memref<64x64xf32, #tpu.memory_space<vmem>>, vector<16xf32>,
      %parallel_loop3A_819 = arith.constant 10 : i32
      %parallel_loop3A_820 = arith.constant 0 : i32
      %parallel_loop3A_821 = arith.constant 0 : i32
      %parallel_loop3A_822 = tpu.memref_slice %arg8[%parallel_loop3A_819, %parallel_loop3A_820, %parallel_loop3A_821] : memref<12x64x72xf32, #tpu.memory_space<vmem>> -> memref<1x64x72xf32, #tpu.memory_space<vmem>>
      %parallel_loop3A_823 = tpu.memref_squeeze %parallel_loop3A_822 : memref<1x64x72xf32, #tpu.memory_space<vmem>> -> memref<64x72xf32, #tpu.memory_space<vmem>>
      %parallel_loop3A_824 = tpu.vector_load_idx %parallel_loop3A_823[%parallel_loop3A_809, %add3A_184] : memref<64x72xf32, #tpu.memory_space<vmem>>[vector<16xi32>, vector<16xi32>], vector<16xf32>,
      %parallel_loop3A_825 = arith.index_cast %parallel_loop3A_808 : i32 to index
      %parallel_loop3A_826 = arith.constant 16 : index
      %parallel_loop3A_827 = tpu.vector_load %arg11[%parallel_loop3A_825, %parallel_loop3A_826] {strides = array<i32>} : memref<64x64xf32, #tpu.memory_space<vmem>>, vector<16xf32>,
      tpu.vector_store %arg11[%parallel_loop3A_825, %parallel_loop3A_826], %parallel_loop3A_824 {strides = array<i32>} : memref<64x64xf32, #tpu.memory_space<vmem>>, vector<16xf32>,
      %parallel_loop3A_828 = arith.constant 10 : i32
      %parallel_loop3A_829 = arith.constant 0 : i32
      %parallel_loop3A_830 = arith.constant 0 : i32
      %parallel_loop3A_831 = tpu.memref_slice %arg8[%parallel_loop3A_828, %parallel_loop3A_829, %parallel_loop3A_830] : memref<12x64x72xf32, #tpu.memory_space<vmem>> -> memref<1x64x72xf32, #tpu.memory_space<vmem>>
      %parallel_loop3A_832 = tpu.memref_squeeze %parallel_loop3A_831 : memref<1x64x72xf32, #tpu.memory_space<vmem>> -> memref<64x72xf32, #tpu.memory_space<vmem>>
      %parallel_loop3A_833 = tpu.vector_load_idx %parallel_loop3A_832[%parallel_loop3A_809, %add3A_185] : memref<64x72xf32, #tpu.memory_space<vmem>>[vector<16xi32>, vector<16xi32>], vector<16xf32>,
      %parallel_loop3A_834 = arith.index_cast %parallel_loop3A_808 : i32 to index
      %parallel_loop3A_835 = arith.constant 32 : index
      %parallel_loop3A_836 = tpu.vector_load %arg11[%parallel_loop3A_834, %parallel_loop3A_835] {strides = array<i32>} : memref<64x64xf32, #tpu.memory_space<vmem>>, vector<16xf32>,
      tpu.vector_store %arg11[%parallel_loop3A_834, %parallel_loop3A_835], %parallel_loop3A_833 {strides = array<i32>} : memref<64x64xf32, #tpu.memory_space<vmem>>, vector<16xf32>,
      %parallel_loop3A_837 = arith.constant 10 : i32
      %parallel_loop3A_838 = arith.constant 0 : i32
      %parallel_loop3A_839 = arith.constant 0 : i32
      %parallel_loop3A_840 = tpu.memref_slice %arg8[%parallel_loop3A_837, %parallel_loop3A_838, %parallel_loop3A_839] : memref<12x64x72xf32, #tpu.memory_space<vmem>> -> memref<1x64x72xf32, #tpu.memory_space<vmem>>
      %parallel_loop3A_841 = tpu.memref_squeeze %parallel_loop3A_840 : memref<1x64x72xf32, #tpu.memory_space<vmem>> -> memref<64x72xf32, #tpu.memory_space<vmem>>
      %parallel_loop3A_842 = tpu.vector_load_idx %parallel_loop3A_841[%parallel_loop3A_809, %add3A_186] : memref<64x72xf32, #tpu.memory_space<vmem>>[vector<16xi32>, vector<16xi32>], vector<16xf32>,
      %parallel_loop3A_843 = arith.index_cast %parallel_loop3A_808 : i32 to index
      %parallel_loop3A_844 = arith.constant 48 : index
      %parallel_loop3A_845 = tpu.vector_load %arg11[%parallel_loop3A_843, %parallel_loop3A_844] {strides = array<i32>} : memref<64x64xf32, #tpu.memory_space<vmem>>, vector<16xf32>,
      tpu.vector_store %arg11[%parallel_loop3A_843, %parallel_loop3A_844], %parallel_loop3A_842 {strides = array<i32>} : memref<64x64xf32, #tpu.memory_space<vmem>>, vector<16xf32>,
      %parallel_loop3A_846 = arith.constant 1 : i32
      %parallel_loop3A_847 = vector.broadcast %parallel_loop3A_846 : i32 to vector<16xi32>
      %parallel_loop3A_848 = arith.addi %parallel_loop3A_809, %parallel_loop3A_847 : vector<16xi32>
      scf.yield %parallel_loop3A_848 : vector<16xi32>
    } {sc.loop_unroll_factor = 4 : i64, sc.parallel_access}
    %dma_start3A_725 = arith.constant 4 : i32
    %dma_start3A_726 = arith.constant 0 : i32
    %dma_start3A_727 = arith.constant 0 : i32
    %dma_start3A_728 = tpu.memref_slice %arg5[%add3A_120, %dma_start3A_725, %dma_start3A_726, %dma_start3A_727] : memref<64x6x64x64xf32, #tpu.memory_space<hbm>> -> memref<1x1x64x64xf32, #tpu.memory_space<hbm>>
    %dma_start3A_729 = tpu.memref_squeeze %dma_start3A_728 : memref<1x1x64x64xf32, #tpu.memory_space<hbm>> -> memref<64x64xf32, #tpu.memory_space<hbm>>
    %dma_start3A_730 = arith.constant 0 : i32
    %dma_start3A_731 = arith.constant 0 : i32
    %dma_start3A_732 = tpu.memref_slice %arg5[%add3A_120, %dma_start3A_725, %dma_start3A_730, %dma_start3A_731] : memref<64x6x64x64xf32, #tpu.memory_space<hbm>> -> memref<1x1x64x64xf32, #tpu.memory_space<hbm>>
    %dma_start3A_733 = tpu.memref_squeeze %dma_start3A_732 : memref<1x1x64x64xf32, #tpu.memory_space<hbm>> -> memref<64x64xf32, #tpu.memory_space<hbm>>
    tpu.enqueue_dma source(%arg11 : memref<64x64xf32, #tpu.memory_space<vmem>>) target(%dma_start3A_733 : memref<64x64xf32, #tpu.memory_space<hbm>>) target_semaphore(%arg14 : memref<!tpu.dma_semaphore, #tpu.memory_space<semaphore_mem>>)
    %dma_wait3A_734 = arith.constant 2 : i32
    %dma_wait3A_735 = arith.constant 11 : i32
    %dma_wait3A_736 = arith.constant 0 : i32
    %dma_wait3A_737 = arith.constant 0 : i32
    %dma_wait3A_738 = tpu.memref_slice %arg8[%dma_wait3A_735, %dma_wait3A_736, %dma_wait3A_737] : memref<12x64x72xf32, #tpu.memory_space<vmem>> -> memref<1x64x72xf32, #tpu.memory_space<vmem>>
    %dma_wait3A_739 = tpu.memref_squeeze %dma_wait3A_738 : memref<1x64x72xf32, #tpu.memory_space<vmem>> -> memref<64x72xf32, #tpu.memory_space<vmem>>
    %dma_wait3A_740 = tpu.memref_slice %arg2[%dma_wait3A_734, %reduce_sum3A_164, %multiple_of3A_178] : memref<3x576x576xf32, #tpu.memory_space<hbm>> -> memref<1x64x72xf32, #tpu.memory_space<hbm>>
    %dma_wait3A_741 = tpu.memref_squeeze %dma_wait3A_740 : memref<1x64x72xf32, #tpu.memory_space<hbm>> -> memref<64x72xf32, #tpu.memory_space<hbm>>
    %dma_wait3A_742 = arith.constant 0 : i32
    %dma_wait3A_743 = arith.constant 0 : i32
    %dma_wait3A_744 = tpu.memref_slice %arg8[%dma_wait3A_735, %dma_wait3A_742, %dma_wait3A_743] : memref<12x64x72xf32, #tpu.memory_space<vmem>> -> memref<1x64x72xf32, #tpu.memory_space<vmem>>
    %dma_wait3A_745 = tpu.memref_squeeze %dma_wait3A_744 : memref<1x64x72xf32, #tpu.memory_space<vmem>> -> memref<64x72xf32, #tpu.memory_space<vmem>>
    %dma_wait3A_746 = tpu.memref_slice %arg2[%dma_wait3A_734, %reduce_sum3A_164, %multiple_of3A_178] : memref<3x576x576xf32, #tpu.memory_space<hbm>> -> memref<1x64x72xf32, #tpu.memory_space<hbm>>
    %dma_wait3A_747 = tpu.memref_squeeze %dma_wait3A_746 : memref<1x64x72xf32, #tpu.memory_space<hbm>> -> memref<64x72xf32, #tpu.memory_space<hbm>>
    tpu.wait_dma2 semaphore(%arg13 : memref<!tpu.dma_semaphore, #tpu.memory_space<semaphore_mem>>) src(%dma_wait3A_747 : memref<64x72xf32, #tpu.memory_space<hbm>>) dst(%dma_wait3A_745 : memref<64x72xf32, #tpu.memory_space<vmem>>)
    %dma_wait3A_748 = arith.constant 1 : i32
    %dma_wait3A_749 = arith.constant 0 : i32
    %dma_wait3A_750 = arith.constant 0 : i32
    %dma_wait3A_751 = tpu.memref_slice %arg5[%add3A_120, %dma_wait3A_748, %dma_wait3A_749, %dma_wait3A_750] : memref<64x6x64x64xf32, #tpu.memory_space<hbm>> -> memref<1x1x64x64xf32, #tpu.memory_space<hbm>>
    %dma_wait3A_752 = tpu.memref_squeeze %dma_wait3A_751 : memref<1x1x64x64xf32, #tpu.memory_space<hbm>> -> memref<64x64xf32, #tpu.memory_space<hbm>>
    %dma_wait3A_753 = arith.constant 0 : i32
    %dma_wait3A_754 = arith.constant 0 : i32
    %dma_wait3A_755 = tpu.memref_slice %arg5[%add3A_120, %dma_wait3A_748, %dma_wait3A_753, %dma_wait3A_754] : memref<64x6x64x64xf32, #tpu.memory_space<hbm>> -> memref<1x1x64x64xf32, #tpu.memory_space<hbm>>
    %dma_wait3A_756 = tpu.memref_squeeze %dma_wait3A_755 : memref<1x1x64x64xf32, #tpu.memory_space<hbm>> -> memref<64x64xf32, #tpu.memory_space<hbm>>
    tpu.wait_dma2 semaphore(%arg14 : memref<!tpu.dma_semaphore, #tpu.memory_space<semaphore_mem>>) src(%arg12 : memref<64x64xf32, #tpu.memory_space<vmem>>) dst(%dma_wait3A_756 : memref<64x64xf32, #tpu.memory_space<hbm>>)
    %broadcast_in_dim3A_757 = arith.constant 0 : i32
    %broadcast_in_dim3A_758 = vector.broadcast %broadcast_in_dim3A_757 : i32 to vector<16xi32>
    %parallel_loop3A_759 = arith.constant 0 : i32
    %parallel_loop3A_760 = arith.constant 64 : i32
    %parallel_loop3A_761 = arith.constant 1 : i32
    %parallel_loop3A_762 = scf.for %parallel_loop3A_808 = %parallel_loop3A_759 to %parallel_loop3A_760 step %parallel_loop3A_761 iter_args(%parallel_loop3A_809 = %broadcast_in_dim3A_758) -> (vector<16xi32>)  : i32 {
      %parallel_loop3A_810 = arith.constant 11 : i32
      %parallel_loop3A_811 = arith.constant 0 : i32
      %parallel_loop3A_812 = arith.constant 0 : i32
      %parallel_loop3A_813 = tpu.memref_slice %arg8[%parallel_loop3A_810, %parallel_loop3A_811, %parallel_loop3A_812] : memref<12x64x72xf32, #tpu.memory_space<vmem>> -> memref<1x64x72xf32, #tpu.memory_space<vmem>>
      %parallel_loop3A_814 = tpu.memref_squeeze %parallel_loop3A_813 : memref<1x64x72xf32, #tpu.memory_space<vmem>> -> memref<64x72xf32, #tpu.memory_space<vmem>>
      %parallel_loop3A_815 = tpu.vector_load_idx %parallel_loop3A_814[%parallel_loop3A_809, %add3A_183] : memref<64x72xf32, #tpu.memory_space<vmem>>[vector<16xi32>, vector<16xi32>], vector<16xf32>,
      %parallel_loop3A_816 = arith.index_cast %parallel_loop3A_808 : i32 to index
      %parallel_loop3A_817 = arith.constant 0 : index
      %parallel_loop3A_818 = tpu.vector_load %arg12[%parallel_loop3A_816, %parallel_loop3A_817] {strides = array<i32>} : memref<64x64xf32, #tpu.memory_space<vmem>>, vector<16xf32>,
      tpu.vector_store %arg12[%parallel_loop3A_816, %parallel_loop3A_817], %parallel_loop3A_815 {strides = array<i32>} : memref<64x64xf32, #tpu.memory_space<vmem>>, vector<16xf32>,
      %parallel_loop3A_819 = arith.constant 11 : i32
      %parallel_loop3A_820 = arith.constant 0 : i32
      %parallel_loop3A_821 = arith.constant 0 : i32
      %parallel_loop3A_822 = tpu.memref_slice %arg8[%parallel_loop3A_819, %parallel_loop3A_820, %parallel_loop3A_821] : memref<12x64x72xf32, #tpu.memory_space<vmem>> -> memref<1x64x72xf32, #tpu.memory_space<vmem>>
      %parallel_loop3A_823 = tpu.memref_squeeze %parallel_loop3A_822 : memref<1x64x72xf32, #tpu.memory_space<vmem>> -> memref<64x72xf32, #tpu.memory_space<vmem>>
      %parallel_loop3A_824 = tpu.vector_load_idx %parallel_loop3A_823[%parallel_loop3A_809, %add3A_184] : memref<64x72xf32, #tpu.memory_space<vmem>>[vector<16xi32>, vector<16xi32>], vector<16xf32>,
      %parallel_loop3A_825 = arith.index_cast %parallel_loop3A_808 : i32 to index
      %parallel_loop3A_826 = arith.constant 16 : index
      %parallel_loop3A_827 = tpu.vector_load %arg12[%parallel_loop3A_825, %parallel_loop3A_826] {strides = array<i32>} : memref<64x64xf32, #tpu.memory_space<vmem>>, vector<16xf32>,
      tpu.vector_store %arg12[%parallel_loop3A_825, %parallel_loop3A_826], %parallel_loop3A_824 {strides = array<i32>} : memref<64x64xf32, #tpu.memory_space<vmem>>, vector<16xf32>,
      %parallel_loop3A_828 = arith.constant 11 : i32
      %parallel_loop3A_829 = arith.constant 0 : i32
      %parallel_loop3A_830 = arith.constant 0 : i32
      %parallel_loop3A_831 = tpu.memref_slice %arg8[%parallel_loop3A_828, %parallel_loop3A_829, %parallel_loop3A_830] : memref<12x64x72xf32, #tpu.memory_space<vmem>> -> memref<1x64x72xf32, #tpu.memory_space<vmem>>
      %parallel_loop3A_832 = tpu.memref_squeeze %parallel_loop3A_831 : memref<1x64x72xf32, #tpu.memory_space<vmem>> -> memref<64x72xf32, #tpu.memory_space<vmem>>
      %parallel_loop3A_833 = tpu.vector_load_idx %parallel_loop3A_832[%parallel_loop3A_809, %add3A_185] : memref<64x72xf32, #tpu.memory_space<vmem>>[vector<16xi32>, vector<16xi32>], vector<16xf32>,
      %parallel_loop3A_834 = arith.index_cast %parallel_loop3A_808 : i32 to index
      %parallel_loop3A_835 = arith.constant 32 : index
      %parallel_loop3A_836 = tpu.vector_load %arg12[%parallel_loop3A_834, %parallel_loop3A_835] {strides = array<i32>} : memref<64x64xf32, #tpu.memory_space<vmem>>, vector<16xf32>,
      tpu.vector_store %arg12[%parallel_loop3A_834, %parallel_loop3A_835], %parallel_loop3A_833 {strides = array<i32>} : memref<64x64xf32, #tpu.memory_space<vmem>>, vector<16xf32>,
      %parallel_loop3A_837 = arith.constant 11 : i32
      %parallel_loop3A_838 = arith.constant 0 : i32
      %parallel_loop3A_839 = arith.constant 0 : i32
      %parallel_loop3A_840 = tpu.memref_slice %arg8[%parallel_loop3A_837, %parallel_loop3A_838, %parallel_loop3A_839] : memref<12x64x72xf32, #tpu.memory_space<vmem>> -> memref<1x64x72xf32, #tpu.memory_space<vmem>>
      %parallel_loop3A_841 = tpu.memref_squeeze %parallel_loop3A_840 : memref<1x64x72xf32, #tpu.memory_space<vmem>> -> memref<64x72xf32, #tpu.memory_space<vmem>>
      %parallel_loop3A_842 = tpu.vector_load_idx %parallel_loop3A_841[%parallel_loop3A_809, %add3A_186] : memref<64x72xf32, #tpu.memory_space<vmem>>[vector<16xi32>, vector<16xi32>], vector<16xf32>,
      %parallel_loop3A_843 = arith.index_cast %parallel_loop3A_808 : i32 to index
      %parallel_loop3A_844 = arith.constant 48 : index
      %parallel_loop3A_845 = tpu.vector_load %arg12[%parallel_loop3A_843, %parallel_loop3A_844] {strides = array<i32>} : memref<64x64xf32, #tpu.memory_space<vmem>>, vector<16xf32>,
      tpu.vector_store %arg12[%parallel_loop3A_843, %parallel_loop3A_844], %parallel_loop3A_842 {strides = array<i32>} : memref<64x64xf32, #tpu.memory_space<vmem>>, vector<16xf32>,
      %parallel_loop3A_846 = arith.constant 1 : i32
      %parallel_loop3A_847 = vector.broadcast %parallel_loop3A_846 : i32 to vector<16xi32>
      %parallel_loop3A_848 = arith.addi %parallel_loop3A_809, %parallel_loop3A_847 : vector<16xi32>
      scf.yield %parallel_loop3A_848 : vector<16xi32>
    } {sc.loop_unroll_factor = 4 : i64, sc.parallel_access}
    %dma_start3A_763 = arith.constant 5 : i32
    %dma_start3A_764 = arith.constant 0 : i32
    %dma_start3A_765 = arith.constant 0 : i32
    %dma_start3A_766 = tpu.memref_slice %arg5[%add3A_120, %dma_start3A_763, %dma_start3A_764, %dma_start3A_765] : memref<64x6x64x64xf32, #tpu.memory_space<hbm>> -> memref<1x1x64x64xf32, #tpu.memory_space<hbm>>
    %dma_start3A_767 = tpu.memref_squeeze %dma_start3A_766 : memref<1x1x64x64xf32, #tpu.memory_space<hbm>> -> memref<64x64xf32, #tpu.memory_space<hbm>>
    %dma_start3A_768 = arith.constant 0 : i32
    %dma_start3A_769 = arith.constant 0 : i32
    %dma_start3A_770 = tpu.memref_slice %arg5[%add3A_120, %dma_start3A_763, %dma_start3A_768, %dma_start3A_769] : memref<64x6x64x64xf32, #tpu.memory_space<hbm>> -> memref<1x1x64x64xf32, #tpu.memory_space<hbm>>
    %dma_start3A_771 = tpu.memref_squeeze %dma_start3A_770 : memref<1x1x64x64xf32, #tpu.memory_space<hbm>> -> memref<64x64xf32, #tpu.memory_space<hbm>>
    tpu.enqueue_dma source(%arg12 : memref<64x64xf32, #tpu.memory_space<vmem>>) target(%dma_start3A_771 : memref<64x64xf32, #tpu.memory_space<hbm>>) target_semaphore(%arg14 : memref<!tpu.dma_semaphore, #tpu.memory_space<semaphore_mem>>)
    %dma_wait3A_772 = arith.constant 2 : i32
    %dma_wait3A_773 = arith.constant 0 : i32
    %dma_wait3A_774 = arith.constant 0 : i32
    %dma_wait3A_775 = tpu.memref_slice %arg5[%add3A_120, %dma_wait3A_772, %dma_wait3A_773, %dma_wait3A_774] : memref<64x6x64x64xf32, #tpu.memory_space<hbm>> -> memref<1x1x64x64xf32, #tpu.memory_space<hbm>>
    %dma_wait3A_776 = tpu.memref_squeeze %dma_wait3A_775 : memref<1x1x64x64xf32, #tpu.memory_space<hbm>> -> memref<64x64xf32, #tpu.memory_space<hbm>>
    %dma_wait3A_777 = arith.constant 0 : i32
    %dma_wait3A_778 = arith.constant 0 : i32
    %dma_wait3A_779 = tpu.memref_slice %arg5[%add3A_120, %dma_wait3A_772, %dma_wait3A_777, %dma_wait3A_778] : memref<64x6x64x64xf32, #tpu.memory_space<hbm>> -> memref<1x1x64x64xf32, #tpu.memory_space<hbm>>
    %dma_wait3A_780 = tpu.memref_squeeze %dma_wait3A_779 : memref<1x1x64x64xf32, #tpu.memory_space<hbm>> -> memref<64x64xf32, #tpu.memory_space<hbm>>
    tpu.wait_dma2 semaphore(%arg14 : memref<!tpu.dma_semaphore, #tpu.memory_space<semaphore_mem>>) src(%arg9 : memref<64x64xf32, #tpu.memory_space<vmem>>) dst(%dma_wait3A_780 : memref<64x64xf32, #tpu.memory_space<hbm>>)
    %dma_wait3A_781 = arith.constant 3 : i32
    %dma_wait3A_782 = arith.constant 0 : i32
    %dma_wait3A_783 = arith.constant 0 : i32
    %dma_wait3A_784 = tpu.memref_slice %arg5[%add3A_120, %dma_wait3A_781, %dma_wait3A_782, %dma_wait3A_783] : memref<64x6x64x64xf32, #tpu.memory_space<hbm>> -> memref<1x1x64x64xf32, #tpu.memory_space<hbm>>
    %dma_wait3A_785 = tpu.memref_squeeze %dma_wait3A_784 : memref<1x1x64x64xf32, #tpu.memory_space<hbm>> -> memref<64x64xf32, #tpu.memory_space<hbm>>
    %dma_wait3A_786 = arith.constant 0 : i32
    %dma_wait3A_787 = arith.constant 0 : i32
    %dma_wait3A_788 = tpu.memref_slice %arg5[%add3A_120, %dma_wait3A_781, %dma_wait3A_786, %dma_wait3A_787] : memref<64x6x64x64xf32, #tpu.memory_space<hbm>> -> memref<1x1x64x64xf32, #tpu.memory_space<hbm>>
    %dma_wait3A_789 = tpu.memref_squeeze %dma_wait3A_788 : memref<1x1x64x64xf32, #tpu.memory_space<hbm>> -> memref<64x64xf32, #tpu.memory_space<hbm>>
    tpu.wait_dma2 semaphore(%arg14 : memref<!tpu.dma_semaphore, #tpu.memory_space<semaphore_mem>>) src(%arg10 : memref<64x64xf32, #tpu.memory_space<vmem>>) dst(%dma_wait3A_789 : memref<64x64xf32, #tpu.memory_space<hbm>>)
    %dma_wait3A_790 = arith.constant 4 : i32
    %dma_wait3A_791 = arith.constant 0 : i32
    %dma_wait3A_792 = arith.constant 0 : i32
    %dma_wait3A_793 = tpu.memref_slice %arg5[%add3A_120, %dma_wait3A_790, %dma_wait3A_791, %dma_wait3A_792] : memref<64x6x64x64xf32, #tpu.memory_space<hbm>> -> memref<1x1x64x64xf32, #tpu.memory_space<hbm>>
    %dma_wait3A_794 = tpu.memref_squeeze %dma_wait3A_793 : memref<1x1x64x64xf32, #tpu.memory_space<hbm>> -> memref<64x64xf32, #tpu.memory_space<hbm>>
    %dma_wait3A_795 = arith.constant 0 : i32
    %dma_wait3A_796 = arith.constant 0 : i32
    %dma_wait3A_797 = tpu.memref_slice %arg5[%add3A_120, %dma_wait3A_790, %dma_wait3A_795, %dma_wait3A_796] : memref<64x6x64x64xf32, #tpu.memory_space<hbm>> -> memref<1x1x64x64xf32, #tpu.memory_space<hbm>>
    %dma_wait3A_798 = tpu.memref_squeeze %dma_wait3A_797 : memref<1x1x64x64xf32, #tpu.memory_space<hbm>> -> memref<64x64xf32, #tpu.memory_space<hbm>>
    tpu.wait_dma2 semaphore(%arg14 : memref<!tpu.dma_semaphore, #tpu.memory_space<semaphore_mem>>) src(%arg11 : memref<64x64xf32, #tpu.memory_space<vmem>>) dst(%dma_wait3A_798 : memref<64x64xf32, #tpu.memory_space<hbm>>)
    %dma_wait3A_799 = arith.constant 5 : i32
    %dma_wait3A_800 = arith.constant 0 : i32
    %dma_wait3A_801 = arith.constant 0 : i32
    %dma_wait3A_802 = tpu.memref_slice %arg5[%add3A_120, %dma_wait3A_799, %dma_wait3A_800, %dma_wait3A_801] : memref<64x6x64x64xf32, #tpu.memory_space<hbm>> -> memref<1x1x64x64xf32, #tpu.memory_space<hbm>>
    %dma_wait3A_803 = tpu.memref_squeeze %dma_wait3A_802 : memref<1x1x64x64xf32, #tpu.memory_space<hbm>> -> memref<64x64xf32, #tpu.memory_space<hbm>>
    %dma_wait3A_804 = arith.constant 0 : i32
    %dma_wait3A_805 = arith.constant 0 : i32
    %dma_wait3A_806 = tpu.memref_slice %arg5[%add3A_120, %dma_wait3A_799, %dma_wait3A_804, %dma_wait3A_805] : memref<64x6x64x64xf32, #tpu.memory_space<hbm>> -> memref<1x1x64x64xf32, #tpu.memory_space<hbm>>
    %dma_wait3A_807 = tpu.memref_squeeze %dma_wait3A_806 : memref<1x1x64x64xf32, #tpu.memory_space<hbm>> -> memref<64x64xf32, #tpu.memory_space<hbm>>
    tpu.wait_dma2 semaphore(%arg14 : memref<!tpu.dma_semaphore, #tpu.memory_space<semaphore_mem>>) src(%arg12 : memref<64x64xf32, #tpu.memory_space<vmem>>) dst(%dma_wait3A_807 : memref<64x64xf32, #tpu.memory_space<hbm>>)
    return
  }
}

</mosaic_0001>

<sc_bundles>
// kernel: kernel.4.cloned.1.call-start
scs
__scs_entry_jumppad:
0x0: {  	(pc) =	sbr.rel $0x88, $3  }
0x1: {  	(tag) =	ssettag $0x0;
	lr =	simm.s32 $0x1  }
0x2: {  	[smem:$0x3F9E] =	sst lr;
	_ =	strace $0xD0000000  }
0x3: {  	_ = 	snop  }
0x4: {  	_ = 	snop  }
0x5: {  	_ = 	snop  }
0x6: {  	_ = 	snop  }
0x7: {  	_ = 	snop  }
__scs_overlays_trampoline_lowered:
0x8: {  	[smem:$0x3FAD] =	sst s0  }
0x9: {  	[smem:$0x3FAE] =	sst s1  }
0xa: {  	[smem:$0x3FAF] =	sst s2  }
0xb: {  	[smem:$0x3FB0] =	sst s3  }
0xc: {  	[smem:$0x3FB1] =	sst s4  }
0xd: {  	[smem:$0x3FB2] =	sst s5  }
0xe: {  	[smem:$0x3FB3] =	sst s6  }
0xf: {  	[smem:$0x3FB4] =	sst s7  }
0x10: {  	[smem:$0x3FB5] =	sst s8  }
0x11: {  	[smem:$0x3FB6] =	sst s9;
	s0 =	simm.s32 @!p0 $0x0  }
0x12: {  	s1 =	sld [smem:$0x3F9C];
	s0 =	simm.s32 @p0 $0x1  }
0x13: {  	[smem:$0x3FB7] =	sst s0;
	s0 =	simm.s32 @!p1 $0x0  }
0x14: {  	s2 =	sld [smem:$0x3F9B];
	s0 =	simm.s32 @p1 $0x1  }
0x15: {  	[smem:$0x3FB8] =	sst s0;
	s0 =	simm.s32 @!p2 $0x0  }
0x16: {  	s3 =	sld [smem:$0x3FDB];
	s0 =	simm.s32 @p2 $0x1  }
0x17: {  	s4 =	simm.s32 $0x1BF5;
	[smem:$0x3FBA] =	sst s0  }
0x18: {  	s0 =	sld [smem:$0x3F9D];
	_ =	swait.ge [sflag:s4], $0x0  }
0x19: {  	s7 =	sld [smem:$0x3F9E]  }
0x1a: {  	s8 =	sadd.s32 $0xFFFFE003, lr  }
0x1b: {  	s9 =	sadd.s32 $0xFFFFFEF7, lr;
	s5 =	simm.s32 $0xFFFFFFFF;
	p2 =	slt.u32 s8, $0xFFFFF086  }
0x1c: {  	p1 =	slt.u32 s9, $0xF7A;
	s5 =	simm.s32 @!p2 $0x0  }
0x1d: {  	s5 =	simm.s32 @p1 $0x1;
	p0 =	seq.s32 s7, s2  }
0x1e: {  	s7 =	smul.u32 @!p0 $0xF7A, s2;
	p2 =	seq.s32 @!p0 s5, $0x0  }
0x1f: {  	s9 =	smul.u32 $0xF7A, s1;
	s8 =	simm.s32 @!p0 $0x1BF5;
	p2 =	por !p2, p0  }
0x20: {  	[sflag:s8] =	ssyncset.s32 @!p0 $0xFFFFF086;
	s6 =	sadd.s32 @!p0 s3, s7;
	s7 =	simm.s32 @!p0 $0x108  }
0x21: {  	s3 =	sadd.s32 s3, s9;
	s6 =	sadd.s32 @!p0 $0x88, s6;
	s7 =	simm.s32 @p2 $0x1082  }
0x22: {  	[simem:s7], [sflag:s8] =	dma.local @!p0 [hbm:s6], $0xF7A  }
0x23: {  	s9 =	sor.u32 $0xD0000000, s2;
	s6 =	simm.s32 $0x108;
	_ =	swait.ge @!p0 [sflag:s8], $0x0  }
0x24: {  	s3 =	sadd.s32 $0x88, s3;
	s6 =	simm.s32 @!p1 $0x1082;
	[sflag:s4] =	ssyncset.s32 $0xFFFFF086  }
0x25: {  	[simem:s6], [sflag:s4] =	dma.local [hbm:s3], $0xF7A  }
0x26: {  	[smem:$0x3F9E] =	sst s1;
	(tag) =	ssettag s2;
	_ =	strace s9  }
0x27: {  	s1 =	sld [smem:$0x3FAE]  }
0x28: {  	s2 =	sld [smem:$0x3FAF]  }
0x29: {  	s4 =	sld [smem:$0x3FB1]  }
0x2a: {  	p0 =	seq.s32 s5, $0x0;
	s5 =	sld [smem:$0x3FB2]  }
0x2b: {  	s6 =	sld [smem:$0x3FB3]  }
0x2c: {  	s7 =	sld [smem:$0x3FB4]  }
0x2d: {  	s3 =	simm.s32 $0x108;
	s8 =	sld [smem:$0x3FB5]  }
0x2e: {  	s3 =	simm.s32 @!p0 $0x1082;
	s9 =	sld [smem:$0x3FB6]  }
0x2f: {  	lr =	sadd.s32 s0, s3;
	s0 =	sld [smem:$0x3FAD]  }
0x30: {  	s3 =	sld [smem:$0x3FB0]  }
0x31: {  	[smem:$0x3FB9] =	sst s10  }
0x32: {  	s10 =	sld [smem:$0x3FB7];
	_ =	sdelay $0x3  }
0x33: {  	p0 =	seq.s32 s10, $0x1;
	s10 =	sld [smem:$0x3FB9];
	_ =	sdelay $0x3  }
0x34: {  	[smem:$0x3FB9] =	sst s10  }
0x35: {  	s10 =	sld [smem:$0x3FB8];
	_ =	sdelay $0x3  }
0x36: {  	p1 =	seq.s32 s10, $0x1;
	s10 =	sld [smem:$0x3FB9];
	_ =	sdelay $0x3  }
0x37: {  	[smem:$0x3FB9] =	sst s10  }
0x38: {  	s10 =	sld [smem:$0x3FBA]  }
0x39: {  	_ = 	snop;
	(pc) =	sbr.ind lr, $3  }
0x3a: {  	_ = 	snop  }
0x3b: {  	_ = 	snop  }
0x3c: {  	p2 =	seq.s32 s10, $0x1;
	s10 =	sld [smem:$0x3FB9]  }
0x3d: {  	_ =	shalt  }
0x3e: {  	_ =	shalt  }
0x3f: {  	_ =	shalt  }
0x40: {  	_ =	shalt  }
0x41: {  	_ =	shalt  }
0x42: {  	_ =	shalt  }
0x43: {  	_ =	shalt  }
0x44: {  	_ =	shalt  }
0x45: {  	_ =	shalt  }
0x46: {  	_ =	shalt  }
0x47: {  	_ =	shalt  }
0x48: {  	_ =	shalt  }
0x49: {  	_ =	shalt  }
0x4a: {  	_ =	shalt  }
0x4b: {  	_ =	shalt  }
0x4c: {  	_ =	shalt  }
0x4d: {  	_ =	shalt  }
0x4e: {  	_ =	shalt  }
0x4f: {  	_ =	shalt  }
0x50: {  	_ =	shalt  }
0x51: {  	_ =	shalt  }
0x52: {  	_ =	shalt  }
0x53: {  	_ =	shalt  }
0x54: {  	_ =	shalt  }
0x55: {  	_ =	shalt  }
0x56: {  	_ =	shalt  }
0x57: {  	_ =	shalt  }
0x58: {  	_ =	shalt  }
0x59: {  	_ =	shalt  }
0x5a: {  	_ =	shalt  }
0x5b: {  	_ =	shalt  }
0x5c: {  	_ =	shalt  }
0x5d: {  	_ =	shalt  }
0x5e: {  	_ =	shalt  }
0x5f: {  	_ =	shalt  }
0x60: {  	_ =	shalt  }
0x61: {  	_ =	shalt  }
0x62: {  	_ =	shalt  }
0x63: {  	_ =	shalt  }
0x64: {  	_ =	shalt  }
0x65: {  	_ =	shalt  }
0x66: {  	_ =	shalt  }
0x67: {  	_ =	shalt  }
0x68: {  	_ =	shalt  }
0x69: {  	_ =	shalt  }
0x6a: {  	_ =	shalt  }
0x6b: {  	_ =	shalt  }
0x6c: {  	_ =	shalt  }
0x6d: {  	_ =	shalt  }
0x6e: {  	_ =	shalt  }
0x6f: {  	_ =	shalt  }
0x70: {  	_ =	shalt  }
0x71: {  	_ =	shalt  }
0x72: {  	_ =	shalt  }
0x73: {  	_ =	shalt  }
0x74: {  	_ =	shalt  }
0x75: {  	_ =	shalt  }
0x76: {  	_ =	shalt  }
0x77: {  	_ =	shalt  }
0x78: {  	_ =	shalt  }
0x79: {  	_ =	shalt  }
0x7a: {  	_ =	shalt  }
0x7b: {  	_ =	shalt  }
0x7c: {  	_ =	shalt  }
0x7d: {  	_ =	shalt  }
0x7e: {  	_ =	shalt  }
0x7f: {  	_ =	shalt  }
0x80: {  	_ =	shalt  }
0x81: {  	_ =	shalt  }
0x82: {  	_ =	shalt  }
0x83: {  	_ =	shalt  }
0x84: {  	_ =	shalt  }
0x85: {  	_ =	shalt  }
0x86: {  	_ =	shalt  }
0x87: {  	_ =	shalt  }
.Lfunc_end0:
.L_simem_size_0:
called_computation_lowered:
.L_overlay_start_0:
0x88: {  	s2 =	sld [smem:$0x3FD9]  }
0x89: {  	s3 =	sld [smem:$0x3FFE];
	_ =	sdelay $0x1  }
0x8a: {  	s1 =	srdreg.scid  }
0x8b: {  	s0 =	sand.u32 $0x1, s1  }
0x8c: {  	s17 =	sshll.u32 s0, $0xA;
	s2 =	sadd.s32 s3, s2  }
0x8d: {  	s2 =	sadd.s32 s2, s17  }
0x8e: {  	[smem:$0x3FC5] =	sst s2  }
0x8f: {  	_ = 	snop  }
0x90: {  	s2 =	sld [smem:$0x3FD0];
	(tm) =	ssettm $0x1  }
0x91: {  	s18 =	sld [smem:$0x3FFB];
	_ =	sdelay $0x3  }
0x92: {  	_ =	strace s18  }
0x93: {  	s3 =	sld [smem:$0x3FFC];
	_ =	sdelay $0x3  }
0x94: {  	_ =	strace s3  }
0x95: {  	s3 =	sld [smem:$0x3FFD];
	_ =	sdelay $0x3  }
0x96: {  	_ =	strace s3  }
0x97: {  	_ =	strace $0x8FFFFFFF  }
0x98: {  	s19 =	sld [smem:$0x3FDB];
	_ =	sdelay $0x1  }
0x99: {  	s4 =	simm.s32 $_scs_section_size  }
0x9a: {  	s5 =	simm.s32 $_size__tile_overlayer_lowered;
	s6 =	simm.s32 $_tile_overlayer_lowered  }
0x9b: {  	s22 =	simm.s32 $0x1BFF;
	s21 =	sshll.u32 s6, $0x1;
	s3 =	sadd.s32 s4, s19  }
0x9c: {  	s7 =	simm.s32 $0x0;
	s20 =	sshll.u32 s5, $0x1;
	s5 =	sadd.s32 s21, s3  }
0x9d: {  	[timem:s7], [sflag:s22] =	dma.local [hbm:s5], s20  }
0x9e: {  	_ =	swait.ge [sflag:s22], s20  }
0x9f: {  	s4 =	ssub.s32 $0x0, s20;
	[sflag:s22] =	ssyncset.done $0x0  }
0xa0: {  	[sflag:s22] =	ssyncadd.s32 s4;
	_ =	sdelay $0x1  }
0xa1: {  	s23 =	simm.s32 $0x1B8B  }
0xa2: {  	_ =	swait.ge [sflag:s23], $0x1  }
0xa3: {  	[sflag:s23] =	ssyncset.done $0x0  }
0xa4: {  	s25 =	simm.s32 $0x1B8E;
	s24 =	sld [smem:$0x3FFE];
	[sflag:s23] =	ssyncadd.s32 $0xFFFFFFFF  }
0xa5: {  	s26 =	simm.s32 $execute0_lowered;
	[smem:$0x3FD2] =	sst s25  }
0xa6: {  	s5 =	sshll.u32 s26, $0x1;
	_ =	strace $0x80000046;
	[dreg:$0x1] =	wrdreg $0xFFFFFFFF  }
0xa7: {  	s28 =	simm.s32 $_size_execute0_lowered;
	s3 =	sadd.s32 s3, s5;
	[dreg:$0x0] =	wrdreg $0x0  }
0xa8: {  	s5 =	sshll.u32 s28, $0x1;
	[dreg:$0x2] =	wrdreg s3  }
0xa9: {  	[dreg:$0x3] =	wrdreg s5  }
0xaa: {  	[dreg:$0x4] =	wrdreg $0xC0  }
0xab: {  	_ =	task [dreg:s7], $0x5FFFF  }
0xac: {  	[dreg:$0x1] =	wrdreg $0xFFFFFFFF  }
0xad: {  	[dreg:$0x0] =	wrdreg $0x60  }
0xae: {  	[dreg:$0x2] =	wrdreg s24  }
0xaf: {  	[dreg:$0x3] =	wrdreg s2  }
0xb0: {  	[dreg:$0x4] =	wrdreg $0x9  }
0xb1: {  	_ =	task.clear_ibuf [dreg:s7], $0x5FFFF;
	_ =	strace $0x90000046  }
0xb2: {  	s29 =	simm.s32 $0x9;
	_ =	strace $0x80000048  }
0xb3: {  	_ =	swait.ge [sflag:s29], $0x1  }
0xb4: {  	[sflag:s29] =	ssyncadd.s32 $0xFFFFFFFF  }
0xb5: {  	_ =	strace $0x90000048  }
0xb6: {  	_ =	sfence  }
0xb7: {  	s30 =	sld [smem:$0x0];
	_ =	sdelay $0x2  }
0xb8: {  	s31 =	sshll.u32 s1, $0xD;
	s1 =	sshrl.u32 s1, $0x2  }
0xb9: {  	s3 =	sand.u32 $0x4000, s31;
	s1 =	sadd.s32 s1, s30  }
0xba: {  	s0 =	sor.u32 s3, s0;
	s1 =	sshll.u32 s1, $0x11  }
0xbb: {  	s0 =	sor.u32 s1, s0  }
0xbc: {  	s0 =	sadd.s32 $0x8F2B, s0  }
0xbd: {  	[sflag:s0] =	ssyncadd.remote.s32 $0x1  }
0xbe: {  	_ =	sfence.sel $0xFFFF  }
0xbf: {  	[dreg:$0x0] =	wrdreg $0xFFFFFFFF;
	(pc) =	sbr.abs _section_cstart, $3  }
0xc0: {  	[dreg:$0x1] =	wrdreg $0xFFFFFFFF  }
0xc1: {  	_ =	task.clear_ibuf [dreg:s7], $0x2FFFF;
	_ =	strace $0x9FFFFFFF  }
0xc2: {  	(tm) =	ssettm $0x7FFFFFFF  }
0xc3: {  	_ =	shalt  }
tec
execute0_lowered:
.L_overlay_start_1:
0x0: {  	(tag) =	ssettag $0x1  }
0x1: {  	s0 =	srdreg.scid;
	s5 =	rddreg [dreg:$0x1]  }
0x2: {  	s2 =	simm.s32 $0x0;
	s3 =	sand.u32 $0x1, s0;
	s0 =	rddreg [dreg:$0x0]  }
0x3: {  	s19 =	simm.s32 $0x240;
	[smem:$0x7FF] =	sst s2  }
0x4: {  	s20 =	simm.s32 $0x480;
	_ =	strace $0x80000047;
	[dreg:$0x8] =	wrdreg s19  }
0x5: {  	s21 =	simm.s32 $0x6C0;
	[dreg:$0x9] =	wrdreg s20  }
0x6: {  	s22 =	simm.s32 $0x900;
	[dreg:$0xa] =	wrdreg s21  }
0x7: {  	s24 =	simm.s32 $0xB40;
	[dreg:$0xb] =	wrdreg s22  }
0x8: {  	s25 =	simm.s32 $0xD80;
	[dreg:$0xc] =	wrdreg s24  }
0x9: {  	s26 =	simm.s32 $0xFC0;
	[dreg:$0xd] =	wrdreg s25  }
0xa: {  	s28 =	simm.s32 $0x1200;
	[dreg:$0xe] =	wrdreg s26  }
0xb: {  	s29 =	simm.s32 $0x1440;
	[dreg:$0xf] =	wrdreg s28  }
0xc: {  	s7 =	simm.s32 $0x1B00;
	[dreg:$0x10] =	wrdreg s29  }
0xd: {  	s8 =	simm.s32 $0x1D40;
	[dreg:$0x13] =	wrdreg s7  }
0xe: {  	s9 =	simm.s32 $0x1F80;
	[dreg:$0x14] =	wrdreg s8  }
0xf: {  	s10 =	simm.s32 $0x21C0;
	[dreg:$0x15] =	wrdreg s9  }
0x10: {  	s11 =	simm.s32 $0x200;
	[dreg:$0x16] =	wrdreg s10  }
0x11: {  	s23 =	stileid.u32;
	s12 =	simm.s32 $0x440;
	[dreg:$0x17] =	wrdreg s11  }
0x12: {  	s13 =	simm.s32 $0x680;
	s14 =	sshll.u32 s23, $0x1;
	[dreg:$0x18] =	wrdreg s12  }
0x13: {  	s1 =	sor.u32 s3, s14;
	[dreg:$0x19] =	wrdreg s13;
	s14 =	simm.s32 $0x8C0  }
0x14: {  	s19 =	simm.s32 $0x1400;
	[dreg:$0x1a] =	wrdreg s14  }
0x15: {  	s20 =	simm.s32 $0x1640;
	[dreg:$0x1f] =	wrdreg s19  }
0x16: {  	s21 =	simm.s32 $0x1880;
	[smem:$0x786] =	sst s20  }
0x17: {  	s22 =	simm.s32 $0x1AC0;
	[smem:$0x787] =	sst s21  }
0x18: {  	s24 =	simm.s32 $0x1D00;
	[smem:$0x788] =	sst s22  }
0x19: {  	s25 =	simm.s32 $0x1F40;
	[smem:$0x789] =	sst s24  }
0x1a: {  	s26 =	simm.s32 $0x2180;
	[smem:$0x78A] =	sst s25  }
0x1b: {  	s28 =	simm.s32 $0x23C0;
	[smem:$0x78B] =	sst s26  }
0x1c: {  	s29 =	simm.s32 $0x6E40;
	[smem:$0x78C] =	sst s28  }
0x1d: {  	s7 =	simm.s32 $0x2640;
	[smem:$0x78D] =	sst s29  }
0x1e: {  	s8 =	simm.s32 $0x2880;
	[smem:$0x790] =	sst s7  }
0x1f: {  	s9 =	simm.s32 $0x2AC0;
	[smem:$0x791] =	sst s8  }
0x20: {  	s10 =	simm.s32 $0x2D00;
	[smem:$0x792] =	sst s9  }
0x21: {  	s11 =	simm.s32 $0x2F40;
	[smem:$0x793] =	sst s10  }
0x22: {  	s12 =	simm.s32 $0x3180;
	[smem:$0x794] =	sst s11  }
0x23: {  	s13 =	simm.s32 $0x33C0;
	[smem:$0x795] =	sst s12  }
0x24: {  	[smem:$0x796] =	sst s13;
	s14 =	simm.s32 $0x3600  }
0x25: {  	s19 =	simm.s32 $0x4140;
	[smem:$0x797] =	sst s14  }
0x26: {  	s20 =	simm.s32 $0x4380;
	[smem:$0x79C] =	sst s19  }
0x27: {  	s21 =	simm.s32 $0x45C0;
	[smem:$0x79D] =	sst s20  }
0x28: {  	s22 =	simm.s32 $0x2600;
	[smem:$0x79E] =	sst s21  }
0x29: {  	s24 =	simm.s32 $0x2840;
	[smem:$0x79F] =	sst s22  }
0x2a: {  	s25 =	simm.s32 $0x2A80;
	[smem:$0x7A0] =	sst s24  }
0x2b: {  	s26 =	simm.s32 $0x2CC0;
	[smem:$0x7A1] =	sst s25  }
0x2c: {  	s28 =	simm.s32 $0x2F00;
	[smem:$0x7A2] =	sst s26  }
0x2d: {  	s29 =	simm.s32 $0x3140;
	[smem:$0x7A3] =	sst s28  }
0x2e: {  	s7 =	simm.s32 $0x3800;
	[smem:$0x7A4] =	sst s29  }
0x2f: {  	s8 =	simm.s32 $0x3A40;
	[smem:$0x7A7] =	sst s7  }
0x30: {  	s9 =	simm.s32 $0x3C80;
	[smem:$0x7A8] =	sst s8  }
0x31: {  	s10 =	simm.s32 $0x3EC0;
	[smem:$0x7A9] =	sst s9  }
0x32: {  	s11 =	simm.s32 $0x4100;
	[smem:$0x7AA] =	sst s10  }
0x33: {  	s12 =	simm.s32 $0x4340;
	[smem:$0x7AB] =	sst s11  }
0x34: {  	s13 =	simm.s32 $0x4580;
	[smem:$0x7AC] =	sst s12  }
0x35: {  	[smem:$0x7AD] =	sst s13;
	s14 =	simm.s32 $0x47C0  }
0x36: {  	s19 =	simm.s32 $0x4C80;
	[smem:$0x7AE] =	sst s14  }
0x37: {  	s20 =	simm.s32 $0x4EC0;
	[smem:$0x7B3] =	sst s19  }
0x38: {  	s21 =	simm.s32 $0x5100;
	[smem:$0x7B4] =	sst s20  }
0x39: {  	s22 =	simm.s32 $0x5340;
	[smem:$0x7B5] =	sst s21  }
0x3a: {  	s25 =	simm.s32 $0x5580;
	[smem:$0x7B6] =	sst s22  }
0x3b: {  	s26 =	simm.s32 $0x57C0;
	[smem:$0x7B7] =	sst s25  }
0x3c: {  	s29 =	simm.s32 $0x5A00;
	[smem:$0x7B8] =	sst s26  }
0x3d: {  	s7 =	simm.s32 $0x5C40;
	[smem:$0x7B9] =	sst s29  }
0x3e: {  	s10 =	simm.s32 $0x5E80;
	[smem:$0x7BA] =	sst s7  }
0x3f: {  	s12 =	simm.s32 $0x60C0;
	[smem:$0x7BB] =	sst s10  }
0x40: {  	s4 =	smul.u32 $0x480, s1;
	s13 =	simm.s32 $0x6300;
	[smem:$0x7BC] =	sst s12  }
0x41: {  	s6 =	smul.u32 $0x2400, s1;
	[smem:$0x7BD] =	sst s13;
	s14 =	simm.s32 $0x6540  }
0x42: {  	s24 =	sadd.s32 $0x800, s0;
	s19 =	simm.s32 $0x4C40;
	[smem:$0x7BE] =	sst s14  }
0x43: {  	s8 =	sshll.u32 s1, $0xA;
	s20 =	simm.s32 $0x4E80;
	[smem:$0x7C2] =	sst s19  }
0x44: {  	s1 =	sshll.u32 s1, $0x7;
	s21 =	simm.s32 $0x50C0;
	[smem:$0x7C3] =	sst s20  }
0x45: {  	s11 =	sadd.s32 s24, s8;
	s22 =	simm.s32 $0x5300;
	[smem:$0x7C4] =	sst s21  }
0x46: {  	s7 =	sadd.s32 s24, s1;
	s24 =	simm.s32 $0x5540;
	[smem:$0x7C5] =	sst s22  }
0x47: {  	s26 =	simm.s32 $0x5780;
	[smem:$0x7C7] =	sst s24  }
0x48: {  	s29 =	simm.s32 $0x59C0;
	[smem:$0x7C9] =	sst s26  }
0x49: {  	s3 =	ssub.s32 $0x2, s3;
	s10 =	simm.s32 $0x6080;
	[smem:$0x7CA] =	sst s29  }
0x4a: {  	s6 =	sshrl.u32 s6, $0x3;
	s13 =	simm.s32 $0x62C0;
	[smem:$0x7CF] =	sst s10  }
0x4b: {  	s4 =	sshrl.u32 s4, $0x3;
	s6 =	sadd.s32 s5, s6;
	[smem:$0x7D1] =	sst s13  }
0x4c: {  	s4 =	sadd.s32 s5, s4;
	s5 =	simm.s32 $0x1680;
	[smem:$0x785] =	sst s6  }
0x4d: {  	s28 =	sshrl.u32 s3, $0x1;
	s25 =	sadd.s32 $0x80, s11;
	[dreg:$0x11] =	wrdreg s5  }
0x4e: {  	s3 =	ssub.s32 s3, s28;
	s28 =	sadd.s32 $0xC0, s11;
	[smem:$0x7C6] =	sst s25  }
0x4f: {  	s12 =	sadd.s32 $0x1C0, s11;
	[smem:$0x7C8] =	sst s28  }
0x50: {  	s14 =	sadd.s32 $0x200, s11;
	[smem:$0x7CE] =	sst s12  }
0x51: {  	s20 =	sadd.s32 $0x280, s11;
	[smem:$0x7D0] =	sst s14  }
0x52: {  	s19 =	simm.s32 $0x6740;
	[smem:$0x7D4] =	sst s20  }
0x53: {  	s24 =	sadd.s32 $0x2C0, s11;
	[smem:$0x7D5] =	sst s19  }
0x54: {  	s22 =	simm.s32 $0x6980;
	[smem:$0x7D6] =	sst s24  }
0x55: {  	s26 =	sadd.s32 $0x300, s11;
	[smem:$0x7D7] =	sst s22  }
0x56: {  	s29 =	sadd.s32 $0x340, s11;
	[smem:$0x7D8] =	sst s26  }
0x57: {  	s10 =	simm.s32 $0x7940;
	[smem:$0x7DA] =	sst s29  }
0x58: {  	s13 =	sadd.s32 $0x40, s7;
	[smem:$0x7DE] =	sst s10  }
0x59: {  	s15 =	sadd.s32 $0x9000, s4;
	[smem:$0x7E0] =	sst s13  }
0x5a: {  	s16 =	sadd.s32 $0xA200, s6;
	[dreg:$0x3] =	wrdreg s15  }
0x5b: {  	s17 =	sadd.s32 $0x13200, s4;
	[dreg:$0x4] =	wrdreg s16  }
0x5c: {  	s18 =	sadd.s32 $0x14400, s6;
	[dreg:$0x5] =	wrdreg s17  }
0x5d: {  	s4 =	sadd.s32 $0x1D400, s4;
	[dreg:$0x6] =	wrdreg s18  }
0x5e: {  	s6 =	simm.s32 $0x18C0;
	[dreg:$0x7] =	wrdreg s4  }
0x5f: {  	s5 =	simm.s32 $0x6E00;
	[dreg:$0x12] =	wrdreg s6  }
0x60: {  	s25 =	simm.s32 $0x6BC0;
	[smem:$0x78E] =	sst s5  }
0x61: {  	s28 =	simm.s32 $0x7740;
	[smem:$0x7D9] =	sst s25  }
0x62: {  	s12 =	sadd.s32 $0x3C0, s11;
	[smem:$0x7DB] =	sst s28  }
0x63: {  	s15 =	simm.s32 $0xB00;
	[smem:$0x7DF] =	sst s12  }
0x64: {  	s16 =	simm.s32 $0xD40;
	[dreg:$0x1b] =	wrdreg s15  }
0x65: {  	s17 =	simm.s32 $0xF80;
	[dreg:$0x1c] =	wrdreg s16  }
0x66: {  	s18 =	simm.s32 $0x11C0;
	[dreg:$0x1d] =	wrdreg s17  }
0x67: {  	s6 =	simm.s32 $0x7040;
	[dreg:$0x1e] =	wrdreg s18  }
0x68: {  	s5 =	simm.s32 $0x3380;
	[smem:$0x78F] =	sst s6  }
0x69: {  	s4 =	smax.u32 s3, $0x1;
	s3 =	simm.s32 $0x5E40;
	[smem:$0x7A5] =	sst s5  }
0x6a: {  	s15 =	simm.s32 $0x3840;
	[smem:$0x7CD] =	sst s3  }
0x6b: {  	s16 =	simm.s32 $0x3A80;
	[smem:$0x798] =	sst s15  }
0x6c: {  	s17 =	simm.s32 $0x3CC0;
	[smem:$0x799] =	sst s16  }
0x6d: {  	s18 =	simm.s32 $0x3F00;
	[smem:$0x79A] =	sst s17  }
0x6e: {  	s6 =	simm.s32 $0x35C0;
	[smem:$0x79B] =	sst s18  }
0x6f: {  	s5 =	sadd.s32 $0x180, s11;
	[smem:$0x7A6] =	sst s6  }
0x70: {  	s3 =	sadd.s32 $0x380, s11;
	[smem:$0x7CC] =	sst s5  }
0x71: {  	s15 =	simm.s32 $0x72C0;
	[smem:$0x7DC] =	sst s3  }
0x72: {  	s16 =	simm.s32 $0x7280;
	[smem:$0x7AF] =	sst s15  }
0x73: {  	s17 =	simm.s32 $0x74C0;
	[smem:$0x7B0] =	sst s16  }
0x74: {  	s18 =	simm.s32 $0x4A40;
	[smem:$0x7B1] =	sst s17  }
0x75: {  	[smem:$0x7B2] =	sst s18;
	s16 =	simm.s32 $0x6780  }
0x76: {  	s15 =	sadd.s32 $0x8800, s0;
	s17 =	simm.s32 $0x69C0;
	[smem:$0x7BF] =	sst s16  }
0x77: {  	s18 =	simm.s32 $0x4A00;
	s0 =	sadd.s32 $0x10800, s0;
	[smem:$0x7C0] =	sst s17  }
0x78: {  	s9 =	sadd.s32 s8, s15;
	s16 =	sadd.s32 s1, s15;
	[smem:$0x7C1] =	sst s18  }
0x79: {  	s6 =	sadd.s32 s8, s0;
	s8 =	sadd.s32 s1, s0;
	s1 =	simm.s32 $0x5C00  }
0x7a: {  	s17 =	sadd.s32 $0x240, s11;
	[smem:$0x7CB] =	sst s1  }
0x7b: {  	s15 =	simm.s32 $0x6500;
	[smem:$0x7D2] =	sst s17  }
0x7c: {  	[smem:$0x7D3] =	sst s15  }
0x7d: {  	[smem:$0x7ED] =	sst s9  }
0x7e: {  	[smem:$0x7FA] =	sst s6  }
0x7f: {  	s1 =	simm.s32 $0x7700;
	[smem:$0x7FC] =	sst s8  }
0x80: {  	s14 =	sadd.s32 $0x80, s9;
	[smem:$0x7DD] =	sst s1  }
0x81: {  	s15 =	sadd.s32 $0xC0, s9;
	[smem:$0x7E1] =	sst s14  }
0x82: {  	s17 =	sadd.s32 $0x100, s9;
	[smem:$0x7E2] =	sst s15  }
0x83: {  	s19 =	sadd.s32 $0x140, s9;
	[smem:$0x7E3] =	sst s17  }
0x84: {  	s20 =	sadd.s32 $0x180, s9;
	[smem:$0x7E4] =	sst s19  }
0x85: {  	s22 =	sadd.s32 $0x1C0, s9;
	[smem:$0x7E5] =	sst s20  }
0x86: {  	s24 =	sadd.s32 $0x200, s9;
	[smem:$0x7E6] =	sst s22  }
0x87: {  	s25 =	sadd.s32 $0x240, s9;
	[smem:$0x7E7] =	sst s24  }
0x88: {  	s26 =	sadd.s32 $0x280, s9;
	[smem:$0x7E8] =	sst s25  }
0x89: {  	s28 =	sadd.s32 $0x2C0, s9;
	[smem:$0x7E9] =	sst s26  }
0x8a: {  	p1 =	sne.s32 s4, $0x1;
	s29 =	sadd.s32 $0x300, s9;
	[smem:$0x7EA] =	sst s28  }
0x8b: {  	s12 =	sadd.s32 $0xFFFFFFFF, s4;
	s4 =	sadd.s32 $0x40, s6;
	[smem:$0x7EB] =	sst s29  }
0x8c: {  	s5 =	sadd.s32 $0x100, s6;
	[smem:$0x7EE] =	sst s4  }
0x8d: {  	s13 =	sadd.s32 $0x140, s6;
	[smem:$0x7EF] =	sst s5  }
0x8e: {  	p0 =	por $0x0, $0x0;
	s1 =	sadd.s32 $0x340, s9;
	[smem:$0x7F0] =	sst s13  }
0x8f: {  	s31 =	sadd.s32 $0x100, s11;
	s14 =	sadd.s32 $0x180, s6;
	[smem:$0x7EC] =	sst s1  }
0x90: {  	s21 =	sadd.s32 $0x140, s11;
	s15 =	sadd.s32 $0x1C0, s6;
	[smem:$0x7F1] =	sst s14  }
0x91: {  	s18 =	sadd.s32 $0x40, s11;
	s17 =	sadd.s32 $0x200, s6;
	[smem:$0x7F2] =	sst s15  }
0x92: {  	s3 =	sadd.s32 $0x40, s9;
	s19 =	sadd.s32 $0x240, s6;
	[smem:$0x7F3] =	sst s17  }
0x93: {  	s10 =	sadd.s32 $0x380, s9;
	s20 =	sadd.s32 $0x280, s6;
	[smem:$0x7F4] =	sst s19  }
0x94: {  	s30 =	sadd.s32 $0x3C0, s9;
	s22 =	sadd.s32 $0x2C0, s6;
	[smem:$0x7F5] =	sst s20  }
0x95: {  	s0 =	sadd.s32 $0x80, s6;
	s24 =	sadd.s32 $0x300, s6;
	[smem:$0x7F6] =	sst s22  }
.Ltmp0:
0x96: {  	s25 =	sadd.s32 $0x340, s6;
	[smem:$0x7F7] =	sst s24;
	(pc) =	sbr.rel @!p1 .LBB2_5-.Ltmp0, $4  }
0x97: {  	s9 =	sadd.s32 $0x40, s16;
	s26 =	sadd.s32 $0x380, s6;
	[smem:$0x7F8] =	sst s25  }
0x98: {  	s28 =	sadd.s32 $0x3C0, s6;
	s29 =	sadd.s32 $0x40, s8;
	[smem:$0x7F9] =	sst s26  }
0x99: {  	s8 =	simm.s32 $0x1;
	s5 =	simm.s32 $0x2;
	[smem:$0x7FB] =	sst s28  }
0x9a: {  	s1 =	sadd.s32 $0xC0, s6;
	[smem:$0x7FD] =	sst s29;
	s14 =	simm.s32 $0x7500  }
0x9b: {  	s4 =	rddreg [dreg:$0x8]  }
0x9c: {  	[tilespmem:s2], [sflag:$0x1] =	stream.linear.gather [hbm4b:s11+s2], $0x200, $0x38;
	[tilespmem:$0x7980] =	vst v63  }
0x9d: {  	s6 =	rddreg [dreg:$0x9]  }
0x9e: {  	s13 =	rddreg [dreg:$0xa]  }
0x9f: {  	[tilespmem:s4], [sflag:$0x1] =	stream.linear.gather [hbm4b:s18+s2], $0x200, $0x38;
	[tilespmem:$0x7980] =	vst v63  }
0xa0: {  	s4 =	sld [smem:$0x7C6]  }
0xa1: {  	s15 =	rddreg [dreg:$0xb]  }
0xa2: {  	s22 =	sld [smem:$0x7C8]  }
0xa3: {  	[tilespmem:s6], [sflag:$0x1] =	stream.linear.gather [hbm4b:s4+s2], $0x200, $0x38;
	[tilespmem:$0x7980] =	vst v63  }
0xa4: {  	s17 =	rddreg [dreg:$0xc]  }
0xa5: {  	[tilespmem:s13], [sflag:$0x1] =	stream.linear.gather [hbm4b:s22+s2], $0x200, $0x38;
	[tilespmem:$0x7980] =	vst v63  }
0xa6: {  	s19 =	rddreg [dreg:$0xd]  }
0xa7: {  	[tilespmem:s15], [sflag:$0x1] =	stream.linear.gather [hbm4b:s31+s2], $0x200, $0x38;
	[tilespmem:$0x7980] =	vst v63  }
0xa8: {  	s13 =	sld [smem:$0x7CC]  }
0xa9: {  	[tilespmem:s17], [sflag:$0x1] =	stream.linear.gather [hbm4b:s21+s2], $0x200, $0x38;
	[tilespmem:$0x7980] =	vst v63  }
0xaa: {  	s15 =	sld [smem:$0x7CE]  }
0xab: {  	[tilespmem:s19], [sflag:$0x1] =	stream.linear.gather [hbm4b:s13+s2], $0x200, $0x38;
	[tilespmem:$0x7980] =	vst v63  }
0xac: {  	s20 =	rddreg [dreg:$0xe]  }
0xad: {  	[tilespmem:s20], [sflag:$0x1] =	stream.linear.gather [hbm4b:s15+s2], $0x200, $0x38;
	[tilespmem:$0x7980] =	vst v63  }
0xae: {  	s20 =	sld [smem:$0x7D0]  }
0xaf: {  	s23 =	rddreg [dreg:$0xf]  }
0xb0: {  	s17 =	sld [smem:$0x7D2]  }
0xb1: {  	[tilespmem:s23], [sflag:$0x1] =	stream.linear.gather [hbm4b:s20+s2], $0x200, $0x38;
	[tilespmem:$0x7980] =	vst v63  }
0xb2: {  	s24 =	rddreg [dreg:$0x10]  }
0xb3: {  	[tilespmem:s24], [sflag:$0x1] =	stream.linear.gather [hbm4b:s17+s2], $0x200, $0x38;
	[tilespmem:$0x7980] =	vst v63  }
0xb4: {  	s24 =	sld [smem:$0x7D4]  }
0xb5: {  	s25 =	rddreg [dreg:$0x11]  }
0xb6: {  	s26 =	rddreg [dreg:$0x12]  }
0xb7: {  	[tilespmem:s25], [sflag:$0x1] =	stream.linear.gather [hbm4b:s24+s2], $0x200, $0x38;
	[tilespmem:$0x7980] =	vst v63  }
0xb8: {  	s25 =	sld [smem:$0x7D6]  }
0xb9: {  	s28 =	rddreg [dreg:$0x13]  }
0xba: {  	s29 =	rddreg [dreg:$0x14]  }
0xbb: {  	[tilespmem:s26], [sflag:$0x1] =	stream.linear.gather [hbm4b:s25+s2], $0x200, $0x38;
	[tilespmem:$0x7980] =	vst v63  }
0xbc: {  	s26 =	sld [smem:$0x7D8]  }
0xbd: {  	[smem:$0x77E] =	sst s18  }
0xbe: {  	[smem:$0x77F] =	sst s11  }
0xbf: {  	[tilespmem:s28], [sflag:$0x1] =	stream.linear.gather [hbm4b:s26+s2], $0x200, $0x38;
	[tilespmem:$0x7980] =	vst v63  }
0xc0: {  	s28 =	sld [smem:$0x7DA]  }
0xc1: {  	[smem:$0x780] =	sst s21  }
0xc2: {  	[smem:$0x781] =	sst s31  }
0xc3: {  	[tilespmem:s29], [sflag:$0x1] =	stream.linear.gather [hbm4b:s28+s2], $0x200, $0x38;
	[tilespmem:$0x7980] =	vst v63  }
0xc4: {  	s29 =	sld [smem:$0x7DC]  }
0xc5: {  	[smem:$0x783] =	sst s30  }
0xc6: {  	s19 =	rddreg [dreg:$0x15]  }
0xc7: {  	[tilespmem:s19], [sflag:$0x1] =	stream.linear.gather [hbm4b:s29+s2], $0x200, $0x38;
	[tilespmem:$0x7980] =	vst v63  }
0xc8: {  	s19 =	sld [smem:$0x7DF]  }
0xc9: {  	s6 =	rddreg [dreg:$0x17]  }
0xca: {  	s23 =	rddreg [dreg:$0x16]  }
0xcb: {  	[tilespmem:s23], [sflag:$0x1] =	stream.linear.gather [hbm4b:s19+s2], $0x200, $0x38;
	[tilespmem:$0x7980] =	vst v63  }
0xcc: {  	s23 =	rddreg [dreg:$0x18]  }
0xcd: {  	[tilespmem:s6], [sflag:$0x1] =	stream.linear.gather [hbm4b:s11+s2], $0x40, $0x38;
	[tilespmem:$0x7980] =	vst v63  }
0xce: {  	s6 =	rddreg [dreg:$0x19]  }
0xcf: {  	s11 =	sld [smem:$0x7E7]  }
0xd0: {  	[tilespmem:s23], [sflag:$0x1] =	stream.linear.gather [hbm4b:s18+s2], $0x40, $0x38;
	[tilespmem:$0x7980] =	vst v63  }
0xd1: {  	s23 =	rddreg [dreg:$0x1a]  }
0xd2: {  	[tilespmem:s6], [sflag:$0x1] =	stream.linear.gather [hbm4b:s4+s2], $0x40, $0x38;
	[tilespmem:$0x7980] =	vst v63  }
0xd3: {  	s6 =	rddreg [dreg:$0x1b]  }
0xd4: {  	s4 =	sld [smem:$0x7EC]  }
0xd5: {  	[tilespmem:s23], [sflag:$0x1] =	stream.linear.gather [hbm4b:s22+s2], $0x40, $0x38;
	[tilespmem:$0x7980] =	vst v63  }
0xd6: {  	s22 =	rddreg [dreg:$0x1c]  }
0xd7: {  	s23 =	rddreg [dreg:$0x1d]  }
0xd8: {  	[tilespmem:s6], [sflag:$0x1] =	stream.linear.gather [hbm4b:s31+s2], $0x40, $0x38;
	[tilespmem:$0x7980] =	vst v63  }
0xd9: {  	s6 =	rddreg [dreg:$0x1e]  }
0xda: {  	s31 =	sld [smem:$0x79E]  }
0xdb: {  	[tilespmem:s22], [sflag:$0x1] =	stream.linear.gather [hbm4b:s21+s2], $0x40, $0x38;
	[tilespmem:$0x7980] =	vst v63  }
0xdc: {  	s22 =	sld [smem:$0x787]  }
0xdd: {  	s21 =	sld [smem:$0x7E8]  }
0xde: {  	[tilespmem:s23], [sflag:$0x1] =	stream.linear.gather [hbm4b:s13+s2], $0x40, $0x38;
	[tilespmem:$0x7980] =	vst v63  }
0xdf: {  	s13 =	rddreg [dreg:$0x1f]  }
0xe0: {  	s23 =	sld [smem:$0x788]  }
0xe1: {  	[tilespmem:s6], [sflag:$0x1] =	stream.linear.gather [hbm4b:s15+s2], $0x40, $0x38;
	[tilespmem:$0x7980] =	vst v63  }
0xe2: {  	s15 =	sld [smem:$0x786]  }
0xe3: {  	s6 =	sld [smem:$0x789]  }
0xe4: {  	[tilespmem:s13], [sflag:$0x1] =	stream.linear.gather [hbm4b:s20+s2], $0x40, $0x38;
	[tilespmem:$0x7980] =	vst v63  }
0xe5: {  	s13 =	sld [smem:$0x78A]  }
0xe6: {  	s20 =	sld [smem:$0x78E]  }
0xe7: {  	[tilespmem:s15], [sflag:$0x1] =	stream.linear.gather [hbm4b:s17+s2], $0x40, $0x38;
	[tilespmem:$0x7980] =	vst v63  }
0xe8: {  	s15 =	sld [smem:$0x78B]  }
0xe9: {  	s17 =	sld [smem:$0x78C]  }
0xea: {  	[tilespmem:s22], [sflag:$0x1] =	stream.linear.gather [hbm4b:s24+s2], $0x40, $0x38;
	[tilespmem:$0x7980] =	vst v63  }
0xeb: {  	s22 =	sld [smem:$0x7E0]  }
0xec: {  	[tilespmem:s23], [sflag:$0x1] =	stream.linear.gather [hbm4b:s25+s2], $0x40, $0x38;
	[tilespmem:$0x7980] =	vst v63  }
0xed: {  	s24 =	sld [smem:$0x790]  }
0xee: {  	[tilespmem:s6], [sflag:$0x1] =	stream.linear.gather [hbm4b:s26+s2], $0x40, $0x38;
	[tilespmem:$0x7980] =	vst v63  }
0xef: {  	s23 =	sld [smem:$0x78F]  }
0xf0: {  	[tilespmem:s13], [sflag:$0x1] =	stream.linear.gather [hbm4b:s28+s2], $0x40, $0x38;
	[tilespmem:$0x7980] =	vst v63  }
0xf1: {  	s26 =	sld [smem:$0x791]  }
0xf2: {  	[tilespmem:s15], [sflag:$0x1] =	stream.linear.gather [hbm4b:s29+s2], $0x40, $0x38;
	[tilespmem:$0x7980] =	vst v63  }
0xf3: {  	s6 =	sld [smem:$0x794]  }
0xf4: {  	[tilespmem:s17], [sflag:$0x1] =	stream.linear.gather [hbm4b:s19+s2], $0x40, $0x38;
	[tilespmem:$0x7980] =	vst v63  }
0xf5: {  	s18 =	simm.s32 $0x6C00;
	s19 =	sld [smem:$0x78D]  }
0xf6: {  	[tilespmem:s18], [sflag:$0x1] =	stream.linear.gather [hbm4b:s7+s2], $0x200, $0x38;
	[tilespmem:$0x7980] =	vst v63  }
0xf7: {  	s28 =	sld [smem:$0x792]  }
0xf8: {  	[tilespmem:s19], [sflag:$0x1] =	stream.linear.gather [hbm4b:s22+s2], $0x200, $0x38;
	[tilespmem:$0x7980] =	vst v63  }
0xf9: {  	s13 =	sld [smem:$0x795]  }
0xfa: {  	[tilespmem:s20], [sflag:$0x1] =	stream.linear.gather [hbm4b:s7+s2], $0x40, $0x38;
	[tilespmem:$0x7980] =	vst v63  }
0xfb: {  	s29 =	sld [smem:$0x793]  }
0xfc: {  	[tilespmem:s23], [sflag:$0x1] =	stream.linear.gather [hbm4b:s22+s2], $0x40, $0x38;
	[tilespmem:$0x7980] =	vst v63  }
0xfd: {  	s23 =	sld [smem:$0x7ED]  }
0xfe: {  	s15 =	sld [smem:$0x7E2];
	s17 =	smov.u32 s3  }
0xff: {  	s25 =	simm.s32 $0x2400;
	[smem:$0x782] =	sst s17  }
0x100: {  	[tilespmem:s25], [sflag:$0x1] =	stream.linear.gather [hbm4b:s23+s2], $0x200, $0x38;
	[tilespmem:$0x7980] =	vst v63  }
0x101: {  	s19 =	sld [smem:$0x7E5]  }
0x102: {  	[tilespmem:s24], [sflag:$0x1] =	stream.linear.gather [hbm4b:s3+s2], $0x200, $0x38;
	[tilespmem:$0x7980] =	vst v63  }
0x103: {  	s3 =	sld [smem:$0x7E1]  }
0x104: {  	s20 =	sld [smem:$0x796]  }
0x105: {  	s22 =	sld [smem:$0x7E3]  }
0x106: {  	[tilespmem:s26], [sflag:$0x1] =	stream.linear.gather [hbm4b:s3+s2], $0x200, $0x38;
	[tilespmem:$0x7980] =	vst v63  }
0x107: {  	s25 =	sld [smem:$0x7E4]  }
0x108: {  	[tilespmem:s28], [sflag:$0x1] =	stream.linear.gather [hbm4b:s15+s2], $0x200, $0x38;
	[tilespmem:$0x7980] =	vst v63  }
0x109: {  	s24 =	sld [smem:$0x7E6]  }
0x10a: {  	[tilespmem:s29], [sflag:$0x1] =	stream.linear.gather [hbm4b:s22+s2], $0x200, $0x38;
	[tilespmem:$0x7980] =	vst v63  }
0x10b: {  	s26 =	sld [smem:$0x797]  }
0x10c: {  	[tilespmem:s6], [sflag:$0x1] =	stream.linear.gather [hbm4b:s25+s2], $0x200, $0x38;
	[tilespmem:$0x7980] =	vst v63  }
0x10d: {  	s28 =	sld [smem:$0x798]  }
0x10e: {  	[tilespmem:s13], [sflag:$0x1] =	stream.linear.gather [hbm4b:s19+s2], $0x200, $0x38;
	[tilespmem:$0x7980] =	vst v63  }
0x10f: {  	s29 =	sld [smem:$0x799]  }
0x110: {  	[tilespmem:s20], [sflag:$0x1] =	stream.linear.gather [hbm4b:s24+s2], $0x200, $0x38;
	[tilespmem:$0x7980] =	vst v63  }
0x111: {  	s6 =	sld [smem:$0x7E9]  }
0x112: {  	[tilespmem:s26], [sflag:$0x1] =	stream.linear.gather [hbm4b:s11+s2], $0x200, $0x38;
	[tilespmem:$0x7980] =	vst v63  }
0x113: {  	s13 =	sld [smem:$0x79A]  }
0x114: {  	[tilespmem:s28], [sflag:$0x1] =	stream.linear.gather [hbm4b:s21+s2], $0x200, $0x38;
	[tilespmem:$0x7980] =	vst v63  }
0x115: {  	s20 =	sld [smem:$0x7EA]  }
0x116: {  	[tilespmem:s29], [sflag:$0x1] =	stream.linear.gather [hbm4b:s6+s2], $0x200, $0x38;
	[tilespmem:$0x7980] =	vst v63  }
0x117: {  	s26 =	sld [smem:$0x79B]  }
0x118: {  	[tilespmem:s13], [sflag:$0x1] =	stream.linear.gather [hbm4b:s20+s2], $0x200, $0x38;
	[tilespmem:$0x7980] =	vst v63  }
0x119: {  	s13 =	sld [smem:$0x7EB]  }
0x11a: {  	s28 =	sld [smem:$0x79C]  }
0x11b: {  	s29 =	sld [smem:$0x79D]  }
0x11c: {  	[tilespmem:s26], [sflag:$0x1] =	stream.linear.gather [hbm4b:s13+s2], $0x200, $0x38;
	[tilespmem:$0x7980] =	vst v63  }
0x11d: {  	s26 =	sld [smem:$0x7A4]  }
0x11e: {  	[tilespmem:s28], [sflag:$0x1] =	stream.linear.gather [hbm4b:s4+s2], $0x200, $0x38;
	[tilespmem:$0x7980] =	vst v63  }
0x11f: {  	s28 =	sld [smem:$0x79F]  }
0x120: {  	[tilespmem:s29], [sflag:$0x1] =	stream.linear.gather [hbm4b:s10+s2], $0x200, $0x38;
	[tilespmem:$0x7980] =	vst v63  }
0x121: {  	s29 =	sld [smem:$0x7A0]  }
0x122: {  	[tilespmem:s31], [sflag:$0x1] =	stream.linear.gather [hbm4b:s30+s2], $0x200, $0x38;
	[tilespmem:$0x7980] =	vst v63  }
0x123: {  	s31 =	sld [smem:$0x7A1]  }
0x124: {  	[tilespmem:s28], [sflag:$0x1] =	stream.linear.gather [hbm4b:s23+s2], $0x40, $0x38;
	[tilespmem:$0x7980] =	vst v63  }
0x125: {  	s23 =	sld [smem:$0x7A3]  }
0x126: {  	s28 =	sld [smem:$0x7A5]  }
0x127: {  	[tilespmem:s29], [sflag:$0x1] =	stream.linear.gather [hbm4b:s17+s2], $0x40, $0x38;
	[tilespmem:$0x7980] =	vst v63  }
0x128: {  	s17 =	sld [smem:$0x7A2]  }
0x129: {  	s29 =	sld [smem:$0x7A6]  }
0x12a: {  	[tilespmem:s31], [sflag:$0x1] =	stream.linear.gather [hbm4b:s3+s2], $0x40, $0x38;
	[tilespmem:$0x7980] =	vst v63  }
0x12b: {  	s31 =	sld [smem:$0x7A7]  }
0x12c: {  	s3 =	sld [smem:$0x7A8]  }
0x12d: {  	[tilespmem:s17], [sflag:$0x1] =	stream.linear.gather [hbm4b:s15+s2], $0x40, $0x38;
	[tilespmem:$0x7980] =	vst v63  }
0x12e: {  	s15 =	sld [smem:$0x7A9]  }
0x12f: {  	s17 =	sld [smem:$0x7AA]  }
0x130: {  	[tilespmem:s23], [sflag:$0x1] =	stream.linear.gather [hbm4b:s22+s2], $0x40, $0x38;
	[tilespmem:$0x7980] =	vst v63  }
0x131: {  	s22 =	sld [smem:$0x7AD]  }
0x132: {  	s23 =	sld [smem:$0x7AE]  }
0x133: {  	[tilespmem:s26], [sflag:$0x1] =	stream.linear.gather [hbm4b:s25+s2], $0x40, $0x38;
	[tilespmem:$0x7980] =	vst v63  }
0x134: {  	s25 =	sld [smem:$0x7B0]  }
0x135: {  	[tilespmem:s28], [sflag:$0x1] =	stream.linear.gather [hbm4b:s19+s2], $0x40, $0x38;
	[tilespmem:$0x7980] =	vst v63  }
0x136: {  	s26 =	sld [smem:$0x7B1]  }
0x137: {  	[tilespmem:s29], [sflag:$0x1] =	stream.linear.gather [hbm4b:s24+s2], $0x40, $0x38;
	[tilespmem:$0x7980] =	vst v63  }
0x138: {  	s19 =	sld [smem:$0x7AB]  }
0x139: {  	[tilespmem:s31], [sflag:$0x1] =	stream.linear.gather [hbm4b:s11+s2], $0x40, $0x38;
	[tilespmem:$0x7980] =	vst v63  }
0x13a: {  	s28 =	sld [smem:$0x7B2]  }
0x13b: {  	[tilespmem:s3], [sflag:$0x1] =	stream.linear.gather [hbm4b:s21+s2], $0x40, $0x38;
	[tilespmem:$0x7980] =	vst v63  }
0x13c: {  	s24 =	sld [smem:$0x7AF]  }
0x13d: {  	[tilespmem:s15], [sflag:$0x1] =	stream.linear.gather [hbm4b:s6+s2], $0x40, $0x38;
	[tilespmem:$0x7980] =	vst v63  }
0x13e: {  	s29 =	sld [smem:$0x7EE]  }
0x13f: {  	[tilespmem:s17], [sflag:$0x1] =	stream.linear.gather [hbm4b:s20+s2], $0x40, $0x38;
	[tilespmem:$0x7980] =	vst v63  }
0x140: {  	s21 =	sld [smem:$0x7AC]  }
0x141: {  	[tilespmem:s19], [sflag:$0x1] =	stream.linear.gather [hbm4b:s13+s2], $0x40, $0x38;
	[tilespmem:$0x7980] =	vst v63  }
0x142: {  	s31 =	sld [smem:$0x7B3]  }
0x143: {  	[tilespmem:s21], [sflag:$0x1] =	stream.linear.gather [hbm4b:s4+s2], $0x40, $0x38;
	[tilespmem:$0x7980] =	vst v63  }
0x144: {  	s11 =	sld [smem:$0x7B5]  }
0x145: {  	[tilespmem:s22], [sflag:$0x1] =	stream.linear.gather [hbm4b:s10+s2], $0x40, $0x38;
	[tilespmem:$0x7980] =	vst v63  }
0x146: {  	s3 =	sld [smem:$0x7B4]  }
0x147: {  	[tilespmem:s23], [sflag:$0x1] =	stream.linear.gather [hbm4b:s30+s2], $0x40, $0x38;
	[tilespmem:$0x7980] =	vst v63  }
0x148: {  	s15 =	simm.s32 $0x7080;
	s6 =	sld [smem:$0x7FA]  }
0x149: {  	[tilespmem:s15], [sflag:$0x1] =	stream.linear.gather [hbm4b:s16+s2], $0x200, $0x38;
	[tilespmem:$0x7980] =	vst v63  }
0x14a: {  	s17 =	sld [smem:$0x7B6]  }
0x14b: {  	[tilespmem:s24], [sflag:$0x1] =	stream.linear.gather [hbm4b:s9+s2], $0x200, $0x38;
	[tilespmem:$0x7980] =	vst v63  }
0x14c: {  	s20 =	sld [smem:$0x7B7]  }
0x14d: {  	[tilespmem:s25], [sflag:$0x1] =	stream.linear.gather [hbm4b:s16+s2], $0x40, $0x38;
	[tilespmem:$0x7980] =	vst v63  }
0x14e: {  	s19 =	sld [smem:$0x7F0]  }
0x14f: {  	[tilespmem:s26], [sflag:$0x1] =	stream.linear.gather [hbm4b:s9+s2], $0x40, $0x38;
	[tilespmem:$0x7980] =	vst v63  }
0x150: {  	s13 =	simm.s32 $0x4800;
	s21 =	sld [smem:$0x7B8]  }
0x151: {  	[tilespmem:s13], [sflag:$0x1] =	stream.linear.gather [hbm4b:s6+s2], $0x200, $0x38;
	[tilespmem:$0x7980] =	vst v63  }
0x152: {  	s22 =	sld [smem:$0x7B9]  }
0x153: {  	[tilespmem:s28], [sflag:$0x1] =	stream.linear.gather [hbm4b:s29+s2], $0x200, $0x38;
	[tilespmem:$0x7980] =	vst v63  }
0x154: {  	s23 =	sld [smem:$0x7BA]  }
0x155: {  	[tilespmem:s31], [sflag:$0x1] =	stream.linear.gather [hbm4b:s0+s2], $0x200, $0x38;
	[tilespmem:$0x7980] =	vst v63  }
0x156: {  	s28 =	sld [smem:$0x7EF]  }
0x157: {  	[tilespmem:s3], [sflag:$0x1] =	stream.linear.gather [hbm4b:s1+s2], $0x200, $0x38;
	[tilespmem:$0x7980] =	vst v63  }
0x158: {  	s24 =	sld [smem:$0x7F3]  }
0x159: {  	[tilespmem:s11], [sflag:$0x1] =	stream.linear.gather [hbm4b:s28+s2], $0x200, $0x38;
	[tilespmem:$0x7980] =	vst v63  }
0x15a: {  	s26 =	sld [smem:$0x7F1]  }
0x15b: {  	[tilespmem:s17], [sflag:$0x1] =	stream.linear.gather [hbm4b:s19+s2], $0x200, $0x38;
	[tilespmem:$0x7980] =	vst v63  }
0x15c: {  	s25 =	sld [smem:$0x7F2]  }
0x15d: {  	[tilespmem:s20], [sflag:$0x1] =	stream.linear.gather [hbm4b:s26+s2], $0x200, $0x38;
	[tilespmem:$0x7980] =	vst v63  }
0x15e: {  	s31 =	sld [smem:$0x7BB]  }
0x15f: {  	[tilespmem:s21], [sflag:$0x1] =	stream.linear.gather [hbm4b:s25+s2], $0x200, $0x38;
	[tilespmem:$0x7980] =	vst v63  }
0x160: {  	s3 =	sld [smem:$0x7BC]  }
0x161: {  	[tilespmem:s22], [sflag:$0x1] =	stream.linear.gather [hbm4b:s24+s2], $0x200, $0x38;
	[tilespmem:$0x7980] =	vst v63  }
0x162: {  	s22 =	sld [smem:$0x7F4]  }
0x163: {  	s11 =	sld [smem:$0x7BD]  }
0x164: {  	s21 =	sld [smem:$0x7F5]  }
0x165: {  	[tilespmem:s23], [sflag:$0x1] =	stream.linear.gather [hbm4b:s22+s2], $0x200, $0x38;
	[tilespmem:$0x7980] =	vst v63  }
0x166: {  	s17 =	sld [smem:$0x7F6]  }
0x167: {  	[tilespmem:s31], [sflag:$0x1] =	stream.linear.gather [hbm4b:s21+s2], $0x200, $0x38;
	[tilespmem:$0x7980] =	vst v63  }
0x168: {  	s20 =	sld [smem:$0x7F7]  }
0x169: {  	[tilespmem:s3], [sflag:$0x1] =	stream.linear.gather [hbm4b:s17+s2], $0x200, $0x38;
	[tilespmem:$0x7980] =	vst v63  }
0x16a: {  	s23 =	sld [smem:$0x7BE]  }
0x16b: {  	[tilespmem:s11], [sflag:$0x1] =	stream.linear.gather [hbm4b:s20+s2], $0x200, $0x38;
	[tilespmem:$0x7980] =	vst v63  }
0x16c: {  	s11 =	sld [smem:$0x7F8]  }
0x16d: {  	s4 =	sld [smem:$0x7FB]  }
0x16e: {  	s31 =	sld [smem:$0x7BF]  }
0x16f: {  	[tilespmem:s23], [sflag:$0x1] =	stream.linear.gather [hbm4b:s11+s2], $0x200, $0x38;
	[tilespmem:$0x7980] =	vst v63  }
0x170: {  	s23 =	sld [smem:$0x7F9]  }
0x171: {  	s30 =	sld [smem:$0x7C7]  }
0x172: {  	s3 =	sld [smem:$0x7C0]  }
0x173: {  	[tilespmem:s31], [sflag:$0x1] =	stream.linear.gather [hbm4b:s23+s2], $0x200, $0x38;
	[tilespmem:$0x7980] =	vst v63  }
0x174: {  	s31 =	sld [smem:$0x7C1]  }
0x175: {  	[tilespmem:s3], [sflag:$0x1] =	stream.linear.gather [hbm4b:s4+s2], $0x200, $0x38;
	[tilespmem:$0x7980] =	vst v63  }
0x176: {  	s3 =	sld [smem:$0x7C2]  }
0x177: {  	[tilespmem:s31], [sflag:$0x1] =	stream.linear.gather [hbm4b:s6+s2], $0x40, $0x38;
	[tilespmem:$0x7980] =	vst v63  }
0x178: {  	s31 =	sld [smem:$0x7C3]  }
0x179: {  	[tilespmem:s3], [sflag:$0x1] =	stream.linear.gather [hbm4b:s29+s2], $0x40, $0x38;
	[tilespmem:$0x7980] =	vst v63  }
0x17a: {  	s3 =	sld [smem:$0x7C4]  }
0x17b: {  	[tilespmem:s31], [sflag:$0x1] =	stream.linear.gather [hbm4b:s0+s2], $0x40, $0x38;
	[tilespmem:$0x7980] =	vst v63  }
0x17c: {  	s29 =	sld [smem:$0x7C5]  }
0x17d: {  	[tilespmem:s3], [sflag:$0x1] =	stream.linear.gather [hbm4b:s1+s2], $0x40, $0x38;
	[tilespmem:$0x7980] =	vst v63  }
0x17e: {  	s31 =	sld [smem:$0x7C9]  }
0x17f: {  	[tilespmem:s29], [sflag:$0x1] =	stream.linear.gather [hbm4b:s28+s2], $0x40, $0x38;
	[tilespmem:$0x7980] =	vst v63  }
0x180: {  	s3 =	sld [smem:$0x7CA]  }
0x181: {  	[tilespmem:s30], [sflag:$0x1] =	stream.linear.gather [hbm4b:s19+s2], $0x40, $0x38;
	[tilespmem:$0x7980] =	vst v63  }
0x182: {  	s28 =	sld [smem:$0x7CF]  }
0x183: {  	[tilespmem:s31], [sflag:$0x1] =	stream.linear.gather [hbm4b:s26+s2], $0x40, $0x38;
	[tilespmem:$0x7980] =	vst v63  }
0x184: {  	s19 =	sld [smem:$0x7CB]  }
0x185: {  	[tilespmem:s3], [sflag:$0x1] =	stream.linear.gather [hbm4b:s25+s2], $0x40, $0x38;
	[tilespmem:$0x7980] =	vst v63  }
0x186: {  	s26 =	sld [smem:$0x7CD]  }
0x187: {  	[tilespmem:s19], [sflag:$0x1] =	stream.linear.gather [hbm4b:s24+s2], $0x40, $0x38;
	[tilespmem:$0x7980] =	vst v63  }
0x188: {  	s29 =	sld [smem:$0x7D1]  }
0x189: {  	[tilespmem:s26], [sflag:$0x1] =	stream.linear.gather [hbm4b:s22+s2], $0x40, $0x38;
	[tilespmem:$0x7980] =	vst v63  }
0x18a: {  	s30 =	sld [smem:$0x7D3]  }
0x18b: {  	[tilespmem:s28], [sflag:$0x1] =	stream.linear.gather [hbm4b:s21+s2], $0x40, $0x38;
	[tilespmem:$0x7980] =	vst v63  }
0x18c: {  	s31 =	sld [smem:$0x7D5]  }
0x18d: {  	[tilespmem:s29], [sflag:$0x1] =	stream.linear.gather [hbm4b:s17+s2], $0x40, $0x38;
	[tilespmem:$0x7980] =	vst v63  }
0x18e: {  	s3 =	sld [smem:$0x7D7]  }
0x18f: {  	[tilespmem:s30], [sflag:$0x1] =	stream.linear.gather [hbm4b:s20+s2], $0x40, $0x38;
	[tilespmem:$0x7980] =	vst v63  }
0x190: {  	s19 =	sld [smem:$0x7FC]  }
0x191: {  	[tilespmem:s31], [sflag:$0x1] =	stream.linear.gather [hbm4b:s11+s2], $0x40, $0x38;
	[tilespmem:$0x7980] =	vst v63  }
0x192: {  	s11 =	sld [smem:$0x7D9]  }
0x193: {  	[tilespmem:s3], [sflag:$0x1] =	stream.linear.gather [hbm4b:s23+s2], $0x40, $0x38;
	[tilespmem:$0x7980] =	vst v63  }
0x194: {  	s21 =	sld [smem:$0x7FD]  }
0x195: {  	[tilespmem:s11], [sflag:$0x1] =	stream.linear.gather [hbm4b:s4+s2], $0x40, $0x38;
	[tilespmem:$0x7980] =	vst v63  }
0x196: {  	s17 =	sld [smem:$0x7DB]  }
0x197: {  	[tilespmem:s14], [sflag:$0x1] =	stream.linear.gather [hbm4b:s19+s2], $0x200, $0x38;
	[tilespmem:$0x7980] =	vst v63  }
0x198: {  	s20 =	sld [smem:$0x7DD]  }
0x199: {  	[tilespmem:s17], [sflag:$0x1] =	stream.linear.gather [hbm4b:s21+s2], $0x200, $0x38;
	[tilespmem:$0x7980] =	vst v63  }
0x19a: {  	s22 =	sld [smem:$0x7DE]  }
0x19b: {  	[tilespmem:s20], [sflag:$0x1] =	stream.linear.gather [hbm4b:s19+s2], $0x40, $0x38;
	[tilespmem:$0x7980] =	vst v63  }
0x19c: {  	[smem:$0x784] =	sst s12  }
0x19d: {  	[tilespmem:s22], [sflag:$0x1] =	stream.linear.gather [hbm4b:s21+s2], $0x40, $0x38;
	[tilespmem:$0x7980] =	vst v63  }
0x19e: {  	_ =	swait.ge [sflag:s8], $0x2000  }
0x19f: {  	[sflag:s8] =	ssyncset.done $0x0  }
0x1a0: {  	[sflag:s8] =	ssyncadd.s32 $0xFFFFE000  }
0x1a1: {  	_ =	swait.ge [sflag:s8], $0x400  }
0x1a2: {  	s23 =	sld [smem:$0x785]  }
0x1a3: {  	[sflag:s8] =	ssyncset.done $0x0  }
0x1a4: {  	[sflag:s8] =	ssyncadd.s32 $0xFFFFFC00  }
0x1a5: {  	[hbm4b:s23+s2] =	stream.linear.scatter [tilespmem:s2], [sflag:$0x2], $0x2400, $0x38;
	[tilespmem:$0x7980] =	vst v63  }
0x1a6: {  	_ =	swait.ge [sflag:s8], $0x400  }
0x1a7: {  	[sflag:s8] =	ssyncset.done $0x0  }
0x1a8: {  	[sflag:s8] =	ssyncadd.s32 $0xFFFFFC00  }
0x1a9: {  	_ =	swait.ge [sflag:s8], $0x80  }
0x1aa: {  	[sflag:s8] =	ssyncset.done $0x0  }
0x1ab: {  	s24 =	rddreg [dreg:$0x3];
	[sflag:s8] =	ssyncadd.s32 $0xFFFFFF80  }
0x1ac: {  	[hbm4b:s24+s2] =	stream.linear.scatter [tilespmem:s18], [sflag:$0x2], $0x480, $0x38;
	[tilespmem:$0x7980] =	vst v63  }
0x1ad: {  	_ =	swait.ge [sflag:s8], $0x2000  }
0x1ae: {  	[sflag:s8] =	ssyncset.done $0x0  }
0x1af: {  	[sflag:s8] =	ssyncadd.s32 $0xFFFFE000  }
0x1b0: {  	_ =	swait.ge [sflag:s8], $0x400  }
0x1b1: {  	[sflag:s8] =	ssyncset.done $0x0  }
0x1b2: {  	s26 =	simm.s32 $0x2400;
	s25 =	rddreg [dreg:$0x4];
	[sflag:s8] =	ssyncadd.s32 $0xFFFFFC00  }
0x1b3: {  	[hbm4b:s25+s2] =	stream.linear.scatter [tilespmem:s26], [sflag:$0x2], $0x2400, $0x38;
	[tilespmem:$0x7980] =	vst v63  }
0x1b4: {  	_ =	swait.ge [sflag:s8], $0x400  }
0x1b5: {  	[sflag:s8] =	ssyncset.done $0x0  }
0x1b6: {  	[sflag:s8] =	ssyncadd.s32 $0xFFFFFC00  }
0x1b7: {  	_ =	swait.ge [sflag:s8], $0x80  }
0x1b8: {  	[sflag:s8] =	ssyncset.done $0x0  }
0x1b9: {  	s28 =	rddreg [dreg:$0x5];
	[sflag:s8] =	ssyncadd.s32 $0xFFFFFF80  }
0x1ba: {  	[hbm4b:s28+s2] =	stream.linear.scatter [tilespmem:s15], [sflag:$0x2], $0x480, $0x38;
	[tilespmem:$0x7980] =	vst v63  }
0x1bb: {  	_ =	swait.ge [sflag:s8], $0x2000  }
0x1bc: {  	[sflag:s8] =	ssyncset.done $0x0  }
0x1bd: {  	[sflag:s8] =	ssyncadd.s32 $0xFFFFE000  }
0x1be: {  	_ =	swait.ge [sflag:s8], $0x400  }
0x1bf: {  	[sflag:s8] =	ssyncset.done $0x0  }
0x1c0: {  	s29 =	rddreg [dreg:$0x6];
	[sflag:s8] =	ssyncadd.s32 $0xFFFFFC00  }
0x1c1: {  	[hbm4b:s29+s2] =	stream.linear.scatter [tilespmem:s13], [sflag:$0x2], $0x2400, $0x38;
	[tilespmem:$0x7980] =	vst v63  }
0x1c2: {  	_ =	swait.ge [sflag:s8], $0x400  }
0x1c3: {  	[sflag:s8] =	ssyncset.done $0x0  }
0x1c4: {  	[sflag:s8] =	ssyncadd.s32 $0xFFFFFC00  }
0x1c5: {  	_ =	swait.ge [sflag:s8], $0x80  }
0x1c6: {  	[sflag:s8] =	ssyncset.done $0x0  }
0x1c7: {  	s30 =	rddreg [dreg:$0x7];
	[sflag:s8] =	ssyncadd.s32 $0xFFFFFF80  }
0x1c8: {  	[hbm4b:s30+s2] =	stream.linear.scatter [tilespmem:s14], [sflag:$0x2], $0x480, $0x38;
	[tilespmem:$0x7980] =	vst v63  }
0x1c9: {  	_ =	swait.ge [sflag:s5], $0x2400  }
0x1ca: {  	[sflag:s5] =	ssyncset.done $0x0  }
0x1cb: {  	[sflag:s5] =	ssyncadd.s32 $0xFFFFDC00  }
0x1cc: {  	_ =	swait.ge [sflag:s5], $0x480  }
0x1cd: {  	[sflag:s5] =	ssyncset.done $0x0  }
0x1ce: {  	[sflag:s5] =	ssyncadd.s32 $0xFFFFFB80  }
0x1cf: {  	_ =	swait.ge [sflag:s5], $0x2400  }
0x1d0: {  	[sflag:s5] =	ssyncset.done $0x0  }
0x1d1: {  	[sflag:s5] =	ssyncadd.s32 $0xFFFFDC00  }
0x1d2: {  	_ =	swait.ge [sflag:s5], $0x480  }
0x1d3: {  	[sflag:s5] =	ssyncset.done $0x0  }
0x1d4: {  	[sflag:s5] =	ssyncadd.s32 $0xFFFFFB80  }
0x1d5: {  	_ =	swait.ge [sflag:s5], $0x2400  }
0x1d6: {  	s31 =	sld [smem:$0x784];
	_ =	sdelay $0x2  }
0x1d7: {  	p1 =	sne.s32 s31, $0x1  }
.Ltmp1:
0x1d8: {  	_ = 	snop;
	(pc) =	sbr.rel @!p1 .LBB2_2-.Ltmp1, $4  }
0x1d9: {  	[sflag:s5] =	ssyncset.done $0x0  }
0x1da: {  	p0 =	por $0x1, $0x1;
	[sflag:s5] =	ssyncadd.s32 $0xFFFFDC00  }
0x1db: {  	s6 =	simm.s32 $0x6C00;
	s22 =	simm.s32 $0x7080;
	_ =	swait.ge [sflag:s5], $0x480  }
0x1dc: {  	s18 =	simm.s32 $0x2400;
	s12 =	sadd.s32 $0xFFFFFFFF, s31;
	[sflag:s5] =	ssyncset.done $0x0  }
.LBB2_3:
0x1dd: {  	s13 =	rddreg [dreg:$0x8]  }
0x1de: {  	s31 =	sld [smem:$0x77F]  }
0x1df: {  	s4 =	rddreg [dreg:$0x9]  }
0x1e0: {  	s23 =	sld [smem:$0x77E]  }
0x1e1: {  	s25 =	rddreg [dreg:$0xa]  }
0x1e2: {  	s11 =	sld [smem:$0x7C6]  }
0x1e3: {  	s26 =	rddreg [dreg:$0xb]  }
0x1e4: {  	s14 =	sld [smem:$0x7C8]  }
0x1e5: {  	s28 =	rddreg [dreg:$0xc]  }
0x1e6: {  	[sflag:s5] =	ssyncadd.s32 $0xFFFFFB80;
	s3 =	sld [smem:$0x781]  }
0x1e7: {  	[tilespmem:s2], [sflag:$0x1] =	stream.linear.gather [hbm4b:s31+s2], $0x200, $0x38;
	[tilespmem:$0x7980] =	vst v63  }
0x1e8: {  	s29 =	rddreg [dreg:$0xd]  }
0x1e9: {  	[tilespmem:s13], [sflag:$0x1] =	stream.linear.gather [hbm4b:s23+s2], $0x200, $0x38;
	[tilespmem:$0x7980] =	vst v63  }
0x1ea: {  	s30 =	sld [smem:$0x780]  }
0x1eb: {  	[tilespmem:s4], [sflag:$0x1] =	stream.linear.gather [hbm4b:s11+s2], $0x200, $0x38;
	[tilespmem:$0x7980] =	vst v63  }
0x1ec: {  	s17 =	rddreg [dreg:$0xe]  }
0x1ed: {  	[tilespmem:s25], [sflag:$0x1] =	stream.linear.gather [hbm4b:s14+s2], $0x200, $0x38;
	[tilespmem:$0x7980] =	vst v63  }
0x1ee: {  	s15 =	sld [smem:$0x7CC]  }
0x1ef: {  	[tilespmem:s26], [sflag:$0x1] =	stream.linear.gather [hbm4b:s3+s2], $0x200, $0x38;
	[tilespmem:$0x7980] =	vst v63  }
0x1f0: {  	s19 =	rddreg [dreg:$0xf]  }
0x1f1: {  	[tilespmem:s28], [sflag:$0x1] =	stream.linear.gather [hbm4b:s30+s2], $0x200, $0x38;
	[tilespmem:$0x7980] =	vst v63  }
0x1f2: {  	s20 =	sld [smem:$0x7CE]  }
0x1f3: {  	[tilespmem:s29], [sflag:$0x1] =	stream.linear.gather [hbm4b:s15+s2], $0x200, $0x38;
	[tilespmem:$0x7980] =	vst v63  }
0x1f4: {  	s21 =	sld [smem:$0x7D0]  }
0x1f5: {  	[tilespmem:s17], [sflag:$0x1] =	stream.linear.gather [hbm4b:s20+s2], $0x200, $0x38;
	[tilespmem:$0x7980] =	vst v63  }
0x1f6: {  	s17 =	sld [smem:$0x7D2]  }
0x1f7: {  	[tilespmem:s19], [sflag:$0x1] =	stream.linear.gather [hbm4b:s21+s2], $0x200, $0x38;
	[tilespmem:$0x7980] =	vst v63  }
0x1f8: {  	s24 =	rddreg [dreg:$0x10]  }
0x1f9: {  	[tilespmem:s24], [sflag:$0x1] =	stream.linear.gather [hbm4b:s17+s2], $0x200, $0x38;
	[tilespmem:$0x7980] =	vst v63  }
0x1fa: {  	s24 =	sld [smem:$0x7D4];
	_ =	sdelay $0x1  }
0x1fb: {  	s25 =	rddreg [dreg:$0x11]  }
0x1fc: {  	[tilespmem:s25], [sflag:$0x1] =	stream.linear.gather [hbm4b:s24+s2], $0x200, $0x38;
	[tilespmem:$0x7980] =	vst v63  }
0x1fd: {  	s25 =	sld [smem:$0x7D6];
	_ =	sdelay $0x1  }
0x1fe: {  	s26 =	rddreg [dreg:$0x12]  }
0x1ff: {  	[tilespmem:s26], [sflag:$0x1] =	stream.linear.gather [hbm4b:s25+s2], $0x200, $0x38;
	[tilespmem:$0x7980] =	vst v63  }
0x200: {  	s26 =	sld [smem:$0x7D8];
	_ =	sdelay $0x1  }
0x201: {  	s28 =	rddreg [dreg:$0x13]  }
0x202: {  	[tilespmem:s28], [sflag:$0x1] =	stream.linear.gather [hbm4b:s26+s2], $0x200, $0x38;
	[tilespmem:$0x7980] =	vst v63  }
0x203: {  	s28 =	sld [smem:$0x7DA];
	_ =	sdelay $0x1  }
0x204: {  	s29 =	rddreg [dreg:$0x14]  }
0x205: {  	[tilespmem:s29], [sflag:$0x1] =	stream.linear.gather [hbm4b:s28+s2], $0x200, $0x38;
	[tilespmem:$0x7980] =	vst v63  }
0x206: {  	s29 =	sld [smem:$0x7DC];
	_ =	sdelay $0x1  }
0x207: {  	s19 =	rddreg [dreg:$0x15]  }
0x208: {  	[tilespmem:s19], [sflag:$0x1] =	stream.linear.gather [hbm4b:s29+s2], $0x200, $0x38;
	[tilespmem:$0x7980] =	vst v63  }
0x209: {  	s19 =	sld [smem:$0x7DF]  }
0x20a: {  	s13 =	rddreg [dreg:$0x16]  }
0x20b: {  	s4 =	rddreg [dreg:$0x17]  }
0x20c: {  	[tilespmem:s13], [sflag:$0x1] =	stream.linear.gather [hbm4b:s19+s2], $0x200, $0x38;
	[tilespmem:$0x7980] =	vst v63  }
0x20d: {  	s13 =	rddreg [dreg:$0x18]  }
0x20e: {  	[tilespmem:s4], [sflag:$0x1] =	stream.linear.gather [hbm4b:s31+s2], $0x40, $0x38;
	[tilespmem:$0x7980] =	vst v63  }
0x20f: {  	s4 =	rddreg [dreg:$0x19]  }
0x210: {  	s31 =	rddreg [dreg:$0x1a]  }
0x211: {  	[tilespmem:s13], [sflag:$0x1] =	stream.linear.gather [hbm4b:s23+s2], $0x40, $0x38;
	[tilespmem:$0x7980] =	vst v63  }
0x212: {  	s23 =	rddreg [dreg:$0x1d]  }
0x213: {  	[tilespmem:s4], [sflag:$0x1] =	stream.linear.gather [hbm4b:s11+s2], $0x40, $0x38;
	[tilespmem:$0x7980] =	vst v63  }
0x214: {  	s11 =	rddreg [dreg:$0x1b]  }
0x215: {  	[tilespmem:s31], [sflag:$0x1] =	stream.linear.gather [hbm4b:s14+s2], $0x40, $0x38;
	[tilespmem:$0x7980] =	vst v63  }
0x216: {  	s14 =	rddreg [dreg:$0x1c]  }
0x217: {  	s31 =	rddreg [dreg:$0x1f]  }
0x218: {  	[tilespmem:s11], [sflag:$0x1] =	stream.linear.gather [hbm4b:s3+s2], $0x40, $0x38;
	[tilespmem:$0x7980] =	vst v63  }
0x219: {  	s3 =	sld [smem:$0x786]  }
0x21a: {  	s11 =	sld [smem:$0x787]  }
0x21b: {  	[tilespmem:s14], [sflag:$0x1] =	stream.linear.gather [hbm4b:s30+s2], $0x40, $0x38;
	[tilespmem:$0x7980] =	vst v63  }
0x21c: {  	s30 =	rddreg [dreg:$0x1e]  }
0x21d: {  	s14 =	sld [smem:$0x788]  }
0x21e: {  	[tilespmem:s23], [sflag:$0x1] =	stream.linear.gather [hbm4b:s15+s2], $0x40, $0x38;
	[tilespmem:$0x7980] =	vst v63  }
0x21f: {  	s15 =	sld [smem:$0x789]  }
0x220: {  	s23 =	sld [smem:$0x78D]  }
0x221: {  	[tilespmem:s30], [sflag:$0x1] =	stream.linear.gather [hbm4b:s20+s2], $0x40, $0x38;
	[tilespmem:$0x7980] =	vst v63  }
0x222: {  	s20 =	sld [smem:$0x78B]  }
0x223: {  	s30 =	sld [smem:$0x792]  }
0x224: {  	[tilespmem:s31], [sflag:$0x1] =	stream.linear.gather [hbm4b:s21+s2], $0x40, $0x38;
	[tilespmem:$0x7980] =	vst v63  }
0x225: {  	s21 =	sld [smem:$0x78C]  }
0x226: {  	s31 =	sld [smem:$0x793]  }
0x227: {  	[tilespmem:s3], [sflag:$0x1] =	stream.linear.gather [hbm4b:s17+s2], $0x40, $0x38;
	[tilespmem:$0x7980] =	vst v63  }
0x228: {  	s17 =	sld [smem:$0x78A]  }
0x229: {  	s3 =	sld [smem:$0x794]  }
0x22a: {  	[tilespmem:s11], [sflag:$0x1] =	stream.linear.gather [hbm4b:s24+s2], $0x40, $0x38;
	[tilespmem:$0x7980] =	vst v63  }
0x22b: {  	s24 =	sld [smem:$0x78E]  }
0x22c: {  	s11 =	sld [smem:$0x796]  }
0x22d: {  	[tilespmem:s14], [sflag:$0x1] =	stream.linear.gather [hbm4b:s25+s2], $0x40, $0x38;
	[tilespmem:$0x7980] =	vst v63  }
0x22e: {  	s25 =	sld [smem:$0x7E0]  }
0x22f: {  	[tilespmem:s15], [sflag:$0x1] =	stream.linear.gather [hbm4b:s26+s2], $0x40, $0x38;
	[tilespmem:$0x7980] =	vst v63  }
0x230: {  	s14 =	sld [smem:$0x797]  }
0x231: {  	[tilespmem:s17], [sflag:$0x1] =	stream.linear.gather [hbm4b:s28+s2], $0x40, $0x38;
	[tilespmem:$0x7980] =	vst v63  }
0x232: {  	s26 =	sld [smem:$0x78F]  }
0x233: {  	[tilespmem:s20], [sflag:$0x1] =	stream.linear.gather [hbm4b:s29+s2], $0x40, $0x38;
	[tilespmem:$0x7980] =	vst v63  }
0x234: {  	s15 =	sld [smem:$0x7E2]  }
0x235: {  	[tilespmem:s21], [sflag:$0x1] =	stream.linear.gather [hbm4b:s19+s2], $0x40, $0x38;
	[tilespmem:$0x7980] =	vst v63  }
0x236: {  	s28 =	sld [smem:$0x790]  }
0x237: {  	[tilespmem:s6], [sflag:$0x1] =	stream.linear.gather [hbm4b:s7+s2], $0x200, $0x38;
	[tilespmem:$0x7980] =	vst v63  }
0x238: {  	s17 =	sld [smem:$0x798]  }
0x239: {  	[tilespmem:s23], [sflag:$0x1] =	stream.linear.gather [hbm4b:s25+s2], $0x200, $0x38;
	[tilespmem:$0x7980] =	vst v63  }
0x23a: {  	s29 =	sld [smem:$0x791]  }
0x23b: {  	[tilespmem:s24], [sflag:$0x1] =	stream.linear.gather [hbm4b:s7+s2], $0x40, $0x38;
	[tilespmem:$0x7980] =	vst v63  }
0x23c: {  	s23 =	sld [smem:$0x7ED]  }
0x23d: {  	[tilespmem:s26], [sflag:$0x1] =	stream.linear.gather [hbm4b:s25+s2], $0x40, $0x38;
	[tilespmem:$0x7980] =	vst v63  }
0x23e: {  	s19 =	sld [smem:$0x782]  }
0x23f: {  	[tilespmem:s18], [sflag:$0x1] =	stream.linear.gather [hbm4b:s23+s2], $0x200, $0x38;
	[tilespmem:$0x7980] =	vst v63  }
0x240: {  	s20 =	sld [smem:$0x7E7]  }
0x241: {  	[tilespmem:s28], [sflag:$0x1] =	stream.linear.gather [hbm4b:s19+s2], $0x200, $0x38;
	[tilespmem:$0x7980] =	vst v63  }
0x242: {  	s28 =	sld [smem:$0x7E1]  }
0x243: {  	s21 =	sld [smem:$0x7E4]  }
0x244: {  	s6 =	sld [smem:$0x795]  }
0x245: {  	[tilespmem:s29], [sflag:$0x1] =	stream.linear.gather [hbm4b:s28+s2], $0x200, $0x38;
	[tilespmem:$0x7980] =	vst v63  }
0x246: {  	s24 =	sld [smem:$0x7E3]  }
0x247: {  	[tilespmem:s30], [sflag:$0x1] =	stream.linear.gather [hbm4b:s15+s2], $0x200, $0x38;
	[tilespmem:$0x7980] =	vst v63  }
0x248: {  	s25 =	sld [smem:$0x7E6]  }
0x249: {  	[tilespmem:s31], [sflag:$0x1] =	stream.linear.gather [hbm4b:s24+s2], $0x200, $0x38;
	[tilespmem:$0x7980] =	vst v63  }
0x24a: {  	s26 =	sld [smem:$0x799]  }
0x24b: {  	[tilespmem:s3], [sflag:$0x1] =	stream.linear.gather [hbm4b:s21+s2], $0x200, $0x38;
	[tilespmem:$0x7980] =	vst v63  }
0x24c: {  	s3 =	sld [smem:$0x7E5]  }
0x24d: {  	s18 =	sld [smem:$0x7E8]  }
0x24e: {  	s29 =	sld [smem:$0x79A]  }
0x24f: {  	[tilespmem:s6], [sflag:$0x1] =	stream.linear.gather [hbm4b:s3+s2], $0x200, $0x38;
	[tilespmem:$0x7980] =	vst v63  }
0x250: {  	s30 =	sld [smem:$0x79B]  }
0x251: {  	[tilespmem:s11], [sflag:$0x1] =	stream.linear.gather [hbm4b:s25+s2], $0x200, $0x38;
	[tilespmem:$0x7980] =	vst v63  }
0x252: {  	s31 =	sld [smem:$0x79C]  }
0x253: {  	[tilespmem:s14], [sflag:$0x1] =	stream.linear.gather [hbm4b:s20+s2], $0x200, $0x38;
	[tilespmem:$0x7980] =	vst v63  }
0x254: {  	s6 =	sld [smem:$0x7E9]  }
0x255: {  	[tilespmem:s17], [sflag:$0x1] =	stream.linear.gather [hbm4b:s18+s2], $0x200, $0x38;
	[tilespmem:$0x7980] =	vst v63  }
0x256: {  	s17 =	sld [smem:$0x7EA]  }
0x257: {  	[tilespmem:s26], [sflag:$0x1] =	stream.linear.gather [hbm4b:s6+s2], $0x200, $0x38;
	[tilespmem:$0x7980] =	vst v63  }
0x258: {  	s14 =	sld [smem:$0x7EB]  }
0x259: {  	[tilespmem:s29], [sflag:$0x1] =	stream.linear.gather [hbm4b:s17+s2], $0x200, $0x38;
	[tilespmem:$0x7980] =	vst v63  }
0x25a: {  	s11 =	sld [smem:$0x7EC]  }
0x25b: {  	[tilespmem:s30], [sflag:$0x1] =	stream.linear.gather [hbm4b:s14+s2], $0x200, $0x38;
	[tilespmem:$0x7980] =	vst v63  }
0x25c: {  	s26 =	sld [smem:$0x79D]  }
0x25d: {  	[tilespmem:s31], [sflag:$0x1] =	stream.linear.gather [hbm4b:s11+s2], $0x200, $0x38;
	[tilespmem:$0x7980] =	vst v63  }
0x25e: {  	s29 =	sld [smem:$0x79E]  }
0x25f: {  	[tilespmem:s26], [sflag:$0x1] =	stream.linear.gather [hbm4b:s10+s2], $0x200, $0x38;
	[tilespmem:$0x7980] =	vst v63  }
0x260: {  	s26 =	sld [smem:$0x783]  }
0x261: {  	s30 =	sld [smem:$0x79F]  }
0x262: {  	s31 =	sld [smem:$0x7A0]  }
0x263: {  	[tilespmem:s29], [sflag:$0x1] =	stream.linear.gather [hbm4b:s26+s2], $0x200, $0x38;
	[tilespmem:$0x7980] =	vst v63  }
0x264: {  	s29 =	sld [smem:$0x7A1]  }
0x265: {  	[tilespmem:s30], [sflag:$0x1] =	stream.linear.gather [hbm4b:s23+s2], $0x40, $0x38;
	[tilespmem:$0x7980] =	vst v63  }
0x266: {  	s30 =	sld [smem:$0x7A2]  }
0x267: {  	s23 =	sld [smem:$0x7A5]  }
0x268: {  	[tilespmem:s31], [sflag:$0x1] =	stream.linear.gather [hbm4b:s19+s2], $0x40, $0x38;
	[tilespmem:$0x7980] =	vst v63  }
0x269: {  	s31 =	sld [smem:$0x7A3]  }
0x26a: {  	s19 =	sld [smem:$0x7A4]  }
0x26b: {  	[tilespmem:s29], [sflag:$0x1] =	stream.linear.gather [hbm4b:s28+s2], $0x40, $0x38;
	[tilespmem:$0x7980] =	vst v63  }
0x26c: {  	s28 =	sld [smem:$0x7A7]  }
0x26d: {  	s29 =	sld [smem:$0x7A8]  }
0x26e: {  	[tilespmem:s30], [sflag:$0x1] =	stream.linear.gather [hbm4b:s15+s2], $0x40, $0x38;
	[tilespmem:$0x7980] =	vst v63  }
0x26f: {  	s30 =	sld [smem:$0x7A9]  }
0x270: {  	s15 =	sld [smem:$0x7AD]  }
0x271: {  	[tilespmem:s31], [sflag:$0x1] =	stream.linear.gather [hbm4b:s24+s2], $0x40, $0x38;
	[tilespmem:$0x7980] =	vst v63  }
0x272: {  	s24 =	sld [smem:$0x7A6]  }
0x273: {  	s31 =	sld [smem:$0x7AA]  }
0x274: {  	[tilespmem:s19], [sflag:$0x1] =	stream.linear.gather [hbm4b:s21+s2], $0x40, $0x38;
	[tilespmem:$0x7980] =	vst v63  }
0x275: {  	s19 =	sld [smem:$0x7B0]  }
0x276: {  	s21 =	sld [smem:$0x7B2]  }
0x277: {  	[tilespmem:s23], [sflag:$0x1] =	stream.linear.gather [hbm4b:s3+s2], $0x40, $0x38;
	[tilespmem:$0x7980] =	vst v63  }
0x278: {  	s3 =	sld [smem:$0x7AB]  }
0x279: {  	s23 =	sld [smem:$0x7B4]  }
0x27a: {  	[tilespmem:s24], [sflag:$0x1] =	stream.linear.gather [hbm4b:s25+s2], $0x40, $0x38;
	[tilespmem:$0x7980] =	vst v63  }
0x27b: {  	s24 =	sld [smem:$0x7B5]  }
0x27c: {  	[tilespmem:s28], [sflag:$0x1] =	stream.linear.gather [hbm4b:s20+s2], $0x40, $0x38;
	[tilespmem:$0x7980] =	vst v63  }
0x27d: {  	s25 =	sld [smem:$0x7B6]  }
0x27e: {  	[tilespmem:s29], [sflag:$0x1] =	stream.linear.gather [hbm4b:s18+s2], $0x40, $0x38;
	[tilespmem:$0x7980] =	vst v63  }
0x27f: {  	s20 =	sld [smem:$0x7B1]  }
0x280: {  	[tilespmem:s30], [sflag:$0x1] =	stream.linear.gather [hbm4b:s6+s2], $0x40, $0x38;
	[tilespmem:$0x7980] =	vst v63  }
0x281: {  	s28 =	sld [smem:$0x7B8]  }
0x282: {  	[tilespmem:s31], [sflag:$0x1] =	stream.linear.gather [hbm4b:s17+s2], $0x40, $0x38;
	[tilespmem:$0x7980] =	vst v63  }
0x283: {  	s6 =	sld [smem:$0x7AC]  }
0x284: {  	[tilespmem:s3], [sflag:$0x1] =	stream.linear.gather [hbm4b:s14+s2], $0x40, $0x38;
	[tilespmem:$0x7980] =	vst v63  }
0x285: {  	s18 =	sld [smem:$0x7AF]  }
0x286: {  	[tilespmem:s6], [sflag:$0x1] =	stream.linear.gather [hbm4b:s11+s2], $0x40, $0x38;
	[tilespmem:$0x7980] =	vst v63  }
0x287: {  	s17 =	sld [smem:$0x7AE]  }
0x288: {  	[tilespmem:s15], [sflag:$0x1] =	stream.linear.gather [hbm4b:s10+s2], $0x40, $0x38;
	[tilespmem:$0x7980] =	vst v63  }
0x289: {  	s29 =	sld [smem:$0x7F2]  }
0x28a: {  	[tilespmem:s17], [sflag:$0x1] =	stream.linear.gather [hbm4b:s26+s2], $0x40, $0x38;
	[tilespmem:$0x7980] =	vst v63  }
0x28b: {  	s30 =	sld [smem:$0x7F0]  }
0x28c: {  	[tilespmem:s22], [sflag:$0x1] =	stream.linear.gather [hbm4b:s16+s2], $0x200, $0x38;
	[tilespmem:$0x7980] =	vst v63  }
0x28d: {  	s31 =	sld [smem:$0x7EF]  }
0x28e: {  	[tilespmem:s18], [sflag:$0x1] =	stream.linear.gather [hbm4b:s9+s2], $0x200, $0x38;
	[tilespmem:$0x7980] =	vst v63  }
0x28f: {  	s3 =	sld [smem:$0x7EE]  }
0x290: {  	[tilespmem:s19], [sflag:$0x1] =	stream.linear.gather [hbm4b:s16+s2], $0x40, $0x38;
	[tilespmem:$0x7980] =	vst v63  }
0x291: {  	s6 =	sld [smem:$0x7FA]  }
0x292: {  	[tilespmem:s20], [sflag:$0x1] =	stream.linear.gather [hbm4b:s9+s2], $0x40, $0x38;
	[tilespmem:$0x7980] =	vst v63  }
0x293: {  	s14 =	sld [smem:$0x7BA];
	s15 =	simm.s32 $0x4800  }
0x294: {  	[tilespmem:s15], [sflag:$0x1] =	stream.linear.gather [hbm4b:s6+s2], $0x200, $0x38;
	[tilespmem:$0x7980] =	vst v63  }
0x295: {  	s22 =	sld [smem:$0x7B3]  }
0x296: {  	[tilespmem:s21], [sflag:$0x1] =	stream.linear.gather [hbm4b:s3+s2], $0x200, $0x38;
	[tilespmem:$0x7980] =	vst v63  }
0x297: {  	s11 =	sld [smem:$0x7B9]  }
0x298: {  	[tilespmem:s22], [sflag:$0x1] =	stream.linear.gather [hbm4b:s0+s2], $0x200, $0x38;
	[tilespmem:$0x7980] =	vst v63  }
0x299: {  	s26 =	sld [smem:$0x7B7]  }
0x29a: {  	[tilespmem:s23], [sflag:$0x1] =	stream.linear.gather [hbm4b:s1+s2], $0x200, $0x38;
	[tilespmem:$0x7980] =	vst v63  }
0x29b: {  	s19 =	sld [smem:$0x7F1]  }
0x29c: {  	[tilespmem:s24], [sflag:$0x1] =	stream.linear.gather [hbm4b:s31+s2], $0x200, $0x38;
	[tilespmem:$0x7980] =	vst v63  }
0x29d: {  	s21 =	sld [smem:$0x7BB]  }
0x29e: {  	[tilespmem:s25], [sflag:$0x1] =	stream.linear.gather [hbm4b:s30+s2], $0x200, $0x38;
	[tilespmem:$0x7980] =	vst v63  }
0x29f: {  	s22 =	sld [smem:$0x7BC]  }
0x2a0: {  	[tilespmem:s26], [sflag:$0x1] =	stream.linear.gather [hbm4b:s19+s2], $0x200, $0x38;
	[tilespmem:$0x7980] =	vst v63  }
0x2a1: {  	s23 =	sld [smem:$0x7BD]  }
0x2a2: {  	[tilespmem:s28], [sflag:$0x1] =	stream.linear.gather [hbm4b:s29+s2], $0x200, $0x38;
	[tilespmem:$0x7980] =	vst v63  }
0x2a3: {  	s28 =	sld [smem:$0x7F3]  }
0x2a4: {  	s24 =	sld [smem:$0x7F6]  }
0x2a5: {  	s26 =	sld [smem:$0x7F4]  }
0x2a6: {  	[tilespmem:s11], [sflag:$0x1] =	stream.linear.gather [hbm4b:s28+s2], $0x200, $0x38;
	[tilespmem:$0x7980] =	vst v63  }
0x2a7: {  	s25 =	sld [smem:$0x7F5]  }
0x2a8: {  	[tilespmem:s14], [sflag:$0x1] =	stream.linear.gather [hbm4b:s26+s2], $0x200, $0x38;
	[tilespmem:$0x7980] =	vst v63  }
0x2a9: {  	s11 =	sld [smem:$0x7BE]  }
0x2aa: {  	[tilespmem:s21], [sflag:$0x1] =	stream.linear.gather [hbm4b:s25+s2], $0x200, $0x38;
	[tilespmem:$0x7980] =	vst v63  }
0x2ab: {  	s21 =	sld [smem:$0x7F7]  }
0x2ac: {  	[tilespmem:s22], [sflag:$0x1] =	stream.linear.gather [hbm4b:s24+s2], $0x200, $0x38;
	[tilespmem:$0x7980] =	vst v63  }
0x2ad: {  	s22 =	sld [smem:$0x7F8]  }
0x2ae: {  	[tilespmem:s23], [sflag:$0x1] =	stream.linear.gather [hbm4b:s21+s2], $0x200, $0x38;
	[tilespmem:$0x7980] =	vst v63  }
0x2af: {  	s14 =	sld [smem:$0x7BF]  }
0x2b0: {  	[tilespmem:s11], [sflag:$0x1] =	stream.linear.gather [hbm4b:s22+s2], $0x200, $0x38;
	[tilespmem:$0x7980] =	vst v63  }
0x2b1: {  	s11 =	sld [smem:$0x7F9];
	_ =	sdelay $0x1  }
0x2b2: {  	s4 =	sld [smem:$0x7C0]  }
0x2b3: {  	[tilespmem:s14], [sflag:$0x1] =	stream.linear.gather [hbm4b:s11+s2], $0x200, $0x38;
	[tilespmem:$0x7980] =	vst v63  }
0x2b4: {  	s14 =	sld [smem:$0x7FB];
	_ =	sdelay $0x1  }
0x2b5: {  	s23 =	sld [smem:$0x7C1]  }
0x2b6: {  	[tilespmem:s4], [sflag:$0x1] =	stream.linear.gather [hbm4b:s14+s2], $0x200, $0x38;
	[tilespmem:$0x7980] =	vst v63  }
0x2b7: {  	s4 =	sld [smem:$0x7C2]  }
0x2b8: {  	[tilespmem:s23], [sflag:$0x1] =	stream.linear.gather [hbm4b:s6+s2], $0x40, $0x38;
	[tilespmem:$0x7980] =	vst v63  }
0x2b9: {  	s23 =	sld [smem:$0x7C3]  }
0x2ba: {  	s6 =	sld [smem:$0x7C5]  }
0x2bb: {  	[tilespmem:s4], [sflag:$0x1] =	stream.linear.gather [hbm4b:s3+s2], $0x40, $0x38;
	[tilespmem:$0x7980] =	vst v63  }
0x2bc: {  	s3 =	sld [smem:$0x7C4]  }
0x2bd: {  	[tilespmem:s23], [sflag:$0x1] =	stream.linear.gather [hbm4b:s0+s2], $0x40, $0x38;
	[tilespmem:$0x7980] =	vst v63  }
0x2be: {  	s23 =	sld [smem:$0x7C7]  }
0x2bf: {  	[tilespmem:s3], [sflag:$0x1] =	stream.linear.gather [hbm4b:s1+s2], $0x40, $0x38;
	[tilespmem:$0x7980] =	vst v63  }
0x2c0: {  	s3 =	sld [smem:$0x7C9]  }
0x2c1: {  	[tilespmem:s6], [sflag:$0x1] =	stream.linear.gather [hbm4b:s31+s2], $0x40, $0x38;
	[tilespmem:$0x7980] =	vst v63  }
0x2c2: {  	s6 =	sld [smem:$0x7CA]  }
0x2c3: {  	[tilespmem:s23], [sflag:$0x1] =	stream.linear.gather [hbm4b:s30+s2], $0x40, $0x38;
	[tilespmem:$0x7980] =	vst v63  }
0x2c4: {  	s31 =	sld [smem:$0x7D5]  }
0x2c5: {  	[tilespmem:s3], [sflag:$0x1] =	stream.linear.gather [hbm4b:s19+s2], $0x40, $0x38;
	[tilespmem:$0x7980] =	vst v63  }
0x2c6: {  	s19 =	sld [smem:$0x7CB]  }
0x2c7: {  	[tilespmem:s6], [sflag:$0x1] =	stream.linear.gather [hbm4b:s29+s2], $0x40, $0x38;
	[tilespmem:$0x7980] =	vst v63  }
0x2c8: {  	s23 =	sld [smem:$0x7CD]  }
0x2c9: {  	[tilespmem:s19], [sflag:$0x1] =	stream.linear.gather [hbm4b:s28+s2], $0x40, $0x38;
	[tilespmem:$0x7980] =	vst v63  }
0x2ca: {  	s28 =	sld [smem:$0x7CF]  }
0x2cb: {  	[tilespmem:s23], [sflag:$0x1] =	stream.linear.gather [hbm4b:s26+s2], $0x40, $0x38;
	[tilespmem:$0x7980] =	vst v63  }
0x2cc: {  	s29 =	sld [smem:$0x7D1]  }
0x2cd: {  	[tilespmem:s28], [sflag:$0x1] =	stream.linear.gather [hbm4b:s25+s2], $0x40, $0x38;
	[tilespmem:$0x7980] =	vst v63  }
0x2ce: {  	s30 =	sld [smem:$0x7D3]  }
0x2cf: {  	[tilespmem:s29], [sflag:$0x1] =	stream.linear.gather [hbm4b:s24+s2], $0x40, $0x38;
	[tilespmem:$0x7980] =	vst v63  }
0x2d0: {  	s3 =	sld [smem:$0x7D7]  }
0x2d1: {  	[tilespmem:s30], [sflag:$0x1] =	stream.linear.gather [hbm4b:s21+s2], $0x40, $0x38;
	[tilespmem:$0x7980] =	vst v63  }
0x2d2: {  	s6 =	sld [smem:$0x7D9]  }
0x2d3: {  	[tilespmem:s31], [sflag:$0x1] =	stream.linear.gather [hbm4b:s22+s2], $0x40, $0x38;
	[tilespmem:$0x7980] =	vst v63  }
0x2d4: {  	s23 =	sld [smem:$0x7FD]  }
0x2d5: {  	[tilespmem:s3], [sflag:$0x1] =	stream.linear.gather [hbm4b:s11+s2], $0x40, $0x38;
	[tilespmem:$0x7980] =	vst v63  }
0x2d6: {  	s21 =	sld [smem:$0x7FC]  }
0x2d7: {  	[tilespmem:s6], [sflag:$0x1] =	stream.linear.gather [hbm4b:s14+s2], $0x40, $0x38;
	[tilespmem:$0x7980] =	vst v63  }
0x2d8: {  	s19 =	simm.s32 $0x7500;
	s14 =	sld [smem:$0x7DB]  }
0x2d9: {  	[tilespmem:s19], [sflag:$0x1] =	stream.linear.gather [hbm4b:s21+s2], $0x200, $0x38;
	[tilespmem:$0x7980] =	vst v63  }
0x2da: {  	s22 =	sld [smem:$0x7DD]  }
0x2db: {  	[tilespmem:s14], [sflag:$0x1] =	stream.linear.gather [hbm4b:s23+s2], $0x200, $0x38;
	[tilespmem:$0x7980] =	vst v63  }
0x2dc: {  	s24 =	sld [smem:$0x7DE]  }
0x2dd: {  	[tilespmem:s22], [sflag:$0x1] =	stream.linear.gather [hbm4b:s21+s2], $0x40, $0x38;
	[tilespmem:$0x7980] =	vst v63  }
0x2de: {  	_ = 	snop  }
0x2df: {  	[tilespmem:s24], [sflag:$0x1] =	stream.linear.gather [hbm4b:s23+s2], $0x40, $0x38;
	[tilespmem:$0x7980] =	vst v63  }
0x2e0: {  	_ =	swait.ge [sflag:s8], $0x2000  }
0x2e1: {  	[sflag:s8] =	ssyncset.done $0x0  }
0x2e2: {  	[sflag:s8] =	ssyncadd.s32 $0xFFFFE000  }
0x2e3: {  	_ =	swait.ge [sflag:s8], $0x400  }
0x2e4: {  	s25 =	sld [smem:$0x785]  }
0x2e5: {  	[sflag:s8] =	ssyncset.done $0x0  }
0x2e6: {  	[sflag:s8] =	ssyncadd.s32 $0xFFFFFC00  }
0x2e7: {  	[hbm4b:s25+s2] =	stream.linear.scatter [tilespmem:s2], [sflag:$0x2], $0x2400, $0x38;
	[tilespmem:$0x7980] =	vst v63  }
0x2e8: {  	_ =	swait.ge [sflag:s8], $0x400  }
0x2e9: {  	[sflag:s8] =	ssyncset.done $0x0  }
0x2ea: {  	[sflag:s8] =	ssyncadd.s32 $0xFFFFFC00  }
0x2eb: {  	_ =	swait.ge [sflag:s8], $0x80  }
0x2ec: {  	[sflag:s8] =	ssyncset.done $0x0  }
0x2ed: {  	s20 =	simm.s32 $0x6C00;
	s26 =	rddreg [dreg:$0x3];
	[sflag:s8] =	ssyncadd.s32 $0xFFFFFF80  }
0x2ee: {  	[hbm4b:s26+s2] =	stream.linear.scatter [tilespmem:s20], [sflag:$0x2], $0x480, $0x38;
	[tilespmem:$0x7980] =	vst v63  }
0x2ef: {  	_ =	swait.ge [sflag:s8], $0x2000  }
0x2f0: {  	[sflag:s8] =	ssyncset.done $0x0  }
0x2f1: {  	[sflag:s8] =	ssyncadd.s32 $0xFFFFE000  }
0x2f2: {  	_ =	swait.ge [sflag:s8], $0x400  }
0x2f3: {  	[sflag:s8] =	ssyncset.done $0x0  }
0x2f4: {  	s18 =	simm.s32 $0x2400;
	s28 =	rddreg [dreg:$0x4];
	[sflag:s8] =	ssyncadd.s32 $0xFFFFFC00  }
0x2f5: {  	[hbm4b:s28+s2] =	stream.linear.scatter [tilespmem:s18], [sflag:$0x2], $0x2400, $0x38;
	[tilespmem:$0x7980] =	vst v63  }
0x2f6: {  	_ =	swait.ge [sflag:s8], $0x400  }
0x2f7: {  	[sflag:s8] =	ssyncset.done $0x0  }
0x2f8: {  	[sflag:s8] =	ssyncadd.s32 $0xFFFFFC00  }
0x2f9: {  	_ =	swait.ge [sflag:s8], $0x80  }
0x2fa: {  	[sflag:s8] =	ssyncset.done $0x0  }
0x2fb: {  	s17 =	simm.s32 $0x7080;
	s29 =	rddreg [dreg:$0x5];
	[sflag:s8] =	ssyncadd.s32 $0xFFFFFF80  }
0x2fc: {  	[hbm4b:s29+s2] =	stream.linear.scatter [tilespmem:s17], [sflag:$0x2], $0x480, $0x38;
	[tilespmem:$0x7980] =	vst v63  }
0x2fd: {  	_ =	swait.ge [sflag:s8], $0x2000  }
0x2fe: {  	[sflag:s8] =	ssyncset.done $0x0  }
0x2ff: {  	[sflag:s8] =	ssyncadd.s32 $0xFFFFE000  }
0x300: {  	_ =	swait.ge [sflag:s8], $0x400  }
0x301: {  	[sflag:s8] =	ssyncset.done $0x0  }
0x302: {  	s30 =	rddreg [dreg:$0x6];
	[sflag:s8] =	ssyncadd.s32 $0xFFFFFC00  }
0x303: {  	[hbm4b:s30+s2] =	stream.linear.scatter [tilespmem:s15], [sflag:$0x2], $0x2400, $0x38;
	[tilespmem:$0x7980] =	vst v63  }
0x304: {  	_ =	swait.ge [sflag:s8], $0x400  }
0x305: {  	[sflag:s8] =	ssyncset.done $0x0  }
0x306: {  	[sflag:s8] =	ssyncadd.s32 $0xFFFFFC00  }
0x307: {  	_ =	swait.ge [sflag:s8], $0x80  }
0x308: {  	[sflag:s8] =	ssyncset.done $0x0  }
0x309: {  	s14 =	simm.s32 $0x7500;
	s31 =	rddreg [dreg:$0x7];
	[sflag:s8] =	ssyncadd.s32 $0xFFFFFF80  }
0x30a: {  	[hbm4b:s31+s2] =	stream.linear.scatter [tilespmem:s14], [sflag:$0x2], $0x480, $0x38;
	[tilespmem:$0x7980] =	vst v63  }
0x30b: {  	_ =	swait.ge [sflag:s5], $0x2400  }
0x30c: {  	[sflag:s5] =	ssyncset.done $0x0  }
0x30d: {  	[sflag:s5] =	ssyncadd.s32 $0xFFFFDC00  }
0x30e: {  	_ =	swait.ge [sflag:s5], $0x480  }
0x30f: {  	[sflag:s5] =	ssyncset.done $0x0  }
0x310: {  	[sflag:s5] =	ssyncadd.s32 $0xFFFFFB80  }
0x311: {  	_ =	swait.ge [sflag:s5], $0x2400  }
0x312: {  	[sflag:s5] =	ssyncset.done $0x0  }
0x313: {  	[sflag:s5] =	ssyncadd.s32 $0xFFFFDC00  }
0x314: {  	_ =	swait.ge [sflag:s5], $0x480  }
0x315: {  	[sflag:s5] =	ssyncset.done $0x0  }
0x316: {  	p1 =	sne.s32 s12, $0x1;
	[sflag:s5] =	ssyncadd.s32 $0xFFFFFB80  }
.Ltmp2:
0x317: {  	_ =	swait.ge [sflag:s5], $0x2400;
	(pc) =	sbr.rel @p1 .LBB2_3-.Ltmp2, $4  }
0x318: {  	[sflag:s5] =	ssyncset.done $0x0  }
0x319: {  	[sflag:s5] =	ssyncadd.s32 $0xFFFFDC00  }
0x31a: {  	s12 =	sadd.s32 $0xFFFFFFFF, s12;
	s6 =	simm.s32 $0x6C00;
	_ =	swait.ge [sflag:s5], $0x480  }
0x31b: {  	s22 =	simm.s32 $0x7080;
	s18 =	simm.s32 $0x2400;
	[sflag:s5] =	ssyncset.done $0x0  }
0x31c: {  	s30 =	sld [smem:$0x783]  }
0x31d: {  	s11 =	sld [smem:$0x77F]  }
0x31e: {  	s3 =	sld [smem:$0x782]  }
0x31f: {  	s18 =	sld [smem:$0x77E]  }
0x320: {  	s31 =	sld [smem:$0x781]  }
0x321: {  	s23 =	stileid.u32;
	s21 =	sld [smem:$0x780]  }
.LBB2_5:
0x322: {  	s4 =	rddreg [dreg:$0x8]  }
0x323: {  	s12 =	rddreg [dreg:$0x9]  }
0x324: {  	s26 =	rddreg [dreg:$0xa]  }
0x325: {  	[sflag:s5] =	ssyncadd.s32 @p0 $0xFFFFFB80;
	s22 =	sld [smem:$0x7C6]  }
0x326: {  	[tilespmem:s2], [sflag:$0x1] =	stream.linear.gather [hbm4b:s11+s2], $0x200, $0x38;
	[tilespmem:$0x7980] =	vst v63  }
0x327: {  	s28 =	rddreg [dreg:$0xb]  }
0x328: {  	[tilespmem:s4], [sflag:$0x1] =	stream.linear.gather [hbm4b:s18+s2], $0x200, $0x38;
	[tilespmem:$0x7980] =	vst v63  }
0x329: {  	s20 =	sld [smem:$0x7C8]  }
0x32a: {  	[tilespmem:s12], [sflag:$0x1] =	stream.linear.gather [hbm4b:s22+s2], $0x200, $0x38;
	[tilespmem:$0x7980] =	vst v63  }
0x32b: {  	s29 =	rddreg [dreg:$0xc]  }
0x32c: {  	[tilespmem:s26], [sflag:$0x1] =	stream.linear.gather [hbm4b:s20+s2], $0x200, $0x38;
	[tilespmem:$0x7980] =	vst v63  }
0x32d: {  	s13 =	rddreg [dreg:$0xd]  }
0x32e: {  	[tilespmem:s28], [sflag:$0x1] =	stream.linear.gather [hbm4b:s31+s2], $0x200, $0x38;
	[tilespmem:$0x7980] =	vst v63  }
0x32f: {  	s15 =	sld [smem:$0x7CC]  }
0x330: {  	[tilespmem:s29], [sflag:$0x1] =	stream.linear.gather [hbm4b:s21+s2], $0x200, $0x38;
	[tilespmem:$0x7980] =	vst v63  }
0x331: {  	s17 =	rddreg [dreg:$0xe]  }
0x332: {  	[tilespmem:s13], [sflag:$0x1] =	stream.linear.gather [hbm4b:s15+s2], $0x200, $0x38;
	[tilespmem:$0x7980] =	vst v63  }
0x333: {  	s13 =	sld [smem:$0x7CE]  }
0x334: {  	s19 =	rddreg [dreg:$0xf]  }
0x335: {  	s6 =	smov.u32 s21;
	s21 =	sld [smem:$0x7D0]  }
0x336: {  	[tilespmem:s17], [sflag:$0x1] =	stream.linear.gather [hbm4b:s13+s2], $0x200, $0x38;
	[tilespmem:$0x7980] =	vst v63  }
0x337: {  	s17 =	sld [smem:$0x7D2]  }
0x338: {  	[tilespmem:s19], [sflag:$0x1] =	stream.linear.gather [hbm4b:s21+s2], $0x200, $0x38;
	[tilespmem:$0x7980] =	vst v63  }
0x339: {  	s24 =	rddreg [dreg:$0x10]  }
0x33a: {  	[tilespmem:s24], [sflag:$0x1] =	stream.linear.gather [hbm4b:s17+s2], $0x200, $0x38;
	[tilespmem:$0x7980] =	vst v63  }
0x33b: {  	s24 =	sld [smem:$0x7D4];
	_ =	sdelay $0x1  }
0x33c: {  	s25 =	rddreg [dreg:$0x11]  }
0x33d: {  	[tilespmem:s25], [sflag:$0x1] =	stream.linear.gather [hbm4b:s24+s2], $0x200, $0x38;
	[tilespmem:$0x7980] =	vst v63  }
0x33e: {  	s25 =	sld [smem:$0x7D6];
	_ =	sdelay $0x1  }
0x33f: {  	s26 =	rddreg [dreg:$0x12]  }
0x340: {  	[tilespmem:s26], [sflag:$0x1] =	stream.linear.gather [hbm4b:s25+s2], $0x200, $0x38;
	[tilespmem:$0x7980] =	vst v63  }
0x341: {  	s26 =	sld [smem:$0x7D8];
	_ =	sdelay $0x1  }
0x342: {  	s28 =	rddreg [dreg:$0x13]  }
0x343: {  	[tilespmem:s28], [sflag:$0x1] =	stream.linear.gather [hbm4b:s26+s2], $0x200, $0x38;
	[tilespmem:$0x7980] =	vst v63  }
0x344: {  	s28 =	sld [smem:$0x7DA];
	_ =	sdelay $0x1  }
0x345: {  	s29 =	rddreg [dreg:$0x14]  }
0x346: {  	[tilespmem:s29], [sflag:$0x1] =	stream.linear.gather [hbm4b:s28+s2], $0x200, $0x38;
	[tilespmem:$0x7980] =	vst v63  }
0x347: {  	s29 =	sld [smem:$0x7DC];
	_ =	sdelay $0x1  }
0x348: {  	s19 =	rddreg [dreg:$0x15]  }
0x349: {  	[tilespmem:s19], [sflag:$0x1] =	stream.linear.gather [hbm4b:s29+s2], $0x200, $0x38;
	[tilespmem:$0x7980] =	vst v63  }
0x34a: {  	s19 =	sld [smem:$0x7DF]  }
0x34b: {  	s4 =	rddreg [dreg:$0x16]  }
0x34c: {  	s12 =	rddreg [dreg:$0x17]  }
0x34d: {  	[tilespmem:s4], [sflag:$0x1] =	stream.linear.gather [hbm4b:s19+s2], $0x200, $0x38;
	[tilespmem:$0x7980] =	vst v63  }
0x34e: {  	s4 =	rddreg [dreg:$0x18]  }
0x34f: {  	[tilespmem:s12], [sflag:$0x1] =	stream.linear.gather [hbm4b:s11+s2], $0x40, $0x38;
	[tilespmem:$0x7980] =	vst v63  }
0x350: {  	s12 =	rddreg [dreg:$0x19]  }
0x351: {  	s11 =	sld [smem:$0x795]  }
0x352: {  	[tilespmem:s4], [sflag:$0x1] =	stream.linear.gather [hbm4b:s18+s2], $0x40, $0x38;
	[tilespmem:$0x7980] =	vst v63  }
0x353: {  	s18 =	rddreg [dreg:$0x1a]  }
0x354: {  	s4 =	sld [smem:$0x793]  }
0x355: {  	[tilespmem:s12], [sflag:$0x1] =	stream.linear.gather [hbm4b:s22+s2], $0x40, $0x38;
	[tilespmem:$0x7980] =	vst v63  }
0x356: {  	s22 =	rddreg [dreg:$0x1b]  }
0x357: {  	s12 =	rddreg [dreg:$0x1c]  }
0x358: {  	[tilespmem:s18], [sflag:$0x1] =	stream.linear.gather [hbm4b:s20+s2], $0x40, $0x38;
	[tilespmem:$0x7980] =	vst v63  }
0x359: {  	s18 =	rddreg [dreg:$0x1d]  }
0x35a: {  	s20 =	rddreg [dreg:$0x1e]  }
0x35b: {  	[tilespmem:s22], [sflag:$0x1] =	stream.linear.gather [hbm4b:s31+s2], $0x40, $0x38;
	[tilespmem:$0x7980] =	vst v63  }
0x35c: {  	s22 =	rddreg [dreg:$0x1f]  }
0x35d: {  	s31 =	sld [smem:$0x786]  }
0x35e: {  	[tilespmem:s12], [sflag:$0x1] =	stream.linear.gather [hbm4b:s6+s2], $0x40, $0x38;
	[tilespmem:$0x7980] =	vst v63  }
0x35f: {  	s6 =	sld [smem:$0x787]  }
0x360: {  	s12 =	sld [smem:$0x788]  }
0x361: {  	[tilespmem:s18], [sflag:$0x1] =	stream.linear.gather [hbm4b:s15+s2], $0x40, $0x38;
	[tilespmem:$0x7980] =	vst v63  }
0x362: {  	s15 =	sld [smem:$0x78A]  }
0x363: {  	s18 =	sld [smem:$0x78C]  }
0x364: {  	[tilespmem:s20], [sflag:$0x1] =	stream.linear.gather [hbm4b:s13+s2], $0x40, $0x38;
	[tilespmem:$0x7980] =	vst v63  }
0x365: {  	s13 =	sld [smem:$0x789]  }
0x366: {  	[tilespmem:s22], [sflag:$0x1] =	stream.linear.gather [hbm4b:s21+s2], $0x40, $0x38;
	[tilespmem:$0x7980] =	vst v63  }
0x367: {  	s20 =	sld [smem:$0x78D]  }
0x368: {  	[tilespmem:s31], [sflag:$0x1] =	stream.linear.gather [hbm4b:s17+s2], $0x40, $0x38;
	[tilespmem:$0x7980] =	vst v63  }
0x369: {  	s21 =	sld [smem:$0x78E]  }
0x36a: {  	[tilespmem:s6], [sflag:$0x1] =	stream.linear.gather [hbm4b:s24+s2], $0x40, $0x38;
	[tilespmem:$0x7980] =	vst v63  }
0x36b: {  	s22 =	sld [smem:$0x7E0]  }
0x36c: {  	[tilespmem:s12], [sflag:$0x1] =	stream.linear.gather [hbm4b:s25+s2], $0x40, $0x38;
	[tilespmem:$0x7980] =	vst v63  }
0x36d: {  	s17 =	sld [smem:$0x78B]  }
0x36e: {  	[tilespmem:s13], [sflag:$0x1] =	stream.linear.gather [hbm4b:s26+s2], $0x40, $0x38;
	[tilespmem:$0x7980] =	vst v63  }
0x36f: {  	s31 =	sld [smem:$0x792]  }
0x370: {  	[tilespmem:s15], [sflag:$0x1] =	stream.linear.gather [hbm4b:s28+s2], $0x40, $0x38;
	[tilespmem:$0x7980] =	vst v63  }
0x371: {  	s24 =	sld [smem:$0x78F]  }
0x372: {  	[tilespmem:s17], [sflag:$0x1] =	stream.linear.gather [hbm4b:s29+s2], $0x40, $0x38;
	[tilespmem:$0x7980] =	vst v63  }
0x373: {  	s6 =	sld [smem:$0x7ED]  }
0x374: {  	[tilespmem:s18], [sflag:$0x1] =	stream.linear.gather [hbm4b:s19+s2], $0x40, $0x38;
	[tilespmem:$0x7980] =	vst v63  }
0x375: {  	s12 =	sld [smem:$0x796];
	s18 =	simm.s32 $0x6C00  }
0x376: {  	[tilespmem:s18], [sflag:$0x1] =	stream.linear.gather [hbm4b:s7+s2], $0x200, $0x38;
	[tilespmem:$0x7980] =	vst v63  }
0x377: {  	s13 =	sld [smem:$0x7E4]  }
0x378: {  	[tilespmem:s20], [sflag:$0x1] =	stream.linear.gather [hbm4b:s22+s2], $0x200, $0x38;
	[tilespmem:$0x7980] =	vst v63  }
0x379: {  	s28 =	sld [smem:$0x790]  }
0x37a: {  	[tilespmem:s21], [sflag:$0x1] =	stream.linear.gather [hbm4b:s7+s2], $0x40, $0x38;
	[tilespmem:$0x7980] =	vst v63  }
0x37b: {  	s15 =	sld [smem:$0x7E2]  }
0x37c: {  	[tilespmem:s24], [sflag:$0x1] =	stream.linear.gather [hbm4b:s22+s2], $0x40, $0x38;
	[tilespmem:$0x7980] =	vst v63  }
0x37d: {  	s29 =	sld [smem:$0x791];
	s24 =	simm.s32 $0x2400  }
0x37e: {  	[tilespmem:s24], [sflag:$0x1] =	stream.linear.gather [hbm4b:s6+s2], $0x200, $0x38;
	[tilespmem:$0x7980] =	vst v63  }
0x37f: {  	s17 =	sld [smem:$0x7E3]  }
0x380: {  	[tilespmem:s28], [sflag:$0x1] =	stream.linear.gather [hbm4b:s3+s2], $0x200, $0x38;
	[tilespmem:$0x7980] =	vst v63  }
0x381: {  	s22 =	smov.u32 s3;
	s3 =	sld [smem:$0x7E1]  }
0x382: {  	s19 =	sld [smem:$0x797]  }
0x383: {  	s20 =	sld [smem:$0x798]  }
0x384: {  	[tilespmem:s29], [sflag:$0x1] =	stream.linear.gather [hbm4b:s3+s2], $0x200, $0x38;
	[tilespmem:$0x7980] =	vst v63  }
0x385: {  	s7 =	sld [smem:$0x794]  }
0x386: {  	[tilespmem:s31], [sflag:$0x1] =	stream.linear.gather [hbm4b:s15+s2], $0x200, $0x38;
	[tilespmem:$0x7980] =	vst v63  }
0x387: {  	s21 =	sld [smem:$0x7E5]  }
0x388: {  	[tilespmem:s4], [sflag:$0x1] =	stream.linear.gather [hbm4b:s17+s2], $0x200, $0x38;
	[tilespmem:$0x7980] =	vst v63  }
0x389: {  	s28 =	sld [smem:$0x7E6]  }
0x38a: {  	[tilespmem:s7], [sflag:$0x1] =	stream.linear.gather [hbm4b:s13+s2], $0x200, $0x38;
	[tilespmem:$0x7980] =	vst v63  }
0x38b: {  	s29 =	sld [smem:$0x799]  }
0x38c: {  	[tilespmem:s11], [sflag:$0x1] =	stream.linear.gather [hbm4b:s21+s2], $0x200, $0x38;
	[tilespmem:$0x7980] =	vst v63  }
0x38d: {  	s31 =	sld [smem:$0x79A]  }
0x38e: {  	[tilespmem:s12], [sflag:$0x1] =	stream.linear.gather [hbm4b:s28+s2], $0x200, $0x38;
	[tilespmem:$0x7980] =	vst v63  }
0x38f: {  	s12 =	sld [smem:$0x7E7]  }
0x390: {  	s4 =	sld [smem:$0x79B]  }
0x391: {  	s11 =	sld [smem:$0x7E8]  }
0x392: {  	[tilespmem:s19], [sflag:$0x1] =	stream.linear.gather [hbm4b:s12+s2], $0x200, $0x38;
	[tilespmem:$0x7980] =	vst v63  }
0x393: {  	s19 =	sld [smem:$0x7E9]  }
0x394: {  	[tilespmem:s20], [sflag:$0x1] =	stream.linear.gather [hbm4b:s11+s2], $0x200, $0x38;
	[tilespmem:$0x7980] =	vst v63  }
0x395: {  	s20 =	sld [smem:$0x7EA]  }
0x396: {  	[tilespmem:s29], [sflag:$0x1] =	stream.linear.gather [hbm4b:s19+s2], $0x200, $0x38;
	[tilespmem:$0x7980] =	vst v63  }
0x397: {  	s7 =	sld [smem:$0x7EB]  }
0x398: {  	[tilespmem:s31], [sflag:$0x1] =	stream.linear.gather [hbm4b:s20+s2], $0x200, $0x38;
	[tilespmem:$0x7980] =	vst v63  }
0x399: {  	s29 =	sld [smem:$0x79C]  }
0x39a: {  	[tilespmem:s4], [sflag:$0x1] =	stream.linear.gather [hbm4b:s7+s2], $0x200, $0x38;
	[tilespmem:$0x7980] =	vst v63  }
0x39b: {  	s4 =	sld [smem:$0x7EC];
	_ =	sdelay $0x1  }
0x39c: {  	s31 =	sld [smem:$0x79D]  }
0x39d: {  	[tilespmem:s29], [sflag:$0x1] =	stream.linear.gather [hbm4b:s4+s2], $0x200, $0x38;
	[tilespmem:$0x7980] =	vst v63  }
0x39e: {  	s29 =	sld [smem:$0x79E]  }
0x39f: {  	[tilespmem:s31], [sflag:$0x1] =	stream.linear.gather [hbm4b:s10+s2], $0x200, $0x38;
	[tilespmem:$0x7980] =	vst v63  }
0x3a0: {  	s31 =	sld [smem:$0x79F]  }
0x3a1: {  	[tilespmem:s29], [sflag:$0x1] =	stream.linear.gather [hbm4b:s30+s2], $0x200, $0x38;
	[tilespmem:$0x7980] =	vst v63  }
0x3a2: {  	s29 =	sld [smem:$0x7A0]  }
0x3a3: {  	[tilespmem:s31], [sflag:$0x1] =	stream.linear.gather [hbm4b:s6+s2], $0x40, $0x38;
	[tilespmem:$0x7980] =	vst v63  }
0x3a4: {  	s31 =	sld [smem:$0x7A1]  }
0x3a5: {  	s6 =	sld [smem:$0x7A2]  }
0x3a6: {  	[tilespmem:s29], [sflag:$0x1] =	stream.linear.gather [hbm4b:s22+s2], $0x40, $0x38;
	[tilespmem:$0x7980] =	vst v63  }
0x3a7: {  	s22 =	sld [smem:$0x7A3]  }
0x3a8: {  	s29 =	sld [smem:$0x7A4]  }
0x3a9: {  	[tilespmem:s31], [sflag:$0x1] =	stream.linear.gather [hbm4b:s3+s2], $0x40, $0x38;
	[tilespmem:$0x7980] =	vst v63  }
0x3aa: {  	s31 =	sld [smem:$0x7A5]  }
0x3ab: {  	s3 =	sld [smem:$0x7A6]  }
0x3ac: {  	[tilespmem:s6], [sflag:$0x1] =	stream.linear.gather [hbm4b:s15+s2], $0x40, $0x38;
	[tilespmem:$0x7980] =	vst v63  }
0x3ad: {  	s6 =	sld [smem:$0x7A7]  }
0x3ae: {  	s15 =	sld [smem:$0x7A9]  }
0x3af: {  	[tilespmem:s22], [sflag:$0x1] =	stream.linear.gather [hbm4b:s17+s2], $0x40, $0x38;
	[tilespmem:$0x7980] =	vst v63  }
0x3b0: {  	s17 =	sld [smem:$0x7AA]  }
0x3b1: {  	s22 =	sld [smem:$0x7AD]  }
0x3b2: {  	[tilespmem:s29], [sflag:$0x1] =	stream.linear.gather [hbm4b:s13+s2], $0x40, $0x38;
	[tilespmem:$0x7980] =	vst v63  }
0x3b3: {  	s13 =	sld [smem:$0x7A8]  }
0x3b4: {  	s29 =	sld [smem:$0x7AF]  }
0x3b5: {  	[tilespmem:s31], [sflag:$0x1] =	stream.linear.gather [hbm4b:s21+s2], $0x40, $0x38;
	[tilespmem:$0x7980] =	vst v63  }
0x3b6: {  	s21 =	sld [smem:$0x7AC]  }
0x3b7: {  	s31 =	sld [smem:$0x7B1]  }
0x3b8: {  	[tilespmem:s3], [sflag:$0x1] =	stream.linear.gather [hbm4b:s28+s2], $0x40, $0x38;
	[tilespmem:$0x7980] =	vst v63  }
0x3b9: {  	s28 =	sld [smem:$0x7AE]  }
0x3ba: {  	s3 =	sld [smem:$0x7B2]  }
0x3bb: {  	[tilespmem:s6], [sflag:$0x1] =	stream.linear.gather [hbm4b:s12+s2], $0x40, $0x38;
	[tilespmem:$0x7980] =	vst v63  }
0x3bc: {  	s6 =	sld [smem:$0x7FA]  }
0x3bd: {  	[tilespmem:s13], [sflag:$0x1] =	stream.linear.gather [hbm4b:s11+s2], $0x40, $0x38;
	[tilespmem:$0x7980] =	vst v63  }
0x3be: {  	s12 =	sld [smem:$0x7B5]  }
0x3bf: {  	[tilespmem:s15], [sflag:$0x1] =	stream.linear.gather [hbm4b:s19+s2], $0x40, $0x38;
	[tilespmem:$0x7980] =	vst v63  }
0x3c0: {  	s19 =	sld [smem:$0x7AB]  }
0x3c1: {  	[tilespmem:s17], [sflag:$0x1] =	stream.linear.gather [hbm4b:s20+s2], $0x40, $0x38;
	[tilespmem:$0x7980] =	vst v63  }
0x3c2: {  	s11 =	sld [smem:$0x7B4]  }
0x3c3: {  	[tilespmem:s19], [sflag:$0x1] =	stream.linear.gather [hbm4b:s7+s2], $0x40, $0x38;
	[tilespmem:$0x7980] =	vst v63  }
0x3c4: {  	s13 =	sld [smem:$0x7B6]  }
0x3c5: {  	[tilespmem:s21], [sflag:$0x1] =	stream.linear.gather [hbm4b:s4+s2], $0x40, $0x38;
	[tilespmem:$0x7980] =	vst v63  }
0x3c6: {  	s15 =	sld [smem:$0x7B7]  }
0x3c7: {  	[tilespmem:s22], [sflag:$0x1] =	stream.linear.gather [hbm4b:s10+s2], $0x40, $0x38;
	[tilespmem:$0x7980] =	vst v63  }
0x3c8: {  	s20 =	sld [smem:$0x7F1]  }
0x3c9: {  	[tilespmem:s28], [sflag:$0x1] =	stream.linear.gather [hbm4b:s30+s2], $0x40, $0x38;
	[tilespmem:$0x7980] =	vst v63  }
0x3ca: {  	s17 =	sld [smem:$0x7F2];
	s10 =	simm.s32 $0x7080  }
0x3cb: {  	[tilespmem:s10], [sflag:$0x1] =	stream.linear.gather [hbm4b:s16+s2], $0x200, $0x38;
	[tilespmem:$0x7980] =	vst v63  }
0x3cc: {  	s30 =	sld [smem:$0x7B0]  }
0x3cd: {  	[tilespmem:s29], [sflag:$0x1] =	stream.linear.gather [hbm4b:s9+s2], $0x200, $0x38;
	[tilespmem:$0x7980] =	vst v63  }
0x3ce: {  	s7 =	sld [smem:$0x7B3]  }
0x3cf: {  	[tilespmem:s30], [sflag:$0x1] =	stream.linear.gather [hbm4b:s16+s2], $0x40, $0x38;
	[tilespmem:$0x7980] =	vst v63  }
0x3d0: {  	s19 =	sld [smem:$0x7F0]  }
0x3d1: {  	[tilespmem:s31], [sflag:$0x1] =	stream.linear.gather [hbm4b:s9+s2], $0x40, $0x38;
	[tilespmem:$0x7980] =	vst v63  }
0x3d2: {  	s4 =	simm.s32 $0x4800;
	s9 =	sld [smem:$0x7EE]  }
0x3d3: {  	[tilespmem:s4], [sflag:$0x1] =	stream.linear.gather [hbm4b:s6+s2], $0x200, $0x38;
	[tilespmem:$0x7980] =	vst v63  }
0x3d4: {  	s21 =	sld [smem:$0x7EF]  }
0x3d5: {  	[tilespmem:s3], [sflag:$0x1] =	stream.linear.gather [hbm4b:s9+s2], $0x200, $0x38;
	[tilespmem:$0x7980] =	vst v63  }
0x3d6: {  	s26 =	smov.u32 s0;
	s22 =	sld [smem:$0x7B9]  }
0x3d7: {  	[tilespmem:s7], [sflag:$0x1] =	stream.linear.gather [hbm4b:s26+s2], $0x200, $0x38;
	[tilespmem:$0x7980] =	vst v63  }
0x3d8: {  	s25 =	smov.u32 s1;
	s28 =	sld [smem:$0x7BA]  }
0x3d9: {  	[tilespmem:s11], [sflag:$0x1] =	stream.linear.gather [hbm4b:s25+s2], $0x200, $0x38;
	[tilespmem:$0x7980] =	vst v63  }
0x3da: {  	s29 =	sld [smem:$0x7BB]  }
0x3db: {  	[tilespmem:s12], [sflag:$0x1] =	stream.linear.gather [hbm4b:s21+s2], $0x200, $0x38;
	[tilespmem:$0x7980] =	vst v63  }
0x3dc: {  	s16 =	sld [smem:$0x7B8]  }
0x3dd: {  	[tilespmem:s13], [sflag:$0x1] =	stream.linear.gather [hbm4b:s19+s2], $0x200, $0x38;
	[tilespmem:$0x7980] =	vst v63  }
0x3de: {  	s30 =	sld [smem:$0x7BC]  }
0x3df: {  	[tilespmem:s15], [sflag:$0x1] =	stream.linear.gather [hbm4b:s20+s2], $0x200, $0x38;
	[tilespmem:$0x7980] =	vst v63  }
0x3e0: {  	s31 =	sld [smem:$0x7BD]  }
0x3e1: {  	[tilespmem:s16], [sflag:$0x1] =	stream.linear.gather [hbm4b:s17+s2], $0x200, $0x38;
	[tilespmem:$0x7980] =	vst v63  }
0x3e2: {  	s16 =	sld [smem:$0x7F3]  }
0x3e3: {  	s3 =	sld [smem:$0x7BE]  }
0x3e4: {  	s15 =	sld [smem:$0x7F4]  }
0x3e5: {  	[tilespmem:s22], [sflag:$0x1] =	stream.linear.gather [hbm4b:s16+s2], $0x200, $0x38;
	[tilespmem:$0x7980] =	vst v63  }
0x3e6: {  	s13 =	sld [smem:$0x7F5]  }
0x3e7: {  	[tilespmem:s28], [sflag:$0x1] =	stream.linear.gather [hbm4b:s15+s2], $0x200, $0x38;
	[tilespmem:$0x7980] =	vst v63  }
0x3e8: {  	s12 =	sld [smem:$0x7F6]  }
0x3e9: {  	[tilespmem:s29], [sflag:$0x1] =	stream.linear.gather [hbm4b:s13+s2], $0x200, $0x38;
	[tilespmem:$0x7980] =	vst v63  }
0x3ea: {  	s11 =	sld [smem:$0x7F7]  }
0x3eb: {  	[tilespmem:s30], [sflag:$0x1] =	stream.linear.gather [hbm4b:s12+s2], $0x200, $0x38;
	[tilespmem:$0x7980] =	vst v63  }
0x3ec: {  	s7 =	sld [smem:$0x7F8]  }
0x3ed: {  	[tilespmem:s31], [sflag:$0x1] =	stream.linear.gather [hbm4b:s11+s2], $0x200, $0x38;
	[tilespmem:$0x7980] =	vst v63  }
0x3ee: {  	s22 =	sld [smem:$0x7BF]  }
0x3ef: {  	[tilespmem:s3], [sflag:$0x1] =	stream.linear.gather [hbm4b:s7+s2], $0x200, $0x38;
	[tilespmem:$0x7980] =	vst v63  }
0x3f0: {  	s3 =	sld [smem:$0x7F9];
	_ =	sdelay $0x1  }
0x3f1: {  	s28 =	sld [smem:$0x7C0]  }
0x3f2: {  	[tilespmem:s22], [sflag:$0x1] =	stream.linear.gather [hbm4b:s3+s2], $0x200, $0x38;
	[tilespmem:$0x7980] =	vst v63  }
0x3f3: {  	s22 =	sld [smem:$0x7FB]  }
0x3f4: {  	s29 =	sld [smem:$0x7C1]  }
0x3f5: {  	s30 =	sld [smem:$0x7C2]  }
0x3f6: {  	[tilespmem:s28], [sflag:$0x1] =	stream.linear.gather [hbm4b:s22+s2], $0x200, $0x38;
	[tilespmem:$0x7980] =	vst v63  }
0x3f7: {  	s31 =	sld [smem:$0x7C3]  }
0x3f8: {  	[tilespmem:s29], [sflag:$0x1] =	stream.linear.gather [hbm4b:s6+s2], $0x40, $0x38;
	[tilespmem:$0x7980] =	vst v63  }
0x3f9: {  	s28 =	sld [smem:$0x7CA]  }
0x3fa: {  	[tilespmem:s30], [sflag:$0x1] =	stream.linear.gather [hbm4b:s9+s2], $0x40, $0x38;
	[tilespmem:$0x7980] =	vst v63  }
0x3fb: {  	s6 =	sld [smem:$0x7C4]  }
0x3fc: {  	[tilespmem:s31], [sflag:$0x1] =	stream.linear.gather [hbm4b:s26+s2], $0x40, $0x38;
	[tilespmem:$0x7980] =	vst v63  }
0x3fd: {  	s9 =	sld [smem:$0x7C5]  }
0x3fe: {  	[tilespmem:s6], [sflag:$0x1] =	stream.linear.gather [hbm4b:s25+s2], $0x40, $0x38;
	[tilespmem:$0x7980] =	vst v63  }
0x3ff: {  	s25 =	sld [smem:$0x7C7]  }
0x400: {  	[tilespmem:s9], [sflag:$0x1] =	stream.linear.gather [hbm4b:s21+s2], $0x40, $0x38;
	[tilespmem:$0x7980] =	vst v63  }
0x401: {  	s26 =	sld [smem:$0x7C9]  }
0x402: {  	[tilespmem:s25], [sflag:$0x1] =	stream.linear.gather [hbm4b:s19+s2], $0x40, $0x38;
	[tilespmem:$0x7980] =	vst v63  }
0x403: {  	s29 =	sld [smem:$0x7CB]  }
0x404: {  	[tilespmem:s26], [sflag:$0x1] =	stream.linear.gather [hbm4b:s20+s2], $0x40, $0x38;
	[tilespmem:$0x7980] =	vst v63  }
0x405: {  	s30 =	sld [smem:$0x7CD]  }
0x406: {  	[tilespmem:s28], [sflag:$0x1] =	stream.linear.gather [hbm4b:s17+s2], $0x40, $0x38;
	[tilespmem:$0x7980] =	vst v63  }
0x407: {  	s31 =	sld [smem:$0x7CF]  }
0x408: {  	[tilespmem:s29], [sflag:$0x1] =	stream.linear.gather [hbm4b:s16+s2], $0x40, $0x38;
	[tilespmem:$0x7980] =	vst v63  }
0x409: {  	s6 =	sld [smem:$0x7D1]  }
0x40a: {  	[tilespmem:s30], [sflag:$0x1] =	stream.linear.gather [hbm4b:s15+s2], $0x40, $0x38;
	[tilespmem:$0x7980] =	vst v63  }
0x40b: {  	s9 =	sld [smem:$0x7D3]  }
0x40c: {  	[tilespmem:s31], [sflag:$0x1] =	stream.linear.gather [hbm4b:s13+s2], $0x40, $0x38;
	[tilespmem:$0x7980] =	vst v63  }
0x40d: {  	s21 =	sld [smem:$0x7FD]  }
0x40e: {  	[tilespmem:s6], [sflag:$0x1] =	stream.linear.gather [hbm4b:s12+s2], $0x40, $0x38;
	[tilespmem:$0x7980] =	vst v63  }
0x40f: {  	s13 =	sld [smem:$0x7D5]  }
0x410: {  	[tilespmem:s9], [sflag:$0x1] =	stream.linear.gather [hbm4b:s11+s2], $0x40, $0x38;
	[tilespmem:$0x7980] =	vst v63  }
0x411: {  	s15 =	sld [smem:$0x7D7]  }
0x412: {  	[tilespmem:s13], [sflag:$0x1] =	stream.linear.gather [hbm4b:s7+s2], $0x40, $0x38;
	[tilespmem:$0x7980] =	vst v63  }
0x413: {  	s16 =	sld [smem:$0x7D9]  }
0x414: {  	[tilespmem:s15], [sflag:$0x1] =	stream.linear.gather [hbm4b:s3+s2], $0x40, $0x38;
	[tilespmem:$0x7980] =	vst v63  }
0x415: {  	s19 =	sld [smem:$0x7FC]  }
0x416: {  	[tilespmem:s16], [sflag:$0x1] =	stream.linear.gather [hbm4b:s22+s2], $0x40, $0x38;
	[tilespmem:$0x7980] =	vst v63  }
0x417: {  	s17 =	sld [smem:$0x7DB]  }
0x418: {  	[tilespmem:s14], [sflag:$0x1] =	stream.linear.gather [hbm4b:s19+s2], $0x200, $0x38;
	[tilespmem:$0x7980] =	vst v63  }
0x419: {  	s20 =	sld [smem:$0x7DD]  }
0x41a: {  	[tilespmem:s17], [sflag:$0x1] =	stream.linear.gather [hbm4b:s21+s2], $0x200, $0x38;
	[tilespmem:$0x7980] =	vst v63  }
0x41b: {  	s22 =	sld [smem:$0x7DE]  }
0x41c: {  	[tilespmem:s20], [sflag:$0x1] =	stream.linear.gather [hbm4b:s19+s2], $0x40, $0x38;
	[tilespmem:$0x7980] =	vst v63  }
0x41d: {  	_ = 	snop  }
0x41e: {  	[tilespmem:s22], [sflag:$0x1] =	stream.linear.gather [hbm4b:s21+s2], $0x40, $0x38;
	[tilespmem:$0x7980] =	vst v63  }
0x41f: {  	_ =	swait.ge [sflag:s8], $0x2000  }
0x420: {  	[sflag:s8] =	ssyncset.done $0x0  }
0x421: {  	[sflag:s8] =	ssyncadd.s32 $0xFFFFE000  }
0x422: {  	_ =	swait.ge [sflag:s8], $0x400  }
0x423: {  	s25 =	sld [smem:$0x785]  }
0x424: {  	[sflag:s8] =	ssyncset.done $0x0  }
0x425: {  	[sflag:s8] =	ssyncadd.s32 $0xFFFFFC00  }
0x426: {  	[hbm4b:s25+s2] =	stream.linear.scatter [tilespmem:s2], [sflag:$0x2], $0x2400, $0x38;
	[tilespmem:$0x7980] =	vst v63  }
0x427: {  	_ =	swait.ge [sflag:s8], $0x400  }
0x428: {  	[sflag:s8] =	ssyncset.done $0x0  }
0x429: {  	[sflag:s8] =	ssyncadd.s32 $0xFFFFFC00  }
0x42a: {  	_ =	swait.ge [sflag:s8], $0x80  }
0x42b: {  	[sflag:s8] =	ssyncset.done $0x0  }
0x42c: {  	s26 =	rddreg [dreg:$0x3];
	[sflag:s8] =	ssyncadd.s32 $0xFFFFFF80  }
0x42d: {  	[hbm4b:s26+s2] =	stream.linear.scatter [tilespmem:s18], [sflag:$0x2], $0x480, $0x38;
	[tilespmem:$0x7980] =	vst v63  }
0x42e: {  	_ =	swait.ge [sflag:s8], $0x2000  }
0x42f: {  	[sflag:s8] =	ssyncset.done $0x0  }
0x430: {  	[sflag:s8] =	ssyncadd.s32 $0xFFFFE000  }
0x431: {  	_ =	swait.ge [sflag:s8], $0x400  }
0x432: {  	[sflag:s8] =	ssyncset.done $0x0  }
0x433: {  	s28 =	rddreg [dreg:$0x4];
	[sflag:s8] =	ssyncadd.s32 $0xFFFFFC00  }
0x434: {  	[hbm4b:s28+s2] =	stream.linear.scatter [tilespmem:s24], [sflag:$0x2], $0x2400, $0x38;
	[tilespmem:$0x7980] =	vst v63  }
0x435: {  	_ =	swait.ge [sflag:s8], $0x400  }
0x436: {  	[sflag:s8] =	ssyncset.done $0x0  }
0x437: {  	[sflag:s8] =	ssyncadd.s32 $0xFFFFFC00  }
0x438: {  	_ =	swait.ge [sflag:s8], $0x80  }
0x439: {  	[sflag:s8] =	ssyncset.done $0x0  }
0x43a: {  	s29 =	rddreg [dreg:$0x5];
	[sflag:s8] =	ssyncadd.s32 $0xFFFFFF80  }
0x43b: {  	[hbm4b:s29+s2] =	stream.linear.scatter [tilespmem:s10], [sflag:$0x2], $0x480, $0x38;
	[tilespmem:$0x7980] =	vst v63  }
0x43c: {  	_ =	swait.ge [sflag:s8], $0x2000  }
0x43d: {  	[sflag:s8] =	ssyncset.done $0x0  }
0x43e: {  	[sflag:s8] =	ssyncadd.s32 $0xFFFFE000  }
0x43f: {  	_ =	swait.ge [sflag:s8], $0x400  }
0x440: {  	[sflag:s8] =	ssyncset.done $0x0  }
0x441: {  	s30 =	rddreg [dreg:$0x6];
	[sflag:s8] =	ssyncadd.s32 $0xFFFFFC00  }
0x442: {  	[hbm4b:s30+s2] =	stream.linear.scatter [tilespmem:s4], [sflag:$0x2], $0x2400, $0x38;
	[tilespmem:$0x7980] =	vst v63  }
0x443: {  	_ =	swait.ge [sflag:s8], $0x400  }
0x444: {  	[sflag:s8] =	ssyncset.done $0x0  }
0x445: {  	[sflag:s8] =	ssyncadd.s32 $0xFFFFFC00  }
0x446: {  	_ =	swait.ge [sflag:s8], $0x80  }
0x447: {  	[sflag:s8] =	ssyncset.done $0x0  }
0x448: {  	s31 =	rddreg [dreg:$0x7];
	[sflag:s8] =	ssyncadd.s32 $0xFFFFFF80  }
0x449: {  	[hbm4b:s31+s2] =	stream.linear.scatter [tilespmem:s14], [sflag:$0x2], $0x480, $0x38;
	[tilespmem:$0x7980] =	vst v63  }
0x44a: {  	_ =	swait.ge [sflag:s5], $0x2400  }
0x44b: {  	[sflag:s5] =	ssyncset.done $0x0  }
0x44c: {  	[sflag:s5] =	ssyncadd.s32 $0xFFFFDC00  }
0x44d: {  	_ =	swait.ge [sflag:s5], $0x480  }
0x44e: {  	[sflag:s5] =	ssyncset.done $0x0  }
0x44f: {  	[sflag:s5] =	ssyncadd.s32 $0xFFFFFB80  }
0x450: {  	_ =	swait.ge [sflag:s5], $0x2400  }
0x451: {  	[sflag:s5] =	ssyncset.done $0x0  }
0x452: {  	[sflag:s5] =	ssyncadd.s32 $0xFFFFDC00  }
0x453: {  	_ =	swait.ge [sflag:s5], $0x480  }
0x454: {  	[sflag:s5] =	ssyncset.done $0x0  }
0x455: {  	[sflag:s5] =	ssyncadd.s32 $0xFFFFFB80  }
0x456: {  	_ =	swait.ge [sflag:s5], $0x2400  }
0x457: {  	[sflag:s5] =	ssyncset.done $0x0  }
0x458: {  	[sflag:s5] =	ssyncadd.s32 $0xFFFFDC00  }
0x459: {  	_ =	swait.ge [sflag:s5], $0x480  }
0x45a: {  	[sflag:s5] =	ssyncset.done $0x0  }
0x45b: {  	[sflag:s5] =	ssyncadd.s32 $0xFFFFFB80  }
0x45c: {  	_ =	sfence.sel $0x180000  }
0x45d: {  	[bflag:$0x0] =	sbarrier.arrive $0xFFFF  }
0x45e: {  	_ =	strace $0x90000047  }
0x45f: {  	[bflag:$0x2] =	sbarrier.arrive $0xFFFF  }
0x460: {  	p0 =	sne.s32 s23, $0x0;
	s0 =	rddreg [dreg:$0x2]  }
0x461: {  	s0 =	sadd.s32 @!p0 $0x100000, s0  }
0x462: {  	[sflag:s0] =	ssyncadd.tile.s32 @!p0 $0x1;
	_ =	shalt  }
.LBB2_2:
0x463: {  	s30 =	sld [smem:$0x783]  }
.Ltmp3:
0x464: {  	s11 =	sld [smem:$0x77F];
	(pc) =	sbr.rel .LBB2_5-.Ltmp3, $4  }
0x465: {  	s3 =	sld [smem:$0x782]  }
0x466: {  	s18 =	sld [smem:$0x77E]  }
0x467: {  	s31 =	sld [smem:$0x781]  }
0x468: {  	s23 =	stileid.u32;
	s21 =	sld [smem:$0x780]  }
.Lfunc_end2:
_tile_overlayer_lowered:
.L_overlay_start_2:
0x469: {  	(tag) =	ssettag $0x2  }
0x46a: {  	s0 =	rddreg [dreg:$0x0];
	s2 =	stileid.u32  }
0x46b: {  	s1 =	rddreg [dreg:$0x1];
	p0 =	sne.s32 s2, $0x0  }
0x46c: {  	s3 =	rddreg [dreg:$0x2];
	[bflag:$0x3] =	sbarrier.arrive $0xFFFF;
	s2 =	simm.s32 @!p0 $0x1C03  }
0x46d: {  	[timem:s3], [sflag:s2] =	dma.local @!p0 [hbm:s0], s1  }
0x46e: {  	s0 =	simm.s32 @!p0 $0x3  }
0x46f: {  	_ =	swait.ge @!p0 [sflag:s0], s1  }
0x470: {  	s1 =	ssub.s32 @!p0 $0x0, s1;
	[sflag:s0] =	ssyncset.done @!p0 $0x0  }
0x471: {  	[sflag:s0] =	ssyncadd.s32 @!p0 s1  }
0x472: {  	[bflag:$0x3] =	sbarrier.arrive $0xFFFF  }
0x473: {  	_ =	shalt  }

// kernel: kernel.7.cloned.1.call-start
scs
__scs_entry_jumppad:
0x0: {  	(pc) =	sbr.rel $0x88, $3  }
0x1: {  	(tag) =	ssettag $0x0;
	lr =	simm.s32 $0x1  }
0x2: {  	[smem:$0x3F9E] =	sst lr;
	_ =	strace $0xD0000000  }
0x3: {  	_ = 	snop  }
0x4: {  	_ = 	snop  }
0x5: {  	_ = 	snop  }
0x6: {  	_ = 	snop  }
0x7: {  	_ = 	snop  }
__scs_overlays_trampoline_lowered:
0x8: {  	[smem:$0x3FAD] =	sst s0  }
0x9: {  	[smem:$0x3FAE] =	sst s1  }
0xa: {  	[smem:$0x3FAF] =	sst s2  }
0xb: {  	[smem:$0x3FB0] =	sst s3  }
0xc: {  	[smem:$0x3FB1] =	sst s4  }
0xd: {  	[smem:$0x3FB2] =	sst s5  }
0xe: {  	[smem:$0x3FB3] =	sst s6  }
0xf: {  	[smem:$0x3FB4] =	sst s7  }
0x10: {  	[smem:$0x3FB5] =	sst s8  }
0x11: {  	[smem:$0x3FB6] =	sst s9;
	s0 =	simm.s32 @!p0 $0x0  }
0x12: {  	s1 =	sld [smem:$0x3F9C];
	s0 =	simm.s32 @p0 $0x1  }
0x13: {  	[smem:$0x3FB7] =	sst s0;
	s0 =	simm.s32 @!p1 $0x0  }
0x14: {  	s2 =	sld [smem:$0x3F9B];
	s0 =	simm.s32 @p1 $0x1  }
0x15: {  	[smem:$0x3FB8] =	sst s0;
	s0 =	simm.s32 @!p2 $0x0  }
0x16: {  	s3 =	sld [smem:$0x3FDB];
	s0 =	simm.s32 @p2 $0x1  }
0x17: {  	s4 =	simm.s32 $0x1BF5;
	[smem:$0x3FBA] =	sst s0  }
0x18: {  	s0 =	sld [smem:$0x3F9D];
	_ =	swait.ge [sflag:s4], $0x0  }
0x19: {  	s7 =	sld [smem:$0x3F9E]  }
0x1a: {  	s8 =	sadd.s32 $0xFFFFE003, lr  }
0x1b: {  	s9 =	sadd.s32 $0xFFFFFEF7, lr;
	s5 =	simm.s32 $0xFFFFFFFF;
	p2 =	slt.u32 s8, $0xFFFFF086  }
0x1c: {  	p1 =	slt.u32 s9, $0xF7A;
	s5 =	simm.s32 @!p2 $0x0  }
0x1d: {  	s5 =	simm.s32 @p1 $0x1;
	p0 =	seq.s32 s7, s2  }
0x1e: {  	s7 =	smul.u32 @!p0 $0xF7A, s2;
	p2 =	seq.s32 @!p0 s5, $0x0  }
0x1f: {  	s9 =	smul.u32 $0xF7A, s1;
	s8 =	simm.s32 @!p0 $0x1BF5;
	p2 =	por !p2, p0  }
0x20: {  	[sflag:s8] =	ssyncset.s32 @!p0 $0xFFFFF086;
	s6 =	sadd.s32 @!p0 s3, s7;
	s7 =	simm.s32 @!p0 $0x108  }
0x21: {  	s3 =	sadd.s32 s3, s9;
	s6 =	sadd.s32 @!p0 $0x88, s6;
	s7 =	simm.s32 @p2 $0x1082  }
0x22: {  	[simem:s7], [sflag:s8] =	dma.local @!p0 [hbm:s6], $0xF7A  }
0x23: {  	s9 =	sor.u32 $0xD0000000, s2;
	s6 =	simm.s32 $0x108;
	_ =	swait.ge @!p0 [sflag:s8], $0x0  }
0x24: {  	s3 =	sadd.s32 $0x88, s3;
	s6 =	simm.s32 @!p1 $0x1082;
	[sflag:s4] =	ssyncset.s32 $0xFFFFF086  }
0x25: {  	[simem:s6], [sflag:s4] =	dma.local [hbm:s3], $0xF7A  }
0x26: {  	[smem:$0x3F9E] =	sst s1;
	(tag) =	ssettag s2;
	_ =	strace s9  }
0x27: {  	s1 =	sld [smem:$0x3FAE]  }
0x28: {  	s2 =	sld [smem:$0x3FAF]  }
0x29: {  	s4 =	sld [smem:$0x3FB1]  }
0x2a: {  	p0 =	seq.s32 s5, $0x0;
	s5 =	sld [smem:$0x3FB2]  }
0x2b: {  	s6 =	sld [smem:$0x3FB3]  }
0x2c: {  	s7 =	sld [smem:$0x3FB4]  }
0x2d: {  	s3 =	simm.s32 $0x108;
	s8 =	sld [smem:$0x3FB5]  }
0x2e: {  	s3 =	simm.s32 @!p0 $0x1082;
	s9 =	sld [smem:$0x3FB6]  }
0x2f: {  	lr =	sadd.s32 s0, s3;
	s0 =	sld [smem:$0x3FAD]  }
0x30: {  	s3 =	sld [smem:$0x3FB0]  }
0x31: {  	[smem:$0x3FB9] =	sst s10  }
0x32: {  	s10 =	sld [smem:$0x3FB7];
	_ =	sdelay $0x3  }
0x33: {  	p0 =	seq.s32 s10, $0x1;
	s10 =	sld [smem:$0x3FB9];
	_ =	sdelay $0x3  }
0x34: {  	[smem:$0x3FB9] =	sst s10  }
0x35: {  	s10 =	sld [smem:$0x3FB8];
	_ =	sdelay $0x3  }
0x36: {  	p1 =	seq.s32 s10, $0x1;
	s10 =	sld [smem:$0x3FB9];
	_ =	sdelay $0x3  }
0x37: {  	[smem:$0x3FB9] =	sst s10  }
0x38: {  	s10 =	sld [smem:$0x3FBA]  }
0x39: {  	_ = 	snop;
	(pc) =	sbr.ind lr, $3  }
0x3a: {  	_ = 	snop  }
0x3b: {  	_ = 	snop  }
0x3c: {  	p2 =	seq.s32 s10, $0x1;
	s10 =	sld [smem:$0x3FB9]  }
0x3d: {  	_ =	shalt  }
0x3e: {  	_ =	shalt  }
0x3f: {  	_ =	shalt  }
0x40: {  	_ =	shalt  }
0x41: {  	_ =	shalt  }
0x42: {  	_ =	shalt  }
0x43: {  	_ =	shalt  }
0x44: {  	_ =	shalt  }
0x45: {  	_ =	shalt  }
0x46: {  	_ =	shalt  }
0x47: {  	_ =	shalt  }
0x48: {  	_ =	shalt  }
0x49: {  	_ =	shalt  }
0x4a: {  	_ =	shalt  }
0x4b: {  	_ =	shalt  }
0x4c: {  	_ =	shalt  }
0x4d: {  	_ =	shalt  }
0x4e: {  	_ =	shalt  }
0x4f: {  	_ =	shalt  }
0x50: {  	_ =	shalt  }
0x51: {  	_ =	shalt  }
0x52: {  	_ =	shalt  }
0x53: {  	_ =	shalt  }
0x54: {  	_ =	shalt  }
0x55: {  	_ =	shalt  }
0x56: {  	_ =	shalt  }
0x57: {  	_ =	shalt  }
0x58: {  	_ =	shalt  }
0x59: {  	_ =	shalt  }
0x5a: {  	_ =	shalt  }
0x5b: {  	_ =	shalt  }
0x5c: {  	_ =	shalt  }
0x5d: {  	_ =	shalt  }
0x5e: {  	_ =	shalt  }
0x5f: {  	_ =	shalt  }
0x60: {  	_ =	shalt  }
0x61: {  	_ =	shalt  }
0x62: {  	_ =	shalt  }
0x63: {  	_ =	shalt  }
0x64: {  	_ =	shalt  }
0x65: {  	_ =	shalt  }
0x66: {  	_ =	shalt  }
0x67: {  	_ =	shalt  }
0x68: {  	_ =	shalt  }
0x69: {  	_ =	shalt  }
0x6a: {  	_ =	shalt  }
0x6b: {  	_ =	shalt  }
0x6c: {  	_ =	shalt  }
0x6d: {  	_ =	shalt  }
0x6e: {  	_ =	shalt  }
0x6f: {  	_ =	shalt  }
0x70: {  	_ =	shalt  }
0x71: {  	_ =	shalt  }
0x72: {  	_ =	shalt  }
0x73: {  	_ =	shalt  }
0x74: {  	_ =	shalt  }
0x75: {  	_ =	shalt  }
0x76: {  	_ =	shalt  }
0x77: {  	_ =	shalt  }
0x78: {  	_ =	shalt  }
0x79: {  	_ =	shalt  }
0x7a: {  	_ =	shalt  }
0x7b: {  	_ =	shalt  }
0x7c: {  	_ =	shalt  }
0x7d: {  	_ =	shalt  }
0x7e: {  	_ =	shalt  }
0x7f: {  	_ =	shalt  }
0x80: {  	_ =	shalt  }
0x81: {  	_ =	shalt  }
0x82: {  	_ =	shalt  }
0x83: {  	_ =	shalt  }
0x84: {  	_ =	shalt  }
0x85: {  	_ =	shalt  }
0x86: {  	_ =	shalt  }
0x87: {  	_ =	shalt  }
.Lfunc_end0:
.L_simem_size_0:
called_computation.1_lowered:
.L_overlay_start_0:
0x88: {  	s2 =	sld [smem:$0x3FD9]  }
0x89: {  	s3 =	sld [smem:$0x3FFE];
	_ =	sdelay $0x1  }
0x8a: {  	s1 =	srdreg.scid  }
0x8b: {  	s0 =	sand.u32 $0x1, s1  }
0x8c: {  	s17 =	sshll.u32 s0, $0xA;
	s2 =	sadd.s32 s3, s2  }
0x8d: {  	s2 =	sadd.s32 s2, s17  }
0x8e: {  	[smem:$0x3FC5] =	sst s2  }
0x8f: {  	_ = 	snop  }
0x90: {  	s2 =	sld [smem:$0x3FC8]  }
0x91: {  	s18 =	sld [smem:$0x3FC7]  }
0x92: {  	s4 =	sld [smem:$0x3FD0];
	(tm) =	ssettm $0x1  }
0x93: {  	s5 =	sld [smem:$0x3FFB];
	_ =	sdelay $0x3  }
0x94: {  	_ =	strace s5  }
0x95: {  	s5 =	sld [smem:$0x3FFC];
	_ =	sdelay $0x3  }
0x96: {  	_ =	strace s5  }
0x97: {  	s5 =	sld [smem:$0x3FFD];
	_ =	sdelay $0x3  }
0x98: {  	_ =	strace s5  }
0x99: {  	_ =	strace $0x8FFFFFFF  }
0x9a: {  	s19 =	sld [smem:$0x3FDB];
	_ =	sdelay $0x1  }
0x9b: {  	s6 =	simm.s32 $_scs_section_size  }
0x9c: {  	s7 =	simm.s32 $_size__tile_overlayer_lowered;
	s8 =	simm.s32 $_tile_overlayer_lowered  }
0x9d: {  	s22 =	simm.s32 $0x1BFF;
	s21 =	sshll.u32 s8, $0x1;
	s5 =	sadd.s32 s6, s19  }
0x9e: {  	s9 =	simm.s32 $0x0;
	s20 =	sshll.u32 s7, $0x1;
	s7 =	sadd.s32 s21, s5  }
0x9f: {  	[timem:s9], [sflag:s22] =	dma.local [hbm:s7], s20  }
0xa0: {  	_ =	swait.ge [sflag:s22], s20  }
0xa1: {  	s6 =	ssub.s32 $0x0, s20;
	[sflag:s22] =	ssyncset.done $0x0  }
0xa2: {  	[sflag:s22] =	ssyncadd.s32 s6;
	_ =	sdelay $0x1  }
0xa3: {  	s23 =	simm.s32 $0x1B8B  }
0xa4: {  	_ =	swait.ge [sflag:s23], $0x1  }
0xa5: {  	[sflag:s23] =	ssyncset.done $0x0  }
0xa6: {  	s25 =	simm.s32 $0x1B8E;
	s24 =	sld [smem:$0x3FFE];
	[sflag:s23] =	ssyncadd.s32 $0xFFFFFFFF  }
0xa7: {  	s26 =	simm.s32 $execute0_lowered;
	[smem:$0x3FD2] =	sst s25  }
0xa8: {  	s7 =	sshll.u32 s26, $0x1;
	_ =	strace $0x80000049;
	[dreg:$0x1] =	wrdreg $0xFFFFFFFF  }
0xa9: {  	s28 =	simm.s32 $_size_execute0_lowered;
	s5 =	sadd.s32 s5, s7;
	[dreg:$0x0] =	wrdreg $0x0  }
0xaa: {  	s7 =	sshll.u32 s28, $0x1;
	[dreg:$0x2] =	wrdreg s5  }
0xab: {  	[dreg:$0x3] =	wrdreg s7  }
0xac: {  	[dreg:$0x4] =	wrdreg $0xC0  }
0xad: {  	_ =	task [dreg:s9], $0x5FFFF  }
0xae: {  	[dreg:$0x1] =	wrdreg $0xFFFFFFFF  }
0xaf: {  	[dreg:$0x0] =	wrdreg $0x60  }
0xb0: {  	[dreg:$0x2] =	wrdreg s4  }
0xb1: {  	[dreg:$0x3] =	wrdreg s2  }
0xb2: {  	[dreg:$0x4] =	wrdreg s18  }
0xb3: {  	[dreg:$0x5] =	wrdreg s24  }
0xb4: {  	[dreg:$0x6] =	wrdreg $0x9  }
0xb5: {  	_ =	task.clear_ibuf [dreg:s9], $0x7FFFF;
	_ =	strace $0x90000049  }
0xb6: {  	s29 =	simm.s32 $0x9;
	_ =	strace $0x8000004B  }
0xb7: {  	_ =	swait.ge [sflag:s29], $0x1  }
0xb8: {  	[sflag:s29] =	ssyncadd.s32 $0xFFFFFFFF  }
0xb9: {  	_ =	strace $0x9000004B  }
0xba: {  	_ =	sfence  }
0xbb: {  	s30 =	sld [smem:$0x0];
	_ =	sdelay $0x2  }
0xbc: {  	s31 =	sshll.u32 s1, $0xD;
	s1 =	sshrl.u32 s1, $0x2  }
0xbd: {  	s3 =	sand.u32 $0x4000, s31;
	s1 =	sadd.s32 s1, s30  }
0xbe: {  	s0 =	sor.u32 s3, s0;
	s1 =	sshll.u32 s1, $0x11  }
0xbf: {  	s0 =	sor.u32 s1, s0  }
0xc0: {  	s0 =	sadd.s32 $0x8F2B, s0  }
0xc1: {  	[sflag:s0] =	ssyncadd.remote.s32 $0x1  }
0xc2: {  	_ =	sfence.sel $0xFFFF  }
0xc3: {  	[dreg:$0x0] =	wrdreg $0xFFFFFFFF;
	(pc) =	sbr.abs _section_cstart, $3  }
0xc4: {  	[dreg:$0x1] =	wrdreg $0xFFFFFFFF  }
0xc5: {  	_ =	task.clear_ibuf [dreg:s9], $0x2FFFF;
	_ =	strace $0x9FFFFFFF  }
0xc6: {  	(tm) =	ssettm $0x7FFFFFFF  }
0xc7: {  	_ =	shalt  }
tec
execute0_lowered:
.L_overlay_start_1:
0x0: {  	(tag) =	ssettag $0x1  }
0x1: {  	s1 =	rddreg [dreg:$0x0];
	s0 =	srdreg.scid  }
0x2: {  	s6 =	stileid.u32;
	s3 =	rddreg [dreg:$0x3]  }
0x3: {  	s5 =	simm.s32 $0x0;
	s0 =	sand.u32 $0x1, s0;
	s2 =	sshll.u32 s6, $0x1  }
0x4: {  	s28 =	simm.s32 $0x3700;
	s29 =	simm.s32 $0x4900;
	s2 =	sor.u32 s0, s2  }
0x5: {  	s30 =	simm.s32 $0x5B00;
	s0 =	ssub.s32 $0x2, s0;
	s4 =	smul.u32 $0xC000, s2  }
0x6: {  	s31 =	simm.s32 $0x6D00;
	s10 =	simm.s32 $0x10900;
	s14 =	sshrl.u32 s0, $0x1  }
0x7: {  	s11 =	simm.s32 $0x2;
	s0 =	ssub.s32 s0, s14;
	s4 =	sshrl.u32 s4, $0x3  }
0x8: {  	[smem:$0x7FF] =	sst s5;
	s0 =	smax.u32 s0, $0x1;
	s3 =	sadd.s32 s4, s3  }
0x9: {  	_ =	strace $0x8000004A;
	[dreg:$0x11] =	wrdreg s0;
	s9 =	sadd.s32 $0x800, s3  }
0xa: {  	s12 =	simm.s32 $0x0;
	s17 =	sadd.s32 $0xA00, s3;
	[dreg:$0x5] =	wrdreg s9  }
0xb: {  	s15 =	sshll.u32 s6, $0x3;
	s18 =	sadd.s32 $0xC00, s3;
	[dreg:$0x6] =	wrdreg s17  }
0xc: {  	s6 =	sand.u32 $0x70, s15;
	s19 =	sadd.s32 $0xE00, s3;
	[dreg:$0x7] =	wrdreg s18  }
0xd: {  	s2 =	sshll.u32 s2, $0x2;
	s20 =	sadd.s32 $0x1000, s3;
	[dreg:$0x8] =	wrdreg s19  }
0xe: {  	s2 =	sand.u32 $0xC, s2;
	s21 =	sadd.s32 $0x1200, s3;
	[dreg:$0x9] =	wrdreg s20  }
0xf: {  	s16 =	sor.u32 $0x1, s2;
	s22 =	sadd.s32 $0x1400, s3;
	[dreg:$0xa] =	wrdreg s21  }
0x10: {  	s7 =	sor.u32 $0x2, s2;
	s23 =	sadd.s32 $0x1600, s3;
	[dreg:$0xb] =	wrdreg s22  }
0x11: {  	s8 =	sor.u32 $0x3, s2;
	s24 =	sadd.s32 $0x1800, s3;
	[dreg:$0xc] =	wrdreg s23  }
0x12: {  	v1 =	vmov s2;
	s2 =	simm.s32 $0xA300;
	s25 =	sadd.s32 $0x1A00, s3;
	[dreg:$0xd] =	wrdreg s24  }
0x13: {  	s0 =	simm.s32 $0x9100;
	s26 =	sadd.s32 $0x1C00, s3;
	[dreg:$0xe] =	wrdreg s25  }
0x14: {  	s4 =	simm.s32 $0xB500;
	s3 =	sadd.s32 $0x1E00, s3;
	[dreg:$0xf] =	wrdreg s26  }
0x15: {  	v0 =	vlaneseq.u32;
	v2 =	vmov s8;
	v4 =	vmov s7;
	s7 =	simm.s32 $0xD900;
	s8 =	simm.s32 $0xE900;
	[dreg:$0x10] =	wrdreg s3  }
0x16: {  	v3 =	vmov s16;
	vm3 =	veq.s32 v1, v0;
	s21 =	simm.s32 $0x1;
	s22 =	simm.s32 $0x48;
	s23 =	simm.s32 $0x240  }
0x17: {  	v1 =	vor.u32 $0x10, v0;
	vm0 =	veq.s32 v2, v0;
	vm1 =	veq.s32 v4, v0;
	s24 =	simm.s32 $0x100;
	s25 =	simm.s32 $0x1300;
	s26 =	simm.s32 $0x2500  }
0x18: {  	vm2 =	veq.s32 v3, v0;
	v2 =	vor.u32 $0x20, v0;
	v3 =	vor.u32 $0x30, v0;
	s3 =	simm.s32 $0x7F00;
	s20 =	simm.s32 $0xC700;
	s9 =	simm.s32 $0xF900  }
.LBB2_1:
0x19: {  	s13 =	rddreg [dreg:$0x1]  }
0x1a: {  	[tilespmem:s5], [sflag:$0x1] =	stream.linear.gather [hbm4b:s13+s5], $0x80, $0x38;
	[tilespmem:$0x11900] =	vst v63  }
0x1b: {  	s19 =	rddreg [dreg:$0x2];
	s14 =	simm.s32 $0x80  }
0x1c: {  	[tilespmem:s14], [sflag:$0x1] =	stream.linear.gather [hbm4b:s19+s5], $0x80, $0x38;
	[tilespmem:$0x11900] =	vst v63  }
0x1d: {  	_ =	swait.ge [sflag:s21], $0x80  }
0x1e: {  	[sflag:s21] =	ssyncset.done $0x0  }
0x1f: {  	[sflag:s21] =	ssyncadd.s32 $0xFFFFFF80  }
0x20: {  	_ =	swait.ge [sflag:s21], $0x80  }
0x21: {  	[sflag:s21] =	ssyncset.done $0x0  }
0x22: {  	[sflag:s21] =	ssyncadd.s32 $0xFFFFFF80  }
0x23: {  	v4 =	vld [tilespmem:s6+$0x0];
	_ =	sdelay $0x3  }
0x24: {  	v5 =	vld [tilespmem:s6+$0x80]  }
0x25: {  	v6 =	vnsel vm3, $0x0, v4  }
0x26: {  	(xrf0) =	vadd.scan.msk.s32 $0xffff, v6;
	_ =	sdelay $0x2  }
0x27: {  	v6 =	vnsel vm3, $0x0, v5  }
0x28: {  	(xrf0) =	vadd.scan.msk.s32 $0xffff, v6;
	_ =	sdelay $0x1  }
0x29: {  	v6, _, _ =	vpop (xrf0)  }
0x2a: {  	(v2sf) =	vpush v6, $0xF;
	_ =	sdelay $0x2  }
0x2b: {  	v6, _, _ =	vpop (xrf0)  }
0x2c: {  	(v2sf) =	vpush v6, $0xF;
	v6 =	vnsel vm2, $0x0, v4  }
0x2d: {  	(xrf0) =	vadd.scan.msk.s32 $0xffff, v6;
	_ =	sdelay $0x1  }
0x2e: {  	v6 =	vnsel vm2, $0x0, v5  }
0x2f: {  	(xrf0) =	vadd.scan.msk.s32 $0xffff, v6;
	_ =	sdelay $0x2  }
0x30: {  	v6, _, _ =	vpop (xrf0)  }
0x31: {  	(v2sf) =	vpush v6, $0xF;
	_ =	sdelay $0x1  }
0x32: {  	v6, _, _ =	vpop (xrf0)  }
0x33: {  	s15 =	spop (v2sf);
	(v2sf) =	vpush v6, $0xF;
	v6 =	vnsel vm1, $0x0, v4  }
0x34: {  	(xrf0) =	vadd.scan.msk.s32 $0xffff, v6;
	_ =	sdelay $0x2  }
0x35: {  	v6 =	vnsel vm1, $0x0, v5  }
0x36: {  	s16 =	spop (v2sf);
	s13 =	smul.u32 $0x240, s15;
	(xrf0) =	vadd.scan.msk.s32 $0xffff, v6  }
0x37: {  	s17 =	sand.u32 $0xFFFFFFF8, s16  }
0x38: {  	s13 =	sadd.s32 s13, s17;
	v6, _, _ =	vpop (xrf0)  }
0x39: {  	s14 =	sshrl.u32 s13, $0x3;
	(v2sf) =	vpush v6, $0xF  }
0x3a: {  	s18 =	sadd.s32 $0x51000, s13;
	s14 =	sadd.s32 s1, s14  }
0x3b: {  	[tilespmem:s24], [sflag:$0x1] =	stream.strided.gather [hbm4b:s14+s22], $0x1200, s23, s22, $0x38;
	[tilespmem:$0x11900] =	vst v63  }
0x3c: {  	s13 =	sadd.s32 $0xA2000, s13;
	s14 =	sshrl.u32 s18, $0x3;
	v6, _, _ =	vpop (xrf0)  }
0x3d: {  	s13 =	sshrl.u32 s13, $0x3;
	s14 =	sadd.s32 s1, s14;
	s19 =	spop (v2sf);
	(v2sf) =	vpush v6, $0xF  }
0x3e: {  	v4 =	vnsel vm0, $0x0, v4;
	[tilespmem:s25], [sflag:$0x1] =	stream.strided.gather [hbm4b:s14+s22], $0x1200, s23, s22, $0x38;
	[tilespmem:$0x11900] =	vst v63  }
0x3f: {  	s13 =	sadd.s32 s1, s13;
	(xrf0) =	vadd.scan.msk.s32 $0xffff, v4  }
0x40: {  	v4 =	vnsel vm0, $0x0, v5;
	[tilespmem:s26], [sflag:$0x1] =	stream.strided.gather [hbm4b:s13+s22], $0x1200, s23, s22, $0x38;
	[tilespmem:$0x11900] =	vst v63  }
0x41: {  	(xrf0) =	vadd.scan.msk.s32 $0xffff, v4;
	s17 =	smul.u32 $0x240, s19;
	s15 =	spop (v2sf)  }
0x42: {  	s18 =	sand.u32 $0xFFFFFFF8, s15  }
0x43: {  	s13 =	sadd.s32 s17, s18  }
0x44: {  	s14 =	sshrl.u32 s13, $0x3  }
0x45: {  	v4, _, _ =	vpop (xrf0);
	s19 =	sadd.s32 $0x51000, s13;
	s14 =	sadd.s32 s1, s14  }
0x46: {  	(v2sf) =	vpush v4, $0xF;
	[tilespmem:s28], [sflag:$0x1] =	stream.strided.gather [hbm4b:s14+s22], $0x1200, s23, s22, $0x38;
	[tilespmem:$0x11900] =	vst v63  }
0x47: {  	v4, _, _ =	vpop (xrf0);
	s13 =	sadd.s32 $0xA2000, s13;
	s14 =	sshrl.u32 s19, $0x3  }
0x48: {  	s13 =	sshrl.u32 s13, $0x3;
	s14 =	sadd.s32 s1, s14;
	s17 =	spop (v2sf);
	(v2sf) =	vpush v4, $0xF  }
0x49: {  	[tilespmem:s29], [sflag:$0x1] =	stream.strided.gather [hbm4b:s14+s22], $0x1200, s23, s22, $0x38;
	[tilespmem:$0x11900] =	vst v63  }
0x4a: {  	s13 =	sadd.s32 s1, s13  }
0x4b: {  	[tilespmem:s30], [sflag:$0x1] =	stream.strided.gather [hbm4b:s13+s22], $0x1200, s23, s22, $0x38;
	[tilespmem:$0x11900] =	vst v63  }
0x4c: {  	s14 =	spop (v2sf);
	s17 =	smul.u32 $0x240, s17  }
0x4d: {  	s18 =	sand.u32 $0xFFFFFFF8, s14  }
0x4e: {  	s13 =	sadd.s32 s17, s18  }
0x4f: {  	s17 =	sshrl.u32 s13, $0x3  }
0x50: {  	s19 =	sadd.s32 $0x51000, s13;
	s17 =	sadd.s32 s1, s17  }
0x51: {  	[tilespmem:s31], [sflag:$0x1] =	stream.strided.gather [hbm4b:s17+s22], $0x1200, s23, s22, $0x38;
	[tilespmem:$0x11900] =	vst v63  }
0x52: {  	s13 =	sadd.s32 $0xA2000, s13;
	s17 =	sshrl.u32 s19, $0x3  }
0x53: {  	s13 =	sshrl.u32 s13, $0x3;
	s17 =	sadd.s32 s1, s17  }
0x54: {  	[tilespmem:s3], [sflag:$0x1] =	stream.strided.gather [hbm4b:s17+s22], $0x1200, s23, s22, $0x38;
	[tilespmem:$0x11900] =	vst v63  }
0x55: {  	s13 =	sadd.s32 s1, s13;
	s18 =	spop (v2sf)  }
0x56: {  	[tilespmem:s0], [sflag:$0x1] =	stream.strided.gather [hbm4b:s13+s22], $0x1200, s23, s22, $0x38;
	[tilespmem:$0x11900] =	vst v63  }
0x57: {  	s17 =	smul.u32 $0x240, s18;
	s13 =	spop (v2sf)  }
0x58: {  	s18 =	sand.u32 $0xFFFFFFF8, s13  }
0x59: {  	s17 =	sadd.s32 s17, s18  }
0x5a: {  	s18 =	sshrl.u32 s17, $0x3  }
0x5b: {  	s19 =	sadd.s32 $0x51000, s17;
	s18 =	sadd.s32 s1, s18  }
0x5c: {  	v4 =	vimm.s32 $0x0;
	[tilespmem:s2], [sflag:$0x1] =	stream.strided.gather [hbm4b:s18+s22], $0x1200, s23, s22, $0x38;
	[tilespmem:$0x11900] =	vst v63  }
0x5d: {  	v11 =	vmul.u32 $0x48, v4;
	s17 =	sadd.s32 $0xA2000, s17;
	s18 =	sshrl.u32 s19, $0x3  }
0x5e: {  	s16 =	sand.u32 $0x7, s16;
	s17 =	sshrl.u32 s17, $0x3;
	s18 =	sadd.s32 s1, s18  }
0x5f: {  	v6 =	vadd.s32 s16, v0;
	v10 =	vadd.s32 $0x48, v11;
	[tilespmem:s4], [sflag:$0x1] =	stream.strided.gather [hbm4b:s18+s22], $0x1200, s23, s22, $0x38;
	[tilespmem:$0x11900] =	vst v63  }
0x60: {  	v5 =	vadd.s32 v6, v10;
	s17 =	sadd.s32 s1, s17  }
0x61: {  	[tilespmem:s20], [sflag:$0x1] =	stream.strided.gather [hbm4b:s17+s22], $0x1200, s23, s22, $0x38;
	[tilespmem:$0x11900] =	vst v63  }
0x62: {  	_ =	swait.ge [sflag:s21], $0x1200  }
0x63: {  	[sflag:s21] =	ssyncset.done $0x0  }
0x64: {  	[sflag:s21] =	ssyncadd.s32 $0xFFFFEE00  }
0x65: {  	v7 =	vadd.s32 s16, v1;
	v13 =	vor.u32 v11, v6;
	v5 =	vld.idx.msk [tilespmem:v5+s24+$0x0], $0xffff  }
0x66: {  	v16 =	vadd.s32 $0x4, v4;
	v14 =	vadd.s32 $0x90, v11;
	v8 =	vadd.s32 v7, v10  }
0x67: {  	v9 =	vmul.u32 $0x48, v16;
	v12 =	vadd.s32 v6, v14  }
0x68: {  	v15 =	vadd.s32 $0xD8, v11  }
0x69: {  	v4 =	vadd.s32 v6, v15;
	v20 =	vadd.s32 $0x48, v9;
	s17 =	simm.s32 $0xD980  }
0x6a: {  	v21 =	vadd.s32 v6, v20;
	v13 =	vld.idx.msk [tilespmem:v13+s24+$0x0], $0xffff;
	[tilespmem:s17+$0xFFFFFFC0] =	vst v5  }
0x6b: {  	v22 =	vadd.s32 v7, v11;
	v5 =	vadd.s32 s16, v2;
	v17 =	vld.idx.msk [tilespmem:v8+s24+$0x0], $0xffff  }
0x6c: {  	v12 =	vld.idx.msk [tilespmem:v12+s24+$0x0], $0xffff;
	v18 =	vadd.s32 v5, v10  }
0x6d: {  	v19 =	vadd.s32 v7, v14;
	v8 =	vadd.s32 $0x90, v9  }
0x6e: {  	v23 =	vld.idx.msk [tilespmem:v4+s24+$0x0], $0xffff;
	v24 =	vadd.s32 v6, v8  }
0x6f: {  	[tilespmem:s17+$0xFFFFFF80] =	vst v13;
	v13 =	vld.idx.msk [tilespmem:v21+s24+$0x0], $0xffff  }
0x70: {  	v21 =	vor.u32 v9, v6;
	v22 =	vld.idx.msk [tilespmem:v22+s24+$0x0], $0xffff;
	[tilespmem:s17+$0xFFFFFFD0] =	vst v17  }
0x71: {  	v25 =	vadd.s32 v7, v20;
	[tilespmem:s17+$0x0] =	vst v12;
	v12 =	vld.idx.msk [tilespmem:v18+s24+$0x0], $0xffff  }
0x72: {  	v17 =	vadd.s32 v7, v15;
	v18 =	vld.idx.msk [tilespmem:v19+s24+$0x0], $0xffff  }
0x73: {  	v4 =	vadd.s32 s16, v3;
	[tilespmem:s17+$0x40] =	vst v23;
	v23 =	vld.idx.msk [tilespmem:v24+s24+$0x0], $0xffff;
	v24 =	vadd.s32 v5, v11  }
0x74: {  	s16 =	simm.s32 $0xDA80;
	v19 =	vadd.s32 v4, v10;
	v10 =	vadd.s32 $0xD8, v9  }
0x75: {  	v21 =	vld.idx.msk [tilespmem:v21+s24+$0x0], $0xffff;
	[tilespmem:s16+$0xFFFFFFC0] =	vst v13;
	v26 =	vadd.s32 v6, v10  }
0x76: {  	v27 =	vadd.s32 v5, v14;
	[tilespmem:s17+$0xFFFFFF90] =	vst v22;
	v22 =	vld.idx.msk [tilespmem:v25+s24+$0x0], $0xffff  }
0x77: {  	v25 =	vadd.s32 v7, v8;
	v17 =	vld.idx.msk [tilespmem:v17+s24+$0x0], $0xffff;
	[tilespmem:s17+$0xFFFFFFE0] =	vst v12  }
0x78: {  	v16 =	vadd.s32 $0x4, v16;
	v29 =	vadd.s32 v7, v9;
	[tilespmem:s17+$0x10] =	vst v18;
	v18 =	vld.idx.msk [tilespmem:v24+s24+$0x0], $0xffff  }
0x79: {  	v28 =	vadd.s32 v5, v15;
	v12 =	vmul.u32 $0x48, v16;
	v19 =	vld.idx.msk [tilespmem:v19+s24+$0x0], $0xffff  }
0x7a: {  	[tilespmem:s16+$0x0] =	vst v23;
	v23 =	vadd.s32 v5, v20;
	v24 =	vld.idx.msk [tilespmem:v26+s24+$0x0], $0xffff  }
0x7b: {  	[tilespmem:s16+$0xFFFFFF80] =	vst v21;
	v26 =	vadd.s32 v4, v11;
	v27 =	vld.idx.msk [tilespmem:v27+s24+$0x0], $0xffff;
	v13 =	vadd.s32 $0x48, v12  }
0x7c: {  	v21 =	vld.idx.msk [tilespmem:v25+s24+$0x0], $0xffff;
	[tilespmem:s17+$0x50] =	vst v17;
	v17 =	vadd.s32 v6, v13  }
0x7d: {  	v14 =	vadd.s32 v4, v14;
	[tilespmem:s16+$0xFFFFFFD0] =	vst v22;
	v25 =	vld.idx.msk [tilespmem:v29+s24+$0x0], $0xffff;
	v11 =	vadd.s32 $0x90, v12  }
0x7e: {  	[tilespmem:s17+$0xFFFFFFF0] =	vst v19;
	v19 =	vld.idx.msk [tilespmem:v28+s24+$0x0], $0xffff;
	v28 =	vadd.s32 v6, v11  }
0x7f: {  	v29 =	vld.idx.msk [tilespmem:v23+s24+$0x0], $0xffff;
	[tilespmem:s17+$0xFFFFFFA0] =	vst v18;
	v18 =	vadd.s32 v7, v10  }
0x80: {  	v15 =	vadd.s32 v4, v15;
	[tilespmem:s16+$0x40] =	vst v24;
	v24 =	vld.idx.msk [tilespmem:v26+s24+$0x0], $0xffff  }
0x81: {  	[tilespmem:s17+$0x20] =	vst v27;
	v30 =	vld.idx.msk [tilespmem:v17+s24+$0x0], $0xffff;
	v17 =	vadd.s32 v4, v20  }
0x82: {  	[tilespmem:s16+$0x10] =	vst v21;
	v23 =	vld.idx.msk [tilespmem:v14+s24+$0x0], $0xffff;
	v20 =	vor.u32 v12, v6  }
0x83: {  	v28 =	vld.idx.msk [tilespmem:v28+s24+$0x0], $0xffff;
	[tilespmem:s17+$0x60] =	vst v19;
	v19 =	vadd.s32 v7, v13  }
0x84: {  	[tilespmem:s16+$0xFFFFFF90] =	vst v25;
	v26 =	vadd.s32 v5, v9;
	v14 =	vadd.s32 $0xD8, v12;
	v18 =	vld.idx.msk [tilespmem:v18+s24+$0x0], $0xffff  }
0x85: {  	v27 =	vadd.s32 v6, v14;
	[tilespmem:s16+$0xFFFFFFE0] =	vst v29;
	v22 =	vld.idx.msk [tilespmem:v15+s24+$0x0], $0xffff  }
0x86: {  	s18 =	simm.s32 $0xDB80;
	[tilespmem:s17+$0xFFFFFFB0] =	vst v24;
	v24 =	vadd.s32 v5, v8;
	v17 =	vld.idx.msk [tilespmem:v17+s24+$0x0], $0xffff  }
0x87: {  	v21 =	vld.idx.msk [tilespmem:v20+s24+$0x0], $0xffff;
	[tilespmem:s18+$0xFFFFFFC0] =	vst v30;
	v20 =	vadd.s32 v5, v10  }
0x88: {  	s19 =	simm.s32 $0x8;
	v16 =	vadd.s32 $0x4, v16;
	v25 =	vadd.s32 v7, v11;
	v15 =	vadd.s32 v7, v12;
	v19 =	vld.idx.msk [tilespmem:v19+s24+$0x0], $0xffff;
	[tilespmem:s18+$0x0] =	vst v28  }
.LBB2_2:
0x89: {  	v28 =	vmul.u32 $0x48, v16;
	s19 =	sadd.s32 $0x4, s19;
	v26 =	vld.idx.msk [tilespmem:v26+s24+$0x0], $0xffff;
	[tilespmem:s17+$0x30] =	vst v23  }
0x8a: {  	v23 =	vadd.s32 v5, v13;
	v29 =	vadd.s32 v4, v9;
	v9 =	vmov v12;
	p0 =	slt.u32 s19, $0x3C;
	v27 =	vld.idx.msk [tilespmem:v27+s24+$0x0], $0xffff;
	[tilespmem:s17+$0x70] =	vst v22;
	s17 =	smov.u32 s16;
	s16 =	smov.u32 s18  }
0x8b: {  	v22 =	vadd.s32 $0x48, v28;
	v30 =	vadd.s32 $0x90, v28;
	v31 =	vadd.s32 $0xD8, v28;
	v24 =	vld.idx.msk [tilespmem:v24+s24+$0x0], $0xffff;
	[tilespmem:s17+$0x50] =	vst v18;
	v12 =	vmovc v28  }
0x8c: {  	v18 =	vadd.s32 v7, v12;
	v28 =	vadd.s32 v6, v22;
	[tilespmem:s17+$0xFFFFFFF0] =	vst v17;
	v17 =	vld.idx.msk [tilespmem:v20+s24+$0x0], $0xffff  }
0x8d: {  	v20 =	vadd.s32 v6, v30;
	[tilespmem:s18+$0xFFFFFF80] =	vst v21;
	v21 =	vld.idx.msk [tilespmem:v25+s24+$0x0], $0xffff  }
0x8e: {  	v32 =	vadd.s32 v4, v10;
	v25 =	vld.idx.msk [tilespmem:v15+s24+$0x0], $0xffff;
	[tilespmem:s18+$0xFFFFFFD0] =	vst v19;
	v19 =	vadd.s32 v4, v8;
	v8 =	vmov v11  }
0x8f: {  	v10 =	vmovc v14;
	v14 =	vmov v31;
	v11 =	vmov v30;
	v15 =	vmov v18;
	v33 =	vld.idx.msk [tilespmem:v23+s24+$0x0], $0xffff;
	[tilespmem:s17+$0xFFFFFFA0] =	vst v26  }
0x90: {  	v18 =	vadd.s32 v7, v10;
	[tilespmem:s18+$0x40] =	vst v27;
	v29 =	vld.idx.msk [tilespmem:v29+s24+$0x0], $0xffff  }
0x91: {  	v30 =	vadd.s32 v4, v13;
	v13 =	vmov v22;
	v28 =	vld.idx.msk [tilespmem:v28+s24+$0x0], $0xffff;
	[tilespmem:s17+$0x20] =	vst v24  }
0x92: {  	v31 =	vor.u32 v12, v6;
	v34 =	vld.idx.msk [tilespmem:v20+s24+$0x0], $0xffff;
	[tilespmem:s17+$0x60] =	vst v17  }
0x93: {  	v35 =	vadd.s32 v7, v13;
	[tilespmem:s18+$0x10] =	vst v21;
	v23 =	vld.idx.msk [tilespmem:v19+s24+$0x0], $0xffff  }
.Ltmp0:
0x94: {  	v26 =	vadd.s32 v5, v9;
	[tilespmem:s18+$0xFFFFFF90] =	vst v25;
	v22 =	vld.idx.msk [tilespmem:v32+s24+$0x0], $0xffff;
	(pc) =	sbr.rel @p0 .LBB2_2-.Ltmp0, $4  }
0x95: {  	v27 =	vadd.s32 v6, v14;
	[tilespmem:s18+$0xFFFFFFE0] =	vst v33;
	v18 =	vld.idx.msk [tilespmem:v18+s24+$0x0], $0xffff  }
0x96: {  	v24 =	vadd.s32 v5, v8;
	s18 =	sadd.s32 $0x100, s18;
	v17 =	vld.idx.msk [tilespmem:v30+s24+$0x0], $0xffff;
	[tilespmem:s17+$0xFFFFFFB0] =	vst v29  }
0x97: {  	v20 =	vadd.s32 v5, v10;
	v21 =	vld.idx.msk [tilespmem:v31+s24+$0x0], $0xffff;
	[tilespmem:s18+$0xFFFFFFC0] =	vst v28  }
0x98: {  	v16 =	vadd.s32 $0x4, v16;
	v25 =	vadd.s32 v7, v11;
	v19 =	vld.idx.msk [tilespmem:v35+s24+$0x0], $0xffff;
	[tilespmem:s18+$0x0] =	vst v34  }
0x99: {  	_ =	sdelay $0x3  }
0x9a: {  	[tilespmem:s17+$0x30] =	vst v23;
	v16 =	vld.idx.msk [tilespmem:v27+s24+$0x0], $0xffff  }
0x9b: {  	[tilespmem:s17+$0x70] =	vst v22;
	v22 =	vadd.s32 v7, v14  }
0x9c: {  	v23 =	vld.idx.msk [tilespmem:v26+s24+$0x0], $0xffff;
	[tilespmem:s16+$0x50] =	vst v18  }
0x9d: {  	v24 =	vld.idx.msk [tilespmem:v24+s24+$0x0], $0xffff;
	v18 =	vadd.s32 v5, v13;
	[tilespmem:s18+$0xFFFFFF80] =	vst v21  }
0x9e: {  	v9 =	vadd.s32 v4, v9;
	[tilespmem:s16+$0xFFFFFFF0] =	vst v17;
	v15 =	vld.idx.msk [tilespmem:v15+s24+$0x0], $0xffff  }
0x9f: {  	v17 =	vld.idx.msk [tilespmem:v25+s24+$0x0], $0xffff;
	[tilespmem:s18+$0x40] =	vst v16;
	v16 =	vadd.s32 v5, v12  }
0xa0: {  	v21 =	vadd.s32 v5, v11;
	[tilespmem:s18+$0xFFFFFFD0] =	vst v19;
	v19 =	vld.idx.msk [tilespmem:v22+s24+$0x0], $0xffff  }
0xa1: {  	v20 =	vld.idx.msk [tilespmem:v20+s24+$0x0], $0xffff;
	[tilespmem:s16+$0xFFFFFFA0] =	vst v23;
	v22 =	vadd.s32 v5, v14  }
0xa2: {  	v8 =	vadd.s32 v4, v8;
	[tilespmem:s16+$0x20] =	vst v24;
	v18 =	vld.idx.msk [tilespmem:v18+s24+$0x0], $0xffff  }
0xa3: {  	v10 =	vadd.s32 v4, v10;
	v9 =	vld.idx.msk [tilespmem:v9+s24+$0x0], $0xffff;
	[tilespmem:s18+$0xFFFFFF90] =	vst v15  }
0xa4: {  	v13 =	vadd.s32 v4, v13;
	[tilespmem:s18+$0x10] =	vst v17;
	v15 =	vld.idx.msk [tilespmem:v16+s24+$0x0], $0xffff  }
0xa5: {  	v12 =	vadd.s32 v4, v12;
	v16 =	vld.idx.msk [tilespmem:v21+s24+$0x0], $0xffff;
	[tilespmem:s18+$0x50] =	vst v19  }
0xa6: {  	v11 =	vadd.s32 v4, v11;
	[tilespmem:s16+$0x60] =	vst v20;
	v17 =	vld.idx.msk [tilespmem:v22+s24+$0x0], $0xffff  }
0xa7: {  	v8 =	vld.idx.msk [tilespmem:v8+s24+$0x0], $0xffff;
	v14 =	vadd.s32 v4, v14;
	[tilespmem:s18+$0xFFFFFFE0] =	vst v18  }
0xa8: {  	v10 =	vld.idx.msk [tilespmem:v10+s24+$0x0], $0xffff;
	[tilespmem:s16+$0xFFFFFFB0] =	vst v9  }
0xa9: {  	v9 =	vld.idx.msk [tilespmem:v13+s24+$0x0], $0xffff;
	[tilespmem:s18+$0xFFFFFFA0] =	vst v15  }
0xaa: {  	[tilespmem:s18+$0x20] =	vst v16;
	v12 =	vld.idx.msk [tilespmem:v12+s24+$0x0], $0xffff  }
0xab: {  	v11 =	vld.idx.msk [tilespmem:v11+s24+$0x0], $0xffff;
	[tilespmem:s18+$0x60] =	vst v17  }
0xac: {  	[tilespmem:s16+$0x30] =	vst v8;
	v8 =	vld.idx.msk [tilespmem:v14+s24+$0x0], $0xffff  }
0xad: {  	[tilespmem:s16+$0x70] =	vst v10  }
0xae: {  	v10 =	vimm.s32 $0x0;
	[tilespmem:s18+$0xFFFFFFF0] =	vst v9  }
0xaf: {  	v13 =	vmul.u32 $0x48, v10;
	[tilespmem:s18+$0xFFFFFFB0] =	vst v12  }
0xb0: {  	[tilespmem:s18+$0x30] =	vst v11  }
0xb1: {  	v11 =	vadd.s32 $0x48, v13;
	[tilespmem:s18+$0x70] =	vst v8  }
0xb2: {  	v8 =	vadd.s32 v6, v11;
	s16 =	rddreg [dreg:$0x5]  }
0xb3: {  	[hbm4b:s16+s5] =	stream.linear.scatter [tilespmem:s7], [sflag:$0x2], $0x1000, $0x38;
	[tilespmem:$0x11900] =	vst v63  }
0xb4: {  	_ =	swait.ge [sflag:s21], $0x1200  }
0xb5: {  	[sflag:s21] =	ssyncset.done $0x0  }
0xb6: {  	[sflag:s21] =	ssyncadd.s32 $0xFFFFEE00  }
0xb7: {  	v8 =	vld.idx.msk [tilespmem:v8+s25+$0x0], $0xffff  }
0xb8: {  	v14 =	vadd.s32 $0x90, v13;
	v9 =	vadd.s32 v7, v11  }
0xb9: {  	v12 =	vadd.s32 v6, v14;
	_ =	sdelay $0x1  }
0xba: {  	s17 =	simm.s32 $0xE980  }
0xbb: {  	v15 =	vor.u32 v13, v6;
	v16 =	vadd.s32 $0xD8, v13;
	[tilespmem:s17+$0xFFFFFFC0] =	vst v8  }
0xbc: {  	v17 =	vadd.s32 $0x4, v10;
	v10 =	vadd.s32 v6, v16;
	v18 =	vld.idx.msk [tilespmem:v9+s25+$0x0], $0xffff  }
0xbd: {  	v19 =	vadd.s32 v5, v11;
	v12 =	vld.idx.msk [tilespmem:v12+s25+$0x0], $0xffff;
	v9 =	vmul.u32 $0x48, v17  }
0xbe: {  	v20 =	vadd.s32 v7, v14  }
0xbf: {  	v21 =	vadd.s32 $0x48, v9  }
0xc0: {  	v15 =	vld.idx.msk [tilespmem:v15+s25+$0x0], $0xffff;
	v22 =	vadd.s32 v6, v21  }
0xc1: {  	v23 =	vadd.s32 v7, v13;
	v24 =	vld.idx.msk [tilespmem:v10+s25+$0x0], $0xffff;
	v8 =	vadd.s32 $0x90, v9;
	[tilespmem:s17+$0xFFFFFFD0] =	vst v18  }
0xc2: {  	[tilespmem:s17+$0x0] =	vst v12;
	v25 =	vadd.s32 v6, v8;
	v12 =	vld.idx.msk [tilespmem:v19+s25+$0x0], $0xffff  }
0xc3: {  	v19 =	vld.idx.msk [tilespmem:v20+s25+$0x0], $0xffff;
	v20 =	vor.u32 v9, v6  }
0xc4: {  	v11 =	vadd.s32 v4, v11  }
0xc5: {  	[tilespmem:s17+$0xFFFFFF80] =	vst v15;
	v18 =	vadd.s32 v7, v16;
	v15 =	vld.idx.msk [tilespmem:v22+s25+$0x0], $0xffff  }
0xc6: {  	v22 =	vld.idx.msk [tilespmem:v23+s25+$0x0], $0xffff;
	v23 =	vadd.s32 v7, v21  }
0xc7: {  	[tilespmem:s17+$0x40] =	vst v24;
	v10 =	vadd.s32 $0xD8, v9;
	v24 =	vld.idx.msk [tilespmem:v25+s25+$0x0], $0xffff;
	v25 =	vadd.s32 v5, v13  }
0xc8: {  	v26 =	vadd.s32 v6, v10;
	[tilespmem:s17+$0xFFFFFFE0] =	vst v12;
	v20 =	vld.idx.msk [tilespmem:v20+s25+$0x0], $0xffff  }
0xc9: {  	s16 =	simm.s32 $0xEA80;
	v27 =	vld.idx.msk [tilespmem:v11+s25+$0x0], $0xffff;
	v11 =	vadd.s32 v5, v14  }
0xca: {  	v28 =	vadd.s32 $0x4, v17;
	v17 =	vadd.s32 v7, v9;
	v18 =	vld.idx.msk [tilespmem:v18+s25+$0x0], $0xffff;
	[tilespmem:s16+$0xFFFFFFC0] =	vst v15  }
0xcb: {  	v15 =	vadd.s32 v5, v16;
	[tilespmem:s17+$0xFFFFFF90] =	vst v22;
	v22 =	vld.idx.msk [tilespmem:v23+s25+$0x0], $0xffff  }
0xcc: {  	[tilespmem:s17+$0x10] =	vst v19;
	v12 =	vmul.u32 $0x48, v28;
	v23 =	vadd.s32 v7, v8;
	v19 =	vld.idx.msk [tilespmem:v25+s25+$0x0], $0xffff  }
0xcd: {  	[tilespmem:s16+$0x0] =	vst v24;
	v24 =	vadd.s32 v5, v21;
	v25 =	vld.idx.msk [tilespmem:v26+s25+$0x0], $0xffff  }
0xce: {  	v26 =	vadd.s32 v4, v13;
	v13 =	vadd.s32 $0x48, v12;
	[tilespmem:s16+$0xFFFFFF80] =	vst v20;
	v29 =	vld.idx.msk [tilespmem:v11+s25+$0x0], $0xffff  }
0xcf: {  	[tilespmem:s17+$0x50] =	vst v18;
	v18 =	vadd.s32 v6, v13;
	v11 =	vadd.s32 $0x90, v12;
	v17 =	vld.idx.msk [tilespmem:v17+s25+$0x0], $0xffff  }
0xd0: {  	[tilespmem:s17+$0xFFFFFFF0] =	vst v27;
	v15 =	vld.idx.msk [tilespmem:v15+s25+$0x0], $0xffff;
	v27 =	vadd.s32 v6, v11  }
0xd1: {  	v14 =	vadd.s32 v4, v14;
	v20 =	vld.idx.msk [tilespmem:v23+s25+$0x0], $0xffff;
	[tilespmem:s16+$0xFFFFFFD0] =	vst v22  }
0xd2: {  	v16 =	vadd.s32 v4, v16;
	[tilespmem:s17+$0xFFFFFFA0] =	vst v19;
	v24 =	vld.idx.msk [tilespmem:v24+s25+$0x0], $0xffff  }
0xd3: {  	[tilespmem:s16+$0x40] =	vst v25;
	v19 =	vadd.s32 v7, v10;
	v25 =	vld.idx.msk [tilespmem:v26+s25+$0x0], $0xffff  }
0xd4: {  	v21 =	vadd.s32 v4, v21;
	v30 =	vld.idx.msk [tilespmem:v18+s25+$0x0], $0xffff;
	[tilespmem:s17+$0x20] =	vst v29  }
0xd5: {  	v32 =	vadd.s32 v7, v13;
	[tilespmem:s16+$0xFFFFFF90] =	vst v17;
	v31 =	vld.idx.msk [tilespmem:v27+s25+$0x0], $0xffff  }
0xd6: {  	v29 =	vor.u32 v12, v6;
	[tilespmem:s17+$0x60] =	vst v15;
	v23 =	vld.idx.msk [tilespmem:v14+s25+$0x0], $0xffff  }
0xd7: {  	v26 =	vadd.s32 v5, v9;
	v14 =	vadd.s32 $0xD8, v12;
	[tilespmem:s16+$0x10] =	vst v20;
	v22 =	vld.idx.msk [tilespmem:v16+s25+$0x0], $0xffff  }
0xd8: {  	s18 =	simm.s32 $0xEB80;
	v18 =	vld.idx.msk [tilespmem:v19+s25+$0x0], $0xffff;
	v27 =	vadd.s32 v6, v14;
	[tilespmem:s16+$0xFFFFFFE0] =	vst v24  }
0xd9: {  	v24 =	vadd.s32 v5, v8;
	[tilespmem:s18+$0xFFFFFFC0] =	vst v30;
	v17 =	vld.idx.msk [tilespmem:v21+s25+$0x0], $0xffff  }
0xda: {  	v20 =	vadd.s32 v5, v10;
	[tilespmem:s17+$0xFFFFFFB0] =	vst v25;
	v19 =	vld.idx.msk [tilespmem:v32+s25+$0x0], $0xffff  }
0xdb: {  	s19 =	simm.s32 $0x8;
	v15 =	vadd.s32 v7, v12;
	v16 =	vadd.s32 $0x4, v28;
	v25 =	vadd.s32 v7, v11;
	v21 =	vld.idx.msk [tilespmem:v29+s25+$0x0], $0xffff;
	[tilespmem:s18+$0x0] =	vst v31  }
.LBB2_4:
0xdc: {  	v28 =	vmul.u32 $0x48, v16;
	s19 =	sadd.s32 $0x4, s19;
	v26 =	vld.idx.msk [tilespmem:v26+s25+$0x0], $0xffff;
	[tilespmem:s17+$0x30] =	vst v23  }
0xdd: {  	v23 =	vadd.s32 v5, v13;
	v29 =	vadd.s32 v4, v9;
	v9 =	vmov v12;
	p0 =	slt.u32 s19, $0x3C;
	v27 =	vld.idx.msk [tilespmem:v27+s25+$0x0], $0xffff;
	[tilespmem:s17+$0x70] =	vst v22;
	s17 =	smov.u32 s16;
	s16 =	smov.u32 s18  }
0xde: {  	v22 =	vadd.s32 $0x48, v28;
	v30 =	vadd.s32 $0x90, v28;
	v31 =	vadd.s32 $0xD8, v28;
	v24 =	vld.idx.msk [tilespmem:v24+s25+$0x0], $0xffff;
	[tilespmem:s17+$0x50] =	vst v18;
	v12 =	vmovc v28  }
0xdf: {  	v18 =	vadd.s32 v7, v12;
	v28 =	vadd.s32 v6, v22;
	[tilespmem:s17+$0xFFFFFFF0] =	vst v17;
	v17 =	vld.idx.msk [tilespmem:v20+s25+$0x0], $0xffff  }
0xe0: {  	v20 =	vadd.s32 v6, v30;
	[tilespmem:s18+$0xFFFFFF80] =	vst v21;
	v21 =	vld.idx.msk [tilespmem:v25+s25+$0x0], $0xffff  }
0xe1: {  	v32 =	vadd.s32 v4, v10;
	v25 =	vld.idx.msk [tilespmem:v15+s25+$0x0], $0xffff;
	[tilespmem:s18+$0xFFFFFFD0] =	vst v19;
	v19 =	vadd.s32 v4, v8;
	v8 =	vmov v11  }
0xe2: {  	v10 =	vmovc v14;
	v14 =	vmov v31;
	v11 =	vmov v30;
	v15 =	vmov v18;
	v33 =	vld.idx.msk [tilespmem:v23+s25+$0x0], $0xffff;
	[tilespmem:s17+$0xFFFFFFA0] =	vst v26  }
0xe3: {  	v18 =	vadd.s32 v7, v10;
	[tilespmem:s18+$0x40] =	vst v27;
	v29 =	vld.idx.msk [tilespmem:v29+s25+$0x0], $0xffff  }
0xe4: {  	v30 =	vadd.s32 v4, v13;
	v13 =	vmov v22;
	v28 =	vld.idx.msk [tilespmem:v28+s25+$0x0], $0xffff;
	[tilespmem:s17+$0x20] =	vst v24  }
0xe5: {  	v31 =	vor.u32 v12, v6;
	v34 =	vld.idx.msk [tilespmem:v20+s25+$0x0], $0xffff;
	[tilespmem:s17+$0x60] =	vst v17  }
0xe6: {  	v35 =	vadd.s32 v7, v13;
	[tilespmem:s18+$0x10] =	vst v21;
	v23 =	vld.idx.msk [tilespmem:v19+s25+$0x0], $0xffff  }
.Ltmp1:
0xe7: {  	v26 =	vadd.s32 v5, v9;
	[tilespmem:s18+$0xFFFFFF90] =	vst v25;
	v22 =	vld.idx.msk [tilespmem:v32+s25+$0x0], $0xffff;
	(pc) =	sbr.rel @p0 .LBB2_4-.Ltmp1, $4  }
0xe8: {  	v27 =	vadd.s32 v6, v14;
	[tilespmem:s18+$0xFFFFFFE0] =	vst v33;
	v18 =	vld.idx.msk [tilespmem:v18+s25+$0x0], $0xffff  }
0xe9: {  	v24 =	vadd.s32 v5, v8;
	s18 =	sadd.s32 $0x100, s18;
	v17 =	vld.idx.msk [tilespmem:v30+s25+$0x0], $0xffff;
	[tilespmem:s17+$0xFFFFFFB0] =	vst v29  }
0xea: {  	v20 =	vadd.s32 v5, v10;
	v21 =	vld.idx.msk [tilespmem:v31+s25+$0x0], $0xffff;
	[tilespmem:s18+$0xFFFFFFC0] =	vst v28  }
0xeb: {  	v16 =	vadd.s32 $0x4, v16;
	v25 =	vadd.s32 v7, v11;
	v19 =	vld.idx.msk [tilespmem:v35+s25+$0x0], $0xffff;
	[tilespmem:s18+$0x0] =	vst v34  }
0xec: {  	_ =	sdelay $0x3  }
0xed: {  	[tilespmem:s17+$0x30] =	vst v23;
	v16 =	vld.idx.msk [tilespmem:v27+s25+$0x0], $0xffff  }
0xee: {  	[tilespmem:s17+$0x70] =	vst v22;
	v22 =	vadd.s32 v7, v14  }
0xef: {  	v23 =	vld.idx.msk [tilespmem:v26+s25+$0x0], $0xffff;
	[tilespmem:s16+$0x50] =	vst v18  }
0xf0: {  	v24 =	vld.idx.msk [tilespmem:v24+s25+$0x0], $0xffff;
	v18 =	vadd.s32 v5, v13;
	[tilespmem:s18+$0xFFFFFF80] =	vst v21  }
0xf1: {  	v9 =	vadd.s32 v4, v9;
	[tilespmem:s16+$0xFFFFFFF0] =	vst v17;
	v15 =	vld.idx.msk [tilespmem:v15+s25+$0x0], $0xffff  }
0xf2: {  	v17 =	vld.idx.msk [tilespmem:v25+s25+$0x0], $0xffff;
	[tilespmem:s18+$0x40] =	vst v16;
	v16 =	vadd.s32 v5, v12  }
0xf3: {  	v21 =	vadd.s32 v5, v11;
	[tilespmem:s18+$0xFFFFFFD0] =	vst v19;
	v19 =	vld.idx.msk [tilespmem:v22+s25+$0x0], $0xffff  }
0xf4: {  	v20 =	vld.idx.msk [tilespmem:v20+s25+$0x0], $0xffff;
	[tilespmem:s16+$0xFFFFFFA0] =	vst v23;
	v22 =	vadd.s32 v5, v14  }
0xf5: {  	v8 =	vadd.s32 v4, v8;
	[tilespmem:s16+$0x20] =	vst v24;
	v18 =	vld.idx.msk [tilespmem:v18+s25+$0x0], $0xffff  }
0xf6: {  	v10 =	vadd.s32 v4, v10;
	v9 =	vld.idx.msk [tilespmem:v9+s25+$0x0], $0xffff;
	[tilespmem:s18+$0xFFFFFF90] =	vst v15  }
0xf7: {  	v13 =	vadd.s32 v4, v13;
	[tilespmem:s18+$0x10] =	vst v17;
	v15 =	vld.idx.msk [tilespmem:v16+s25+$0x0], $0xffff  }
0xf8: {  	v12 =	vadd.s32 v4, v12;
	v16 =	vld.idx.msk [tilespmem:v21+s25+$0x0], $0xffff;
	[tilespmem:s18+$0x50] =	vst v19  }
0xf9: {  	v11 =	vadd.s32 v4, v11;
	[tilespmem:s16+$0x60] =	vst v20;
	v17 =	vld.idx.msk [tilespmem:v22+s25+$0x0], $0xffff  }
0xfa: {  	v8 =	vld.idx.msk [tilespmem:v8+s25+$0x0], $0xffff;
	v14 =	vadd.s32 v4, v14;
	[tilespmem:s18+$0xFFFFFFE0] =	vst v18  }
0xfb: {  	v10 =	vld.idx.msk [tilespmem:v10+s25+$0x0], $0xffff;
	[tilespmem:s16+$0xFFFFFFB0] =	vst v9  }
0xfc: {  	v9 =	vld.idx.msk [tilespmem:v13+s25+$0x0], $0xffff;
	[tilespmem:s18+$0xFFFFFFA0] =	vst v15  }
0xfd: {  	[tilespmem:s18+$0x20] =	vst v16;
	v12 =	vld.idx.msk [tilespmem:v12+s25+$0x0], $0xffff  }
0xfe: {  	v11 =	vld.idx.msk [tilespmem:v11+s25+$0x0], $0xffff;
	[tilespmem:s18+$0x60] =	vst v17  }
0xff: {  	[tilespmem:s16+$0x30] =	vst v8;
	v8 =	vld.idx.msk [tilespmem:v14+s25+$0x0], $0xffff  }
0x100: {  	[tilespmem:s16+$0x70] =	vst v10  }
0x101: {  	v10 =	vimm.s32 $0x0;
	[tilespmem:s18+$0xFFFFFFF0] =	vst v9  }
0x102: {  	v13 =	vmul.u32 $0x48, v10;
	[tilespmem:s18+$0xFFFFFFB0] =	vst v12  }
0x103: {  	[tilespmem:s18+$0x30] =	vst v11  }
0x104: {  	v11 =	vadd.s32 $0x48, v13;
	[tilespmem:s18+$0x70] =	vst v8  }
0x105: {  	v8 =	vadd.s32 v6, v11;
	s16 =	rddreg [dreg:$0x6]  }
0x106: {  	[hbm4b:s16+s5] =	stream.linear.scatter [tilespmem:s8], [sflag:$0x2], $0x1000, $0x38;
	[tilespmem:$0x11900] =	vst v63  }
0x107: {  	_ =	swait.ge [sflag:s21], $0x1200  }
0x108: {  	[sflag:s21] =	ssyncset.done $0x0  }
0x109: {  	[sflag:s21] =	ssyncadd.s32 $0xFFFFEE00  }
0x10a: {  	v8 =	vld.idx.msk [tilespmem:v8+s26+$0x0], $0xffff  }
0x10b: {  	v14 =	vadd.s32 $0x90, v13;
	v9 =	vadd.s32 v7, v11  }
0x10c: {  	v12 =	vadd.s32 v6, v14;
	_ =	sdelay $0x1  }
0x10d: {  	s17 =	simm.s32 $0xF980  }
0x10e: {  	v15 =	vor.u32 v13, v6;
	v16 =	vadd.s32 $0xD8, v13;
	[tilespmem:s17+$0xFFFFFFC0] =	vst v8  }
0x10f: {  	v17 =	vadd.s32 $0x4, v10;
	v10 =	vadd.s32 v6, v16;
	v18 =	vld.idx.msk [tilespmem:v9+s26+$0x0], $0xffff  }
0x110: {  	v19 =	vadd.s32 v5, v11;
	v12 =	vld.idx.msk [tilespmem:v12+s26+$0x0], $0xffff;
	v9 =	vmul.u32 $0x48, v17  }
0x111: {  	v20 =	vadd.s32 v7, v14  }
0x112: {  	v21 =	vadd.s32 $0x48, v9  }
0x113: {  	v15 =	vld.idx.msk [tilespmem:v15+s26+$0x0], $0xffff;
	v22 =	vadd.s32 v6, v21  }
0x114: {  	v23 =	vadd.s32 v7, v13;
	v24 =	vld.idx.msk [tilespmem:v10+s26+$0x0], $0xffff;
	v8 =	vadd.s32 $0x90, v9;
	[tilespmem:s17+$0xFFFFFFD0] =	vst v18  }
0x115: {  	[tilespmem:s17+$0x0] =	vst v12;
	v25 =	vadd.s32 v6, v8;
	v12 =	vld.idx.msk [tilespmem:v19+s26+$0x0], $0xffff  }
0x116: {  	v19 =	vld.idx.msk [tilespmem:v20+s26+$0x0], $0xffff;
	v20 =	vor.u32 v9, v6  }
0x117: {  	v11 =	vadd.s32 v4, v11  }
0x118: {  	[tilespmem:s17+$0xFFFFFF80] =	vst v15;
	v18 =	vadd.s32 v7, v16;
	v15 =	vld.idx.msk [tilespmem:v22+s26+$0x0], $0xffff  }
0x119: {  	v22 =	vld.idx.msk [tilespmem:v23+s26+$0x0], $0xffff;
	v23 =	vadd.s32 v7, v21  }
0x11a: {  	[tilespmem:s17+$0x40] =	vst v24;
	v10 =	vadd.s32 $0xD8, v9;
	v24 =	vld.idx.msk [tilespmem:v25+s26+$0x0], $0xffff;
	v25 =	vadd.s32 v5, v13  }
0x11b: {  	v26 =	vadd.s32 v6, v10;
	[tilespmem:s17+$0xFFFFFFE0] =	vst v12;
	v20 =	vld.idx.msk [tilespmem:v20+s26+$0x0], $0xffff  }
0x11c: {  	s16 =	simm.s32 $0xFA80;
	v27 =	vld.idx.msk [tilespmem:v11+s26+$0x0], $0xffff;
	v11 =	vadd.s32 v5, v14  }
0x11d: {  	v28 =	vadd.s32 $0x4, v17;
	v17 =	vadd.s32 v7, v9;
	v18 =	vld.idx.msk [tilespmem:v18+s26+$0x0], $0xffff;
	[tilespmem:s16+$0xFFFFFFC0] =	vst v15  }
0x11e: {  	v15 =	vadd.s32 v5, v16;
	[tilespmem:s17+$0xFFFFFF90] =	vst v22;
	v22 =	vld.idx.msk [tilespmem:v23+s26+$0x0], $0xffff  }
0x11f: {  	[tilespmem:s17+$0x10] =	vst v19;
	v12 =	vmul.u32 $0x48, v28;
	v23 =	vadd.s32 v7, v8;
	v19 =	vld.idx.msk [tilespmem:v25+s26+$0x0], $0xffff  }
0x120: {  	[tilespmem:s16+$0x0] =	vst v24;
	v24 =	vadd.s32 v5, v21;
	v25 =	vld.idx.msk [tilespmem:v26+s26+$0x0], $0xffff  }
0x121: {  	v26 =	vadd.s32 v4, v13;
	v13 =	vadd.s32 $0x48, v12;
	[tilespmem:s16+$0xFFFFFF80] =	vst v20;
	v29 =	vld.idx.msk [tilespmem:v11+s26+$0x0], $0xffff  }
0x122: {  	[tilespmem:s17+$0x50] =	vst v18;
	v18 =	vadd.s32 v6, v13;
	v11 =	vadd.s32 $0x90, v12;
	v17 =	vld.idx.msk [tilespmem:v17+s26+$0x0], $0xffff  }
0x123: {  	[tilespmem:s17+$0xFFFFFFF0] =	vst v27;
	v15 =	vld.idx.msk [tilespmem:v15+s26+$0x0], $0xffff;
	v27 =	vadd.s32 v6, v11  }
0x124: {  	v14 =	vadd.s32 v4, v14;
	v20 =	vld.idx.msk [tilespmem:v23+s26+$0x0], $0xffff;
	[tilespmem:s16+$0xFFFFFFD0] =	vst v22  }
0x125: {  	v16 =	vadd.s32 v4, v16;
	[tilespmem:s17+$0xFFFFFFA0] =	vst v19;
	v24 =	vld.idx.msk [tilespmem:v24+s26+$0x0], $0xffff  }
0x126: {  	[tilespmem:s16+$0x40] =	vst v25;
	v19 =	vadd.s32 v7, v10;
	v25 =	vld.idx.msk [tilespmem:v26+s26+$0x0], $0xffff  }
0x127: {  	v21 =	vadd.s32 v4, v21;
	v30 =	vld.idx.msk [tilespmem:v18+s26+$0x0], $0xffff;
	[tilespmem:s17+$0x20] =	vst v29  }
0x128: {  	v32 =	vadd.s32 v7, v13;
	[tilespmem:s16+$0xFFFFFF90] =	vst v17;
	v31 =	vld.idx.msk [tilespmem:v27+s26+$0x0], $0xffff  }
0x129: {  	v29 =	vor.u32 v12, v6;
	[tilespmem:s17+$0x60] =	vst v15;
	v23 =	vld.idx.msk [tilespmem:v14+s26+$0x0], $0xffff  }
0x12a: {  	v26 =	vadd.s32 v5, v9;
	v14 =	vadd.s32 $0xD8, v12;
	[tilespmem:s16+$0x10] =	vst v20;
	v22 =	vld.idx.msk [tilespmem:v16+s26+$0x0], $0xffff  }
0x12b: {  	s18 =	simm.s32 $0xFB80;
	v18 =	vld.idx.msk [tilespmem:v19+s26+$0x0], $0xffff;
	v27 =	vadd.s32 v6, v14;
	[tilespmem:s16+$0xFFFFFFE0] =	vst v24  }
0x12c: {  	v24 =	vadd.s32 v5, v8;
	[tilespmem:s18+$0xFFFFFFC0] =	vst v30;
	v17 =	vld.idx.msk [tilespmem:v21+s26+$0x0], $0xffff  }
0x12d: {  	v20 =	vadd.s32 v5, v10;
	[tilespmem:s17+$0xFFFFFFB0] =	vst v25;
	v19 =	vld.idx.msk [tilespmem:v32+s26+$0x0], $0xffff  }
0x12e: {  	s19 =	simm.s32 $0x8;
	v15 =	vadd.s32 v7, v12;
	v16 =	vadd.s32 $0x4, v28;
	v25 =	vadd.s32 v7, v11;
	v21 =	vld.idx.msk [tilespmem:v29+s26+$0x0], $0xffff;
	[tilespmem:s18+$0x0] =	vst v31  }
.LBB2_6:
0x12f: {  	v28 =	vmul.u32 $0x48, v16;
	s19 =	sadd.s32 $0x4, s19;
	v26 =	vld.idx.msk [tilespmem:v26+s26+$0x0], $0xffff;
	[tilespmem:s17+$0x30] =	vst v23  }
0x130: {  	v23 =	vadd.s32 v5, v13;
	v29 =	vadd.s32 v4, v9;
	v9 =	vmov v12;
	p0 =	slt.u32 s19, $0x3C;
	v27 =	vld.idx.msk [tilespmem:v27+s26+$0x0], $0xffff;
	[tilespmem:s17+$0x70] =	vst v22;
	s17 =	smov.u32 s16;
	s16 =	smov.u32 s18  }
0x131: {  	v22 =	vadd.s32 $0x48, v28;
	v30 =	vadd.s32 $0x90, v28;
	v31 =	vadd.s32 $0xD8, v28;
	v24 =	vld.idx.msk [tilespmem:v24+s26+$0x0], $0xffff;
	[tilespmem:s17+$0x50] =	vst v18;
	v12 =	vmovc v28  }
0x132: {  	v18 =	vadd.s32 v7, v12;
	v28 =	vadd.s32 v6, v22;
	[tilespmem:s17+$0xFFFFFFF0] =	vst v17;
	v17 =	vld.idx.msk [tilespmem:v20+s26+$0x0], $0xffff  }
0x133: {  	v20 =	vadd.s32 v6, v30;
	[tilespmem:s18+$0xFFFFFF80] =	vst v21;
	v21 =	vld.idx.msk [tilespmem:v25+s26+$0x0], $0xffff  }
0x134: {  	v32 =	vadd.s32 v4, v10;
	v25 =	vld.idx.msk [tilespmem:v15+s26+$0x0], $0xffff;
	[tilespmem:s18+$0xFFFFFFD0] =	vst v19;
	v19 =	vadd.s32 v4, v8;
	v8 =	vmov v11  }
0x135: {  	v10 =	vmovc v14;
	v14 =	vmov v31;
	v11 =	vmov v30;
	v15 =	vmov v18;
	v33 =	vld.idx.msk [tilespmem:v23+s26+$0x0], $0xffff;
	[tilespmem:s17+$0xFFFFFFA0] =	vst v26  }
0x136: {  	v18 =	vadd.s32 v7, v10;
	[tilespmem:s18+$0x40] =	vst v27;
	v29 =	vld.idx.msk [tilespmem:v29+s26+$0x0], $0xffff  }
0x137: {  	v30 =	vadd.s32 v4, v13;
	v13 =	vmov v22;
	v28 =	vld.idx.msk [tilespmem:v28+s26+$0x0], $0xffff;
	[tilespmem:s17+$0x20] =	vst v24  }
0x138: {  	v31 =	vor.u32 v12, v6;
	v34 =	vld.idx.msk [tilespmem:v20+s26+$0x0], $0xffff;
	[tilespmem:s17+$0x60] =	vst v17  }
0x139: {  	v35 =	vadd.s32 v7, v13;
	[tilespmem:s18+$0x10] =	vst v21;
	v23 =	vld.idx.msk [tilespmem:v19+s26+$0x0], $0xffff  }
.Ltmp2:
0x13a: {  	v26 =	vadd.s32 v5, v9;
	[tilespmem:s18+$0xFFFFFF90] =	vst v25;
	v22 =	vld.idx.msk [tilespmem:v32+s26+$0x0], $0xffff;
	(pc) =	sbr.rel @p0 .LBB2_6-.Ltmp2, $4  }
0x13b: {  	v27 =	vadd.s32 v6, v14;
	[tilespmem:s18+$0xFFFFFFE0] =	vst v33;
	v18 =	vld.idx.msk [tilespmem:v18+s26+$0x0], $0xffff  }
0x13c: {  	v24 =	vadd.s32 v5, v8;
	s18 =	sadd.s32 $0x100, s18;
	v17 =	vld.idx.msk [tilespmem:v30+s26+$0x0], $0xffff;
	[tilespmem:s17+$0xFFFFFFB0] =	vst v29  }
0x13d: {  	v20 =	vadd.s32 v5, v10;
	v21 =	vld.idx.msk [tilespmem:v31+s26+$0x0], $0xffff;
	[tilespmem:s18+$0xFFFFFFC0] =	vst v28  }
0x13e: {  	v16 =	vadd.s32 $0x4, v16;
	v25 =	vadd.s32 v7, v11;
	v19 =	vld.idx.msk [tilespmem:v35+s26+$0x0], $0xffff;
	[tilespmem:s18+$0x0] =	vst v34  }
0x13f: {  	_ =	sdelay $0x3  }
0x140: {  	[tilespmem:s17+$0x30] =	vst v23;
	v6 =	vld.idx.msk [tilespmem:v27+s26+$0x0], $0xffff  }
0x141: {  	[tilespmem:s17+$0x70] =	vst v22;
	v7 =	vadd.s32 v7, v14  }
0x142: {  	v16 =	vld.idx.msk [tilespmem:v26+s26+$0x0], $0xffff;
	[tilespmem:s16+$0x50] =	vst v18  }
0x143: {  	v22 =	vld.idx.msk [tilespmem:v24+s26+$0x0], $0xffff;
	v18 =	vadd.s32 v5, v13;
	[tilespmem:s18+$0xFFFFFF80] =	vst v21  }
0x144: {  	v9 =	vadd.s32 v4, v9;
	[tilespmem:s16+$0xFFFFFFF0] =	vst v17;
	v15 =	vld.idx.msk [tilespmem:v15+s26+$0x0], $0xffff  }
0x145: {  	v17 =	vld.idx.msk [tilespmem:v25+s26+$0x0], $0xffff;
	[tilespmem:s18+$0x40] =	vst v6;
	v6 =	vadd.s32 v5, v12  }
0x146: {  	[tilespmem:s18+$0xFFFFFFD0] =	vst v19;
	v19 =	vadd.s32 v5, v11;
	v7 =	vld.idx.msk [tilespmem:v7+s26+$0x0], $0xffff  }
0x147: {  	v20 =	vld.idx.msk [tilespmem:v20+s26+$0x0], $0xffff;
	[tilespmem:s16+$0xFFFFFFA0] =	vst v16;
	v5 =	vadd.s32 v5, v14  }
0x148: {  	v8 =	vadd.s32 v4, v8;
	[tilespmem:s16+$0x20] =	vst v22;
	v16 =	vld.idx.msk [tilespmem:v18+s26+$0x0], $0xffff  }
0x149: {  	v10 =	vadd.s32 v4, v10;
	v9 =	vld.idx.msk [tilespmem:v9+s26+$0x0], $0xffff;
	[tilespmem:s18+$0xFFFFFF90] =	vst v15  }
0x14a: {  	v13 =	vadd.s32 v4, v13;
	[tilespmem:s18+$0x10] =	vst v17;
	v6 =	vld.idx.msk [tilespmem:v6+s26+$0x0], $0xffff  }
0x14b: {  	v12 =	vadd.s32 v4, v12;
	v15 =	vld.idx.msk [tilespmem:v19+s26+$0x0], $0xffff;
	[tilespmem:s18+$0x50] =	vst v7  }
0x14c: {  	[tilespmem:s16+$0x60] =	vst v20;
	v7 =	vadd.s32 v4, v11;
	v5 =	vld.idx.msk [tilespmem:v5+s26+$0x0], $0xffff  }
0x14d: {  	v8 =	vld.idx.msk [tilespmem:v8+s26+$0x0], $0xffff;
	[tilespmem:s18+$0xFFFFFFE0] =	vst v16;
	v4 =	vadd.s32 v4, v14  }
0x14e: {  	v10 =	vld.idx.msk [tilespmem:v10+s26+$0x0], $0xffff;
	[tilespmem:s16+$0xFFFFFFB0] =	vst v9  }
0x14f: {  	v9 =	vld.idx.msk [tilespmem:v13+s26+$0x0], $0xffff;
	[tilespmem:s18+$0xFFFFFFA0] =	vst v6  }
0x150: {  	[tilespmem:s18+$0x20] =	vst v15;
	v6 =	vld.idx.msk [tilespmem:v12+s26+$0x0], $0xffff  }
0x151: {  	[tilespmem:s18+$0x60] =	vst v5;
	v5 =	vld.idx.msk [tilespmem:v7+s26+$0x0], $0xffff  }
0x152: {  	[tilespmem:s16+$0x30] =	vst v8;
	v4 =	vld.idx.msk [tilespmem:v4+s26+$0x0], $0xffff  }
0x153: {  	[tilespmem:s16+$0x70] =	vst v10  }
0x154: {  	v8 =	vimm.s32 $0x0;
	[tilespmem:s18+$0xFFFFFFF0] =	vst v9  }
0x155: {  	v11 =	vmul.u32 $0x48, v8;
	[tilespmem:s18+$0xFFFFFFB0] =	vst v6  }
0x156: {  	s15 =	sand.u32 $0x7, s15;
	[tilespmem:s18+$0x30] =	vst v5  }
0x157: {  	v10 =	vadd.s32 $0x48, v11;
	v6 =	vadd.s32 s15, v0;
	[tilespmem:s18+$0x70] =	vst v4  }
0x158: {  	v4 =	vadd.s32 v6, v10;
	s16 =	rddreg [dreg:$0x7]  }
0x159: {  	[hbm4b:s16+s5] =	stream.linear.scatter [tilespmem:s9], [sflag:$0x2], $0x1000, $0x38;
	[tilespmem:$0x11900] =	vst v63  }
0x15a: {  	_ =	swait.ge [sflag:s21], $0x1200  }
0x15b: {  	[sflag:s21] =	ssyncset.done $0x0  }
0x15c: {  	v13 =	vor.u32 v11, v6;
	[sflag:s21] =	ssyncadd.s32 $0xFFFFEE00  }
0x15d: {  	v7 =	vadd.s32 s15, v1;
	v4 =	vld.idx.msk [tilespmem:v4+s28+$0x0], $0xffff  }
0x15e: {  	v14 =	vadd.s32 $0x90, v11;
	v9 =	vadd.s32 v7, v10  }
0x15f: {  	v12 =	vadd.s32 v6, v14;
	_ =	sdelay $0x1  }
0x160: {  	s16 =	simm.s32 $0x10980;
	v13 =	vld.idx.msk [tilespmem:v13+s28+$0x0], $0xffff  }
0x161: {  	v16 =	vadd.s32 $0x4, v8;
	v15 =	vadd.s32 $0xD8, v11;
	v22 =	vadd.s32 v7, v11;
	[tilespmem:s16+$0xFFFFFFC0] =	vst v4  }
0x162: {  	v5 =	vadd.s32 s15, v2;
	v4 =	vadd.s32 v6, v15;
	v17 =	vld.idx.msk [tilespmem:v9+s28+$0x0], $0xffff;
	v9 =	vmul.u32 $0x48, v16  }
0x163: {  	v18 =	vadd.s32 v5, v10;
	v12 =	vld.idx.msk [tilespmem:v12+s28+$0x0], $0xffff  }
0x164: {  	v19 =	vadd.s32 v7, v14;
	v20 =	vadd.s32 $0x48, v9  }
0x165: {  	[tilespmem:s16+$0xFFFFFF80] =	vst v13;
	v21 =	vadd.s32 v6, v20  }
0x166: {  	v22 =	vld.idx.msk [tilespmem:v22+s28+$0x0], $0xffff;
	v8 =	vadd.s32 $0x90, v9  }
0x167: {  	v24 =	vadd.s32 v6, v8;
	v23 =	vld.idx.msk [tilespmem:v4+s28+$0x0], $0xffff;
	[tilespmem:s16+$0xFFFFFFD0] =	vst v17  }
0x168: {  	[tilespmem:s16+$0x0] =	vst v12;
	v4 =	vadd.s32 s15, v3;
	v17 =	vadd.s32 v7, v15;
	v12 =	vld.idx.msk [tilespmem:v18+s28+$0x0], $0xffff  }
0x169: {  	v18 =	vld.idx.msk [tilespmem:v19+s28+$0x0], $0xffff;
	v19 =	vadd.s32 v4, v10  }
0x16a: {  	v13 =	vld.idx.msk [tilespmem:v21+s28+$0x0], $0xffff;
	v21 =	vor.u32 v9, v6  }
0x16b: {  	v25 =	vadd.s32 v7, v20  }
0x16c: {  	v27 =	vadd.s32 v5, v14;
	[tilespmem:s16+$0x40] =	vst v23;
	v23 =	vld.idx.msk [tilespmem:v24+s28+$0x0], $0xffff  }
0x16d: {  	v10 =	vadd.s32 $0xD8, v9;
	v24 =	vadd.s32 v5, v11;
	v17 =	vld.idx.msk [tilespmem:v17+s28+$0x0], $0xffff;
	[tilespmem:s16+$0xFFFFFFE0] =	vst v12  }
0x16e: {  	s15 =	simm.s32 $0x10A80;
	[tilespmem:s16+$0xFFFFFF90] =	vst v22;
	v26 =	vadd.s32 v6, v10;
	v19 =	vld.idx.msk [tilespmem:v19+s28+$0x0], $0xffff  }
0x16f: {  	v28 =	vadd.s32 v5, v15;
	v21 =	vld.idx.msk [tilespmem:v21+s28+$0x0], $0xffff;
	[tilespmem:s15+$0xFFFFFFC0] =	vst v13  }
0x170: {  	v16 =	vadd.s32 $0x4, v16;
	[tilespmem:s16+$0x10] =	vst v18;
	v22 =	vld.idx.msk [tilespmem:v25+s28+$0x0], $0xffff;
	v25 =	vadd.s32 v7, v8  }
0x171: {  	v29 =	vadd.s32 v7, v9;
	v12 =	vmul.u32 $0x48, v16;
	v27 =	vld.idx.msk [tilespmem:v27+s28+$0x0], $0xffff  }
0x172: {  	v18 =	vld.idx.msk [tilespmem:v24+s28+$0x0], $0xffff;
	[tilespmem:s15+$0x0] =	vst v23;
	v23 =	vadd.s32 v5, v20  }
0x173: {  	v13 =	vadd.s32 $0x48, v12;
	v24 =	vld.idx.msk [tilespmem:v26+s28+$0x0], $0xffff;
	v26 =	vadd.s32 v4, v11;
	[tilespmem:s16+$0x50] =	vst v17  }
0x174: {  	v17 =	vadd.s32 v6, v13;
	[tilespmem:s16+$0xFFFFFFF0] =	vst v19;
	v19 =	vld.idx.msk [tilespmem:v28+s28+$0x0], $0xffff  }
0x175: {  	v14 =	vadd.s32 v4, v14;
	v11 =	vadd.s32 $0x90, v12;
	[tilespmem:s15+$0xFFFFFF80] =	vst v21;
	v21 =	vld.idx.msk [tilespmem:v25+s28+$0x0], $0xffff  }
0x176: {  	v28 =	vadd.s32 v6, v11;
	v25 =	vld.idx.msk [tilespmem:v29+s28+$0x0], $0xffff;
	[tilespmem:s15+$0xFFFFFFD0] =	vst v22  }
0x177: {  	v15 =	vadd.s32 v4, v15;
	[tilespmem:s16+$0xFFFFFFA0] =	vst v18;
	v29 =	vld.idx.msk [tilespmem:v23+s28+$0x0], $0xffff  }
0x178: {  	[tilespmem:s15+$0x40] =	vst v24;
	v18 =	vadd.s32 v7, v10;
	v24 =	vld.idx.msk [tilespmem:v26+s28+$0x0], $0xffff  }
0x179: {  	[tilespmem:s16+$0x20] =	vst v27;
	v30 =	vld.idx.msk [tilespmem:v17+s28+$0x0], $0xffff;
	v17 =	vadd.s32 v4, v20;
	v20 =	vor.u32 v12, v6  }
0x17a: {  	v23 =	vld.idx.msk [tilespmem:v14+s28+$0x0], $0xffff;
	[tilespmem:s16+$0x60] =	vst v19  }
0x17b: {  	v28 =	vld.idx.msk [tilespmem:v28+s28+$0x0], $0xffff;
	v19 =	vadd.s32 v7, v13;
	[tilespmem:s15+$0x10] =	vst v21  }
0x17c: {  	v14 =	vadd.s32 $0xD8, v12;
	v26 =	vadd.s32 v5, v9;
	v22 =	vld.idx.msk [tilespmem:v15+s28+$0x0], $0xffff;
	[tilespmem:s15+$0xFFFFFF90] =	vst v25  }
0x17d: {  	v27 =	vadd.s32 v6, v14;
	v18 =	vld.idx.msk [tilespmem:v18+s28+$0x0], $0xffff;
	[tilespmem:s15+$0xFFFFFFE0] =	vst v29  }
0x17e: {  	s17 =	simm.s32 $0x10B80;
	[tilespmem:s16+$0xFFFFFFB0] =	vst v24;
	v24 =	vadd.s32 v5, v8;
	v21 =	vld.idx.msk [tilespmem:v20+s28+$0x0], $0xffff  }
0x17f: {  	[tilespmem:s17+$0xFFFFFFC0] =	vst v30;
	v20 =	vadd.s32 v5, v10;
	v17 =	vld.idx.msk [tilespmem:v17+s28+$0x0], $0xffff  }
0x180: {  	s18 =	simm.s32 $0x8;
	v16 =	vadd.s32 $0x4, v16;
	v15 =	vadd.s32 v7, v12;
	v25 =	vadd.s32 v7, v11;
	v19 =	vld.idx.msk [tilespmem:v19+s28+$0x0], $0xffff;
	[tilespmem:s17+$0x0] =	vst v28  }
.LBB2_8:
0x181: {  	v28 =	vmul.u32 $0x48, v16;
	s18 =	sadd.s32 $0x4, s18;
	v26 =	vld.idx.msk [tilespmem:v26+s28+$0x0], $0xffff;
	[tilespmem:s16+$0x30] =	vst v23  }
0x182: {  	v23 =	vadd.s32 v5, v13;
	v29 =	vadd.s32 v4, v9;
	v9 =	vmov v12;
	p0 =	slt.u32 s18, $0x3C;
	v27 =	vld.idx.msk [tilespmem:v27+s28+$0x0], $0xffff;
	[tilespmem:s16+$0x70] =	vst v22;
	s16 =	smov.u32 s15;
	s15 =	smov.u32 s17  }
0x183: {  	v22 =	vadd.s32 $0x48, v28;
	v30 =	vadd.s32 $0x90, v28;
	v31 =	vadd.s32 $0xD8, v28;
	v24 =	vld.idx.msk [tilespmem:v24+s28+$0x0], $0xffff;
	[tilespmem:s16+$0x50] =	vst v18;
	v12 =	vmovc v28  }
0x184: {  	v18 =	vadd.s32 v7, v12;
	v28 =	vadd.s32 v6, v22;
	[tilespmem:s16+$0xFFFFFFF0] =	vst v17;
	v17 =	vld.idx.msk [tilespmem:v20+s28+$0x0], $0xffff  }
0x185: {  	v20 =	vadd.s32 v6, v30;
	[tilespmem:s17+$0xFFFFFF80] =	vst v21;
	v21 =	vld.idx.msk [tilespmem:v25+s28+$0x0], $0xffff  }
0x186: {  	v32 =	vadd.s32 v4, v10;
	v25 =	vld.idx.msk [tilespmem:v15+s28+$0x0], $0xffff;
	[tilespmem:s17+$0xFFFFFFD0] =	vst v19;
	v19 =	vadd.s32 v4, v8;
	v8 =	vmov v11  }
0x187: {  	v10 =	vmovc v14;
	v14 =	vmov v31;
	v11 =	vmov v30;
	v15 =	vmov v18;
	v33 =	vld.idx.msk [tilespmem:v23+s28+$0x0], $0xffff;
	[tilespmem:s16+$0xFFFFFFA0] =	vst v26  }
0x188: {  	v18 =	vadd.s32 v7, v10;
	[tilespmem:s17+$0x40] =	vst v27;
	v29 =	vld.idx.msk [tilespmem:v29+s28+$0x0], $0xffff  }
0x189: {  	v30 =	vadd.s32 v4, v13;
	v13 =	vmov v22;
	v28 =	vld.idx.msk [tilespmem:v28+s28+$0x0], $0xffff;
	[tilespmem:s16+$0x20] =	vst v24  }
0x18a: {  	v31 =	vor.u32 v12, v6;
	v34 =	vld.idx.msk [tilespmem:v20+s28+$0x0], $0xffff;
	[tilespmem:s16+$0x60] =	vst v17  }
0x18b: {  	v35 =	vadd.s32 v7, v13;
	[tilespmem:s17+$0x10] =	vst v21;
	v23 =	vld.idx.msk [tilespmem:v19+s28+$0x0], $0xffff  }
.Ltmp3:
0x18c: {  	v26 =	vadd.s32 v5, v9;
	[tilespmem:s17+$0xFFFFFF90] =	vst v25;
	v22 =	vld.idx.msk [tilespmem:v32+s28+$0x0], $0xffff;
	(pc) =	sbr.rel @p0 .LBB2_8-.Ltmp3, $4  }
0x18d: {  	v27 =	vadd.s32 v6, v14;
	[tilespmem:s17+$0xFFFFFFE0] =	vst v33;
	v18 =	vld.idx.msk [tilespmem:v18+s28+$0x0], $0xffff  }
0x18e: {  	v24 =	vadd.s32 v5, v8;
	s17 =	sadd.s32 $0x100, s17;
	v17 =	vld.idx.msk [tilespmem:v30+s28+$0x0], $0xffff;
	[tilespmem:s16+$0xFFFFFFB0] =	vst v29  }
0x18f: {  	v20 =	vadd.s32 v5, v10;
	v21 =	vld.idx.msk [tilespmem:v31+s28+$0x0], $0xffff;
	[tilespmem:s17+$0xFFFFFFC0] =	vst v28  }
0x190: {  	v16 =	vadd.s32 $0x4, v16;
	v25 =	vadd.s32 v7, v11;
	v19 =	vld.idx.msk [tilespmem:v35+s28+$0x0], $0xffff;
	[tilespmem:s17+$0x0] =	vst v34  }
0x191: {  	_ =	sdelay $0x3  }
0x192: {  	[tilespmem:s16+$0x30] =	vst v23;
	v16 =	vld.idx.msk [tilespmem:v27+s28+$0x0], $0xffff  }
0x193: {  	[tilespmem:s16+$0x70] =	vst v22;
	v22 =	vadd.s32 v7, v14  }
0x194: {  	v23 =	vld.idx.msk [tilespmem:v26+s28+$0x0], $0xffff;
	[tilespmem:s15+$0x50] =	vst v18  }
0x195: {  	v24 =	vld.idx.msk [tilespmem:v24+s28+$0x0], $0xffff;
	v18 =	vadd.s32 v5, v13;
	[tilespmem:s17+$0xFFFFFF80] =	vst v21  }
0x196: {  	v9 =	vadd.s32 v4, v9;
	[tilespmem:s15+$0xFFFFFFF0] =	vst v17;
	v15 =	vld.idx.msk [tilespmem:v15+s28+$0x0], $0xffff  }
0x197: {  	v17 =	vld.idx.msk [tilespmem:v25+s28+$0x0], $0xffff;
	[tilespmem:s17+$0x40] =	vst v16;
	v16 =	vadd.s32 v5, v12  }
0x198: {  	v21 =	vadd.s32 v5, v11;
	[tilespmem:s17+$0xFFFFFFD0] =	vst v19;
	v19 =	vld.idx.msk [tilespmem:v22+s28+$0x0], $0xffff  }
0x199: {  	v20 =	vld.idx.msk [tilespmem:v20+s28+$0x0], $0xffff;
	[tilespmem:s15+$0xFFFFFFA0] =	vst v23;
	v22 =	vadd.s32 v5, v14  }
0x19a: {  	v8 =	vadd.s32 v4, v8;
	[tilespmem:s15+$0x20] =	vst v24;
	v18 =	vld.idx.msk [tilespmem:v18+s28+$0x0], $0xffff  }
0x19b: {  	v10 =	vadd.s32 v4, v10;
	v9 =	vld.idx.msk [tilespmem:v9+s28+$0x0], $0xffff;
	[tilespmem:s17+$0xFFFFFF90] =	vst v15  }
0x19c: {  	v13 =	vadd.s32 v4, v13;
	[tilespmem:s17+$0x10] =	vst v17;
	v15 =	vld.idx.msk [tilespmem:v16+s28+$0x0], $0xffff  }
0x19d: {  	v12 =	vadd.s32 v4, v12;
	v16 =	vld.idx.msk [tilespmem:v21+s28+$0x0], $0xffff;
	[tilespmem:s17+$0x50] =	vst v19  }
0x19e: {  	v11 =	vadd.s32 v4, v11;
	[tilespmem:s15+$0x60] =	vst v20;
	v17 =	vld.idx.msk [tilespmem:v22+s28+$0x0], $0xffff  }
0x19f: {  	v8 =	vld.idx.msk [tilespmem:v8+s28+$0x0], $0xffff;
	v14 =	vadd.s32 v4, v14;
	[tilespmem:s17+$0xFFFFFFE0] =	vst v18  }
0x1a0: {  	v10 =	vld.idx.msk [tilespmem:v10+s28+$0x0], $0xffff;
	[tilespmem:s15+$0xFFFFFFB0] =	vst v9  }
0x1a1: {  	v9 =	vld.idx.msk [tilespmem:v13+s28+$0x0], $0xffff;
	[tilespmem:s17+$0xFFFFFFA0] =	vst v15  }
0x1a2: {  	[tilespmem:s17+$0x20] =	vst v16;
	v12 =	vld.idx.msk [tilespmem:v12+s28+$0x0], $0xffff  }
0x1a3: {  	v11 =	vld.idx.msk [tilespmem:v11+s28+$0x0], $0xffff;
	[tilespmem:s17+$0x60] =	vst v17  }
0x1a4: {  	[tilespmem:s15+$0x30] =	vst v8;
	v8 =	vld.idx.msk [tilespmem:v14+s28+$0x0], $0xffff  }
0x1a5: {  	[tilespmem:s15+$0x70] =	vst v10  }
0x1a6: {  	[tilespmem:s17+$0xFFFFFFF0] =	vst v9  }
0x1a7: {  	[tilespmem:s17+$0xFFFFFFB0] =	vst v12  }
0x1a8: {  	[tilespmem:s17+$0x30] =	vst v11  }
0x1a9: {  	v9 =	vimm.s32 $0x0;
	[tilespmem:s17+$0x70] =	vst v8  }
0x1aa: {  	v11 =	vmul.u32 $0x48, v9;
	s15 =	rddreg [dreg:$0x8]  }
0x1ab: {  	[hbm4b:s15+s5] =	stream.linear.scatter [tilespmem:s10], [sflag:$0x2], $0x1000, $0x38;
	[tilespmem:$0x11900] =	vst v63  }
0x1ac: {  	v10 =	vadd.s32 $0x48, v11;
	_ =	swait.ge [sflag:s21], $0x1200  }
0x1ad: {  	v14 =	vadd.s32 $0x90, v11;
	v8 =	vadd.s32 v6, v10;
	[sflag:s21] =	ssyncset.done $0x0  }
0x1ae: {  	v13 =	vadd.s32 v6, v14;
	[sflag:s21] =	ssyncadd.s32 $0xFFFFEE00  }
0x1af: {  	_ =	swait.ge [sflag:s11], $0x1000  }
0x1b0: {  	v15 =	vor.u32 v11, v6;
	[sflag:s11] =	ssyncset.done $0x0  }
0x1b1: {  	v17 =	vadd.s32 $0x4, v9;
	v16 =	vadd.s32 $0xD8, v11;
	[sflag:s11] =	ssyncadd.s32 $0xFFFFF000  }
0x1b2: {  	v9 =	vmul.u32 $0x48, v17;
	v18 =	vadd.s32 v6, v16;
	v8 =	vld.idx.msk [tilespmem:v8+s29+$0x0], $0xffff  }
0x1b3: {  	v13 =	vld.idx.msk [tilespmem:v13+s29+$0x0], $0xffff  }
0x1b4: {  	v21 =	vadd.s32 $0x48, v9;
	v12 =	vadd.s32 v7, v10  }
0x1b5: {  	v22 =	vadd.s32 v6, v21;
	v15 =	vld.idx.msk [tilespmem:v15+s29+$0x0], $0xffff  }
0x1b6: {  	s16 =	simm.s32 $0xD980  }
0x1b7: {  	v23 =	vadd.s32 v7, v11;
	v18 =	vld.idx.msk [tilespmem:v18+s29+$0x0], $0xffff;
	[tilespmem:s16+$0xFFFFFFC0] =	vst v8  }
0x1b8: {  	v8 =	vadd.s32 $0x90, v9;
	[tilespmem:s16+$0x0] =	vst v13;
	v13 =	vadd.s32 v7, v16  }
0x1b9: {  	v12 =	vld.idx.msk [tilespmem:v12+s29+$0x0], $0xffff;
	v24 =	vadd.s32 v6, v8  }
0x1ba: {  	v19 =	vadd.s32 v5, v10;
	[tilespmem:s16+$0xFFFFFF80] =	vst v15;
	v15 =	vld.idx.msk [tilespmem:v22+s29+$0x0], $0xffff  }
0x1bb: {  	v20 =	vadd.s32 v7, v14  }
0x1bc: {  	v22 =	vor.u32 v9, v6;
	[tilespmem:s16+$0x40] =	vst v18;
	v23 =	vld.idx.msk [tilespmem:v23+s29+$0x0], $0xffff  }
0x1bd: {  	v25 =	vadd.s32 v7, v21;
	v27 =	vld.idx.msk [tilespmem:v13+s29+$0x0], $0xffff  }
0x1be: {  	s15 =	simm.s32 $0xDA80;
	[tilespmem:s16+$0xFFFFFFD0] =	vst v12;
	v18 =	vld.idx.msk [tilespmem:v24+s29+$0x0], $0xffff  }
0x1bf: {  	[tilespmem:s15+$0xFFFFFFC0] =	vst v15;
	v15 =	vadd.s32 v5, v16;
	v12 =	vld.idx.msk [tilespmem:v19+s29+$0x0], $0xffff  }
0x1c0: {  	v19 =	vld.idx.msk [tilespmem:v20+s29+$0x0], $0xffff;
	v20 =	vadd.s32 v4, v10  }
0x1c1: {  	v22 =	vld.idx.msk [tilespmem:v22+s29+$0x0], $0xffff;
	v24 =	vadd.s32 v5, v11  }
0x1c2: {  	[tilespmem:s16+$0xFFFFFF90] =	vst v23;
	v23 =	vld.idx.msk [tilespmem:v25+s29+$0x0], $0xffff;
	v25 =	vadd.s32 v7, v8;
	v10 =	vadd.s32 $0xD8, v9  }
0x1c3: {  	v26 =	vadd.s32 v6, v10;
	[tilespmem:s16+$0x50] =	vst v27  }
0x1c4: {  	v28 =	vadd.s32 v5, v14;
	v15 =	vld.idx.msk [tilespmem:v15+s29+$0x0], $0xffff;
	[tilespmem:s16+$0xFFFFFFE0] =	vst v12  }
0x1c5: {  	v29 =	vadd.s32 $0x4, v17;
	v17 =	vadd.s32 v7, v9;
	[tilespmem:s15+$0x0] =	vst v18;
	v20 =	vld.idx.msk [tilespmem:v20+s29+$0x0], $0xffff  }
0x1c6: {  	v18 =	vadd.s32 v5, v21;
	[tilespmem:s16+$0x10] =	vst v19;
	v12 =	vmul.u32 $0x48, v29;
	v19 =	vld.idx.msk [tilespmem:v24+s29+$0x0], $0xffff  }
0x1c7: {  	v16 =	vadd.s32 v4, v16;
	[tilespmem:s15+$0xFFFFFF80] =	vst v22;
	v22 =	vld.idx.msk [tilespmem:v25+s29+$0x0], $0xffff  }
0x1c8: {  	[tilespmem:s15+$0xFFFFFFD0] =	vst v23;
	v24 =	vld.idx.msk [tilespmem:v26+s29+$0x0], $0xffff;
	v26 =	vadd.s32 v4, v11;
	v13 =	vadd.s32 $0x48, v12  }
0x1c9: {  	v28 =	vld.idx.msk [tilespmem:v28+s29+$0x0], $0xffff;
	v11 =	vadd.s32 $0x90, v12;
	v27 =	vadd.s32 v6, v13;
	[tilespmem:s16+$0x60] =	vst v15  }
0x1ca: {  	v17 =	vld.idx.msk [tilespmem:v17+s29+$0x0], $0xffff;
	[tilespmem:s16+$0xFFFFFFF0] =	vst v20;
	v20 =	vadd.s32 v6, v11  }
0x1cb: {  	v14 =	vadd.s32 v4, v14;
	v18 =	vld.idx.msk [tilespmem:v18+s29+$0x0], $0xffff;
	[tilespmem:s16+$0xFFFFFFA0] =	vst v19  }
0x1cc: {  	v19 =	vadd.s32 v7, v10;
	[tilespmem:s15+$0x10] =	vst v22;
	v22 =	vld.idx.msk [tilespmem:v16+s29+$0x0], $0xffff  }
0x1cd: {  	v21 =	vadd.s32 v4, v21;
	[tilespmem:s15+$0x40] =	vst v24;
	v24 =	vld.idx.msk [tilespmem:v26+s29+$0x0], $0xffff  }
0x1ce: {  	[tilespmem:s16+$0x20] =	vst v28;
	v28 =	vor.u32 v12, v6;
	v25 =	vld.idx.msk [tilespmem:v27+s29+$0x0], $0xffff  }
0x1cf: {  	v31 =	vadd.s32 v7, v13;
	v30 =	vld.idx.msk [tilespmem:v20+s29+$0x0], $0xffff  }
0x1d0: {  	[tilespmem:s15+$0xFFFFFF90] =	vst v17;
	v26 =	vadd.s32 v5, v9;
	v23 =	vld.idx.msk [tilespmem:v14+s29+$0x0], $0xffff;
	v14 =	vadd.s32 $0xD8, v12  }
0x1d1: {  	v27 =	vadd.s32 v6, v14;
	[tilespmem:s15+$0xFFFFFFE0] =	vst v18;
	v18 =	vld.idx.msk [tilespmem:v19+s29+$0x0], $0xffff  }
0x1d2: {  	s17 =	simm.s32 $0xDB80;
	v17 =	vld.idx.msk [tilespmem:v21+s29+$0x0], $0xffff;
	[tilespmem:s16+$0xFFFFFFB0] =	vst v24;
	v24 =	vadd.s32 v5, v8  }
0x1d3: {  	v21 =	vld.idx.msk [tilespmem:v28+s29+$0x0], $0xffff;
	v20 =	vadd.s32 v5, v10;
	[tilespmem:s17+$0xFFFFFFC0] =	vst v25  }
0x1d4: {  	s18 =	simm.s32 $0x8;
	v15 =	vadd.s32 v7, v12;
	v16 =	vadd.s32 $0x4, v29;
	v25 =	vadd.s32 v7, v11;
	v19 =	vld.idx.msk [tilespmem:v31+s29+$0x0], $0xffff;
	[tilespmem:s17+$0x0] =	vst v30  }
.LBB2_10:
0x1d5: {  	v28 =	vmul.u32 $0x48, v16;
	s18 =	sadd.s32 $0x4, s18;
	v26 =	vld.idx.msk [tilespmem:v26+s29+$0x0], $0xffff;
	[tilespmem:s16+$0x30] =	vst v23  }
0x1d6: {  	v23 =	vadd.s32 v5, v13;
	v29 =	vadd.s32 v4, v9;
	v9 =	vmov v12;
	p0 =	slt.u32 s18, $0x3C;
	v27 =	vld.idx.msk [tilespmem:v27+s29+$0x0], $0xffff;
	[tilespmem:s16+$0x70] =	vst v22;
	s16 =	smov.u32 s15;
	s15 =	smov.u32 s17  }
0x1d7: {  	v22 =	vadd.s32 $0x48, v28;
	v30 =	vadd.s32 $0x90, v28;
	v31 =	vadd.s32 $0xD8, v28;
	v24 =	vld.idx.msk [tilespmem:v24+s29+$0x0], $0xffff;
	[tilespmem:s16+$0x50] =	vst v18;
	v12 =	vmovc v28  }
0x1d8: {  	v18 =	vadd.s32 v7, v12;
	v28 =	vadd.s32 v6, v22;
	[tilespmem:s16+$0xFFFFFFF0] =	vst v17;
	v17 =	vld.idx.msk [tilespmem:v20+s29+$0x0], $0xffff  }
0x1d9: {  	v20 =	vadd.s32 v6, v30;
	[tilespmem:s17+$0xFFFFFF80] =	vst v21;
	v21 =	vld.idx.msk [tilespmem:v25+s29+$0x0], $0xffff  }
0x1da: {  	v32 =	vadd.s32 v4, v10;
	v25 =	vld.idx.msk [tilespmem:v15+s29+$0x0], $0xffff;
	[tilespmem:s17+$0xFFFFFFD0] =	vst v19;
	v19 =	vadd.s32 v4, v8;
	v8 =	vmov v11  }
0x1db: {  	v10 =	vmovc v14;
	v14 =	vmov v31;
	v11 =	vmov v30;
	v15 =	vmov v18;
	v33 =	vld.idx.msk [tilespmem:v23+s29+$0x0], $0xffff;
	[tilespmem:s16+$0xFFFFFFA0] =	vst v26  }
0x1dc: {  	v18 =	vadd.s32 v7, v10;
	[tilespmem:s17+$0x40] =	vst v27;
	v29 =	vld.idx.msk [tilespmem:v29+s29+$0x0], $0xffff  }
0x1dd: {  	v30 =	vadd.s32 v4, v13;
	v13 =	vmov v22;
	v28 =	vld.idx.msk [tilespmem:v28+s29+$0x0], $0xffff;
	[tilespmem:s16+$0x20] =	vst v24  }
0x1de: {  	v31 =	vor.u32 v12, v6;
	v34 =	vld.idx.msk [tilespmem:v20+s29+$0x0], $0xffff;
	[tilespmem:s16+$0x60] =	vst v17  }
0x1df: {  	v35 =	vadd.s32 v7, v13;
	[tilespmem:s17+$0x10] =	vst v21;
	v23 =	vld.idx.msk [tilespmem:v19+s29+$0x0], $0xffff  }
.Ltmp4:
0x1e0: {  	v26 =	vadd.s32 v5, v9;
	[tilespmem:s17+$0xFFFFFF90] =	vst v25;
	v22 =	vld.idx.msk [tilespmem:v32+s29+$0x0], $0xffff;
	(pc) =	sbr.rel @p0 .LBB2_10-.Ltmp4, $4  }
0x1e1: {  	v27 =	vadd.s32 v6, v14;
	[tilespmem:s17+$0xFFFFFFE0] =	vst v33;
	v18 =	vld.idx.msk [tilespmem:v18+s29+$0x0], $0xffff  }
0x1e2: {  	v24 =	vadd.s32 v5, v8;
	s17 =	sadd.s32 $0x100, s17;
	v17 =	vld.idx.msk [tilespmem:v30+s29+$0x0], $0xffff;
	[tilespmem:s16+$0xFFFFFFB0] =	vst v29  }
0x1e3: {  	v20 =	vadd.s32 v5, v10;
	v21 =	vld.idx.msk [tilespmem:v31+s29+$0x0], $0xffff;
	[tilespmem:s17+$0xFFFFFFC0] =	vst v28  }
0x1e4: {  	v16 =	vadd.s32 $0x4, v16;
	v25 =	vadd.s32 v7, v11;
	v19 =	vld.idx.msk [tilespmem:v35+s29+$0x0], $0xffff;
	[tilespmem:s17+$0x0] =	vst v34  }
0x1e5: {  	_ =	sdelay $0x3  }
0x1e6: {  	[tilespmem:s16+$0x30] =	vst v23;
	v16 =	vld.idx.msk [tilespmem:v27+s29+$0x0], $0xffff  }
0x1e7: {  	[tilespmem:s16+$0x70] =	vst v22;
	v22 =	vadd.s32 v7, v14  }
0x1e8: {  	v23 =	vld.idx.msk [tilespmem:v26+s29+$0x0], $0xffff;
	[tilespmem:s15+$0x50] =	vst v18  }
0x1e9: {  	v24 =	vld.idx.msk [tilespmem:v24+s29+$0x0], $0xffff;
	v18 =	vadd.s32 v5, v13;
	[tilespmem:s17+$0xFFFFFF80] =	vst v21  }
0x1ea: {  	v9 =	vadd.s32 v4, v9;
	[tilespmem:s15+$0xFFFFFFF0] =	vst v17;
	v15 =	vld.idx.msk [tilespmem:v15+s29+$0x0], $0xffff  }
0x1eb: {  	v17 =	vld.idx.msk [tilespmem:v25+s29+$0x0], $0xffff;
	[tilespmem:s17+$0x40] =	vst v16;
	v16 =	vadd.s32 v5, v12  }
0x1ec: {  	v21 =	vadd.s32 v5, v11;
	[tilespmem:s17+$0xFFFFFFD0] =	vst v19;
	v19 =	vld.idx.msk [tilespmem:v22+s29+$0x0], $0xffff  }
0x1ed: {  	v20 =	vld.idx.msk [tilespmem:v20+s29+$0x0], $0xffff;
	[tilespmem:s15+$0xFFFFFFA0] =	vst v23;
	v22 =	vadd.s32 v5, v14  }
0x1ee: {  	v8 =	vadd.s32 v4, v8;
	[tilespmem:s15+$0x20] =	vst v24;
	v18 =	vld.idx.msk [tilespmem:v18+s29+$0x0], $0xffff  }
0x1ef: {  	v10 =	vadd.s32 v4, v10;
	v9 =	vld.idx.msk [tilespmem:v9+s29+$0x0], $0xffff;
	[tilespmem:s17+$0xFFFFFF90] =	vst v15  }
0x1f0: {  	v13 =	vadd.s32 v4, v13;
	[tilespmem:s17+$0x10] =	vst v17;
	v15 =	vld.idx.msk [tilespmem:v16+s29+$0x0], $0xffff  }
0x1f1: {  	v12 =	vadd.s32 v4, v12;
	v16 =	vld.idx.msk [tilespmem:v21+s29+$0x0], $0xffff;
	[tilespmem:s17+$0x50] =	vst v19  }
0x1f2: {  	v11 =	vadd.s32 v4, v11;
	[tilespmem:s15+$0x60] =	vst v20;
	v17 =	vld.idx.msk [tilespmem:v22+s29+$0x0], $0xffff  }
0x1f3: {  	v8 =	vld.idx.msk [tilespmem:v8+s29+$0x0], $0xffff;
	v14 =	vadd.s32 v4, v14;
	[tilespmem:s17+$0xFFFFFFE0] =	vst v18  }
0x1f4: {  	v10 =	vld.idx.msk [tilespmem:v10+s29+$0x0], $0xffff;
	[tilespmem:s15+$0xFFFFFFB0] =	vst v9  }
0x1f5: {  	v9 =	vld.idx.msk [tilespmem:v13+s29+$0x0], $0xffff;
	[tilespmem:s17+$0xFFFFFFA0] =	vst v15  }
0x1f6: {  	[tilespmem:s17+$0x20] =	vst v16;
	v12 =	vld.idx.msk [tilespmem:v12+s29+$0x0], $0xffff  }
0x1f7: {  	v11 =	vld.idx.msk [tilespmem:v11+s29+$0x0], $0xffff;
	[tilespmem:s17+$0x60] =	vst v17  }
0x1f8: {  	[tilespmem:s15+$0x30] =	vst v8;
	v8 =	vld.idx.msk [tilespmem:v14+s29+$0x0], $0xffff  }
0x1f9: {  	[tilespmem:s15+$0x70] =	vst v10  }
0x1fa: {  	[tilespmem:s17+$0xFFFFFFF0] =	vst v9  }
0x1fb: {  	[tilespmem:s17+$0xFFFFFFB0] =	vst v12  }
0x1fc: {  	[tilespmem:s17+$0x30] =	vst v11  }
0x1fd: {  	v9 =	vimm.s32 $0x0;
	[tilespmem:s17+$0x70] =	vst v8  }
0x1fe: {  	v11 =	vmul.u32 $0x48, v9;
	s15 =	rddreg [dreg:$0x9]  }
0x1ff: {  	[hbm4b:s15+s5] =	stream.linear.scatter [tilespmem:s7], [sflag:$0x2], $0x1000, $0x38;
	[tilespmem:$0x11900] =	vst v63  }
0x200: {  	v10 =	vadd.s32 $0x48, v11;
	_ =	swait.ge [sflag:s21], $0x1200  }
0x201: {  	v14 =	vadd.s32 $0x90, v11;
	v8 =	vadd.s32 v6, v10;
	[sflag:s21] =	ssyncset.done $0x0  }
0x202: {  	v13 =	vadd.s32 v6, v14;
	[sflag:s21] =	ssyncadd.s32 $0xFFFFEE00  }
0x203: {  	_ =	swait.ge [sflag:s11], $0x1000  }
0x204: {  	v15 =	vor.u32 v11, v6;
	[sflag:s11] =	ssyncset.done $0x0  }
0x205: {  	v17 =	vadd.s32 $0x4, v9;
	v16 =	vadd.s32 $0xD8, v11;
	[sflag:s11] =	ssyncadd.s32 $0xFFFFF000  }
0x206: {  	v9 =	vmul.u32 $0x48, v17;
	v18 =	vadd.s32 v6, v16;
	v8 =	vld.idx.msk [tilespmem:v8+s30+$0x0], $0xffff  }
0x207: {  	v13 =	vld.idx.msk [tilespmem:v13+s30+$0x0], $0xffff  }
0x208: {  	v21 =	vadd.s32 $0x48, v9;
	v12 =	vadd.s32 v7, v10  }
0x209: {  	v22 =	vadd.s32 v6, v21;
	v15 =	vld.idx.msk [tilespmem:v15+s30+$0x0], $0xffff  }
0x20a: {  	s16 =	simm.s32 $0xE980  }
0x20b: {  	v23 =	vadd.s32 v7, v11;
	v18 =	vld.idx.msk [tilespmem:v18+s30+$0x0], $0xffff;
	[tilespmem:s16+$0xFFFFFFC0] =	vst v8  }
0x20c: {  	v8 =	vadd.s32 $0x90, v9;
	[tilespmem:s16+$0x0] =	vst v13;
	v13 =	vadd.s32 v7, v16  }
0x20d: {  	v12 =	vld.idx.msk [tilespmem:v12+s30+$0x0], $0xffff;
	v24 =	vadd.s32 v6, v8  }
0x20e: {  	v19 =	vadd.s32 v5, v10;
	[tilespmem:s16+$0xFFFFFF80] =	vst v15;
	v15 =	vld.idx.msk [tilespmem:v22+s30+$0x0], $0xffff  }
0x20f: {  	v20 =	vadd.s32 v7, v14  }
0x210: {  	v22 =	vor.u32 v9, v6;
	[tilespmem:s16+$0x40] =	vst v18;
	v23 =	vld.idx.msk [tilespmem:v23+s30+$0x0], $0xffff  }
0x211: {  	v25 =	vadd.s32 v7, v21;
	v27 =	vld.idx.msk [tilespmem:v13+s30+$0x0], $0xffff  }
0x212: {  	s15 =	simm.s32 $0xEA80;
	[tilespmem:s16+$0xFFFFFFD0] =	vst v12;
	v18 =	vld.idx.msk [tilespmem:v24+s30+$0x0], $0xffff  }
0x213: {  	[tilespmem:s15+$0xFFFFFFC0] =	vst v15;
	v15 =	vadd.s32 v5, v16;
	v12 =	vld.idx.msk [tilespmem:v19+s30+$0x0], $0xffff  }
0x214: {  	v19 =	vld.idx.msk [tilespmem:v20+s30+$0x0], $0xffff;
	v20 =	vadd.s32 v4, v10  }
0x215: {  	v22 =	vld.idx.msk [tilespmem:v22+s30+$0x0], $0xffff;
	v24 =	vadd.s32 v5, v11  }
0x216: {  	[tilespmem:s16+$0xFFFFFF90] =	vst v23;
	v23 =	vld.idx.msk [tilespmem:v25+s30+$0x0], $0xffff;
	v25 =	vadd.s32 v7, v8;
	v10 =	vadd.s32 $0xD8, v9  }
0x217: {  	v26 =	vadd.s32 v6, v10;
	[tilespmem:s16+$0x50] =	vst v27  }
0x218: {  	v28 =	vadd.s32 v5, v14;
	v15 =	vld.idx.msk [tilespmem:v15+s30+$0x0], $0xffff;
	[tilespmem:s16+$0xFFFFFFE0] =	vst v12  }
0x219: {  	v29 =	vadd.s32 $0x4, v17;
	v17 =	vadd.s32 v7, v9;
	[tilespmem:s15+$0x0] =	vst v18;
	v20 =	vld.idx.msk [tilespmem:v20+s30+$0x0], $0xffff  }
0x21a: {  	v18 =	vadd.s32 v5, v21;
	[tilespmem:s16+$0x10] =	vst v19;
	v12 =	vmul.u32 $0x48, v29;
	v19 =	vld.idx.msk [tilespmem:v24+s30+$0x0], $0xffff  }
0x21b: {  	v16 =	vadd.s32 v4, v16;
	[tilespmem:s15+$0xFFFFFF80] =	vst v22;
	v22 =	vld.idx.msk [tilespmem:v25+s30+$0x0], $0xffff  }
0x21c: {  	[tilespmem:s15+$0xFFFFFFD0] =	vst v23;
	v24 =	vld.idx.msk [tilespmem:v26+s30+$0x0], $0xffff;
	v26 =	vadd.s32 v4, v11;
	v13 =	vadd.s32 $0x48, v12  }
0x21d: {  	v28 =	vld.idx.msk [tilespmem:v28+s30+$0x0], $0xffff;
	v11 =	vadd.s32 $0x90, v12;
	v27 =	vadd.s32 v6, v13;
	[tilespmem:s16+$0x60] =	vst v15  }
0x21e: {  	v17 =	vld.idx.msk [tilespmem:v17+s30+$0x0], $0xffff;
	[tilespmem:s16+$0xFFFFFFF0] =	vst v20;
	v20 =	vadd.s32 v6, v11  }
0x21f: {  	v14 =	vadd.s32 v4, v14;
	v18 =	vld.idx.msk [tilespmem:v18+s30+$0x0], $0xffff;
	[tilespmem:s16+$0xFFFFFFA0] =	vst v19  }
0x220: {  	v19 =	vadd.s32 v7, v10;
	[tilespmem:s15+$0x10] =	vst v22;
	v22 =	vld.idx.msk [tilespmem:v16+s30+$0x0], $0xffff  }
0x221: {  	v21 =	vadd.s32 v4, v21;
	[tilespmem:s15+$0x40] =	vst v24;
	v24 =	vld.idx.msk [tilespmem:v26+s30+$0x0], $0xffff  }
0x222: {  	[tilespmem:s16+$0x20] =	vst v28;
	v28 =	vor.u32 v12, v6;
	v25 =	vld.idx.msk [tilespmem:v27+s30+$0x0], $0xffff  }
0x223: {  	v31 =	vadd.s32 v7, v13;
	v30 =	vld.idx.msk [tilespmem:v20+s30+$0x0], $0xffff  }
0x224: {  	[tilespmem:s15+$0xFFFFFF90] =	vst v17;
	v26 =	vadd.s32 v5, v9;
	v23 =	vld.idx.msk [tilespmem:v14+s30+$0x0], $0xffff;
	v14 =	vadd.s32 $0xD8, v12  }
0x225: {  	v27 =	vadd.s32 v6, v14;
	[tilespmem:s15+$0xFFFFFFE0] =	vst v18;
	v18 =	vld.idx.msk [tilespmem:v19+s30+$0x0], $0xffff  }
0x226: {  	s17 =	simm.s32 $0xEB80;
	v17 =	vld.idx.msk [tilespmem:v21+s30+$0x0], $0xffff;
	[tilespmem:s16+$0xFFFFFFB0] =	vst v24;
	v24 =	vadd.s32 v5, v8  }
0x227: {  	v21 =	vld.idx.msk [tilespmem:v28+s30+$0x0], $0xffff;
	v20 =	vadd.s32 v5, v10;
	[tilespmem:s17+$0xFFFFFFC0] =	vst v25  }
0x228: {  	s18 =	simm.s32 $0x8;
	v15 =	vadd.s32 v7, v12;
	v16 =	vadd.s32 $0x4, v29;
	v25 =	vadd.s32 v7, v11;
	v19 =	vld.idx.msk [tilespmem:v31+s30+$0x0], $0xffff;
	[tilespmem:s17+$0x0] =	vst v30  }
.LBB2_12:
0x229: {  	v28 =	vmul.u32 $0x48, v16;
	s18 =	sadd.s32 $0x4, s18;
	v26 =	vld.idx.msk [tilespmem:v26+s30+$0x0], $0xffff;
	[tilespmem:s16+$0x30] =	vst v23  }
0x22a: {  	v23 =	vadd.s32 v5, v13;
	v29 =	vadd.s32 v4, v9;
	v9 =	vmov v12;
	p0 =	slt.u32 s18, $0x3C;
	v27 =	vld.idx.msk [tilespmem:v27+s30+$0x0], $0xffff;
	[tilespmem:s16+$0x70] =	vst v22;
	s16 =	smov.u32 s15;
	s15 =	smov.u32 s17  }
0x22b: {  	v22 =	vadd.s32 $0x48, v28;
	v30 =	vadd.s32 $0x90, v28;
	v31 =	vadd.s32 $0xD8, v28;
	v24 =	vld.idx.msk [tilespmem:v24+s30+$0x0], $0xffff;
	[tilespmem:s16+$0x50] =	vst v18;
	v12 =	vmovc v28  }
0x22c: {  	v18 =	vadd.s32 v7, v12;
	v28 =	vadd.s32 v6, v22;
	[tilespmem:s16+$0xFFFFFFF0] =	vst v17;
	v17 =	vld.idx.msk [tilespmem:v20+s30+$0x0], $0xffff  }
0x22d: {  	v20 =	vadd.s32 v6, v30;
	[tilespmem:s17+$0xFFFFFF80] =	vst v21;
	v21 =	vld.idx.msk [tilespmem:v25+s30+$0x0], $0xffff  }
0x22e: {  	v32 =	vadd.s32 v4, v10;
	v25 =	vld.idx.msk [tilespmem:v15+s30+$0x0], $0xffff;
	[tilespmem:s17+$0xFFFFFFD0] =	vst v19;
	v19 =	vadd.s32 v4, v8;
	v8 =	vmov v11  }
0x22f: {  	v10 =	vmovc v14;
	v14 =	vmov v31;
	v11 =	vmov v30;
	v15 =	vmov v18;
	v33 =	vld.idx.msk [tilespmem:v23+s30+$0x0], $0xffff;
	[tilespmem:s16+$0xFFFFFFA0] =	vst v26  }
0x230: {  	v18 =	vadd.s32 v7, v10;
	[tilespmem:s17+$0x40] =	vst v27;
	v29 =	vld.idx.msk [tilespmem:v29+s30+$0x0], $0xffff  }
0x231: {  	v30 =	vadd.s32 v4, v13;
	v13 =	vmov v22;
	v28 =	vld.idx.msk [tilespmem:v28+s30+$0x0], $0xffff;
	[tilespmem:s16+$0x20] =	vst v24  }
0x232: {  	v31 =	vor.u32 v12, v6;
	v34 =	vld.idx.msk [tilespmem:v20+s30+$0x0], $0xffff;
	[tilespmem:s16+$0x60] =	vst v17  }
0x233: {  	v35 =	vadd.s32 v7, v13;
	[tilespmem:s17+$0x10] =	vst v21;
	v23 =	vld.idx.msk [tilespmem:v19+s30+$0x0], $0xffff  }
.Ltmp5:
0x234: {  	v26 =	vadd.s32 v5, v9;
	[tilespmem:s17+$0xFFFFFF90] =	vst v25;
	v22 =	vld.idx.msk [tilespmem:v32+s30+$0x0], $0xffff;
	(pc) =	sbr.rel @p0 .LBB2_12-.Ltmp5, $4  }
0x235: {  	v27 =	vadd.s32 v6, v14;
	[tilespmem:s17+$0xFFFFFFE0] =	vst v33;
	v18 =	vld.idx.msk [tilespmem:v18+s30+$0x0], $0xffff  }
0x236: {  	v24 =	vadd.s32 v5, v8;
	s17 =	sadd.s32 $0x100, s17;
	v17 =	vld.idx.msk [tilespmem:v30+s30+$0x0], $0xffff;
	[tilespmem:s16+$0xFFFFFFB0] =	vst v29  }
0x237: {  	v20 =	vadd.s32 v5, v10;
	v21 =	vld.idx.msk [tilespmem:v31+s30+$0x0], $0xffff;
	[tilespmem:s17+$0xFFFFFFC0] =	vst v28  }
0x238: {  	v16 =	vadd.s32 $0x4, v16;
	v25 =	vadd.s32 v7, v11;
	v19 =	vld.idx.msk [tilespmem:v35+s30+$0x0], $0xffff;
	[tilespmem:s17+$0x0] =	vst v34  }
0x239: {  	_ =	sdelay $0x3  }
0x23a: {  	[tilespmem:s16+$0x30] =	vst v23;
	v6 =	vld.idx.msk [tilespmem:v27+s30+$0x0], $0xffff  }
0x23b: {  	[tilespmem:s16+$0x70] =	vst v22;
	v7 =	vadd.s32 v7, v14  }
0x23c: {  	v16 =	vld.idx.msk [tilespmem:v26+s30+$0x0], $0xffff;
	[tilespmem:s15+$0x50] =	vst v18  }
0x23d: {  	v22 =	vld.idx.msk [tilespmem:v24+s30+$0x0], $0xffff;
	v18 =	vadd.s32 v5, v13;
	[tilespmem:s17+$0xFFFFFF80] =	vst v21  }
0x23e: {  	v9 =	vadd.s32 v4, v9;
	[tilespmem:s15+$0xFFFFFFF0] =	vst v17;
	v15 =	vld.idx.msk [tilespmem:v15+s30+$0x0], $0xffff  }
0x23f: {  	v17 =	vld.idx.msk [tilespmem:v25+s30+$0x0], $0xffff;
	[tilespmem:s17+$0x40] =	vst v6;
	v6 =	vadd.s32 v5, v12  }
0x240: {  	[tilespmem:s17+$0xFFFFFFD0] =	vst v19;
	v19 =	vadd.s32 v5, v11;
	v7 =	vld.idx.msk [tilespmem:v7+s30+$0x0], $0xffff  }
0x241: {  	v20 =	vld.idx.msk [tilespmem:v20+s30+$0x0], $0xffff;
	[tilespmem:s15+$0xFFFFFFA0] =	vst v16;
	v5 =	vadd.s32 v5, v14  }
0x242: {  	v8 =	vadd.s32 v4, v8;
	[tilespmem:s15+$0x20] =	vst v22;
	v16 =	vld.idx.msk [tilespmem:v18+s30+$0x0], $0xffff  }
0x243: {  	v10 =	vadd.s32 v4, v10;
	v9 =	vld.idx.msk [tilespmem:v9+s30+$0x0], $0xffff;
	[tilespmem:s17+$0xFFFFFF90] =	vst v15  }
0x244: {  	v13 =	vadd.s32 v4, v13;
	[tilespmem:s17+$0x10] =	vst v17;
	v6 =	vld.idx.msk [tilespmem:v6+s30+$0x0], $0xffff  }
0x245: {  	v12 =	vadd.s32 v4, v12;
	v15 =	vld.idx.msk [tilespmem:v19+s30+$0x0], $0xffff;
	[tilespmem:s17+$0x50] =	vst v7  }
0x246: {  	[tilespmem:s15+$0x60] =	vst v20;
	v7 =	vadd.s32 v4, v11;
	v5 =	vld.idx.msk [tilespmem:v5+s30+$0x0], $0xffff  }
0x247: {  	v8 =	vld.idx.msk [tilespmem:v8+s30+$0x0], $0xffff;
	[tilespmem:s17+$0xFFFFFFE0] =	vst v16;
	v4 =	vadd.s32 v4, v14  }
0x248: {  	v10 =	vld.idx.msk [tilespmem:v10+s30+$0x0], $0xffff;
	[tilespmem:s15+$0xFFFFFFB0] =	vst v9  }
0x249: {  	v9 =	vld.idx.msk [tilespmem:v13+s30+$0x0], $0xffff;
	[tilespmem:s17+$0xFFFFFFA0] =	vst v6  }
0x24a: {  	[tilespmem:s17+$0x20] =	vst v15;
	v6 =	vld.idx.msk [tilespmem:v12+s30+$0x0], $0xffff  }
0x24b: {  	[tilespmem:s17+$0x60] =	vst v5;
	v5 =	vld.idx.msk [tilespmem:v7+s30+$0x0], $0xffff  }
0x24c: {  	[tilespmem:s15+$0x30] =	vst v8;
	v4 =	vld.idx.msk [tilespmem:v4+s30+$0x0], $0xffff  }
0x24d: {  	[tilespmem:s15+$0x70] =	vst v10  }
0x24e: {  	[tilespmem:s17+$0xFFFFFFF0] =	vst v9  }
0x24f: {  	[tilespmem:s17+$0xFFFFFFB0] =	vst v6  }
0x250: {  	[tilespmem:s17+$0x30] =	vst v5  }
0x251: {  	v5 =	vimm.s32 $0x0;
	[tilespmem:s17+$0x70] =	vst v4  }
0x252: {  	s14 =	sand.u32 $0x7, s14;
	v11 =	vmul.u32 $0x48, v5;
	s15 =	rddreg [dreg:$0xa]  }
0x253: {  	[hbm4b:s15+s5] =	stream.linear.scatter [tilespmem:s8], [sflag:$0x2], $0x1000, $0x38;
	[tilespmem:$0x11900] =	vst v63  }
0x254: {  	v6 =	vadd.s32 s14, v0;
	v10 =	vadd.s32 $0x48, v11;
	_ =	swait.ge [sflag:s21], $0x1200  }
0x255: {  	v4 =	vadd.s32 v6, v10;
	[sflag:s21] =	ssyncset.done $0x0  }
0x256: {  	[sflag:s21] =	ssyncadd.s32 $0xFFFFEE00  }
0x257: {  	_ =	swait.ge [sflag:s11], $0x1000  }
0x258: {  	[sflag:s11] =	ssyncset.done $0x0  }
0x259: {  	v13 =	vor.u32 v11, v6;
	[sflag:s11] =	ssyncadd.s32 $0xFFFFF000  }
0x25a: {  	v7 =	vadd.s32 s14, v1;
	v16 =	vadd.s32 $0x4, v5;
	v4 =	vld.idx.msk [tilespmem:v4+s31+$0x0], $0xffff  }
0x25b: {  	v9 =	vmul.u32 $0x48, v16;
	v14 =	vadd.s32 $0x90, v11;
	v8 =	vadd.s32 v7, v10  }
0x25c: {  	v12 =	vadd.s32 v6, v14  }
0x25d: {  	v20 =	vadd.s32 $0x48, v9  }
0x25e: {  	s15 =	simm.s32 $0xF980;
	v15 =	vadd.s32 $0xD8, v11;
	v21 =	vadd.s32 v6, v20;
	v13 =	vld.idx.msk [tilespmem:v13+s31+$0x0], $0xffff  }
0x25f: {  	[tilespmem:s15+$0xFFFFFFC0] =	vst v4;
	v4 =	vadd.s32 v6, v15  }
0x260: {  	v5 =	vadd.s32 s14, v2;
	v22 =	vadd.s32 v7, v11;
	v17 =	vld.idx.msk [tilespmem:v8+s31+$0x0], $0xffff  }
0x261: {  	v18 =	vadd.s32 v5, v10;
	v12 =	vld.idx.msk [tilespmem:v12+s31+$0x0], $0xffff  }
0x262: {  	v19 =	vadd.s32 v7, v14  }
0x263: {  	[tilespmem:s15+$0xFFFFFF80] =	vst v13;
	v13 =	vld.idx.msk [tilespmem:v21+s31+$0x0], $0xffff;
	v21 =	vor.u32 v9, v6;
	v8 =	vadd.s32 $0x90, v9  }
0x264: {  	v24 =	vadd.s32 v6, v8;
	v23 =	vld.idx.msk [tilespmem:v4+s31+$0x0], $0xffff  }
0x265: {  	v25 =	vadd.s32 v7, v20;
	v22 =	vld.idx.msk [tilespmem:v22+s31+$0x0], $0xffff;
	[tilespmem:s15+$0xFFFFFFD0] =	vst v17  }
0x266: {  	[tilespmem:s15+$0x0] =	vst v12;
	v4 =	vadd.s32 s14, v3;
	v17 =	vadd.s32 v7, v15;
	v12 =	vld.idx.msk [tilespmem:v18+s31+$0x0], $0xffff  }
0x267: {  	s14 =	simm.s32 $0xFA80;
	v18 =	vld.idx.msk [tilespmem:v19+s31+$0x0], $0xffff;
	v19 =	vadd.s32 v4, v10  }
0x268: {  	v27 =	vadd.s32 v5, v14;
	v21 =	vld.idx.msk [tilespmem:v21+s31+$0x0], $0xffff;
	[tilespmem:s14+$0xFFFFFFC0] =	vst v13  }
0x269: {  	v10 =	vadd.s32 $0xD8, v9;
	[tilespmem:s15+$0x40] =	vst v23;
	v23 =	vld.idx.msk [tilespmem:v24+s31+$0x0], $0xffff;
	v24 =	vadd.s32 v5, v11  }
0x26a: {  	[tilespmem:s15+$0xFFFFFF90] =	vst v22;
	v22 =	vld.idx.msk [tilespmem:v25+s31+$0x0], $0xffff;
	v26 =	vadd.s32 v6, v10  }
0x26b: {  	v25 =	vadd.s32 v7, v8;
	v17 =	vld.idx.msk [tilespmem:v17+s31+$0x0], $0xffff;
	[tilespmem:s15+$0xFFFFFFE0] =	vst v12  }
0x26c: {  	v16 =	vadd.s32 $0x4, v16;
	v29 =	vadd.s32 v7, v9;
	[tilespmem:s15+$0x10] =	vst v18;
	v19 =	vld.idx.msk [tilespmem:v19+s31+$0x0], $0xffff  }
0x26d: {  	v28 =	vadd.s32 v5, v15;
	v12 =	vmul.u32 $0x48, v16;
	v27 =	vld.idx.msk [tilespmem:v27+s31+$0x0], $0xffff  }
0x26e: {  	v18 =	vld.idx.msk [tilespmem:v24+s31+$0x0], $0xffff;
	[tilespmem:s14+$0x0] =	vst v23;
	v23 =	vadd.s32 v5, v20  }
0x26f: {  	[tilespmem:s14+$0xFFFFFF80] =	vst v21;
	v13 =	vadd.s32 $0x48, v12;
	v24 =	vld.idx.msk [tilespmem:v26+s31+$0x0], $0xffff;
	v26 =	vadd.s32 v4, v11  }
0x270: {  	[tilespmem:s15+$0x50] =	vst v17;
	v17 =	vadd.s32 v6, v13;
	v21 =	vld.idx.msk [tilespmem:v25+s31+$0x0], $0xffff  }
0x271: {  	v14 =	vadd.s32 v4, v14;
	[tilespmem:s14+$0xFFFFFFD0] =	vst v22;
	v11 =	vadd.s32 $0x90, v12;
	v25 =	vld.idx.msk [tilespmem:v29+s31+$0x0], $0xffff  }
0x272: {  	[tilespmem:s15+$0xFFFFFFF0] =	vst v19;
	v19 =	vld.idx.msk [tilespmem:v28+s31+$0x0], $0xffff;
	v28 =	vadd.s32 v6, v11  }
0x273: {  	v15 =	vadd.s32 v4, v15;
	v29 =	vld.idx.msk [tilespmem:v23+s31+$0x0], $0xffff;
	[tilespmem:s15+$0xFFFFFFA0] =	vst v18  }
0x274: {  	[tilespmem:s14+$0x40] =	vst v24;
	v18 =	vadd.s32 v7, v10;
	v24 =	vld.idx.msk [tilespmem:v26+s31+$0x0], $0xffff  }
0x275: {  	[tilespmem:s15+$0x20] =	vst v27;
	v30 =	vld.idx.msk [tilespmem:v17+s31+$0x0], $0xffff;
	v17 =	vadd.s32 v4, v20  }
0x276: {  	v23 =	vld.idx.msk [tilespmem:v14+s31+$0x0], $0xffff;
	v20 =	vor.u32 v12, v6;
	[tilespmem:s14+$0x10] =	vst v21  }
0x277: {  	v28 =	vld.idx.msk [tilespmem:v28+s31+$0x0], $0xffff;
	[tilespmem:s15+$0x60] =	vst v19;
	v19 =	vadd.s32 v7, v13  }
0x278: {  	v14 =	vadd.s32 $0xD8, v12;
	[tilespmem:s14+$0xFFFFFF90] =	vst v25;
	v26 =	vadd.s32 v5, v9;
	v22 =	vld.idx.msk [tilespmem:v15+s31+$0x0], $0xffff  }
0x279: {  	v27 =	vadd.s32 v6, v14;
	[tilespmem:s14+$0xFFFFFFE0] =	vst v29;
	v18 =	vld.idx.msk [tilespmem:v18+s31+$0x0], $0xffff  }
0x27a: {  	s16 =	simm.s32 $0xFB80;
	v17 =	vld.idx.msk [tilespmem:v17+s31+$0x0], $0xffff;
	[tilespmem:s15+$0xFFFFFFB0] =	vst v24;
	v24 =	vadd.s32 v5, v8  }
0x27b: {  	v21 =	vld.idx.msk [tilespmem:v20+s31+$0x0], $0xffff;
	[tilespmem:s16+$0xFFFFFFC0] =	vst v30;
	v20 =	vadd.s32 v5, v10  }
0x27c: {  	s17 =	simm.s32 $0x8;
	v16 =	vadd.s32 $0x4, v16;
	v25 =	vadd.s32 v7, v11;
	v15 =	vadd.s32 v7, v12;
	v19 =	vld.idx.msk [tilespmem:v19+s31+$0x0], $0xffff;
	[tilespmem:s16+$0x0] =	vst v28  }
.LBB2_14:
0x27d: {  	v28 =	vmul.u32 $0x48, v16;
	s17 =	sadd.s32 $0x4, s17;
	v26 =	vld.idx.msk [tilespmem:v26+s31+$0x0], $0xffff;
	[tilespmem:s15+$0x30] =	vst v23  }
0x27e: {  	v23 =	vadd.s32 v5, v13;
	v29 =	vadd.s32 v4, v9;
	v9 =	vmov v12;
	p0 =	slt.u32 s17, $0x3C;
	v27 =	vld.idx.msk [tilespmem:v27+s31+$0x0], $0xffff;
	[tilespmem:s15+$0x70] =	vst v22;
	s15 =	smov.u32 s14;
	s14 =	smov.u32 s16  }
0x27f: {  	v22 =	vadd.s32 $0x48, v28;
	v30 =	vadd.s32 $0x90, v28;
	v31 =	vadd.s32 $0xD8, v28;
	v24 =	vld.idx.msk [tilespmem:v24+s31+$0x0], $0xffff;
	[tilespmem:s15+$0x50] =	vst v18;
	v12 =	vmovc v28  }
0x280: {  	v18 =	vadd.s32 v7, v12;
	v28 =	vadd.s32 v6, v22;
	[tilespmem:s15+$0xFFFFFFF0] =	vst v17;
	v17 =	vld.idx.msk [tilespmem:v20+s31+$0x0], $0xffff  }
0x281: {  	v20 =	vadd.s32 v6, v30;
	[tilespmem:s16+$0xFFFFFF80] =	vst v21;
	v21 =	vld.idx.msk [tilespmem:v25+s31+$0x0], $0xffff  }
0x282: {  	v32 =	vadd.s32 v4, v10;
	v25 =	vld.idx.msk [tilespmem:v15+s31+$0x0], $0xffff;
	[tilespmem:s16+$0xFFFFFFD0] =	vst v19;
	v19 =	vadd.s32 v4, v8;
	v8 =	vmov v11  }
0x283: {  	v10 =	vmovc v14;
	v14 =	vmov v31;
	v11 =	vmov v30;
	v15 =	vmov v18;
	v33 =	vld.idx.msk [tilespmem:v23+s31+$0x0], $0xffff;
	[tilespmem:s15+$0xFFFFFFA0] =	vst v26  }
0x284: {  	v18 =	vadd.s32 v7, v10;
	[tilespmem:s16+$0x40] =	vst v27;
	v29 =	vld.idx.msk [tilespmem:v29+s31+$0x0], $0xffff  }
0x285: {  	v30 =	vadd.s32 v4, v13;
	v13 =	vmov v22;
	v28 =	vld.idx.msk [tilespmem:v28+s31+$0x0], $0xffff;
	[tilespmem:s15+$0x20] =	vst v24  }
0x286: {  	v31 =	vor.u32 v12, v6;
	v34 =	vld.idx.msk [tilespmem:v20+s31+$0x0], $0xffff;
	[tilespmem:s15+$0x60] =	vst v17  }
0x287: {  	v35 =	vadd.s32 v7, v13;
	[tilespmem:s16+$0x10] =	vst v21;
	v23 =	vld.idx.msk [tilespmem:v19+s31+$0x0], $0xffff  }
.Ltmp6:
0x288: {  	v26 =	vadd.s32 v5, v9;
	[tilespmem:s16+$0xFFFFFF90] =	vst v25;
	v22 =	vld.idx.msk [tilespmem:v32+s31+$0x0], $0xffff;
	(pc) =	sbr.rel @p0 .LBB2_14-.Ltmp6, $4  }
0x289: {  	v27 =	vadd.s32 v6, v14;
	[tilespmem:s16+$0xFFFFFFE0] =	vst v33;
	v18 =	vld.idx.msk [tilespmem:v18+s31+$0x0], $0xffff  }
0x28a: {  	v24 =	vadd.s32 v5, v8;
	s16 =	sadd.s32 $0x100, s16;
	v17 =	vld.idx.msk [tilespmem:v30+s31+$0x0], $0xffff;
	[tilespmem:s15+$0xFFFFFFB0] =	vst v29  }
0x28b: {  	v20 =	vadd.s32 v5, v10;
	v21 =	vld.idx.msk [tilespmem:v31+s31+$0x0], $0xffff;
	[tilespmem:s16+$0xFFFFFFC0] =	vst v28  }
0x28c: {  	v16 =	vadd.s32 $0x4, v16;
	v25 =	vadd.s32 v7, v11;
	v19 =	vld.idx.msk [tilespmem:v35+s31+$0x0], $0xffff;
	[tilespmem:s16+$0x0] =	vst v34  }
0x28d: {  	_ =	sdelay $0x3  }
0x28e: {  	[tilespmem:s15+$0x30] =	vst v23;
	v16 =	vld.idx.msk [tilespmem:v27+s31+$0x0], $0xffff  }
0x28f: {  	[tilespmem:s15+$0x70] =	vst v22;
	v22 =	vadd.s32 v7, v14  }
0x290: {  	v23 =	vld.idx.msk [tilespmem:v26+s31+$0x0], $0xffff;
	[tilespmem:s14+$0x50] =	vst v18  }
0x291: {  	v24 =	vld.idx.msk [tilespmem:v24+s31+$0x0], $0xffff;
	v18 =	vadd.s32 v5, v13;
	[tilespmem:s16+$0xFFFFFF80] =	vst v21  }
0x292: {  	v9 =	vadd.s32 v4, v9;
	[tilespmem:s14+$0xFFFFFFF0] =	vst v17;
	v15 =	vld.idx.msk [tilespmem:v15+s31+$0x0], $0xffff  }
0x293: {  	v17 =	vld.idx.msk [tilespmem:v25+s31+$0x0], $0xffff;
	[tilespmem:s16+$0x40] =	vst v16;
	v16 =	vadd.s32 v5, v12  }
0x294: {  	v21 =	vadd.s32 v5, v11;
	[tilespmem:s16+$0xFFFFFFD0] =	vst v19;
	v19 =	vld.idx.msk [tilespmem:v22+s31+$0x0], $0xffff  }
0x295: {  	v20 =	vld.idx.msk [tilespmem:v20+s31+$0x0], $0xffff;
	[tilespmem:s14+$0xFFFFFFA0] =	vst v23;
	v22 =	vadd.s32 v5, v14  }
0x296: {  	v8 =	vadd.s32 v4, v8;
	[tilespmem:s14+$0x20] =	vst v24;
	v18 =	vld.idx.msk [tilespmem:v18+s31+$0x0], $0xffff  }
0x297: {  	v10 =	vadd.s32 v4, v10;
	v9 =	vld.idx.msk [tilespmem:v9+s31+$0x0], $0xffff;
	[tilespmem:s16+$0xFFFFFF90] =	vst v15  }
0x298: {  	v13 =	vadd.s32 v4, v13;
	[tilespmem:s16+$0x10] =	vst v17;
	v15 =	vld.idx.msk [tilespmem:v16+s31+$0x0], $0xffff  }
0x299: {  	v12 =	vadd.s32 v4, v12;
	v16 =	vld.idx.msk [tilespmem:v21+s31+$0x0], $0xffff;
	[tilespmem:s16+$0x50] =	vst v19  }
0x29a: {  	v11 =	vadd.s32 v4, v11;
	[tilespmem:s14+$0x60] =	vst v20;
	v17 =	vld.idx.msk [tilespmem:v22+s31+$0x0], $0xffff  }
0x29b: {  	v8 =	vld.idx.msk [tilespmem:v8+s31+$0x0], $0xffff;
	v14 =	vadd.s32 v4, v14;
	[tilespmem:s16+$0xFFFFFFE0] =	vst v18  }
0x29c: {  	v10 =	vld.idx.msk [tilespmem:v10+s31+$0x0], $0xffff;
	[tilespmem:s14+$0xFFFFFFB0] =	vst v9  }
0x29d: {  	v9 =	vld.idx.msk [tilespmem:v13+s31+$0x0], $0xffff;
	[tilespmem:s16+$0xFFFFFFA0] =	vst v15  }
0x29e: {  	[tilespmem:s16+$0x20] =	vst v16;
	v12 =	vld.idx.msk [tilespmem:v12+s31+$0x0], $0xffff  }
0x29f: {  	v11 =	vld.idx.msk [tilespmem:v11+s31+$0x0], $0xffff;
	[tilespmem:s16+$0x60] =	vst v17  }
0x2a0: {  	[tilespmem:s14+$0x30] =	vst v8;
	v8 =	vld.idx.msk [tilespmem:v14+s31+$0x0], $0xffff  }
0x2a1: {  	[tilespmem:s14+$0x70] =	vst v10  }
0x2a2: {  	[tilespmem:s16+$0xFFFFFFF0] =	vst v9  }
0x2a3: {  	[tilespmem:s16+$0xFFFFFFB0] =	vst v12  }
0x2a4: {  	[tilespmem:s16+$0x30] =	vst v11  }
0x2a5: {  	v9 =	vimm.s32 $0x0;
	[tilespmem:s16+$0x70] =	vst v8  }
0x2a6: {  	v11 =	vmul.u32 $0x48, v9;
	s14 =	rddreg [dreg:$0xb]  }
0x2a7: {  	[hbm4b:s14+s5] =	stream.linear.scatter [tilespmem:s9], [sflag:$0x2], $0x1000, $0x38;
	[tilespmem:$0x11900] =	vst v63  }
0x2a8: {  	v10 =	vadd.s32 $0x48, v11;
	_ =	swait.ge [sflag:s21], $0x1200  }
0x2a9: {  	v14 =	vadd.s32 $0x90, v11;
	v8 =	vadd.s32 v6, v10;
	[sflag:s21] =	ssyncset.done $0x0  }
0x2aa: {  	v13 =	vadd.s32 v6, v14;
	[sflag:s21] =	ssyncadd.s32 $0xFFFFEE00  }
0x2ab: {  	_ =	swait.ge [sflag:s11], $0x1000  }
0x2ac: {  	v15 =	vor.u32 v11, v6;
	[sflag:s11] =	ssyncset.done $0x0  }
0x2ad: {  	v17 =	vadd.s32 $0x4, v9;
	v16 =	vadd.s32 $0xD8, v11;
	[sflag:s11] =	ssyncadd.s32 $0xFFFFF000  }
0x2ae: {  	v9 =	vmul.u32 $0x48, v17;
	v18 =	vadd.s32 v6, v16;
	v8 =	vld.idx.msk [tilespmem:v8+s3+$0x0], $0xffff  }
0x2af: {  	v13 =	vld.idx.msk [tilespmem:v13+s3+$0x0], $0xffff  }
0x2b0: {  	v21 =	vadd.s32 $0x48, v9;
	v12 =	vadd.s32 v7, v10  }
0x2b1: {  	v22 =	vadd.s32 v6, v21;
	v15 =	vld.idx.msk [tilespmem:v15+s3+$0x0], $0xffff  }
0x2b2: {  	s15 =	simm.s32 $0x10980  }
0x2b3: {  	v23 =	vadd.s32 v7, v11;
	v18 =	vld.idx.msk [tilespmem:v18+s3+$0x0], $0xffff;
	[tilespmem:s15+$0xFFFFFFC0] =	vst v8  }
0x2b4: {  	v8 =	vadd.s32 $0x90, v9;
	[tilespmem:s15+$0x0] =	vst v13;
	v13 =	vadd.s32 v7, v16  }
0x2b5: {  	v12 =	vld.idx.msk [tilespmem:v12+s3+$0x0], $0xffff;
	v24 =	vadd.s32 v6, v8  }
0x2b6: {  	v19 =	vadd.s32 v5, v10;
	[tilespmem:s15+$0xFFFFFF80] =	vst v15;
	v15 =	vld.idx.msk [tilespmem:v22+s3+$0x0], $0xffff  }
0x2b7: {  	v20 =	vadd.s32 v7, v14  }
0x2b8: {  	v22 =	vor.u32 v9, v6;
	[tilespmem:s15+$0x40] =	vst v18;
	v23 =	vld.idx.msk [tilespmem:v23+s3+$0x0], $0xffff  }
0x2b9: {  	v25 =	vadd.s32 v7, v21;
	v27 =	vld.idx.msk [tilespmem:v13+s3+$0x0], $0xffff  }
0x2ba: {  	s14 =	simm.s32 $0x10A80;
	[tilespmem:s15+$0xFFFFFFD0] =	vst v12;
	v18 =	vld.idx.msk [tilespmem:v24+s3+$0x0], $0xffff  }
0x2bb: {  	[tilespmem:s14+$0xFFFFFFC0] =	vst v15;
	v15 =	vadd.s32 v5, v16;
	v12 =	vld.idx.msk [tilespmem:v19+s3+$0x0], $0xffff  }
0x2bc: {  	v19 =	vld.idx.msk [tilespmem:v20+s3+$0x0], $0xffff;
	v20 =	vadd.s32 v4, v10  }
0x2bd: {  	v22 =	vld.idx.msk [tilespmem:v22+s3+$0x0], $0xffff;
	v24 =	vadd.s32 v5, v11  }
0x2be: {  	[tilespmem:s15+$0xFFFFFF90] =	vst v23;
	v23 =	vld.idx.msk [tilespmem:v25+s3+$0x0], $0xffff;
	v25 =	vadd.s32 v7, v8;
	v10 =	vadd.s32 $0xD8, v9  }
0x2bf: {  	v26 =	vadd.s32 v6, v10;
	[tilespmem:s15+$0x50] =	vst v27  }
0x2c0: {  	v28 =	vadd.s32 v5, v14;
	v15 =	vld.idx.msk [tilespmem:v15+s3+$0x0], $0xffff;
	[tilespmem:s15+$0xFFFFFFE0] =	vst v12  }
0x2c1: {  	v29 =	vadd.s32 $0x4, v17;
	v17 =	vadd.s32 v7, v9;
	[tilespmem:s14+$0x0] =	vst v18;
	v20 =	vld.idx.msk [tilespmem:v20+s3+$0x0], $0xffff  }
0x2c2: {  	v18 =	vadd.s32 v5, v21;
	[tilespmem:s15+$0x10] =	vst v19;
	v12 =	vmul.u32 $0x48, v29;
	v19 =	vld.idx.msk [tilespmem:v24+s3+$0x0], $0xffff  }
0x2c3: {  	v16 =	vadd.s32 v4, v16;
	[tilespmem:s14+$0xFFFFFF80] =	vst v22;
	v22 =	vld.idx.msk [tilespmem:v25+s3+$0x0], $0xffff  }
0x2c4: {  	[tilespmem:s14+$0xFFFFFFD0] =	vst v23;
	v24 =	vld.idx.msk [tilespmem:v26+s3+$0x0], $0xffff;
	v26 =	vadd.s32 v4, v11;
	v13 =	vadd.s32 $0x48, v12  }
0x2c5: {  	v28 =	vld.idx.msk [tilespmem:v28+s3+$0x0], $0xffff;
	v11 =	vadd.s32 $0x90, v12;
	v27 =	vadd.s32 v6, v13;
	[tilespmem:s15+$0x60] =	vst v15  }
0x2c6: {  	v17 =	vld.idx.msk [tilespmem:v17+s3+$0x0], $0xffff;
	[tilespmem:s15+$0xFFFFFFF0] =	vst v20;
	v20 =	vadd.s32 v6, v11  }
0x2c7: {  	v14 =	vadd.s32 v4, v14;
	v18 =	vld.idx.msk [tilespmem:v18+s3+$0x0], $0xffff;
	[tilespmem:s15+$0xFFFFFFA0] =	vst v19  }
0x2c8: {  	v19 =	vadd.s32 v7, v10;
	[tilespmem:s14+$0x10] =	vst v22;
	v22 =	vld.idx.msk [tilespmem:v16+s3+$0x0], $0xffff  }
0x2c9: {  	v21 =	vadd.s32 v4, v21;
	[tilespmem:s14+$0x40] =	vst v24;
	v24 =	vld.idx.msk [tilespmem:v26+s3+$0x0], $0xffff  }
0x2ca: {  	[tilespmem:s15+$0x20] =	vst v28;
	v28 =	vor.u32 v12, v6;
	v25 =	vld.idx.msk [tilespmem:v27+s3+$0x0], $0xffff  }
0x2cb: {  	v31 =	vadd.s32 v7, v13;
	v30 =	vld.idx.msk [tilespmem:v20+s3+$0x0], $0xffff  }
0x2cc: {  	[tilespmem:s14+$0xFFFFFF90] =	vst v17;
	v26 =	vadd.s32 v5, v9;
	v23 =	vld.idx.msk [tilespmem:v14+s3+$0x0], $0xffff;
	v14 =	vadd.s32 $0xD8, v12  }
0x2cd: {  	v27 =	vadd.s32 v6, v14;
	[tilespmem:s14+$0xFFFFFFE0] =	vst v18;
	v18 =	vld.idx.msk [tilespmem:v19+s3+$0x0], $0xffff  }
0x2ce: {  	s16 =	simm.s32 $0x10B80;
	v17 =	vld.idx.msk [tilespmem:v21+s3+$0x0], $0xffff;
	[tilespmem:s15+$0xFFFFFFB0] =	vst v24;
	v24 =	vadd.s32 v5, v8  }
0x2cf: {  	v21 =	vld.idx.msk [tilespmem:v28+s3+$0x0], $0xffff;
	v20 =	vadd.s32 v5, v10;
	[tilespmem:s16+$0xFFFFFFC0] =	vst v25  }
0x2d0: {  	s17 =	simm.s32 $0x8;
	v15 =	vadd.s32 v7, v12;
	v16 =	vadd.s32 $0x4, v29;
	v25 =	vadd.s32 v7, v11;
	v19 =	vld.idx.msk [tilespmem:v31+s3+$0x0], $0xffff;
	[tilespmem:s16+$0x0] =	vst v30  }
.LBB2_16:
0x2d1: {  	v28 =	vmul.u32 $0x48, v16;
	s17 =	sadd.s32 $0x4, s17;
	v26 =	vld.idx.msk [tilespmem:v26+s3+$0x0], $0xffff;
	[tilespmem:s15+$0x30] =	vst v23  }
0x2d2: {  	v23 =	vadd.s32 v5, v13;
	v29 =	vadd.s32 v4, v9;
	v9 =	vmov v12;
	p0 =	slt.u32 s17, $0x3C;
	v27 =	vld.idx.msk [tilespmem:v27+s3+$0x0], $0xffff;
	[tilespmem:s15+$0x70] =	vst v22;
	s15 =	smov.u32 s14;
	s14 =	smov.u32 s16  }
0x2d3: {  	v22 =	vadd.s32 $0x48, v28;
	v30 =	vadd.s32 $0x90, v28;
	v31 =	vadd.s32 $0xD8, v28;
	v24 =	vld.idx.msk [tilespmem:v24+s3+$0x0], $0xffff;
	[tilespmem:s15+$0x50] =	vst v18;
	v12 =	vmovc v28  }
0x2d4: {  	v18 =	vadd.s32 v7, v12;
	v28 =	vadd.s32 v6, v22;
	[tilespmem:s15+$0xFFFFFFF0] =	vst v17;
	v17 =	vld.idx.msk [tilespmem:v20+s3+$0x0], $0xffff  }
0x2d5: {  	v20 =	vadd.s32 v6, v30;
	[tilespmem:s16+$0xFFFFFF80] =	vst v21;
	v21 =	vld.idx.msk [tilespmem:v25+s3+$0x0], $0xffff  }
0x2d6: {  	v32 =	vadd.s32 v4, v10;
	v25 =	vld.idx.msk [tilespmem:v15+s3+$0x0], $0xffff;
	[tilespmem:s16+$0xFFFFFFD0] =	vst v19;
	v19 =	vadd.s32 v4, v8;
	v8 =	vmov v11  }
0x2d7: {  	v10 =	vmovc v14;
	v14 =	vmov v31;
	v11 =	vmov v30;
	v15 =	vmov v18;
	v33 =	vld.idx.msk [tilespmem:v23+s3+$0x0], $0xffff;
	[tilespmem:s15+$0xFFFFFFA0] =	vst v26  }
0x2d8: {  	v18 =	vadd.s32 v7, v10;
	[tilespmem:s16+$0x40] =	vst v27;
	v29 =	vld.idx.msk [tilespmem:v29+s3+$0x0], $0xffff  }
0x2d9: {  	v30 =	vadd.s32 v4, v13;
	v13 =	vmov v22;
	v28 =	vld.idx.msk [tilespmem:v28+s3+$0x0], $0xffff;
	[tilespmem:s15+$0x20] =	vst v24  }
0x2da: {  	v31 =	vor.u32 v12, v6;
	v34 =	vld.idx.msk [tilespmem:v20+s3+$0x0], $0xffff;
	[tilespmem:s15+$0x60] =	vst v17  }
0x2db: {  	v35 =	vadd.s32 v7, v13;
	[tilespmem:s16+$0x10] =	vst v21;
	v23 =	vld.idx.msk [tilespmem:v19+s3+$0x0], $0xffff  }
.Ltmp7:
0x2dc: {  	v26 =	vadd.s32 v5, v9;
	[tilespmem:s16+$0xFFFFFF90] =	vst v25;
	v22 =	vld.idx.msk [tilespmem:v32+s3+$0x0], $0xffff;
	(pc) =	sbr.rel @p0 .LBB2_16-.Ltmp7, $4  }
0x2dd: {  	v27 =	vadd.s32 v6, v14;
	[tilespmem:s16+$0xFFFFFFE0] =	vst v33;
	v18 =	vld.idx.msk [tilespmem:v18+s3+$0x0], $0xffff  }
0x2de: {  	v24 =	vadd.s32 v5, v8;
	s16 =	sadd.s32 $0x100, s16;
	v17 =	vld.idx.msk [tilespmem:v30+s3+$0x0], $0xffff;
	[tilespmem:s15+$0xFFFFFFB0] =	vst v29  }
0x2df: {  	v20 =	vadd.s32 v5, v10;
	v21 =	vld.idx.msk [tilespmem:v31+s3+$0x0], $0xffff;
	[tilespmem:s16+$0xFFFFFFC0] =	vst v28  }
0x2e0: {  	v16 =	vadd.s32 $0x4, v16;
	v25 =	vadd.s32 v7, v11;
	v19 =	vld.idx.msk [tilespmem:v35+s3+$0x0], $0xffff;
	[tilespmem:s16+$0x0] =	vst v34  }
0x2e1: {  	_ =	sdelay $0x3  }
0x2e2: {  	[tilespmem:s15+$0x30] =	vst v23;
	v16 =	vld.idx.msk [tilespmem:v27+s3+$0x0], $0xffff  }
0x2e3: {  	[tilespmem:s15+$0x70] =	vst v22;
	v22 =	vadd.s32 v7, v14  }
0x2e4: {  	v23 =	vld.idx.msk [tilespmem:v26+s3+$0x0], $0xffff;
	[tilespmem:s14+$0x50] =	vst v18  }
0x2e5: {  	v24 =	vld.idx.msk [tilespmem:v24+s3+$0x0], $0xffff;
	v18 =	vadd.s32 v5, v13;
	[tilespmem:s16+$0xFFFFFF80] =	vst v21  }
0x2e6: {  	v9 =	vadd.s32 v4, v9;
	[tilespmem:s14+$0xFFFFFFF0] =	vst v17;
	v15 =	vld.idx.msk [tilespmem:v15+s3+$0x0], $0xffff  }
0x2e7: {  	v17 =	vld.idx.msk [tilespmem:v25+s3+$0x0], $0xffff;
	[tilespmem:s16+$0x40] =	vst v16;
	v16 =	vadd.s32 v5, v12  }
0x2e8: {  	v21 =	vadd.s32 v5, v11;
	[tilespmem:s16+$0xFFFFFFD0] =	vst v19;
	v19 =	vld.idx.msk [tilespmem:v22+s3+$0x0], $0xffff  }
0x2e9: {  	v20 =	vld.idx.msk [tilespmem:v20+s3+$0x0], $0xffff;
	[tilespmem:s14+$0xFFFFFFA0] =	vst v23;
	v22 =	vadd.s32 v5, v14  }
0x2ea: {  	v8 =	vadd.s32 v4, v8;
	[tilespmem:s14+$0x20] =	vst v24;
	v18 =	vld.idx.msk [tilespmem:v18+s3+$0x0], $0xffff  }
0x2eb: {  	v10 =	vadd.s32 v4, v10;
	v9 =	vld.idx.msk [tilespmem:v9+s3+$0x0], $0xffff;
	[tilespmem:s16+$0xFFFFFF90] =	vst v15  }
0x2ec: {  	v13 =	vadd.s32 v4, v13;
	[tilespmem:s16+$0x10] =	vst v17;
	v15 =	vld.idx.msk [tilespmem:v16+s3+$0x0], $0xffff  }
0x2ed: {  	v12 =	vadd.s32 v4, v12;
	v16 =	vld.idx.msk [tilespmem:v21+s3+$0x0], $0xffff;
	[tilespmem:s16+$0x50] =	vst v19  }
0x2ee: {  	v11 =	vadd.s32 v4, v11;
	[tilespmem:s14+$0x60] =	vst v20;
	v17 =	vld.idx.msk [tilespmem:v22+s3+$0x0], $0xffff  }
0x2ef: {  	v8 =	vld.idx.msk [tilespmem:v8+s3+$0x0], $0xffff;
	v14 =	vadd.s32 v4, v14;
	[tilespmem:s16+$0xFFFFFFE0] =	vst v18  }
0x2f0: {  	v10 =	vld.idx.msk [tilespmem:v10+s3+$0x0], $0xffff;
	[tilespmem:s14+$0xFFFFFFB0] =	vst v9  }
0x2f1: {  	v9 =	vld.idx.msk [tilespmem:v13+s3+$0x0], $0xffff;
	[tilespmem:s16+$0xFFFFFFA0] =	vst v15  }
0x2f2: {  	[tilespmem:s16+$0x20] =	vst v16;
	v12 =	vld.idx.msk [tilespmem:v12+s3+$0x0], $0xffff  }
0x2f3: {  	v11 =	vld.idx.msk [tilespmem:v11+s3+$0x0], $0xffff;
	[tilespmem:s16+$0x60] =	vst v17  }
0x2f4: {  	[tilespmem:s14+$0x30] =	vst v8;
	v8 =	vld.idx.msk [tilespmem:v14+s3+$0x0], $0xffff  }
0x2f5: {  	[tilespmem:s14+$0x70] =	vst v10  }
0x2f6: {  	[tilespmem:s16+$0xFFFFFFF0] =	vst v9  }
0x2f7: {  	[tilespmem:s16+$0xFFFFFFB0] =	vst v12  }
0x2f8: {  	[tilespmem:s16+$0x30] =	vst v11  }
0x2f9: {  	v9 =	vimm.s32 $0x0;
	[tilespmem:s16+$0x70] =	vst v8  }
0x2fa: {  	v11 =	vmul.u32 $0x48, v9;
	s14 =	rddreg [dreg:$0xc]  }
0x2fb: {  	[hbm4b:s14+s5] =	stream.linear.scatter [tilespmem:s10], [sflag:$0x2], $0x1000, $0x38;
	[tilespmem:$0x11900] =	vst v63  }
0x2fc: {  	v10 =	vadd.s32 $0x48, v11;
	_ =	swait.ge [sflag:s21], $0x1200  }
0x2fd: {  	v14 =	vadd.s32 $0x90, v11;
	v8 =	vadd.s32 v6, v10;
	[sflag:s21] =	ssyncset.done $0x0  }
0x2fe: {  	v13 =	vadd.s32 v6, v14;
	[sflag:s21] =	ssyncadd.s32 $0xFFFFEE00  }
0x2ff: {  	_ =	swait.ge [sflag:s11], $0x1000  }
0x300: {  	v15 =	vor.u32 v11, v6;
	[sflag:s11] =	ssyncset.done $0x0  }
0x301: {  	v17 =	vadd.s32 $0x4, v9;
	v16 =	vadd.s32 $0xD8, v11;
	[sflag:s11] =	ssyncadd.s32 $0xFFFFF000  }
0x302: {  	v9 =	vmul.u32 $0x48, v17;
	v18 =	vadd.s32 v6, v16;
	v8 =	vld.idx.msk [tilespmem:v8+s0+$0x0], $0xffff  }
0x303: {  	v13 =	vld.idx.msk [tilespmem:v13+s0+$0x0], $0xffff  }
0x304: {  	v21 =	vadd.s32 $0x48, v9;
	v12 =	vadd.s32 v7, v10  }
0x305: {  	v22 =	vadd.s32 v6, v21;
	v15 =	vld.idx.msk [tilespmem:v15+s0+$0x0], $0xffff  }
0x306: {  	s15 =	simm.s32 $0xD980  }
0x307: {  	v23 =	vadd.s32 v7, v11;
	v18 =	vld.idx.msk [tilespmem:v18+s0+$0x0], $0xffff;
	[tilespmem:s15+$0xFFFFFFC0] =	vst v8  }
0x308: {  	v8 =	vadd.s32 $0x90, v9;
	[tilespmem:s15+$0x0] =	vst v13;
	v13 =	vadd.s32 v7, v16  }
0x309: {  	v12 =	vld.idx.msk [tilespmem:v12+s0+$0x0], $0xffff;
	v24 =	vadd.s32 v6, v8  }
0x30a: {  	v19 =	vadd.s32 v5, v10;
	[tilespmem:s15+$0xFFFFFF80] =	vst v15;
	v15 =	vld.idx.msk [tilespmem:v22+s0+$0x0], $0xffff  }
0x30b: {  	v20 =	vadd.s32 v7, v14  }
0x30c: {  	v22 =	vor.u32 v9, v6;
	[tilespmem:s15+$0x40] =	vst v18;
	v23 =	vld.idx.msk [tilespmem:v23+s0+$0x0], $0xffff  }
0x30d: {  	v25 =	vadd.s32 v7, v21;
	v27 =	vld.idx.msk [tilespmem:v13+s0+$0x0], $0xffff  }
0x30e: {  	s14 =	simm.s32 $0xDA80;
	[tilespmem:s15+$0xFFFFFFD0] =	vst v12;
	v18 =	vld.idx.msk [tilespmem:v24+s0+$0x0], $0xffff  }
0x30f: {  	[tilespmem:s14+$0xFFFFFFC0] =	vst v15;
	v15 =	vadd.s32 v5, v16;
	v12 =	vld.idx.msk [tilespmem:v19+s0+$0x0], $0xffff  }
0x310: {  	v19 =	vld.idx.msk [tilespmem:v20+s0+$0x0], $0xffff;
	v20 =	vadd.s32 v4, v10  }
0x311: {  	v22 =	vld.idx.msk [tilespmem:v22+s0+$0x0], $0xffff;
	v24 =	vadd.s32 v5, v11  }
0x312: {  	[tilespmem:s15+$0xFFFFFF90] =	vst v23;
	v23 =	vld.idx.msk [tilespmem:v25+s0+$0x0], $0xffff;
	v25 =	vadd.s32 v7, v8;
	v10 =	vadd.s32 $0xD8, v9  }
0x313: {  	v26 =	vadd.s32 v6, v10;
	[tilespmem:s15+$0x50] =	vst v27  }
0x314: {  	v28 =	vadd.s32 v5, v14;
	v15 =	vld.idx.msk [tilespmem:v15+s0+$0x0], $0xffff;
	[tilespmem:s15+$0xFFFFFFE0] =	vst v12  }
0x315: {  	v29 =	vadd.s32 $0x4, v17;
	v17 =	vadd.s32 v7, v9;
	[tilespmem:s14+$0x0] =	vst v18;
	v20 =	vld.idx.msk [tilespmem:v20+s0+$0x0], $0xffff  }
0x316: {  	v18 =	vadd.s32 v5, v21;
	[tilespmem:s15+$0x10] =	vst v19;
	v12 =	vmul.u32 $0x48, v29;
	v19 =	vld.idx.msk [tilespmem:v24+s0+$0x0], $0xffff  }
0x317: {  	v16 =	vadd.s32 v4, v16;
	[tilespmem:s14+$0xFFFFFF80] =	vst v22;
	v22 =	vld.idx.msk [tilespmem:v25+s0+$0x0], $0xffff  }
0x318: {  	[tilespmem:s14+$0xFFFFFFD0] =	vst v23;
	v24 =	vld.idx.msk [tilespmem:v26+s0+$0x0], $0xffff;
	v26 =	vadd.s32 v4, v11;
	v13 =	vadd.s32 $0x48, v12  }
0x319: {  	v28 =	vld.idx.msk [tilespmem:v28+s0+$0x0], $0xffff;
	v11 =	vadd.s32 $0x90, v12;
	v27 =	vadd.s32 v6, v13;
	[tilespmem:s15+$0x60] =	vst v15  }
0x31a: {  	v17 =	vld.idx.msk [tilespmem:v17+s0+$0x0], $0xffff;
	[tilespmem:s15+$0xFFFFFFF0] =	vst v20;
	v20 =	vadd.s32 v6, v11  }
0x31b: {  	v14 =	vadd.s32 v4, v14;
	v18 =	vld.idx.msk [tilespmem:v18+s0+$0x0], $0xffff;
	[tilespmem:s15+$0xFFFFFFA0] =	vst v19  }
0x31c: {  	v19 =	vadd.s32 v7, v10;
	[tilespmem:s14+$0x10] =	vst v22;
	v22 =	vld.idx.msk [tilespmem:v16+s0+$0x0], $0xffff  }
0x31d: {  	v21 =	vadd.s32 v4, v21;
	[tilespmem:s14+$0x40] =	vst v24;
	v24 =	vld.idx.msk [tilespmem:v26+s0+$0x0], $0xffff  }
0x31e: {  	[tilespmem:s15+$0x20] =	vst v28;
	v28 =	vor.u32 v12, v6;
	v25 =	vld.idx.msk [tilespmem:v27+s0+$0x0], $0xffff  }
0x31f: {  	v31 =	vadd.s32 v7, v13;
	v30 =	vld.idx.msk [tilespmem:v20+s0+$0x0], $0xffff  }
0x320: {  	[tilespmem:s14+$0xFFFFFF90] =	vst v17;
	v26 =	vadd.s32 v5, v9;
	v23 =	vld.idx.msk [tilespmem:v14+s0+$0x0], $0xffff;
	v14 =	vadd.s32 $0xD8, v12  }
0x321: {  	v27 =	vadd.s32 v6, v14;
	[tilespmem:s14+$0xFFFFFFE0] =	vst v18;
	v18 =	vld.idx.msk [tilespmem:v19+s0+$0x0], $0xffff  }
0x322: {  	s16 =	simm.s32 $0xDB80;
	v17 =	vld.idx.msk [tilespmem:v21+s0+$0x0], $0xffff;
	[tilespmem:s15+$0xFFFFFFB0] =	vst v24;
	v24 =	vadd.s32 v5, v8  }
0x323: {  	v21 =	vld.idx.msk [tilespmem:v28+s0+$0x0], $0xffff;
	v20 =	vadd.s32 v5, v10;
	[tilespmem:s16+$0xFFFFFFC0] =	vst v25  }
0x324: {  	s17 =	simm.s32 $0x8;
	v15 =	vadd.s32 v7, v12;
	v16 =	vadd.s32 $0x4, v29;
	v25 =	vadd.s32 v7, v11;
	v19 =	vld.idx.msk [tilespmem:v31+s0+$0x0], $0xffff;
	[tilespmem:s16+$0x0] =	vst v30  }
.LBB2_18:
0x325: {  	v28 =	vmul.u32 $0x48, v16;
	s17 =	sadd.s32 $0x4, s17;
	v26 =	vld.idx.msk [tilespmem:v26+s0+$0x0], $0xffff;
	[tilespmem:s15+$0x30] =	vst v23  }
0x326: {  	v23 =	vadd.s32 v5, v13;
	v29 =	vadd.s32 v4, v9;
	v9 =	vmov v12;
	p0 =	slt.u32 s17, $0x3C;
	v27 =	vld.idx.msk [tilespmem:v27+s0+$0x0], $0xffff;
	[tilespmem:s15+$0x70] =	vst v22;
	s15 =	smov.u32 s14;
	s14 =	smov.u32 s16  }
0x327: {  	v22 =	vadd.s32 $0x48, v28;
	v30 =	vadd.s32 $0x90, v28;
	v31 =	vadd.s32 $0xD8, v28;
	v24 =	vld.idx.msk [tilespmem:v24+s0+$0x0], $0xffff;
	[tilespmem:s15+$0x50] =	vst v18;
	v12 =	vmovc v28  }
0x328: {  	v18 =	vadd.s32 v7, v12;
	v28 =	vadd.s32 v6, v22;
	[tilespmem:s15+$0xFFFFFFF0] =	vst v17;
	v17 =	vld.idx.msk [tilespmem:v20+s0+$0x0], $0xffff  }
0x329: {  	v20 =	vadd.s32 v6, v30;
	[tilespmem:s16+$0xFFFFFF80] =	vst v21;
	v21 =	vld.idx.msk [tilespmem:v25+s0+$0x0], $0xffff  }
0x32a: {  	v32 =	vadd.s32 v4, v10;
	v25 =	vld.idx.msk [tilespmem:v15+s0+$0x0], $0xffff;
	[tilespmem:s16+$0xFFFFFFD0] =	vst v19;
	v19 =	vadd.s32 v4, v8;
	v8 =	vmov v11  }
0x32b: {  	v10 =	vmovc v14;
	v14 =	vmov v31;
	v11 =	vmov v30;
	v15 =	vmov v18;
	v33 =	vld.idx.msk [tilespmem:v23+s0+$0x0], $0xffff;
	[tilespmem:s15+$0xFFFFFFA0] =	vst v26  }
0x32c: {  	v18 =	vadd.s32 v7, v10;
	[tilespmem:s16+$0x40] =	vst v27;
	v29 =	vld.idx.msk [tilespmem:v29+s0+$0x0], $0xffff  }
0x32d: {  	v30 =	vadd.s32 v4, v13;
	v13 =	vmov v22;
	v28 =	vld.idx.msk [tilespmem:v28+s0+$0x0], $0xffff;
	[tilespmem:s15+$0x20] =	vst v24  }
0x32e: {  	v31 =	vor.u32 v12, v6;
	v34 =	vld.idx.msk [tilespmem:v20+s0+$0x0], $0xffff;
	[tilespmem:s15+$0x60] =	vst v17  }
0x32f: {  	v35 =	vadd.s32 v7, v13;
	[tilespmem:s16+$0x10] =	vst v21;
	v23 =	vld.idx.msk [tilespmem:v19+s0+$0x0], $0xffff  }
.Ltmp8:
0x330: {  	v26 =	vadd.s32 v5, v9;
	[tilespmem:s16+$0xFFFFFF90] =	vst v25;
	v22 =	vld.idx.msk [tilespmem:v32+s0+$0x0], $0xffff;
	(pc) =	sbr.rel @p0 .LBB2_18-.Ltmp8, $4  }
0x331: {  	v27 =	vadd.s32 v6, v14;
	[tilespmem:s16+$0xFFFFFFE0] =	vst v33;
	v18 =	vld.idx.msk [tilespmem:v18+s0+$0x0], $0xffff  }
0x332: {  	v24 =	vadd.s32 v5, v8;
	s16 =	sadd.s32 $0x100, s16;
	v17 =	vld.idx.msk [tilespmem:v30+s0+$0x0], $0xffff;
	[tilespmem:s15+$0xFFFFFFB0] =	vst v29  }
0x333: {  	v20 =	vadd.s32 v5, v10;
	v21 =	vld.idx.msk [tilespmem:v31+s0+$0x0], $0xffff;
	[tilespmem:s16+$0xFFFFFFC0] =	vst v28  }
0x334: {  	v16 =	vadd.s32 $0x4, v16;
	v25 =	vadd.s32 v7, v11;
	v19 =	vld.idx.msk [tilespmem:v35+s0+$0x0], $0xffff;
	[tilespmem:s16+$0x0] =	vst v34  }
0x335: {  	_ =	sdelay $0x3  }
0x336: {  	[tilespmem:s15+$0x30] =	vst v23;
	v6 =	vld.idx.msk [tilespmem:v27+s0+$0x0], $0xffff  }
0x337: {  	[tilespmem:s15+$0x70] =	vst v22;
	v7 =	vadd.s32 v7, v14  }
0x338: {  	v16 =	vld.idx.msk [tilespmem:v26+s0+$0x0], $0xffff;
	[tilespmem:s14+$0x50] =	vst v18  }
0x339: {  	v22 =	vld.idx.msk [tilespmem:v24+s0+$0x0], $0xffff;
	v18 =	vadd.s32 v5, v13;
	[tilespmem:s16+$0xFFFFFF80] =	vst v21  }
0x33a: {  	v9 =	vadd.s32 v4, v9;
	[tilespmem:s14+$0xFFFFFFF0] =	vst v17;
	v15 =	vld.idx.msk [tilespmem:v15+s0+$0x0], $0xffff  }
0x33b: {  	v17 =	vld.idx.msk [tilespmem:v25+s0+$0x0], $0xffff;
	[tilespmem:s16+$0x40] =	vst v6;
	v6 =	vadd.s32 v5, v12  }
0x33c: {  	[tilespmem:s16+$0xFFFFFFD0] =	vst v19;
	v19 =	vadd.s32 v5, v11;
	v7 =	vld.idx.msk [tilespmem:v7+s0+$0x0], $0xffff  }
0x33d: {  	v20 =	vld.idx.msk [tilespmem:v20+s0+$0x0], $0xffff;
	[tilespmem:s14+$0xFFFFFFA0] =	vst v16;
	v5 =	vadd.s32 v5, v14  }
0x33e: {  	v8 =	vadd.s32 v4, v8;
	[tilespmem:s14+$0x20] =	vst v22;
	v16 =	vld.idx.msk [tilespmem:v18+s0+$0x0], $0xffff  }
0x33f: {  	v10 =	vadd.s32 v4, v10;
	v9 =	vld.idx.msk [tilespmem:v9+s0+$0x0], $0xffff;
	[tilespmem:s16+$0xFFFFFF90] =	vst v15  }
0x340: {  	v13 =	vadd.s32 v4, v13;
	[tilespmem:s16+$0x10] =	vst v17;
	v6 =	vld.idx.msk [tilespmem:v6+s0+$0x0], $0xffff  }
0x341: {  	v12 =	vadd.s32 v4, v12;
	v15 =	vld.idx.msk [tilespmem:v19+s0+$0x0], $0xffff;
	[tilespmem:s16+$0x50] =	vst v7  }
0x342: {  	[tilespmem:s14+$0x60] =	vst v20;
	v7 =	vadd.s32 v4, v11;
	v5 =	vld.idx.msk [tilespmem:v5+s0+$0x0], $0xffff  }
0x343: {  	v8 =	vld.idx.msk [tilespmem:v8+s0+$0x0], $0xffff;
	[tilespmem:s16+$0xFFFFFFE0] =	vst v16;
	v4 =	vadd.s32 v4, v14  }
0x344: {  	v10 =	vld.idx.msk [tilespmem:v10+s0+$0x0], $0xffff;
	[tilespmem:s14+$0xFFFFFFB0] =	vst v9  }
0x345: {  	v9 =	vld.idx.msk [tilespmem:v13+s0+$0x0], $0xffff;
	[tilespmem:s16+$0xFFFFFFA0] =	vst v6  }
0x346: {  	[tilespmem:s16+$0x20] =	vst v15;
	v6 =	vld.idx.msk [tilespmem:v12+s0+$0x0], $0xffff  }
0x347: {  	[tilespmem:s16+$0x60] =	vst v5;
	v5 =	vld.idx.msk [tilespmem:v7+s0+$0x0], $0xffff  }
0x348: {  	[tilespmem:s14+$0x30] =	vst v8;
	v4 =	vld.idx.msk [tilespmem:v4+s0+$0x0], $0xffff  }
0x349: {  	[tilespmem:s14+$0x70] =	vst v10  }
0x34a: {  	[tilespmem:s16+$0xFFFFFFF0] =	vst v9  }
0x34b: {  	[tilespmem:s16+$0xFFFFFFB0] =	vst v6  }
0x34c: {  	[tilespmem:s16+$0x30] =	vst v5  }
0x34d: {  	v5 =	vimm.s32 $0x0;
	[tilespmem:s16+$0x70] =	vst v4  }
0x34e: {  	s13 =	sand.u32 $0x7, s13;
	v11 =	vmul.u32 $0x48, v5;
	s14 =	rddreg [dreg:$0xd]  }
0x34f: {  	[hbm4b:s14+s5] =	stream.linear.scatter [tilespmem:s7], [sflag:$0x2], $0x1000, $0x38;
	[tilespmem:$0x11900] =	vst v63  }
0x350: {  	v6 =	vadd.s32 s13, v0;
	v10 =	vadd.s32 $0x48, v11;
	_ =	swait.ge [sflag:s21], $0x1200  }
0x351: {  	v4 =	vadd.s32 v6, v10;
	[sflag:s21] =	ssyncset.done $0x0  }
0x352: {  	[sflag:s21] =	ssyncadd.s32 $0xFFFFEE00  }
0x353: {  	_ =	swait.ge [sflag:s11], $0x1000  }
0x354: {  	[sflag:s11] =	ssyncset.done $0x0  }
0x355: {  	v13 =	vor.u32 v11, v6;
	[sflag:s11] =	ssyncadd.s32 $0xFFFFF000  }
0x356: {  	v7 =	vadd.s32 s13, v1;
	v16 =	vadd.s32 $0x4, v5;
	v4 =	vld.idx.msk [tilespmem:v4+s2+$0x0], $0xffff  }
0x357: {  	v9 =	vmul.u32 $0x48, v16;
	v14 =	vadd.s32 $0x90, v11;
	v8 =	vadd.s32 v7, v10  }
0x358: {  	v12 =	vadd.s32 v6, v14  }
0x359: {  	v20 =	vadd.s32 $0x48, v9  }
0x35a: {  	s14 =	simm.s32 $0xE980;
	v15 =	vadd.s32 $0xD8, v11;
	v21 =	vadd.s32 v6, v20;
	v13 =	vld.idx.msk [tilespmem:v13+s2+$0x0], $0xffff  }
0x35b: {  	[tilespmem:s14+$0xFFFFFFC0] =	vst v4;
	v4 =	vadd.s32 v6, v15  }
0x35c: {  	v5 =	vadd.s32 s13, v2;
	v22 =	vadd.s32 v7, v11;
	v17 =	vld.idx.msk [tilespmem:v8+s2+$0x0], $0xffff  }
0x35d: {  	v18 =	vadd.s32 v5, v10;
	v12 =	vld.idx.msk [tilespmem:v12+s2+$0x0], $0xffff  }
0x35e: {  	v19 =	vadd.s32 v7, v14  }
0x35f: {  	[tilespmem:s14+$0xFFFFFF80] =	vst v13;
	v13 =	vld.idx.msk [tilespmem:v21+s2+$0x0], $0xffff;
	v21 =	vor.u32 v9, v6;
	v8 =	vadd.s32 $0x90, v9  }
0x360: {  	v24 =	vadd.s32 v6, v8;
	v23 =	vld.idx.msk [tilespmem:v4+s2+$0x0], $0xffff  }
0x361: {  	v25 =	vadd.s32 v7, v20;
	v22 =	vld.idx.msk [tilespmem:v22+s2+$0x0], $0xffff;
	[tilespmem:s14+$0xFFFFFFD0] =	vst v17  }
0x362: {  	[tilespmem:s14+$0x0] =	vst v12;
	v4 =	vadd.s32 s13, v3;
	v17 =	vadd.s32 v7, v15;
	v12 =	vld.idx.msk [tilespmem:v18+s2+$0x0], $0xffff  }
0x363: {  	s13 =	simm.s32 $0xEA80;
	v18 =	vld.idx.msk [tilespmem:v19+s2+$0x0], $0xffff;
	v19 =	vadd.s32 v4, v10  }
0x364: {  	v27 =	vadd.s32 v5, v14;
	v21 =	vld.idx.msk [tilespmem:v21+s2+$0x0], $0xffff;
	[tilespmem:s13+$0xFFFFFFC0] =	vst v13  }
0x365: {  	v10 =	vadd.s32 $0xD8, v9;
	[tilespmem:s14+$0x40] =	vst v23;
	v23 =	vld.idx.msk [tilespmem:v24+s2+$0x0], $0xffff;
	v24 =	vadd.s32 v5, v11  }
0x366: {  	[tilespmem:s14+$0xFFFFFF90] =	vst v22;
	v22 =	vld.idx.msk [tilespmem:v25+s2+$0x0], $0xffff;
	v26 =	vadd.s32 v6, v10  }
0x367: {  	v25 =	vadd.s32 v7, v8;
	v17 =	vld.idx.msk [tilespmem:v17+s2+$0x0], $0xffff;
	[tilespmem:s14+$0xFFFFFFE0] =	vst v12  }
0x368: {  	v16 =	vadd.s32 $0x4, v16;
	v29 =	vadd.s32 v7, v9;
	[tilespmem:s14+$0x10] =	vst v18;
	v19 =	vld.idx.msk [tilespmem:v19+s2+$0x0], $0xffff  }
0x369: {  	v28 =	vadd.s32 v5, v15;
	v12 =	vmul.u32 $0x48, v16;
	v27 =	vld.idx.msk [tilespmem:v27+s2+$0x0], $0xffff  }
0x36a: {  	v18 =	vld.idx.msk [tilespmem:v24+s2+$0x0], $0xffff;
	[tilespmem:s13+$0x0] =	vst v23;
	v23 =	vadd.s32 v5, v20  }
0x36b: {  	[tilespmem:s13+$0xFFFFFF80] =	vst v21;
	v13 =	vadd.s32 $0x48, v12;
	v24 =	vld.idx.msk [tilespmem:v26+s2+$0x0], $0xffff;
	v26 =	vadd.s32 v4, v11  }
0x36c: {  	[tilespmem:s14+$0x50] =	vst v17;
	v17 =	vadd.s32 v6, v13;
	v21 =	vld.idx.msk [tilespmem:v25+s2+$0x0], $0xffff  }
0x36d: {  	v14 =	vadd.s32 v4, v14;
	[tilespmem:s13+$0xFFFFFFD0] =	vst v22;
	v11 =	vadd.s32 $0x90, v12;
	v25 =	vld.idx.msk [tilespmem:v29+s2+$0x0], $0xffff  }
0x36e: {  	[tilespmem:s14+$0xFFFFFFF0] =	vst v19;
	v19 =	vld.idx.msk [tilespmem:v28+s2+$0x0], $0xffff;
	v28 =	vadd.s32 v6, v11  }
0x36f: {  	v15 =	vadd.s32 v4, v15;
	v29 =	vld.idx.msk [tilespmem:v23+s2+$0x0], $0xffff;
	[tilespmem:s14+$0xFFFFFFA0] =	vst v18  }
0x370: {  	[tilespmem:s13+$0x40] =	vst v24;
	v18 =	vadd.s32 v7, v10;
	v24 =	vld.idx.msk [tilespmem:v26+s2+$0x0], $0xffff  }
0x371: {  	[tilespmem:s14+$0x20] =	vst v27;
	v30 =	vld.idx.msk [tilespmem:v17+s2+$0x0], $0xffff;
	v17 =	vadd.s32 v4, v20  }
0x372: {  	v23 =	vld.idx.msk [tilespmem:v14+s2+$0x0], $0xffff;
	v20 =	vor.u32 v12, v6;
	[tilespmem:s13+$0x10] =	vst v21  }
0x373: {  	v28 =	vld.idx.msk [tilespmem:v28+s2+$0x0], $0xffff;
	[tilespmem:s14+$0x60] =	vst v19;
	v19 =	vadd.s32 v7, v13  }
0x374: {  	v14 =	vadd.s32 $0xD8, v12;
	[tilespmem:s13+$0xFFFFFF90] =	vst v25;
	v26 =	vadd.s32 v5, v9;
	v22 =	vld.idx.msk [tilespmem:v15+s2+$0x0], $0xffff  }
0x375: {  	v27 =	vadd.s32 v6, v14;
	[tilespmem:s13+$0xFFFFFFE0] =	vst v29;
	v18 =	vld.idx.msk [tilespmem:v18+s2+$0x0], $0xffff  }
0x376: {  	s15 =	simm.s32 $0xEB80;
	v17 =	vld.idx.msk [tilespmem:v17+s2+$0x0], $0xffff;
	[tilespmem:s14+$0xFFFFFFB0] =	vst v24;
	v24 =	vadd.s32 v5, v8  }
0x377: {  	v21 =	vld.idx.msk [tilespmem:v20+s2+$0x0], $0xffff;
	[tilespmem:s15+$0xFFFFFFC0] =	vst v30;
	v20 =	vadd.s32 v5, v10  }
0x378: {  	s16 =	simm.s32 $0x8;
	v16 =	vadd.s32 $0x4, v16;
	v25 =	vadd.s32 v7, v11;
	v15 =	vadd.s32 v7, v12;
	v19 =	vld.idx.msk [tilespmem:v19+s2+$0x0], $0xffff;
	[tilespmem:s15+$0x0] =	vst v28  }
.LBB2_20:
0x379: {  	v28 =	vmul.u32 $0x48, v16;
	s16 =	sadd.s32 $0x4, s16;
	v26 =	vld.idx.msk [tilespmem:v26+s2+$0x0], $0xffff;
	[tilespmem:s14+$0x30] =	vst v23  }
0x37a: {  	v23 =	vadd.s32 v5, v13;
	v29 =	vadd.s32 v4, v9;
	v9 =	vmov v12;
	p0 =	slt.u32 s16, $0x3C;
	v27 =	vld.idx.msk [tilespmem:v27+s2+$0x0], $0xffff;
	[tilespmem:s14+$0x70] =	vst v22;
	s14 =	smov.u32 s13;
	s13 =	smov.u32 s15  }
0x37b: {  	v22 =	vadd.s32 $0x48, v28;
	v30 =	vadd.s32 $0x90, v28;
	v31 =	vadd.s32 $0xD8, v28;
	v24 =	vld.idx.msk [tilespmem:v24+s2+$0x0], $0xffff;
	[tilespmem:s14+$0x50] =	vst v18;
	v12 =	vmovc v28  }
0x37c: {  	v18 =	vadd.s32 v7, v12;
	v28 =	vadd.s32 v6, v22;
	[tilespmem:s14+$0xFFFFFFF0] =	vst v17;
	v17 =	vld.idx.msk [tilespmem:v20+s2+$0x0], $0xffff  }
0x37d: {  	v20 =	vadd.s32 v6, v30;
	[tilespmem:s15+$0xFFFFFF80] =	vst v21;
	v21 =	vld.idx.msk [tilespmem:v25+s2+$0x0], $0xffff  }
0x37e: {  	v32 =	vadd.s32 v4, v10;
	v25 =	vld.idx.msk [tilespmem:v15+s2+$0x0], $0xffff;
	[tilespmem:s15+$0xFFFFFFD0] =	vst v19;
	v19 =	vadd.s32 v4, v8;
	v8 =	vmov v11  }
0x37f: {  	v10 =	vmovc v14;
	v14 =	vmov v31;
	v11 =	vmov v30;
	v15 =	vmov v18;
	v33 =	vld.idx.msk [tilespmem:v23+s2+$0x0], $0xffff;
	[tilespmem:s14+$0xFFFFFFA0] =	vst v26  }
0x380: {  	v18 =	vadd.s32 v7, v10;
	[tilespmem:s15+$0x40] =	vst v27;
	v29 =	vld.idx.msk [tilespmem:v29+s2+$0x0], $0xffff  }
0x381: {  	v30 =	vadd.s32 v4, v13;
	v13 =	vmov v22;
	v28 =	vld.idx.msk [tilespmem:v28+s2+$0x0], $0xffff;
	[tilespmem:s14+$0x20] =	vst v24  }
0x382: {  	v31 =	vor.u32 v12, v6;
	v34 =	vld.idx.msk [tilespmem:v20+s2+$0x0], $0xffff;
	[tilespmem:s14+$0x60] =	vst v17  }
0x383: {  	v35 =	vadd.s32 v7, v13;
	[tilespmem:s15+$0x10] =	vst v21;
	v23 =	vld.idx.msk [tilespmem:v19+s2+$0x0], $0xffff  }
.Ltmp9:
0x384: {  	v26 =	vadd.s32 v5, v9;
	[tilespmem:s15+$0xFFFFFF90] =	vst v25;
	v22 =	vld.idx.msk [tilespmem:v32+s2+$0x0], $0xffff;
	(pc) =	sbr.rel @p0 .LBB2_20-.Ltmp9, $4  }
0x385: {  	v27 =	vadd.s32 v6, v14;
	[tilespmem:s15+$0xFFFFFFE0] =	vst v33;
	v18 =	vld.idx.msk [tilespmem:v18+s2+$0x0], $0xffff  }
0x386: {  	v24 =	vadd.s32 v5, v8;
	s15 =	sadd.s32 $0x100, s15;
	v17 =	vld.idx.msk [tilespmem:v30+s2+$0x0], $0xffff;
	[tilespmem:s14+$0xFFFFFFB0] =	vst v29  }
0x387: {  	v20 =	vadd.s32 v5, v10;
	v21 =	vld.idx.msk [tilespmem:v31+s2+$0x0], $0xffff;
	[tilespmem:s15+$0xFFFFFFC0] =	vst v28  }
0x388: {  	v16 =	vadd.s32 $0x4, v16;
	v25 =	vadd.s32 v7, v11;
	v19 =	vld.idx.msk [tilespmem:v35+s2+$0x0], $0xffff;
	[tilespmem:s15+$0x0] =	vst v34  }
0x389: {  	_ =	sdelay $0x3  }
0x38a: {  	[tilespmem:s14+$0x30] =	vst v23;
	v16 =	vld.idx.msk [tilespmem:v27+s2+$0x0], $0xffff  }
0x38b: {  	[tilespmem:s14+$0x70] =	vst v22;
	v22 =	vadd.s32 v7, v14  }
0x38c: {  	v23 =	vld.idx.msk [tilespmem:v26+s2+$0x0], $0xffff;
	[tilespmem:s13+$0x50] =	vst v18  }
0x38d: {  	v24 =	vld.idx.msk [tilespmem:v24+s2+$0x0], $0xffff;
	v18 =	vadd.s32 v5, v13;
	[tilespmem:s15+$0xFFFFFF80] =	vst v21  }
0x38e: {  	v9 =	vadd.s32 v4, v9;
	[tilespmem:s13+$0xFFFFFFF0] =	vst v17;
	v15 =	vld.idx.msk [tilespmem:v15+s2+$0x0], $0xffff  }
0x38f: {  	v17 =	vld.idx.msk [tilespmem:v25+s2+$0x0], $0xffff;
	[tilespmem:s15+$0x40] =	vst v16;
	v16 =	vadd.s32 v5, v12  }
0x390: {  	v21 =	vadd.s32 v5, v11;
	[tilespmem:s15+$0xFFFFFFD0] =	vst v19;
	v19 =	vld.idx.msk [tilespmem:v22+s2+$0x0], $0xffff  }
0x391: {  	v20 =	vld.idx.msk [tilespmem:v20+s2+$0x0], $0xffff;
	[tilespmem:s13+$0xFFFFFFA0] =	vst v23;
	v22 =	vadd.s32 v5, v14  }
0x392: {  	v8 =	vadd.s32 v4, v8;
	[tilespmem:s13+$0x20] =	vst v24;
	v18 =	vld.idx.msk [tilespmem:v18+s2+$0x0], $0xffff  }
0x393: {  	v10 =	vadd.s32 v4, v10;
	v9 =	vld.idx.msk [tilespmem:v9+s2+$0x0], $0xffff;
	[tilespmem:s15+$0xFFFFFF90] =	vst v15  }
0x394: {  	v13 =	vadd.s32 v4, v13;
	[tilespmem:s15+$0x10] =	vst v17;
	v15 =	vld.idx.msk [tilespmem:v16+s2+$0x0], $0xffff  }
0x395: {  	v12 =	vadd.s32 v4, v12;
	v16 =	vld.idx.msk [tilespmem:v21+s2+$0x0], $0xffff;
	[tilespmem:s15+$0x50] =	vst v19  }
0x396: {  	v11 =	vadd.s32 v4, v11;
	[tilespmem:s13+$0x60] =	vst v20;
	v17 =	vld.idx.msk [tilespmem:v22+s2+$0x0], $0xffff  }
0x397: {  	v8 =	vld.idx.msk [tilespmem:v8+s2+$0x0], $0xffff;
	v14 =	vadd.s32 v4, v14;
	[tilespmem:s15+$0xFFFFFFE0] =	vst v18  }
0x398: {  	v10 =	vld.idx.msk [tilespmem:v10+s2+$0x0], $0xffff;
	[tilespmem:s13+$0xFFFFFFB0] =	vst v9  }
0x399: {  	v9 =	vld.idx.msk [tilespmem:v13+s2+$0x0], $0xffff;
	[tilespmem:s15+$0xFFFFFFA0] =	vst v15  }
0x39a: {  	[tilespmem:s15+$0x20] =	vst v16;
	v12 =	vld.idx.msk [tilespmem:v12+s2+$0x0], $0xffff  }
0x39b: {  	v11 =	vld.idx.msk [tilespmem:v11+s2+$0x0], $0xffff;
	[tilespmem:s15+$0x60] =	vst v17  }
0x39c: {  	[tilespmem:s13+$0x30] =	vst v8;
	v8 =	vld.idx.msk [tilespmem:v14+s2+$0x0], $0xffff  }
0x39d: {  	[tilespmem:s13+$0x70] =	vst v10  }
0x39e: {  	[tilespmem:s15+$0xFFFFFFF0] =	vst v9  }
0x39f: {  	[tilespmem:s15+$0xFFFFFFB0] =	vst v12  }
0x3a0: {  	[tilespmem:s15+$0x30] =	vst v11  }
0x3a1: {  	v9 =	vimm.s32 $0x0;
	[tilespmem:s15+$0x70] =	vst v8  }
0x3a2: {  	v11 =	vmul.u32 $0x48, v9;
	s13 =	rddreg [dreg:$0xe]  }
0x3a3: {  	[hbm4b:s13+s5] =	stream.linear.scatter [tilespmem:s8], [sflag:$0x2], $0x1000, $0x38;
	[tilespmem:$0x11900] =	vst v63  }
0x3a4: {  	v10 =	vadd.s32 $0x48, v11;
	_ =	swait.ge [sflag:s21], $0x1200  }
0x3a5: {  	v14 =	vadd.s32 $0x90, v11;
	v8 =	vadd.s32 v6, v10;
	[sflag:s21] =	ssyncset.done $0x0  }
0x3a6: {  	v13 =	vadd.s32 v6, v14;
	[sflag:s21] =	ssyncadd.s32 $0xFFFFEE00  }
0x3a7: {  	_ =	swait.ge [sflag:s11], $0x1000  }
0x3a8: {  	v15 =	vor.u32 v11, v6;
	[sflag:s11] =	ssyncset.done $0x0  }
0x3a9: {  	v17 =	vadd.s32 $0x4, v9;
	v16 =	vadd.s32 $0xD8, v11;
	[sflag:s11] =	ssyncadd.s32 $0xFFFFF000  }
0x3aa: {  	v9 =	vmul.u32 $0x48, v17;
	v18 =	vadd.s32 v6, v16;
	v8 =	vld.idx.msk [tilespmem:v8+s4+$0x0], $0xffff  }
0x3ab: {  	v13 =	vld.idx.msk [tilespmem:v13+s4+$0x0], $0xffff  }
0x3ac: {  	v21 =	vadd.s32 $0x48, v9;
	v12 =	vadd.s32 v7, v10  }
0x3ad: {  	v22 =	vadd.s32 v6, v21;
	v15 =	vld.idx.msk [tilespmem:v15+s4+$0x0], $0xffff  }
0x3ae: {  	s14 =	simm.s32 $0xF980  }
0x3af: {  	v23 =	vadd.s32 v7, v11;
	v18 =	vld.idx.msk [tilespmem:v18+s4+$0x0], $0xffff;
	[tilespmem:s14+$0xFFFFFFC0] =	vst v8  }
0x3b0: {  	v8 =	vadd.s32 $0x90, v9;
	[tilespmem:s14+$0x0] =	vst v13;
	v13 =	vadd.s32 v7, v16  }
0x3b1: {  	v12 =	vld.idx.msk [tilespmem:v12+s4+$0x0], $0xffff;
	v24 =	vadd.s32 v6, v8  }
0x3b2: {  	v19 =	vadd.s32 v5, v10;
	[tilespmem:s14+$0xFFFFFF80] =	vst v15;
	v15 =	vld.idx.msk [tilespmem:v22+s4+$0x0], $0xffff  }
0x3b3: {  	v20 =	vadd.s32 v7, v14  }
0x3b4: {  	v22 =	vor.u32 v9, v6;
	[tilespmem:s14+$0x40] =	vst v18;
	v23 =	vld.idx.msk [tilespmem:v23+s4+$0x0], $0xffff  }
0x3b5: {  	v25 =	vadd.s32 v7, v21;
	v27 =	vld.idx.msk [tilespmem:v13+s4+$0x0], $0xffff  }
0x3b6: {  	s13 =	simm.s32 $0xFA80;
	[tilespmem:s14+$0xFFFFFFD0] =	vst v12;
	v18 =	vld.idx.msk [tilespmem:v24+s4+$0x0], $0xffff  }
0x3b7: {  	[tilespmem:s13+$0xFFFFFFC0] =	vst v15;
	v15 =	vadd.s32 v5, v16;
	v12 =	vld.idx.msk [tilespmem:v19+s4+$0x0], $0xffff  }
0x3b8: {  	v19 =	vld.idx.msk [tilespmem:v20+s4+$0x0], $0xffff;
	v20 =	vadd.s32 v4, v10  }
0x3b9: {  	v22 =	vld.idx.msk [tilespmem:v22+s4+$0x0], $0xffff;
	v24 =	vadd.s32 v5, v11  }
0x3ba: {  	[tilespmem:s14+$0xFFFFFF90] =	vst v23;
	v23 =	vld.idx.msk [tilespmem:v25+s4+$0x0], $0xffff;
	v25 =	vadd.s32 v7, v8;
	v10 =	vadd.s32 $0xD8, v9  }
0x3bb: {  	v26 =	vadd.s32 v6, v10;
	[tilespmem:s14+$0x50] =	vst v27  }
0x3bc: {  	v28 =	vadd.s32 v5, v14;
	v15 =	vld.idx.msk [tilespmem:v15+s4+$0x0], $0xffff;
	[tilespmem:s14+$0xFFFFFFE0] =	vst v12  }
0x3bd: {  	v29 =	vadd.s32 $0x4, v17;
	v17 =	vadd.s32 v7, v9;
	[tilespmem:s13+$0x0] =	vst v18;
	v20 =	vld.idx.msk [tilespmem:v20+s4+$0x0], $0xffff  }
0x3be: {  	v18 =	vadd.s32 v5, v21;
	[tilespmem:s14+$0x10] =	vst v19;
	v12 =	vmul.u32 $0x48, v29;
	v19 =	vld.idx.msk [tilespmem:v24+s4+$0x0], $0xffff  }
0x3bf: {  	v16 =	vadd.s32 v4, v16;
	[tilespmem:s13+$0xFFFFFF80] =	vst v22;
	v22 =	vld.idx.msk [tilespmem:v25+s4+$0x0], $0xffff  }
0x3c0: {  	[tilespmem:s13+$0xFFFFFFD0] =	vst v23;
	v24 =	vld.idx.msk [tilespmem:v26+s4+$0x0], $0xffff;
	v26 =	vadd.s32 v4, v11;
	v13 =	vadd.s32 $0x48, v12  }
0x3c1: {  	v28 =	vld.idx.msk [tilespmem:v28+s4+$0x0], $0xffff;
	v11 =	vadd.s32 $0x90, v12;
	v27 =	vadd.s32 v6, v13;
	[tilespmem:s14+$0x60] =	vst v15  }
0x3c2: {  	v17 =	vld.idx.msk [tilespmem:v17+s4+$0x0], $0xffff;
	[tilespmem:s14+$0xFFFFFFF0] =	vst v20;
	v20 =	vadd.s32 v6, v11  }
0x3c3: {  	v14 =	vadd.s32 v4, v14;
	v18 =	vld.idx.msk [tilespmem:v18+s4+$0x0], $0xffff;
	[tilespmem:s14+$0xFFFFFFA0] =	vst v19  }
0x3c4: {  	v19 =	vadd.s32 v7, v10;
	[tilespmem:s13+$0x10] =	vst v22;
	v22 =	vld.idx.msk [tilespmem:v16+s4+$0x0], $0xffff  }
0x3c5: {  	v21 =	vadd.s32 v4, v21;
	[tilespmem:s13+$0x40] =	vst v24;
	v24 =	vld.idx.msk [tilespmem:v26+s4+$0x0], $0xffff  }
0x3c6: {  	[tilespmem:s14+$0x20] =	vst v28;
	v28 =	vor.u32 v12, v6;
	v25 =	vld.idx.msk [tilespmem:v27+s4+$0x0], $0xffff  }
0x3c7: {  	v31 =	vadd.s32 v7, v13;
	v30 =	vld.idx.msk [tilespmem:v20+s4+$0x0], $0xffff  }
0x3c8: {  	[tilespmem:s13+$0xFFFFFF90] =	vst v17;
	v26 =	vadd.s32 v5, v9;
	v23 =	vld.idx.msk [tilespmem:v14+s4+$0x0], $0xffff;
	v14 =	vadd.s32 $0xD8, v12  }
0x3c9: {  	v27 =	vadd.s32 v6, v14;
	[tilespmem:s13+$0xFFFFFFE0] =	vst v18;
	v18 =	vld.idx.msk [tilespmem:v19+s4+$0x0], $0xffff  }
0x3ca: {  	s15 =	simm.s32 $0xFB80;
	v17 =	vld.idx.msk [tilespmem:v21+s4+$0x0], $0xffff;
	[tilespmem:s14+$0xFFFFFFB0] =	vst v24;
	v24 =	vadd.s32 v5, v8  }
0x3cb: {  	v21 =	vld.idx.msk [tilespmem:v28+s4+$0x0], $0xffff;
	v20 =	vadd.s32 v5, v10;
	[tilespmem:s15+$0xFFFFFFC0] =	vst v25  }
0x3cc: {  	s16 =	simm.s32 $0x8;
	v15 =	vadd.s32 v7, v12;
	v16 =	vadd.s32 $0x4, v29;
	v25 =	vadd.s32 v7, v11;
	v19 =	vld.idx.msk [tilespmem:v31+s4+$0x0], $0xffff;
	[tilespmem:s15+$0x0] =	vst v30  }
.LBB2_22:
0x3cd: {  	v28 =	vmul.u32 $0x48, v16;
	s16 =	sadd.s32 $0x4, s16;
	v26 =	vld.idx.msk [tilespmem:v26+s4+$0x0], $0xffff;
	[tilespmem:s14+$0x30] =	vst v23  }
0x3ce: {  	v23 =	vadd.s32 v5, v13;
	v29 =	vadd.s32 v4, v9;
	v9 =	vmov v12;
	p0 =	slt.u32 s16, $0x3C;
	v27 =	vld.idx.msk [tilespmem:v27+s4+$0x0], $0xffff;
	[tilespmem:s14+$0x70] =	vst v22;
	s14 =	smov.u32 s13;
	s13 =	smov.u32 s15  }
0x3cf: {  	v22 =	vadd.s32 $0x48, v28;
	v30 =	vadd.s32 $0x90, v28;
	v31 =	vadd.s32 $0xD8, v28;
	v24 =	vld.idx.msk [tilespmem:v24+s4+$0x0], $0xffff;
	[tilespmem:s14+$0x50] =	vst v18;
	v12 =	vmovc v28  }
0x3d0: {  	v18 =	vadd.s32 v7, v12;
	v28 =	vadd.s32 v6, v22;
	[tilespmem:s14+$0xFFFFFFF0] =	vst v17;
	v17 =	vld.idx.msk [tilespmem:v20+s4+$0x0], $0xffff  }
0x3d1: {  	v20 =	vadd.s32 v6, v30;
	[tilespmem:s15+$0xFFFFFF80] =	vst v21;
	v21 =	vld.idx.msk [tilespmem:v25+s4+$0x0], $0xffff  }
0x3d2: {  	v32 =	vadd.s32 v4, v10;
	v25 =	vld.idx.msk [tilespmem:v15+s4+$0x0], $0xffff;
	[tilespmem:s15+$0xFFFFFFD0] =	vst v19;
	v19 =	vadd.s32 v4, v8;
	v8 =	vmov v11  }
0x3d3: {  	v10 =	vmovc v14;
	v14 =	vmov v31;
	v11 =	vmov v30;
	v15 =	vmov v18;
	v33 =	vld.idx.msk [tilespmem:v23+s4+$0x0], $0xffff;
	[tilespmem:s14+$0xFFFFFFA0] =	vst v26  }
0x3d4: {  	v18 =	vadd.s32 v7, v10;
	[tilespmem:s15+$0x40] =	vst v27;
	v29 =	vld.idx.msk [tilespmem:v29+s4+$0x0], $0xffff  }
0x3d5: {  	v30 =	vadd.s32 v4, v13;
	v13 =	vmov v22;
	v28 =	vld.idx.msk [tilespmem:v28+s4+$0x0], $0xffff;
	[tilespmem:s14+$0x20] =	vst v24  }
0x3d6: {  	v31 =	vor.u32 v12, v6;
	v34 =	vld.idx.msk [tilespmem:v20+s4+$0x0], $0xffff;
	[tilespmem:s14+$0x60] =	vst v17  }
0x3d7: {  	v35 =	vadd.s32 v7, v13;
	[tilespmem:s15+$0x10] =	vst v21;
	v23 =	vld.idx.msk [tilespmem:v19+s4+$0x0], $0xffff  }
.Ltmp10:
0x3d8: {  	v26 =	vadd.s32 v5, v9;
	[tilespmem:s15+$0xFFFFFF90] =	vst v25;
	v22 =	vld.idx.msk [tilespmem:v32+s4+$0x0], $0xffff;
	(pc) =	sbr.rel @p0 .LBB2_22-.Ltmp10, $4  }
0x3d9: {  	v27 =	vadd.s32 v6, v14;
	[tilespmem:s15+$0xFFFFFFE0] =	vst v33;
	v18 =	vld.idx.msk [tilespmem:v18+s4+$0x0], $0xffff  }
0x3da: {  	v24 =	vadd.s32 v5, v8;
	s15 =	sadd.s32 $0x100, s15;
	v17 =	vld.idx.msk [tilespmem:v30+s4+$0x0], $0xffff;
	[tilespmem:s14+$0xFFFFFFB0] =	vst v29  }
0x3db: {  	v20 =	vadd.s32 v5, v10;
	v21 =	vld.idx.msk [tilespmem:v31+s4+$0x0], $0xffff;
	[tilespmem:s15+$0xFFFFFFC0] =	vst v28  }
0x3dc: {  	v16 =	vadd.s32 $0x4, v16;
	v25 =	vadd.s32 v7, v11;
	v19 =	vld.idx.msk [tilespmem:v35+s4+$0x0], $0xffff;
	[tilespmem:s15+$0x0] =	vst v34  }
0x3dd: {  	_ =	sdelay $0x3  }
0x3de: {  	[tilespmem:s14+$0x30] =	vst v23;
	v16 =	vld.idx.msk [tilespmem:v27+s4+$0x0], $0xffff  }
0x3df: {  	[tilespmem:s14+$0x70] =	vst v22;
	v22 =	vadd.s32 v7, v14  }
0x3e0: {  	v23 =	vld.idx.msk [tilespmem:v26+s4+$0x0], $0xffff;
	[tilespmem:s13+$0x50] =	vst v18  }
0x3e1: {  	v24 =	vld.idx.msk [tilespmem:v24+s4+$0x0], $0xffff;
	v18 =	vadd.s32 v5, v13;
	[tilespmem:s15+$0xFFFFFF80] =	vst v21  }
0x3e2: {  	v9 =	vadd.s32 v4, v9;
	[tilespmem:s13+$0xFFFFFFF0] =	vst v17;
	v15 =	vld.idx.msk [tilespmem:v15+s4+$0x0], $0xffff  }
0x3e3: {  	v17 =	vld.idx.msk [tilespmem:v25+s4+$0x0], $0xffff;
	[tilespmem:s15+$0x40] =	vst v16;
	v16 =	vadd.s32 v5, v12  }
0x3e4: {  	v21 =	vadd.s32 v5, v11;
	[tilespmem:s15+$0xFFFFFFD0] =	vst v19;
	v19 =	vld.idx.msk [tilespmem:v22+s4+$0x0], $0xffff  }
0x3e5: {  	v20 =	vld.idx.msk [tilespmem:v20+s4+$0x0], $0xffff;
	[tilespmem:s13+$0xFFFFFFA0] =	vst v23;
	v22 =	vadd.s32 v5, v14  }
0x3e6: {  	v8 =	vadd.s32 v4, v8;
	[tilespmem:s13+$0x20] =	vst v24;
	v18 =	vld.idx.msk [tilespmem:v18+s4+$0x0], $0xffff  }
0x3e7: {  	v10 =	vadd.s32 v4, v10;
	v9 =	vld.idx.msk [tilespmem:v9+s4+$0x0], $0xffff;
	[tilespmem:s15+$0xFFFFFF90] =	vst v15  }
0x3e8: {  	v13 =	vadd.s32 v4, v13;
	[tilespmem:s15+$0x10] =	vst v17;
	v15 =	vld.idx.msk [tilespmem:v16+s4+$0x0], $0xffff  }
0x3e9: {  	v12 =	vadd.s32 v4, v12;
	v16 =	vld.idx.msk [tilespmem:v21+s4+$0x0], $0xffff;
	[tilespmem:s15+$0x50] =	vst v19  }
0x3ea: {  	v11 =	vadd.s32 v4, v11;
	[tilespmem:s13+$0x60] =	vst v20;
	v17 =	vld.idx.msk [tilespmem:v22+s4+$0x0], $0xffff  }
0x3eb: {  	v8 =	vld.idx.msk [tilespmem:v8+s4+$0x0], $0xffff;
	v14 =	vadd.s32 v4, v14;
	[tilespmem:s15+$0xFFFFFFE0] =	vst v18  }
0x3ec: {  	v10 =	vld.idx.msk [tilespmem:v10+s4+$0x0], $0xffff;
	[tilespmem:s13+$0xFFFFFFB0] =	vst v9  }
0x3ed: {  	v9 =	vld.idx.msk [tilespmem:v13+s4+$0x0], $0xffff;
	[tilespmem:s15+$0xFFFFFFA0] =	vst v15  }
0x3ee: {  	[tilespmem:s15+$0x20] =	vst v16;
	v12 =	vld.idx.msk [tilespmem:v12+s4+$0x0], $0xffff  }
0x3ef: {  	v11 =	vld.idx.msk [tilespmem:v11+s4+$0x0], $0xffff;
	[tilespmem:s15+$0x60] =	vst v17  }
0x3f0: {  	[tilespmem:s13+$0x30] =	vst v8;
	v8 =	vld.idx.msk [tilespmem:v14+s4+$0x0], $0xffff  }
0x3f1: {  	[tilespmem:s13+$0x70] =	vst v10  }
0x3f2: {  	[tilespmem:s15+$0xFFFFFFF0] =	vst v9  }
0x3f3: {  	[tilespmem:s15+$0xFFFFFFB0] =	vst v12  }
0x3f4: {  	[tilespmem:s15+$0x30] =	vst v11  }
0x3f5: {  	v9 =	vimm.s32 $0x0;
	[tilespmem:s15+$0x70] =	vst v8  }
0x3f6: {  	v11 =	vmul.u32 $0x48, v9;
	s13 =	rddreg [dreg:$0xf]  }
0x3f7: {  	[hbm4b:s13+s5] =	stream.linear.scatter [tilespmem:s9], [sflag:$0x2], $0x1000, $0x38;
	[tilespmem:$0x11900] =	vst v63  }
0x3f8: {  	v10 =	vadd.s32 $0x48, v11;
	_ =	swait.ge [sflag:s21], $0x1200  }
0x3f9: {  	v14 =	vadd.s32 $0x90, v11;
	v8 =	vadd.s32 v6, v10;
	[sflag:s21] =	ssyncset.done $0x0  }
0x3fa: {  	v13 =	vadd.s32 v6, v14;
	[sflag:s21] =	ssyncadd.s32 $0xFFFFEE00  }
0x3fb: {  	_ =	swait.ge [sflag:s11], $0x1000  }
0x3fc: {  	v15 =	vor.u32 v11, v6;
	[sflag:s11] =	ssyncset.done $0x0  }
0x3fd: {  	v17 =	vadd.s32 $0x4, v9;
	v16 =	vadd.s32 $0xD8, v11;
	[sflag:s11] =	ssyncadd.s32 $0xFFFFF000  }
0x3fe: {  	v9 =	vmul.u32 $0x48, v17;
	v18 =	vadd.s32 v6, v16;
	v8 =	vld.idx.msk [tilespmem:v8+s20+$0x0], $0xffff  }
0x3ff: {  	v13 =	vld.idx.msk [tilespmem:v13+s20+$0x0], $0xffff  }
0x400: {  	v21 =	vadd.s32 $0x48, v9;
	v12 =	vadd.s32 v7, v10  }
0x401: {  	v22 =	vadd.s32 v6, v21;
	v15 =	vld.idx.msk [tilespmem:v15+s20+$0x0], $0xffff  }
0x402: {  	s14 =	simm.s32 $0x10980  }
0x403: {  	v23 =	vadd.s32 v7, v11;
	v18 =	vld.idx.msk [tilespmem:v18+s20+$0x0], $0xffff;
	[tilespmem:s14+$0xFFFFFFC0] =	vst v8  }
0x404: {  	v8 =	vadd.s32 $0x90, v9;
	[tilespmem:s14+$0x0] =	vst v13;
	v13 =	vadd.s32 v7, v16  }
0x405: {  	v12 =	vld.idx.msk [tilespmem:v12+s20+$0x0], $0xffff;
	v24 =	vadd.s32 v6, v8  }
0x406: {  	v19 =	vadd.s32 v5, v10;
	[tilespmem:s14+$0xFFFFFF80] =	vst v15;
	v15 =	vld.idx.msk [tilespmem:v22+s20+$0x0], $0xffff  }
0x407: {  	v20 =	vadd.s32 v7, v14  }
0x408: {  	v22 =	vor.u32 v9, v6;
	[tilespmem:s14+$0x40] =	vst v18;
	v23 =	vld.idx.msk [tilespmem:v23+s20+$0x0], $0xffff  }
0x409: {  	v25 =	vadd.s32 v7, v21;
	v27 =	vld.idx.msk [tilespmem:v13+s20+$0x0], $0xffff  }
0x40a: {  	s13 =	simm.s32 $0x10A80;
	[tilespmem:s14+$0xFFFFFFD0] =	vst v12;
	v18 =	vld.idx.msk [tilespmem:v24+s20+$0x0], $0xffff  }
0x40b: {  	[tilespmem:s13+$0xFFFFFFC0] =	vst v15;
	v15 =	vadd.s32 v5, v16;
	v12 =	vld.idx.msk [tilespmem:v19+s20+$0x0], $0xffff  }
0x40c: {  	v19 =	vld.idx.msk [tilespmem:v20+s20+$0x0], $0xffff;
	v20 =	vadd.s32 v4, v10  }
0x40d: {  	v22 =	vld.idx.msk [tilespmem:v22+s20+$0x0], $0xffff;
	v24 =	vadd.s32 v5, v11  }
0x40e: {  	[tilespmem:s14+$0xFFFFFF90] =	vst v23;
	v23 =	vld.idx.msk [tilespmem:v25+s20+$0x0], $0xffff;
	v25 =	vadd.s32 v7, v8;
	v10 =	vadd.s32 $0xD8, v9  }
0x40f: {  	v26 =	vadd.s32 v6, v10;
	[tilespmem:s14+$0x50] =	vst v27  }
0x410: {  	v28 =	vadd.s32 v5, v14;
	v15 =	vld.idx.msk [tilespmem:v15+s20+$0x0], $0xffff;
	[tilespmem:s14+$0xFFFFFFE0] =	vst v12  }
0x411: {  	v29 =	vadd.s32 $0x4, v17;
	v17 =	vadd.s32 v7, v9;
	[tilespmem:s13+$0x0] =	vst v18;
	v20 =	vld.idx.msk [tilespmem:v20+s20+$0x0], $0xffff  }
0x412: {  	v18 =	vadd.s32 v5, v21;
	[tilespmem:s14+$0x10] =	vst v19;
	v12 =	vmul.u32 $0x48, v29;
	v19 =	vld.idx.msk [tilespmem:v24+s20+$0x0], $0xffff  }
0x413: {  	v16 =	vadd.s32 v4, v16;
	[tilespmem:s13+$0xFFFFFF80] =	vst v22;
	v22 =	vld.idx.msk [tilespmem:v25+s20+$0x0], $0xffff  }
0x414: {  	[tilespmem:s13+$0xFFFFFFD0] =	vst v23;
	v24 =	vld.idx.msk [tilespmem:v26+s20+$0x0], $0xffff;
	v26 =	vadd.s32 v4, v11;
	v13 =	vadd.s32 $0x48, v12  }
0x415: {  	v28 =	vld.idx.msk [tilespmem:v28+s20+$0x0], $0xffff;
	v11 =	vadd.s32 $0x90, v12;
	v27 =	vadd.s32 v6, v13;
	[tilespmem:s14+$0x60] =	vst v15  }
0x416: {  	v17 =	vld.idx.msk [tilespmem:v17+s20+$0x0], $0xffff;
	[tilespmem:s14+$0xFFFFFFF0] =	vst v20;
	v20 =	vadd.s32 v6, v11  }
0x417: {  	v14 =	vadd.s32 v4, v14;
	v18 =	vld.idx.msk [tilespmem:v18+s20+$0x0], $0xffff;
	[tilespmem:s14+$0xFFFFFFA0] =	vst v19  }
0x418: {  	v19 =	vadd.s32 v7, v10;
	[tilespmem:s13+$0x10] =	vst v22;
	v22 =	vld.idx.msk [tilespmem:v16+s20+$0x0], $0xffff  }
0x419: {  	v21 =	vadd.s32 v4, v21;
	[tilespmem:s13+$0x40] =	vst v24;
	v24 =	vld.idx.msk [tilespmem:v26+s20+$0x0], $0xffff  }
0x41a: {  	[tilespmem:s14+$0x20] =	vst v28;
	v28 =	vor.u32 v12, v6;
	v25 =	vld.idx.msk [tilespmem:v27+s20+$0x0], $0xffff  }
0x41b: {  	v31 =	vadd.s32 v7, v13;
	v30 =	vld.idx.msk [tilespmem:v20+s20+$0x0], $0xffff  }
0x41c: {  	[tilespmem:s13+$0xFFFFFF90] =	vst v17;
	v26 =	vadd.s32 v5, v9;
	v23 =	vld.idx.msk [tilespmem:v14+s20+$0x0], $0xffff;
	v14 =	vadd.s32 $0xD8, v12  }
0x41d: {  	v27 =	vadd.s32 v6, v14;
	[tilespmem:s13+$0xFFFFFFE0] =	vst v18;
	v18 =	vld.idx.msk [tilespmem:v19+s20+$0x0], $0xffff  }
0x41e: {  	s15 =	simm.s32 $0x10B80;
	v17 =	vld.idx.msk [tilespmem:v21+s20+$0x0], $0xffff;
	[tilespmem:s14+$0xFFFFFFB0] =	vst v24;
	v24 =	vadd.s32 v5, v8  }
0x41f: {  	v21 =	vld.idx.msk [tilespmem:v28+s20+$0x0], $0xffff;
	v20 =	vadd.s32 v5, v10;
	[tilespmem:s15+$0xFFFFFFC0] =	vst v25  }
0x420: {  	s16 =	simm.s32 $0x8;
	v15 =	vadd.s32 v7, v12;
	v16 =	vadd.s32 $0x4, v29;
	v25 =	vadd.s32 v7, v11;
	v19 =	vld.idx.msk [tilespmem:v31+s20+$0x0], $0xffff;
	[tilespmem:s15+$0x0] =	vst v30  }
.LBB2_24:
0x421: {  	v28 =	vmul.u32 $0x48, v16;
	s16 =	sadd.s32 $0x4, s16;
	v26 =	vld.idx.msk [tilespmem:v26+s20+$0x0], $0xffff;
	[tilespmem:s14+$0x30] =	vst v23  }
0x422: {  	v23 =	vadd.s32 v5, v13;
	v29 =	vadd.s32 v4, v9;
	v9 =	vmov v12;
	p0 =	slt.u32 s16, $0x3C;
	v27 =	vld.idx.msk [tilespmem:v27+s20+$0x0], $0xffff;
	[tilespmem:s14+$0x70] =	vst v22;
	s14 =	smov.u32 s13;
	s13 =	smov.u32 s15  }
0x423: {  	v22 =	vadd.s32 $0x48, v28;
	v30 =	vadd.s32 $0x90, v28;
	v31 =	vadd.s32 $0xD8, v28;
	v24 =	vld.idx.msk [tilespmem:v24+s20+$0x0], $0xffff;
	[tilespmem:s14+$0x50] =	vst v18;
	v12 =	vmovc v28  }
0x424: {  	v18 =	vadd.s32 v7, v12;
	v28 =	vadd.s32 v6, v22;
	[tilespmem:s14+$0xFFFFFFF0] =	vst v17;
	v17 =	vld.idx.msk [tilespmem:v20+s20+$0x0], $0xffff  }
0x425: {  	v20 =	vadd.s32 v6, v30;
	[tilespmem:s15+$0xFFFFFF80] =	vst v21;
	v21 =	vld.idx.msk [tilespmem:v25+s20+$0x0], $0xffff  }
0x426: {  	v32 =	vadd.s32 v4, v10;
	v25 =	vld.idx.msk [tilespmem:v15+s20+$0x0], $0xffff;
	[tilespmem:s15+$0xFFFFFFD0] =	vst v19;
	v19 =	vadd.s32 v4, v8;
	v8 =	vmov v11  }
0x427: {  	v10 =	vmovc v14;
	v14 =	vmov v31;
	v11 =	vmov v30;
	v15 =	vmov v18;
	v33 =	vld.idx.msk [tilespmem:v23+s20+$0x0], $0xffff;
	[tilespmem:s14+$0xFFFFFFA0] =	vst v26  }
0x428: {  	v18 =	vadd.s32 v7, v10;
	[tilespmem:s15+$0x40] =	vst v27;
	v29 =	vld.idx.msk [tilespmem:v29+s20+$0x0], $0xffff  }
0x429: {  	v30 =	vadd.s32 v4, v13;
	v13 =	vmov v22;
	v28 =	vld.idx.msk [tilespmem:v28+s20+$0x0], $0xffff;
	[tilespmem:s14+$0x20] =	vst v24  }
0x42a: {  	v31 =	vor.u32 v12, v6;
	v34 =	vld.idx.msk [tilespmem:v20+s20+$0x0], $0xffff;
	[tilespmem:s14+$0x60] =	vst v17  }
0x42b: {  	v35 =	vadd.s32 v7, v13;
	[tilespmem:s15+$0x10] =	vst v21;
	v23 =	vld.idx.msk [tilespmem:v19+s20+$0x0], $0xffff  }
.Ltmp11:
0x42c: {  	v26 =	vadd.s32 v5, v9;
	[tilespmem:s15+$0xFFFFFF90] =	vst v25;
	v22 =	vld.idx.msk [tilespmem:v32+s20+$0x0], $0xffff;
	(pc) =	sbr.rel @p0 .LBB2_24-.Ltmp11, $4  }
0x42d: {  	v27 =	vadd.s32 v6, v14;
	[tilespmem:s15+$0xFFFFFFE0] =	vst v33;
	v18 =	vld.idx.msk [tilespmem:v18+s20+$0x0], $0xffff  }
0x42e: {  	v24 =	vadd.s32 v5, v8;
	s15 =	sadd.s32 $0x100, s15;
	v17 =	vld.idx.msk [tilespmem:v30+s20+$0x0], $0xffff;
	[tilespmem:s14+$0xFFFFFFB0] =	vst v29  }
0x42f: {  	v20 =	vadd.s32 v5, v10;
	v21 =	vld.idx.msk [tilespmem:v31+s20+$0x0], $0xffff;
	[tilespmem:s15+$0xFFFFFFC0] =	vst v28  }
0x430: {  	v16 =	vadd.s32 $0x4, v16;
	v25 =	vadd.s32 v7, v11;
	v19 =	vld.idx.msk [tilespmem:v35+s20+$0x0], $0xffff;
	[tilespmem:s15+$0x0] =	vst v34  }
0x431: {  	_ =	sdelay $0x3  }
0x432: {  	[tilespmem:s14+$0x30] =	vst v23;
	v6 =	vld.idx.msk [tilespmem:v27+s20+$0x0], $0xffff  }
0x433: {  	[tilespmem:s14+$0x70] =	vst v22;
	v7 =	vadd.s32 v7, v14  }
0x434: {  	v16 =	vld.idx.msk [tilespmem:v26+s20+$0x0], $0xffff;
	[tilespmem:s13+$0x50] =	vst v18  }
0x435: {  	v53 =	vadd.s32 v5, v13;
	v54 =	vld.idx.msk [tilespmem:v24+s20+$0x0], $0xffff;
	[tilespmem:s15+$0xFFFFFF80] =	vst v21  }
0x436: {  	v9 =	vadd.s32 v4, v9;
	[tilespmem:s13+$0xFFFFFFF0] =	vst v17;
	v15 =	vld.idx.msk [tilespmem:v15+s20+$0x0], $0xffff  }
0x437: {  	v55 =	vld.idx.msk [tilespmem:v25+s20+$0x0], $0xffff;
	v56 =	vadd.s32 v5, v12;
	[tilespmem:s15+$0x40] =	vst v6  }
0x438: {  	v57 =	vadd.s32 v5, v11;
	[tilespmem:s15+$0xFFFFFFD0] =	vst v19;
	v7 =	vld.idx.msk [tilespmem:v7+s20+$0x0], $0xffff  }
0x439: {  	v5 =	vadd.s32 v5, v14;
	v20 =	vld.idx.msk [tilespmem:v20+s20+$0x0], $0xffff;
	[tilespmem:s13+$0xFFFFFFA0] =	vst v16  }
0x43a: {  	v8 =	vadd.s32 v4, v8;
	v58 =	vld.idx.msk [tilespmem:v53+s20+$0x0], $0xffff;
	[tilespmem:s13+$0x20] =	vst v54  }
0x43b: {  	v10 =	vadd.s32 v4, v10;
	v9 =	vld.idx.msk [tilespmem:v9+s20+$0x0], $0xffff;
	[tilespmem:s15+$0xFFFFFF90] =	vst v15  }
0x43c: {  	v59 =	vadd.s32 v4, v13;
	[tilespmem:s15+$0x10] =	vst v55;
	v6 =	vld.idx.msk [tilespmem:v56+s20+$0x0], $0xffff  }
0x43d: {  	v60 =	vadd.s32 v4, v12;
	v61 =	vld.idx.msk [tilespmem:v57+s20+$0x0], $0xffff;
	[tilespmem:s15+$0x50] =	vst v7  }
0x43e: {  	v62 =	vadd.s32 v4, v11;
	[tilespmem:s13+$0x60] =	vst v20;
	v5 =	vld.idx.msk [tilespmem:v5+s20+$0x0], $0xffff  }
0x43f: {  	v4 =	vadd.s32 v4, v14;
	v8 =	vld.idx.msk [tilespmem:v8+s20+$0x0], $0xffff;
	[tilespmem:s15+$0xFFFFFFE0] =	vst v58  }
0x440: {  	v10 =	vld.idx.msk [tilespmem:v10+s20+$0x0], $0xffff;
	[tilespmem:s13+$0xFFFFFFB0] =	vst v9  }
0x441: {  	v63 =	vld.idx.msk [tilespmem:v59+s20+$0x0], $0xffff;
	[tilespmem:s15+$0xFFFFFFA0] =	vst v6  }
0x442: {  	[tilespmem:s15+$0x20] =	vst v61;
	v6 =	vld.idx.msk [tilespmem:v60+s20+$0x0], $0xffff  }
0x443: {  	[tilespmem:s15+$0x60] =	vst v5;
	v5 =	vld.idx.msk [tilespmem:v62+s20+$0x0], $0xffff  }
0x444: {  	[tilespmem:s13+$0x30] =	vst v8;
	v4 =	vld.idx.msk [tilespmem:v4+s20+$0x0], $0xffff  }
0x445: {  	[tilespmem:s13+$0x70] =	vst v10  }
0x446: {  	[tilespmem:s15+$0xFFFFFFF0] =	vst v63  }
0x447: {  	[tilespmem:s15+$0xFFFFFFB0] =	vst v6  }
0x448: {  	[tilespmem:s15+$0x30] =	vst v5  }
0x449: {  	[tilespmem:s15+$0x70] =	vst v4  }
0x44a: {  	s13 =	rddreg [dreg:$0x10]  }
0x44b: {  	[hbm4b:s13+s5] =	stream.linear.scatter [tilespmem:s10], [sflag:$0x2], $0x1000, $0x38;
	[tilespmem:$0x11900] =	vst v63  }
0x44c: {  	_ =	swait.ge [sflag:s11], $0x1000  }
0x44d: {  	[sflag:s11] =	ssyncset.done $0x0  }
0x44e: {  	[sflag:s11] =	ssyncadd.s32 $0xFFFFF000  }
0x44f: {  	_ =	swait.ge [sflag:s11], $0x1000  }
0x450: {  	[sflag:s11] =	ssyncset.done $0x0  }
0x451: {  	[sflag:s11] =	ssyncadd.s32 $0xFFFFF000  }
0x452: {  	_ =	swait.ge [sflag:s11], $0x1000  }
0x453: {  	[sflag:s11] =	ssyncset.done $0x0  }
0x454: {  	[sflag:s11] =	ssyncadd.s32 $0xFFFFF000  }
0x455: {  	_ =	swait.ge [sflag:s11], $0x1000  }
0x456: {  	s12 =	sadd.s32 $0x1, s12;
	s19 =	rddreg [dreg:$0x11]  }
0x457: {  	p0 =	sne.s32 s12, s19  }
.Ltmp12:
0x458: {  	_ = 	snop;
	(pc) =	sbr.rel @p0 .LBB2_1-.Ltmp12, $3  }
0x459: {  	_ =	sdelay $0x1  }
0x45a: {  	[sflag:s11] =	ssyncset.done $0x0  }
0x45b: {  	[sflag:s11] =	ssyncadd.s32 $0xFFFFF000  }
0x45c: {  	_ =	sfence.sel $0x180000  }
0x45d: {  	[bflag:$0x0] =	sbarrier.arrive $0xFFFF  }
0x45e: {  	_ =	strace $0x9000004A  }
0x45f: {  	s0 =	stileid.u32;
	[bflag:$0x2] =	sbarrier.arrive $0xFFFF  }
0x460: {  	p0 =	sne.s32 s0, $0x0;
	s0 =	rddreg [dreg:$0x4]  }
0x461: {  	s0 =	sadd.s32 @!p0 $0x100000, s0  }
0x462: {  	[sflag:s0] =	ssyncadd.tile.s32 @!p0 $0x1;
	_ =	shalt  }
.Lfunc_end2:
_tile_overlayer_lowered:
.L_overlay_start_2:
0x463: {  	(tag) =	ssettag $0x2  }
0x464: {  	s0 =	rddreg [dreg:$0x0];
	s2 =	stileid.u32  }
0x465: {  	s1 =	rddreg [dreg:$0x1];
	p0 =	sne.s32 s2, $0x0  }
0x466: {  	s3 =	rddreg [dreg:$0x2];
	[bflag:$0x3] =	sbarrier.arrive $0xFFFF;
	s2 =	simm.s32 @!p0 $0x1C03  }
0x467: {  	[timem:s3], [sflag:s2] =	dma.local @!p0 [hbm:s0], s1  }
0x468: {  	s0 =	simm.s32 @!p0 $0x3  }
0x469: {  	_ =	swait.ge @!p0 [sflag:s0], s1  }
0x46a: {  	s1 =	ssub.s32 @!p0 $0x0, s1;
	[sflag:s0] =	ssyncset.done @!p0 $0x0  }
0x46b: {  	[sflag:s0] =	ssyncadd.s32 @!p0 s1  }
0x46c: {  	[bflag:$0x3] =	sbarrier.arrive $0xFFFF  }
0x46d: {  	_ =	shalt  }

</sc_bundles>
